<compile_context>
chip_gen: v7x
topology: tpu7x:2x2x1
jax: 0.10.2.dev20260603
libtpu: 0.0.44.dev20260713+nightly
codegen_flags: <defaults>
</compile_context>

<pallas_src>
import functools

import jax
import jax.numpy as jnp
from jax import lax
from jax.experimental import pallas as pl
from jax.experimental.pallas import tpu as pltpu
from jax.experimental.pallas import tpu_sc as plsc

B = 4096
EMB = 64
HEADS = 4
SAMPLE = 100
HIST = 50
SUPP = 10000
E = 1000000
NU = 100000
NI = 100000
NC = 2
NS = 16
NW = NC * NS

INV_N = 100352
INV_PT = INV_N // NS
HIST_P = 56
SUPP_P = 10240
NEIGH_N = HEADS * B * SAMPLE
EPAD = 1024000
ECHUNK = 2000
CHUNKS_PER_TILE = EPAD // ECHUNK // NW
Q = 512
PEND = 2560
ACC_R = 4160
ACC_PT = ACC_R // NS
TRASH = 4096

def _wid():
    return lax.axis_index("s") * NC + lax.axis_index("c")


def _inv_body(uid_hbm, iid_hbm, invu_hbm, invi_hbm, neg_v, idx_v, val_v, sem):
    cid = lax.axis_index("c")
    sid = lax.axis_index("s")

    @pl.when(cid == 0)
    def _():
        def fill(i, _):
            neg_v[pl.ds(i * 16, 16)] = jnp.full((16,), -1, jnp.int32)
            return 0
        lax.fori_loop(0, INV_PT // 16, fill, 0)
        base = sid * INV_PT
        pltpu.sync_copy(neg_v, invu_hbm.at[pl.ds(base, INV_PT)])
        pltpu.sync_copy(neg_v, invi_hbm.at[pl.ds(base, INV_PT)])
        plsc.subcore_barrier()
        b0 = sid * (B // NS)
        lane = lax.iota(jnp.int32, 16)

        def fillv(i, _):
            val_v[pl.ds(i * 16, 16)] = b0 + i * 16 + lane
            return 0
        lax.fori_loop(0, (B // NS) // 16, fillv, 0)
        pltpu.sync_copy(uid_hbm.at[pl.ds(b0, B // NS)], idx_v)
        pltpu.async_copy(val_v, invu_hbm.at[idx_v], sem).wait()
        pltpu.sync_copy(iid_hbm.at[pl.ds(b0, B // NS)], idx_v)
        pltpu.async_copy(val_v, invi_hbm.at[idx_v], sem).wait()


def _mk_inv(mesh):
    return functools.partial(
        pl.kernel,
        out_type=(jax.ShapeDtypeStruct((INV_N,), jnp.int32),
                  jax.ShapeDtypeStruct((INV_N,), jnp.int32)),
        mesh=mesh,
        compiler_params=pltpu.CompilerParams(use_tc_tiling_on_sc=False, needs_layout_passes=False),
        scratch_types=[
            pltpu.VMEM((INV_PT,), jnp.int32),
            pltpu.VMEM((B // NS,), jnp.int32),
            pltpu.VMEM((B // NS,), jnp.int32),
            pltpu.SemaphoreType.DMA,
        ],
    )(_inv_body)


def _supp_body(supp_hbm, uemb_hbm, out_hbm, idx_v, rows_v, sem):
    base = _wid() * (SUPP_P // NW)
    pltpu.sync_copy(supp_hbm.at[pl.ds(base, SUPP_P // NW)], idx_v)
    pltpu.async_copy(uemb_hbm.at[idx_v], rows_v, sem).wait()
    pltpu.sync_copy(rows_v, out_hbm.at[pl.ds(base, SUPP_P // NW), :])


def _mk_supp(mesh):
    return functools.partial(
        pl.kernel,
        out_type=jax.ShapeDtypeStruct((SUPP_P, EMB), jnp.float32),
        mesh=mesh,
        compiler_params=pltpu.CompilerParams(use_tc_tiling_on_sc=False, needs_layout_passes=False),
        scratch_types=[
            pltpu.VMEM((SUPP_P // NW,), jnp.int32),
            pltpu.VMEM((SUPP_P // NW, EMB), jnp.float32),
            pltpu.SemaphoreType.DMA,
        ],
    )(_supp_body)


_NPT = NEIGH_N // NW
_NCK = 640
_HG = 4
_HROWS = _HG * HIST_P


def _gather_body(si_hbm, hist_hbm, iid_hbm, esupp_hbm, iemb_hbm,
                 neigh_hbm, hsum_hbm, irows_hbm,
                 idx_v, rows_v, idx2_v, rows2_v, iidx_v, irow_v, hidx_v,
                 hrows_v, hsum_v, sem, sem2, wsem, wsem2):
    w = _wid()
    ibase = w * (B // NW)

    pltpu.sync_copy(iid_hbm.at[pl.ds(ibase, B // NW)], iidx_v)
    pltpu.async_copy(iemb_hbm.at[iidx_v], irow_v, sem).wait()
    pltpu.sync_copy(irow_v, irows_hbm.at[pl.ds(ibase, B // NW), :])

    def hg(g, _):
        hoff = (ibase + g * _HG) * HIST_P
        pltpu.sync_copy(hist_hbm.at[pl.ds(hoff, _HROWS)], hidx_v)
        pltpu.async_copy(iemb_hbm.at[hidx_v], hrows_v, sem).wait()
        z = jnp.zeros((16,), jnp.float32)
        for bl in range(_HG):
            def srow(k, acc):
                r = bl * HIST_P + k
                return tuple(acc[t] + hrows_v[r, pl.ds(t * 16, 16)]
                             for t in range(4))
            acc = lax.fori_loop(0, HIST, srow, (z, z, z, z))
            for t in range(4):
                hsum_v[g * _HG + bl, pl.ds(t * 16, 16)] = acc[t]
        return 0
    lax.fori_loop(0, (B // NW) // _HG, hg, 0)
    pltpu.sync_copy(hsum_v, hsum_hbm.at[pl.ds(ibase, B // NW), :])

    nbase = w * _NPT

    def pair(k, _):
        o0 = nbase + (2 * k) * _NCK
        o1 = o0 + _NCK
        pltpu.sync_copy(si_hbm.at[pl.ds(o0, _NCK)], idx_v)
        pltpu.sync_copy(si_hbm.at[pl.ds(o1, _NCK)], idx2_v)
        g0 = pltpu.async_copy(esupp_hbm.at[idx_v], rows_v, sem)
        g1 = pltpu.async_copy(esupp_hbm.at[idx2_v], rows2_v, sem2)
        g0.wait()
        w0 = pltpu.async_copy(rows_v, neigh_hbm.at[pl.ds(o0, _NCK), :], wsem)
        g1.wait()
        w1 = pltpu.async_copy(rows2_v, neigh_hbm.at[pl.ds(o1, _NCK), :], wsem2)
        w0.wait()
        w1.wait()
        return 0
    lax.fori_loop(0, _NPT // _NCK // 2, pair, 0)


def _mk_gather(mesh):
    return functools.partial(
        pl.kernel,
        out_type=(jax.ShapeDtypeStruct((NEIGH_N, EMB), jnp.float32),
                  jax.ShapeDtypeStruct((B, EMB), jnp.float32),
                  jax.ShapeDtypeStruct((B, EMB), jnp.float32)),
        mesh=mesh,
        compiler_params=pltpu.CompilerParams(use_tc_tiling_on_sc=False, needs_layout_passes=False),
        scratch_types=[
            pltpu.VMEM((_NCK,), jnp.int32),
            pltpu.VMEM((_NCK, EMB), jnp.float32),
            pltpu.VMEM((_NCK,), jnp.int32),
            pltpu.VMEM((_NCK, EMB), jnp.float32),
            pltpu.VMEM((B // NW,), jnp.int32),
            pltpu.VMEM((B // NW, EMB), jnp.float32),
            pltpu.VMEM((_HROWS,), jnp.int32),
            pltpu.VMEM((_HROWS, EMB), jnp.float32),
            pltpu.VMEM((B // NW, EMB), jnp.float32),
            pltpu.SemaphoreType.DMA,
            pltpu.SemaphoreType.DMA,
            pltpu.SemaphoreType.DMA,
            pltpu.SemaphoreType.DMA,
        ],
    )(_gather_body)


RING = 8
_QSH = 9
_RMSK = RING * Q - 1


def _flush_row(t2, d2, table_hbm, acc_s, cnt_s, rows_v, ones_v, sem, f):
    rf = (f >> _QSH) & (RING - 1)
    pltpu.async_copy(table_hbm.at[d2.at[rf]], rows_v, sem).wait()
    pltpu.sync_copy(rows_v, acc_s.at[t2.at[rf]], add=True)
    pltpu.sync_copy(ones_v, cnt_s.at[t2.at[rf]], add=True)


def _drain(t2, d2, table_hbm, acc_s, cnt_s, rows_v, ones_v, sem, pu, f):
    nf = (pu - f) >> _QSH

    def fl(j, _):
        _flush_row(t2, d2, table_hbm, acc_s, cnt_s, rows_v, ones_v, sem,
                   f + j * Q)
        return 0
    lax.fori_loop(0, nf, fl, 0)
    return f + nf * Q


def _pad_tail(t2, d2, pu, f):
    lane = lax.iota(jnp.int32, 16)

    def pj(j, _):
        idx = f + j * 16 + lane
        m = idx >= pu
        r = idx & _RMSK
        plsc.store_scatter(t2, [r >> _QSH, r & (Q - 1)],
                           jnp.full((16,), TRASH, jnp.int32), mask=m)
        plsc.store_scatter(d2, [r >> _QSH, r & (Q - 1)],
                           jnp.zeros((16,), jnp.int32), mask=m)
        return 0
    lax.fori_loop(0, Q // 16, pj, 0)


def _edge_body(src_hbm, dst_hbm, invu_hbm, invi_hbm, iemb_hbm, uemb_hbm,
               accu_hbm, acci_hbm, cntu_hbm, cnti_hbm,
               s_v, d_v, tu_v, ti_v,
               pu_t, pu_d, pi_t, pi_s,
               rows_v, ones_v, zbuf, zcnt,
               accu_s, acci_s, cntu_s, cnti_s, sem, sem2):
    cid = lax.axis_index("c")
    sid = lax.axis_index("s")
    w = sid * NC + cid
    lane = lax.iota(jnp.int32, 16)
    onerow = jnp.where(lane == 0, 1.0, 0.0).astype(jnp.float32)

    def f1(i, _):
        ones_v[i, pl.ds(0, 16)] = onerow
        return 0
    lax.fori_loop(0, Q, f1, 0)

    zv = jnp.zeros((16,), jnp.float32)

    def fz(i, _):
        for t in range(4):
            zbuf[i, pl.ds(t * 16, 16)] = zv
        zcnt[i, pl.ds(0, 16)] = zv
        return 0
    lax.fori_loop(0, ACC_PT, fz, 0)

    rb = sid * ACC_PT
    pltpu.sync_copy(zbuf, accu_s.at[pl.ds(rb, ACC_PT), :])
    pltpu.sync_copy(zbuf, acci_s.at[pl.ds(rb, ACC_PT), :])
    pltpu.sync_copy(zcnt, cntu_s.at[pl.ds(rb, ACC_PT), :])
    pltpu.sync_copy(zcnt, cnti_s.at[pl.ds(rb, ACC_PT), :])
    plsc.subcore_barrier()

    def chunk_fn(c, carry):
        pu, fu, pi, fi = carry
        off = (w * CHUNKS_PER_TILE + c) * ECHUNK
        cs = pltpu.async_copy(src_hbm.at[pl.ds(off, ECHUNK)], s_v, sem)
        cd = pltpu.async_copy(dst_hbm.at[pl.ds(off, ECHUNK)], d_v, sem2)
        cs.wait()
        cd.wait()
        gu_ = pltpu.async_copy(invu_hbm.at[s_v], tu_v, sem)
        gi_ = pltpu.async_copy(invi_hbm.at[d_v], ti_v, sem2)
        gu_.wait()
        gi_.wait()

        def grp(g, pp):
            pu, pi = pp
            s16 = s_v[pl.ds(g * 16, 16)]
            d16 = d_v[pl.ds(g * 16, 16)]
            tu16 = tu_v[pl.ds(g * 16, 16)]
            ti16 = ti_v[pl.ds(g * 16, 16)]
            mu = tu16 >= 0
            mi = ti16 >= 0
            cu = plsc.cumsum(mu.astype(jnp.int32))
            iu = (pu + cu - 1) & _RMSK
            plsc.store_scatter(pu_t, [iu >> _QSH, iu & (Q - 1)], tu16, mask=mu)
            plsc.store_scatter(pu_d, [iu >> _QSH, iu & (Q - 1)], d16, mask=mu)
            pu = pu + jnp.sum(mu.astype(jnp.int32))
            ci = plsc.cumsum(mi.astype(jnp.int32))
            ii = (pi + ci - 1) & _RMSK
            plsc.store_scatter(pi_t, [ii >> _QSH, ii & (Q - 1)], ti16, mask=mi)
            plsc.store_scatter(pi_s, [ii >> _QSH, ii & (Q - 1)], s16, mask=mi)
            pi = pi + jnp.sum(mi.astype(jnp.int32))
            return (pu, pi)
        pu, pi = lax.fori_loop(0, ECHUNK // 16, grp, (pu, pi))
        fu = _drain(pu_t, pu_d, iemb_hbm, accu_s, cntu_s, rows_v, ones_v,
                    sem, pu, fu)
        fi = _drain(pi_t, pi_s, uemb_hbm, acci_s, cnti_s, rows_v, ones_v,
                    sem, pi, fi)
        return (pu, fu, pi, fi)

    z32 = jnp.int32(0)
    pu, fu, pi, fi = lax.fori_loop(0, CHUNKS_PER_TILE, chunk_fn,
                                   (z32, z32, z32, z32))

    _pad_tail(pu_t, pu_d, pu, fu)
    _flush_row(pu_t, pu_d, iemb_hbm, accu_s, cntu_s, rows_v, ones_v, sem, fu)
    _pad_tail(pi_t, pi_s, pi, fi)
    _flush_row(pi_t, pi_s, uemb_hbm, acci_s, cnti_s, rows_v, ones_v, sem, fi)

    plsc.subcore_barrier()
    pltpu.sync_copy(accu_s.at[pl.ds(rb, ACC_PT), :],
                    accu_hbm.at[cid, pl.ds(rb, ACC_PT), :])
    pltpu.sync_copy(acci_s.at[pl.ds(rb, ACC_PT), :],
                    acci_hbm.at[cid, pl.ds(rb, ACC_PT), :])
    pltpu.sync_copy(cntu_s.at[pl.ds(rb, ACC_PT), :],
                    cntu_hbm.at[cid, pl.ds(rb, ACC_PT), :])
    pltpu.sync_copy(cnti_s.at[pl.ds(rb, ACC_PT), :],
                    cnti_hbm.at[cid, pl.ds(rb, ACC_PT), :])


def _mk_edge(mesh):
    return functools.partial(
        pl.kernel,
        out_type=(jax.ShapeDtypeStruct((NC, ACC_R, EMB), jnp.float32),
                  jax.ShapeDtypeStruct((NC, ACC_R, EMB), jnp.float32),
                  jax.ShapeDtypeStruct((NC, ACC_R, 16), jnp.float32),
                  jax.ShapeDtypeStruct((NC, ACC_R, 16), jnp.float32)),
        mesh=mesh,
        compiler_params=pltpu.CompilerParams(use_tc_tiling_on_sc=False, needs_layout_passes=False),
        scratch_types=[
            pltpu.VMEM((ECHUNK,), jnp.int32),
            pltpu.VMEM((ECHUNK,), jnp.int32),
            pltpu.VMEM((ECHUNK,), jnp.int32),
            pltpu.VMEM((ECHUNK,), jnp.int32),
            pltpu.VMEM((RING, Q), jnp.int32),
            pltpu.VMEM((RING, Q), jnp.int32),
            pltpu.VMEM((RING, Q), jnp.int32),
            pltpu.VMEM((RING, Q), jnp.int32),
            pltpu.VMEM((Q, EMB), jnp.float32),
            pltpu.VMEM((Q, 16), jnp.float32),
            pltpu.VMEM((ACC_PT, EMB), jnp.float32),
            pltpu.VMEM((ACC_PT, 16), jnp.float32),
            pltpu.VMEM_SHARED((ACC_R, EMB), jnp.float32),
            pltpu.VMEM_SHARED((ACC_R, EMB), jnp.float32),
            pltpu.VMEM_SHARED((ACC_R, 16), jnp.float32),
            pltpu.VMEM_SHARED((ACC_R, 16), jnp.float32),
            pltpu.SemaphoreType.DMA,
            pltpu.SemaphoreType.DMA,
        ],
    )(_edge_body)


_BPT = B // NW


def _bg_body(uid_hbm, iid_hbm, invu_hbm, invi_hbm,
             au0, au1, ai0, ai1, cu0, cu1, ci0, ci1, ub_hbm, ib_hbm,
             gi_hbm, gu_hbm, du_hbm, di_hbm, bu_hbm, bi_hbm,
             uidv, iidv, tbu, tbi, r0, r1, c0, c1, bv, sem):
    base = _wid() * _BPT
    pltpu.sync_copy(uid_hbm.at[pl.ds(base, _BPT)], uidv)
    pltpu.sync_copy(iid_hbm.at[pl.ds(base, _BPT)], iidv)
    pltpu.async_copy(invu_hbm.at[uidv], tbu, sem).wait()
    pltpu.async_copy(invi_hbm.at[iidv], tbi, sem).wait()

    def addrows(j, _):
        for t in range(4):
            a = r0[j, pl.ds(t * 16, 16)]
            b = r1[j, pl.ds(t * 16, 16)]
            r0[j, pl.ds(t * 16, 16)] = a + b
        return 0

    def addcnt(j, _):
        a = c0[j, pl.ds(0, 16)]
        b = c1[j, pl.ds(0, 16)]
        c0[j, pl.ds(0, 16)] = a + b
        return 0

    pltpu.async_copy(au0.at[tbu], r0, sem).wait()
    pltpu.async_copy(au1.at[tbu], r1, sem).wait()
    lax.fori_loop(0, _BPT, addrows, 0)
    pltpu.sync_copy(r0, gi_hbm.at[pl.ds(base, _BPT), :])

    pltpu.async_copy(ai0.at[tbi], r0, sem).wait()
    pltpu.async_copy(ai1.at[tbi], r1, sem).wait()
    lax.fori_loop(0, _BPT, addrows, 0)
    pltpu.sync_copy(r0, gu_hbm.at[pl.ds(base, _BPT), :])

    pltpu.async_copy(cu0.at[tbu], c0, sem).wait()
    pltpu.async_copy(cu1.at[tbu], c1, sem).wait()
    lax.fori_loop(0, _BPT, addcnt, 0)
    pltpu.sync_copy(c0, du_hbm.at[pl.ds(base, _BPT), :])

    pltpu.async_copy(ci0.at[tbi], c0, sem).wait()
    pltpu.async_copy(ci1.at[tbi], c1, sem).wait()
    lax.fori_loop(0, _BPT, addcnt, 0)
    pltpu.sync_copy(c0, di_hbm.at[pl.ds(base, _BPT), :])

    pltpu.async_copy(ub_hbm.at[uidv], bv, sem).wait()
    pltpu.sync_copy(bv, bu_hbm.at[pl.ds(base, _BPT)])
    pltpu.async_copy(ib_hbm.at[iidv], bv, sem).wait()
    pltpu.sync_copy(bv, bi_hbm.at[pl.ds(base, _BPT)])


def _mk_bg(mesh):
    return functools.partial(
        pl.kernel,
        out_type=(jax.ShapeDtypeStruct((B, EMB), jnp.float32),
                  jax.ShapeDtypeStruct((B, EMB), jnp.float32),
                  jax.ShapeDtypeStruct((B, 16), jnp.float32),
                  jax.ShapeDtypeStruct((B, 16), jnp.float32),
                  jax.ShapeDtypeStruct((B,), jnp.float32),
                  jax.ShapeDtypeStruct((B,), jnp.float32)),
        mesh=mesh,
        compiler_params=pltpu.CompilerParams(use_tc_tiling_on_sc=False, needs_layout_passes=False),
        scratch_types=[
            pltpu.VMEM((_BPT,), jnp.int32),
            pltpu.VMEM((_BPT,), jnp.int32),
            pltpu.VMEM((_BPT,), jnp.int32),
            pltpu.VMEM((_BPT,), jnp.int32),
            pltpu.VMEM((_BPT, EMB), jnp.float32),
            pltpu.VMEM((_BPT, EMB), jnp.float32),
            pltpu.VMEM((_BPT, 16), jnp.float32),
            pltpu.VMEM((_BPT, 16), jnp.float32),
            pltpu.VMEM((_BPT,), jnp.float32),
            pltpu.SemaphoreType.DMA,
        ],
    )(_bg_body)


@functools.cache
def _sc_calls():
    mesh = plsc.VectorSubcoreMesh(core_axis_name="c", subcore_axis_name="s",
                                  num_cores=NC, num_subcores=NS)
    return (_mk_inv(mesh), _mk_supp(mesh), _mk_gather(mesh), _mk_edge(mesh),
            _mk_bg(mesh))


_TB = 128


def _t1_body(neigh_ref, hsum_ref, hl_ref, wqT_ref, wk_ref, wkT_ref, wvT_ref,
             out_ref):
    n3 = neigh_ref[0]
    u = hsum_ref[...] / hl_ref[...]
    q = jnp.dot(u, wqT_ref[0], preferred_element_type=jnp.float32)
    qk = jnp.dot(q, wk_ref[0], preferred_element_type=jnp.float32,
                 precision=lax.Precision.HIGHEST)
    sc = jnp.sum(n3 * qk[:, None, :], axis=2)
    sc = sc - jnp.max(sc, axis=1, keepdims=True)
    e = jnp.exp(sc)
    a = e / jnp.sum(e, axis=1, keepdims=True)
    nbar = jnp.sum(n3 * a[:, :, None], axis=1)
    ctx = jnp.dot(nbar, wkT_ref[0], preferred_element_type=jnp.float32,
                  precision=lax.Precision.HIGHEST)
    out_ref[0] = jnp.dot(ctx, wvT_ref[0], preferred_element_type=jnp.float32)


def _t1(neigh4, hsum, hl2, wqT, wk, wkT, wvT):
    grid = (HEADS, B // _TB)
    wspec = pl.BlockSpec((1, EMB, EMB), lambda h, b: (h, 0, 0))
    return pl.pallas_call(
        _t1_body,
        grid=grid,
        in_specs=[
            pl.BlockSpec((1, _TB, SAMPLE, EMB), lambda h, b: (h, b, 0, 0)),
            pl.BlockSpec((_TB, EMB), lambda h, b: (b, 0)),
            pl.BlockSpec((_TB, 1), lambda h, b: (b, 0)),
            wspec, wspec, wspec, wspec,
        ],
        out_specs=pl.BlockSpec((1, _TB, EMB), lambda h, b: (h, b, 0)),
        out_shape=jax.ShapeDtypeStruct((HEADS, B, EMB), jnp.float32),
    )(neigh4, hsum, hl2, wqT, wk, wkT, wvT)


_TB2 = 512


def _t2_body(hout_ref, irow_ref, gi_ref, gu_ref, du_ref, di_ref, bu_ref, bi_ref,
             woT_ref, guT_ref, gub_ref, giT_ref, gib_ref,
             l1T_ref, l1b_ref, l2T_ref, l2b_ref, l3w_ref, l3b_ref, out_ref):
    ue = jnp.zeros((_TB2, EMB), jnp.float32)
    for h in range(HEADS):
        ue = ue + jnp.dot(hout_ref[h], woT_ref[h * EMB:(h + 1) * EMB, :],
                          preferred_element_type=jnp.float32)
    ie = irow_ref[...]
    item_din = du_ref[:, 0:1] + 1.0
    user_din = di_ref[:, 0:1] + 1.0
    gih = gi_ref[...] / item_din
    guh = gu_ref[...] / user_din
    go_u = jnp.maximum(
        jnp.dot(guh, guT_ref[...], preferred_element_type=jnp.float32)
        + gub_ref[...], 0.0)
    go_i = jnp.maximum(
        jnp.dot(gih, giT_ref[...], preferred_element_type=jnp.float32)
        + gib_ref[...], 0.0)
    xx = jnp.concatenate([ue * ie, ue * go_i, go_u * ie, go_u * go_i], axis=1)
    x1 = jnp.tanh(jnp.dot(xx, l1T_ref[...], preferred_element_type=jnp.float32)
                  + l1b_ref[...])
    x2 = jnp.tanh(jnp.dot(x1, l2T_ref[...], preferred_element_type=jnp.float32)
                  + l2b_ref[...])
    x3 = jnp.sum(x2 * l3w_ref[...], axis=1, keepdims=True) + l3b_ref[...]
    out_ref[...] = x3 + bu_ref[...] + bi_ref[...]


def _t2(hout, irows, gi, gu, du, di, bu2, bi2,
        woT, guT, gub2, giT, gib2, l1T, l1b2, l2T, l2b2, l3w2, l3b2):
    grid = (B // _TB2,)
    full = lambda *s: pl.BlockSpec(s, lambda i: tuple(0 for _ in s))
    return pl.pallas_call(
        _t2_body,
        grid=grid,
        in_specs=[
            pl.BlockSpec((HEADS, _TB2, EMB), lambda i: (0, i, 0)),
            pl.BlockSpec((_TB2, EMB), lambda i: (i, 0)),
            pl.BlockSpec((_TB2, EMB), lambda i: (i, 0)),
            pl.BlockSpec((_TB2, EMB), lambda i: (i, 0)),
            pl.BlockSpec((_TB2, 16), lambda i: (i, 0)),
            pl.BlockSpec((_TB2, 16), lambda i: (i, 0)),
            pl.BlockSpec((_TB2, 1), lambda i: (i, 0)),
            pl.BlockSpec((_TB2, 1), lambda i: (i, 0)),
            full(HEADS * EMB, EMB),
            full(EMB, EMB),
            full(1, EMB),
            full(EMB, EMB),
            full(1, EMB),
            full(4 * EMB, 128),
            full(1, 128),
            full(128, EMB),
            full(1, EMB),
            full(1, EMB),
            full(1, 1),
        ],
        out_specs=pl.BlockSpec((_TB2, 1), lambda i: (i, 0)),
        out_shape=jax.ShapeDtypeStruct((B, 1), jnp.float32),
    )(hout, irows, gi, gu, du, di, bu2, bi2,
      woT, guT, gub2, giT, gib2, l1T, l1b2, l2T, l2b2, l3w2, l3b2)


def kernel(x, history, history_len, supp_users, edge_sparse, user_embedding,
           item_embedding, wq, wk, wv, w_out_W, gcn_user_W, gcn_user_b,
           gcn_item_W, gcn_item_b, l1_W, l1_b, l2_W, l2_b, l3_W, l3_b,
           user_bias, item_bias):
    uid = x[:, 0]
    iid = x[:, 1]
    histp = jnp.pad(history, ((0, 0), (0, HIST_P - HIST)))
    suppp = jnp.pad(supp_users, (0, SUPP_P - SUPP))
    skey = jax.random.key(42)
    sis = [jax.random.randint(jax.random.fold_in(skey, i), (B, SAMPLE), 0, SUPP)
           for i in range(HEADS)]
    si_flat = jnp.stack(sis).reshape(-1)
    srcp = jnp.pad(edge_sparse[0], (0, EPAD - E), constant_values=INV_N - 1)
    dstp = jnp.pad(edge_sparse[1], (0, EPAD - E), constant_values=INV_N - 1)
    ub = user_bias.reshape(-1)
    ib = item_bias.reshape(-1)

    _inv_call, _supp_call, _gather_call, _edge_call, _bg_call = _sc_calls()
    invu, invi = _inv_call(uid, iid)
    esupp = _supp_call(suppp, user_embedding)
    neigh, hsum, irows = _gather_call(si_flat, histp.reshape(-1), iid, esupp,
                                      item_embedding)
    accu, acci, cntu, cnti = _edge_call(srcp, dstp, invu, invi,
                                        item_embedding, user_embedding)
    gi, gu, du, di, bu, bi = _bg_call(uid, iid, invu, invi,
                                      accu[0], accu[1], acci[0], acci[1],
                                      cntu[0], cntu[1], cnti[0], cnti[1],
                                      ub, ib)

    hl2 = history_len.astype(jnp.float32).reshape(B, 1)
    hout = _t1(neigh.reshape(HEADS, B, SAMPLE, EMB), hsum, hl2,
               wq.transpose(0, 2, 1), wk, wk.transpose(0, 2, 1),
               wv.transpose(0, 2, 1))
    out2 = _t2(hout, irows, gi, gu, du, di, bu.reshape(B, 1), bi.reshape(B, 1),
               w_out_W.T, gcn_user_W.T, gcn_user_b.reshape(1, EMB),
               gcn_item_W.T, gcn_item_b.reshape(1, EMB),
               l1_W.T, l1_b.reshape(1, -1), l2_W.T, l2_b.reshape(1, -1),
               l3_W.reshape(1, -1), l3_b.reshape(1, 1))
    return out2.reshape(-1)

# --- scband reference (transcript-rebuilt; emitter-appended) ---
"""Pipeline reference for scband-irmc-gc-model-50302656971287 (READ-ONLY COPY).

The authoritative reference and input builder live on the scoring server;
editing this copy changes nothing except your own understanding.
"""

import jax, jax.numpy as jnp
import numpy as np

N_USER = 100000
N_ITEM = 100000
EMB = 64
OUT = 64
HID = 64
HEADS = 4
SAMPLE = 100
B = 4096
HIST = 50
E = 1000000
SUPP = 10000


def setup_inputs(seed: int = 0):
    key = jax.random.key(seed)
    ks = jax.random.split(key, 24)
    inp = {}
    inp["x"] = jax.random.randint(ks[0], (B, 2), 0, N_USER, dtype=jnp.int32)
    inp["history"] = jax.random.randint(ks[1], (B, HIST), 0, N_ITEM, dtype=jnp.int32)
    inp["history_len"] = jnp.ones((B,), dtype=jnp.int32)
    inp["supp_users"] = jax.random.randint(ks[2], (SUPP,), 0, N_USER, dtype=jnp.int32)
    inp["edge_sparse"] = jax.random.randint(ks[3], (2, E), 0, N_USER, dtype=jnp.int32)
    inp["user_embedding"] = jax.random.normal(ks[4], (N_USER, EMB), dtype=jnp.float32) * 0.1
    inp["item_embedding"] = jax.random.normal(ks[5], (N_ITEM, EMB), dtype=jnp.float32) * 0.1
    s = 1.0 / np.sqrt(EMB)
    inp["wq"] = jax.random.normal(ks[6], (HEADS, OUT, EMB), dtype=jnp.float32) * s
    inp["wk"] = jax.random.normal(ks[7], (HEADS, OUT, EMB), dtype=jnp.float32) * s
    inp["wv"] = jax.random.normal(ks[8], (HEADS, OUT, OUT), dtype=jnp.float32) * s
    inp["w_out_W"] = jax.random.normal(ks[9], (OUT, OUT * HEADS), dtype=jnp.float32) * (1.0 / np.sqrt(OUT * HEADS))
    inp["gcn_user_W"] = jax.random.normal(ks[10], (EMB, EMB), dtype=jnp.float32) * s
    inp["gcn_user_b"] = jnp.full((EMB,), 0.1, dtype=jnp.float32)
    inp["gcn_item_W"] = jax.random.normal(ks[11], (EMB, EMB), dtype=jnp.float32) * s
    inp["gcn_item_b"] = jnp.full((EMB,), 0.1, dtype=jnp.float32)
    inp["l1_W"] = jax.random.normal(ks[12], (HID * 2, EMB * 4), dtype=jnp.float32) * (1.0 / np.sqrt(EMB * 4))
    inp["l1_b"] = jnp.full((HID * 2,), 0.1, dtype=jnp.float32)
    inp["l2_W"] = jax.random.normal(ks[13], (HID, HID * 2), dtype=jnp.float32) * (1.0 / np.sqrt(HID * 2))
    inp["l2_b"] = jnp.full((HID,), 0.1, dtype=jnp.float32)
    inp["l3_W"] = jax.random.normal(ks[14], (1, HID), dtype=jnp.float32) * (1.0 / np.sqrt(HID))
    inp["l3_b"] = jnp.full((1,), 0.1, dtype=jnp.float32)
    inp["user_bias"] = jnp.zeros((N_USER, 1), dtype=jnp.float32)
    inp["item_bias"] = jnp.zeros((N_ITEM, 1), dtype=jnp.float32)
    return inp


def reference(x, history, history_len, supp_users, edge_sparse, user_embedding, item_embedding, wq, wk, wv, w_out_W, gcn_user_W, gcn_user_b, gcn_item_W, gcn_item_b, l1_W, l1_b, l2_W, l2_b, l3_W, l3_b, user_bias, item_bias):
    # eval mode, sample_graph=True, mode='INTER'
    user_id = x[:, 0]
    item_id = x[:, 1]
    # user_init_emb: mean over (unmasked, per original code) history item embeddings
    hist_emb = item_embedding[history]                      # [B, HIST, EMB] gather
    user_init_emb = jnp.sum(hist_emb, axis=1) / history_len[:, None].astype(jnp.float32)
    # multi-head RelationGAT over sampled support users
    skey = jax.random.key(42)
    gat_outs = []
    for i in range(HEADS):
        si = jax.random.randint(jax.random.fold_in(skey, i), (x.shape[0], SAMPLE), 0, supp_users.shape[0])
        sample_users = supp_users[si]                       # [B, SAMPLE]
        neigh = user_embedding[sample_users]                # [B, SAMPLE, EMB] gather
        q = user_init_emb @ wq[i].T                         # [B, OUT]
        kk = neigh @ wk[i].T                                # [B, SAMPLE, OUT]
        gat_input = jnp.sum(q[:, None, :] * kk, axis=2)    # [B, SAMPLE]
        attn = jax.nn.softmax(gat_input, axis=1)
        ctx = jnp.einsum('bso,bs->bo', kk, attn)            # [B, OUT]
        gat_outs.append(ctx @ wv[i].T)
    gat_output = jnp.concatenate(gat_outs, axis=1)          # [B, OUT*HEADS]
    user_emb = gat_output @ w_out_W.T                       # [B, OUT]
    item_emb = item_embedding[item_id]                      # [B, EMB]
    # sparse GCN aggregation: torch.sparse.mm(edge_ui, item_h) == segment_sum by src user
    src = edge_sparse[0]
    dst = edge_sparse[1]
    gcn_item_h = jax.ops.segment_sum(item_embedding[dst], src, num_segments=N_USER)[user_id]
    gcn_user_h = jax.ops.segment_sum(user_embedding[src], dst, num_segments=N_ITEM)[item_id]
    item_din = jax.ops.segment_sum(jnp.ones((E,), dtype=jnp.float32), src, num_segments=N_USER)[user_id][:, None] + 1.0
    user_din = jax.ops.segment_sum(jnp.ones((E,), dtype=jnp.float32), dst, num_segments=N_ITEM)[item_id][:, None] + 1.0
    gcn_item_h = gcn_item_h / item_din
    gcn_user_h = gcn_user_h / user_din
    gcn_user_output = jax.nn.relu(gcn_user_h @ gcn_user_W.T + gcn_user_b)
    gcn_item_output = jax.nn.relu(gcn_item_h @ gcn_item_W.T + gcn_item_b)
    interaction1 = user_emb * item_emb
    interaction2 = user_emb * gcn_item_output
    interaction3 = gcn_user_output * item_emb
    interaction4 = gcn_user_output * gcn_item_output
    xx = jnp.concatenate([interaction1, interaction2, interaction3, interaction4], axis=-1)
    x1 = jnp.tanh(xx @ l1_W.T + l1_b)
    x2 = jnp.tanh(x1 @ l2_W.T + l2_b)
    x3 = (x2 @ l3_W.T + l3_b).reshape(-1)
    user_b = user_bias[user_id].reshape(-1)
    item_b = item_bias[item_id].reshape(-1)
    return x3 + user_b + item_b

if __name__ == "__main__":
    import jax
    _d = setup_inputs()
    print(jax.jit(kernel)(*tuple(_d.values())))

</pallas_src>

<mosaic_0001>
#map = affine_map<(d0, d1) -> (0)>
#map1 = affine_map<(d0, d1) -> (0, 0)>
module attributes {stable_mosaic.version = 14 : i64} {
  func.func @_supp_body(%arg0: i32, %arg1: i32, %arg2: memref<10240xi32, #tpu.memory_space<hbm>>, %arg3: memref<100000x64xf32, #tpu.memory_space<hbm>>, %arg4: memref<10240x64xf32, #tpu.memory_space<hbm>>, %arg5: memref<320xi32, #tpu.memory_space<vmem>>, %arg6: memref<320x64xf32, #tpu.memory_space<vmem>>, %arg7: memref<!tpu.dma_semaphore, #tpu.memory_space<semaphore_mem>>) attributes {dimension_semantics = [#tpu.dimension_semantics<core_parallel>, #tpu.dimension_semantics<subcore_parallel>], iteration_bounds = array<i64: 2, 16>, scalar_prefetch = 0 : i64, scratch_operands = 3 : i64, tpu.core_type = #tpu.core_type<sc_vector_subcore>, window_params = [{transform_indices = #map}, {transform_indices = #map1}, {transform_indices = #map1}]} {
    %mul3A = arith.constant 2 : i32
    %mul3A_0 = arith.muli %arg1, %mul3A : i32
    %add3A = arith.addi %mul3A_0, %arg0 : i32
    %mul3A_1 = arith.constant 320 : i32
    %mul3A_2 = arith.muli %add3A, %mul3A_1 : i32
    "tpu.region"() ({
      %run_scoped3A = tpu.sem_alloc : memref<!tpu.dma_semaphore, #tpu.memory_space<semaphore_mem>>
      %dma_start3A_7 = tpu.memref_slice %arg2[%mul3A_2] : memref<10240xi32, #tpu.memory_space<hbm>> -> memref<320xi32, #tpu.memory_space<hbm>>
      %dma_start3A_8 = tpu.memref_slice %arg2[%mul3A_2] : memref<10240xi32, #tpu.memory_space<hbm>> -> memref<320xi32, #tpu.memory_space<hbm>>
      tpu.enqueue_dma source(%dma_start3A_8 : memref<320xi32, #tpu.memory_space<hbm>>) target(%arg5 : memref<320xi32, #tpu.memory_space<vmem>>) target_semaphore(%run_scoped3A : memref<!tpu.dma_semaphore, #tpu.memory_space<semaphore_mem>>)
      %dma_wait3A_9 = tpu.memref_slice %arg2[%mul3A_2] : memref<10240xi32, #tpu.memory_space<hbm>> -> memref<320xi32, #tpu.memory_space<hbm>>
      %dma_wait3A_10 = tpu.memref_slice %arg2[%mul3A_2] : memref<10240xi32, #tpu.memory_space<hbm>> -> memref<320xi32, #tpu.memory_space<hbm>>
      tpu.wait_dma2 semaphore(%run_scoped3A : memref<!tpu.dma_semaphore, #tpu.memory_space<semaphore_mem>>) src(%dma_wait3A_10 : memref<320xi32, #tpu.memory_space<hbm>>) dst(%arg5 : memref<320xi32, #tpu.memory_space<vmem>>)
      tpu.yield
    }) : () -> ()
    %dma_start3A = arith.constant 0 : i32
    %dma_start3A_3 = arith.constant 0 : i32
    %dma_start3A_4 = tpu.memref_slice %arg3[%dma_start3A, %dma_start3A_3] : memref<100000x64xf32, #tpu.memory_space<hbm>> -> memref<100000x64xf32, #tpu.memory_space<hbm>>
    tpu.enqueue_indirect_dma source(%dma_start3A_4 : memref<100000x64xf32, #tpu.memory_space<hbm>>) target(%arg6 : memref<320x64xf32, #tpu.memory_space<vmem>>) offsets(%arg5 : memref<320xi32, #tpu.memory_space<vmem>>) semaphore(%arg7 : memref<!tpu.dma_semaphore, #tpu.memory_space<semaphore_mem>>)
    %dma_wait3A = arith.constant 0 : i32
    %dma_wait3A_5 = arith.constant 0 : i32
    %dma_wait3A_6 = tpu.memref_slice %arg3[%dma_wait3A, %dma_wait3A_5] : memref<100000x64xf32, #tpu.memory_space<hbm>> -> memref<100000x64xf32, #tpu.memory_space<hbm>>
    tpu.wait_indirect_dma semaphore(%arg7 : memref<!tpu.dma_semaphore, #tpu.memory_space<semaphore_mem>>) src(%dma_wait3A_6 : memref<100000x64xf32, #tpu.memory_space<hbm>>) dst(%arg6 : memref<320x64xf32, #tpu.memory_space<vmem>>)
    "tpu.region"() ({
      %run_scoped3A = tpu.sem_alloc : memref<!tpu.dma_semaphore, #tpu.memory_space<semaphore_mem>>
      %dma_start3A_7 = arith.constant 0 : i32
      %dma_start3A_8 = tpu.memref_slice %arg4[%mul3A_2, %dma_start3A_7] : memref<10240x64xf32, #tpu.memory_space<hbm>> -> memref<320x64xf32, #tpu.memory_space<hbm>>
      %dma_start3A_9 = arith.constant 0 : i32
      %dma_start3A_10 = tpu.memref_slice %arg4[%mul3A_2, %dma_start3A_9] : memref<10240x64xf32, #tpu.memory_space<hbm>> -> memref<320x64xf32, #tpu.memory_space<hbm>>
      tpu.enqueue_dma source(%arg6 : memref<320x64xf32, #tpu.memory_space<vmem>>) target(%dma_start3A_10 : memref<320x64xf32, #tpu.memory_space<hbm>>) target_semaphore(%run_scoped3A : memref<!tpu.dma_semaphore, #tpu.memory_space<semaphore_mem>>)
      %dma_wait3A_11 = arith.constant 0 : i32
      %dma_wait3A_12 = tpu.memref_slice %arg4[%mul3A_2, %dma_wait3A_11] : memref<10240x64xf32, #tpu.memory_space<hbm>> -> memref<320x64xf32, #tpu.memory_space<hbm>>
      %dma_wait3A_13 = arith.constant 0 : i32
      %dma_wait3A_14 = tpu.memref_slice %arg4[%mul3A_2, %dma_wait3A_13] : memref<10240x64xf32, #tpu.memory_space<hbm>> -> memref<320x64xf32, #tpu.memory_space<hbm>>
      tpu.wait_dma2 semaphore(%run_scoped3A : memref<!tpu.dma_semaphore, #tpu.memory_space<semaphore_mem>>) src(%arg6 : memref<320x64xf32, #tpu.memory_space<vmem>>) dst(%dma_wait3A_14 : memref<320x64xf32, #tpu.memory_space<hbm>>)
      tpu.yield
    }) : () -> ()
    return
  }
}

#map = affine_map<(d0, d1) -> (0)>
module attributes {stable_mosaic.version = 14 : i64} {
  func.func @_inv_body(%arg0: i32, %arg1: i32, %arg2: memref<4096xi32, #tpu.memory_space<hbm>>, %arg3: memref<4096xi32, #tpu.memory_space<hbm>>, %arg4: memref<100352xi32, #tpu.memory_space<hbm>>, %arg5: memref<100352xi32, #tpu.memory_space<hbm>>, %arg6: memref<6272xi32, #tpu.memory_space<vmem>>, %arg7: memref<256xi32, #tpu.memory_space<vmem>>, %arg8: memref<256xi32, #tpu.memory_space<vmem>>, %arg9: memref<!tpu.dma_semaphore, #tpu.memory_space<semaphore_mem>>) attributes {dimension_semantics = [#tpu.dimension_semantics<core_parallel>, #tpu.dimension_semantics<subcore_parallel>], iteration_bounds = array<i64: 2, 16>, scalar_prefetch = 0 : i64, scratch_operands = 4 : i64, tpu.core_type = #tpu.core_type<sc_vector_subcore>, window_params = [{transform_indices = #map}, {transform_indices = #map}, {transform_indices = #map}, {transform_indices = #map}]} {
    %eq3A = arith.constant 0 : i32
    %eq3A_0 = arith.cmpi eq, %arg0, %eq3A : i32
    %convert_element_type3A = arith.extui %eq3A_0 : i1 to i32
    %cond3A = arith.constant 0 : i32
    %cond3A_1 = arith.cmpi ne, %convert_element_type3A, %cond3A : i32
    scf.if %cond3A_1 {
      %scan3A = arith.constant 0 : i32
      %scan3A_2 = arith.constant 0 : i32
      %scan3A_3 = arith.constant 392 : i32
      %scan3A_4 = arith.addi %scan3A_2, %scan3A_3 : i32
      %scan3A_5 = arith.constant 1 : i32
      %scan3A_6 = scf.for %scan3A_24 = %scan3A_2 to %scan3A_4 step %scan3A_5 iter_args(%scan3A_25 = %scan3A) -> (i32)  : i32 {
        %broadcast_in_dim3A = arith.constant -1 : i32
        %broadcast_in_dim3A_26 = vector.broadcast %broadcast_in_dim3A : i32 to vector<16xi32>
        %mul3A_27 = arith.constant 16 : i32
        %mul3A_28 = arith.muli %scan3A_24, %mul3A_27 : i32
        %swap3A = arith.index_cast %mul3A_28 : i32 to index
        %swap3A_29 = tpu.vector_load %arg6[%swap3A] {strides = array<i32>} : memref<6272xi32, #tpu.memory_space<vmem>>, vector<16xi32>,
        tpu.vector_store %arg6[%swap3A], %broadcast_in_dim3A_26 {strides = array<i32>} : memref<6272xi32, #tpu.memory_space<vmem>>, vector<16xi32>,
        %scan3A_30 = arith.constant 0 : i32
        scf.yield %scan3A_30 : i32
      }
      %scan3A_7 = arith.constant 392 : i32
      %mul3A = arith.constant 6272 : i32
      %mul3A_8 = arith.muli %arg1, %mul3A : i32
      "tpu.region"() ({
        %run_scoped3A = tpu.sem_alloc : memref<!tpu.dma_semaphore, #tpu.memory_space<semaphore_mem>>
        %dma_start3A_24 = tpu.memref_slice %arg4[%mul3A_8] : memref<100352xi32, #tpu.memory_space<hbm>> -> memref<6272xi32, #tpu.memory_space<hbm>>
        %dma_start3A_25 = tpu.memref_slice %arg4[%mul3A_8] : memref<100352xi32, #tpu.memory_space<hbm>> -> memref<6272xi32, #tpu.memory_space<hbm>>
        tpu.enqueue_dma source(%arg6 : memref<6272xi32, #tpu.memory_space<vmem>>) target(%dma_start3A_25 : memref<6272xi32, #tpu.memory_space<hbm>>) target_semaphore(%run_scoped3A : memref<!tpu.dma_semaphore, #tpu.memory_space<semaphore_mem>>)
        %dma_wait3A_26 = tpu.memref_slice %arg4[%mul3A_8] : memref<100352xi32, #tpu.memory_space<hbm>> -> memref<6272xi32, #tpu.memory_space<hbm>>
        %dma_wait3A_27 = tpu.memref_slice %arg4[%mul3A_8] : memref<100352xi32, #tpu.memory_space<hbm>> -> memref<6272xi32, #tpu.memory_space<hbm>>
        tpu.wait_dma2 semaphore(%run_scoped3A : memref<!tpu.dma_semaphore, #tpu.memory_space<semaphore_mem>>) src(%arg6 : memref<6272xi32, #tpu.memory_space<vmem>>) dst(%dma_wait3A_27 : memref<6272xi32, #tpu.memory_space<hbm>>)
        tpu.yield
      }) : () -> ()
      "tpu.region"() ({
        %run_scoped3A = tpu.sem_alloc : memref<!tpu.dma_semaphore, #tpu.memory_space<semaphore_mem>>
        %dma_start3A_24 = tpu.memref_slice %arg5[%mul3A_8] : memref<100352xi32, #tpu.memory_space<hbm>> -> memref<6272xi32, #tpu.memory_space<hbm>>
        %dma_start3A_25 = tpu.memref_slice %arg5[%mul3A_8] : memref<100352xi32, #tpu.memory_space<hbm>> -> memref<6272xi32, #tpu.memory_space<hbm>>
        tpu.enqueue_dma source(%arg6 : memref<6272xi32, #tpu.memory_space<vmem>>) target(%dma_start3A_25 : memref<6272xi32, #tpu.memory_space<hbm>>) target_semaphore(%run_scoped3A : memref<!tpu.dma_semaphore, #tpu.memory_space<semaphore_mem>>)
        %dma_wait3A_26 = tpu.memref_slice %arg5[%mul3A_8] : memref<100352xi32, #tpu.memory_space<hbm>> -> memref<6272xi32, #tpu.memory_space<hbm>>
        %dma_wait3A_27 = tpu.memref_slice %arg5[%mul3A_8] : memref<100352xi32, #tpu.memory_space<hbm>> -> memref<6272xi32, #tpu.memory_space<hbm>>
        tpu.wait_dma2 semaphore(%run_scoped3A : memref<!tpu.dma_semaphore, #tpu.memory_space<semaphore_mem>>) src(%arg6 : memref<6272xi32, #tpu.memory_space<vmem>>) dst(%dma_wait3A_27 : memref<6272xi32, #tpu.memory_space<hbm>>)
        tpu.yield
      }) : () -> ()
      %barrier3A = arith.constant 0 : index
      tpu.barrier barrier_id(%barrier3A)
      %mul3A_9 = arith.constant 256 : i32
      %mul3A_10 = arith.muli %arg1, %mul3A_9 : i32
      %iota3A = tpu.iota {dimensions = array<i32: 0>} : vector<16xi32>
      %scan3A_11 = arith.constant 0 : i32
      %scan3A_12 = arith.constant 0 : i32
      %scan3A_13 = arith.constant 16 : i32
      %scan3A_14 = arith.addi %scan3A_12, %scan3A_13 : i32
      %scan3A_15 = arith.constant 1 : i32
      %scan3A_16 = scf.for %scan3A_24 = %scan3A_12 to %scan3A_14 step %scan3A_15 iter_args(%scan3A_25 = %scan3A_11) -> (i32)  : i32 {
        %mul3A_26 = arith.constant 16 : i32
        %mul3A_27 = arith.muli %scan3A_24, %mul3A_26 : i32
        %add3A = arith.addi %mul3A_10, %mul3A_27 : i32
        %add3A_28 = vector.broadcast %add3A : i32 to vector<16xi32>
        %add3A_29 = arith.addi %add3A_28, %iota3A : vector<16xi32>
        %mul3A_30 = arith.constant 16 : i32
        %mul3A_31 = arith.muli %scan3A_24, %mul3A_30 : i32
        %swap3A = arith.index_cast %mul3A_31 : i32 to index
        %swap3A_32 = tpu.vector_load %arg8[%swap3A] {strides = array<i32>} : memref<256xi32, #tpu.memory_space<vmem>>, vector<16xi32>,
        tpu.vector_store %arg8[%swap3A], %add3A_29 {strides = array<i32>} : memref<256xi32, #tpu.memory_space<vmem>>, vector<16xi32>,
        %scan3A_33 = arith.constant 0 : i32
        scf.yield %scan3A_33 : i32
      }
      %scan3A_17 = arith.constant 16 : i32
      "tpu.region"() ({
        %run_scoped3A = tpu.sem_alloc : memref<!tpu.dma_semaphore, #tpu.memory_space<semaphore_mem>>
        %dma_start3A_24 = tpu.memref_slice %arg2[%mul3A_10] : memref<4096xi32, #tpu.memory_space<hbm>> -> memref<256xi32, #tpu.memory_space<hbm>>
        %dma_start3A_25 = tpu.memref_slice %arg2[%mul3A_10] : memref<4096xi32, #tpu.memory_space<hbm>> -> memref<256xi32, #tpu.memory_space<hbm>>
        tpu.enqueue_dma source(%dma_start3A_25 : memref<256xi32, #tpu.memory_space<hbm>>) target(%arg7 : memref<256xi32, #tpu.memory_space<vmem>>) target_semaphore(%run_scoped3A : memref<!tpu.dma_semaphore, #tpu.memory_space<semaphore_mem>>)
        %dma_wait3A_26 = tpu.memref_slice %arg2[%mul3A_10] : memref<4096xi32, #tpu.memory_space<hbm>> -> memref<256xi32, #tpu.memory_space<hbm>>
        %dma_wait3A_27 = tpu.memref_slice %arg2[%mul3A_10] : memref<4096xi32, #tpu.memory_space<hbm>> -> memref<256xi32, #tpu.memory_space<hbm>>
        tpu.wait_dma2 semaphore(%run_scoped3A : memref<!tpu.dma_semaphore, #tpu.memory_space<semaphore_mem>>) src(%dma_wait3A_27 : memref<256xi32, #tpu.memory_space<hbm>>) dst(%arg7 : memref<256xi32, #tpu.memory_space<vmem>>)
        tpu.yield
      }) : () -> ()
      %dma_start3A = arith.constant 0 : i32
      %dma_start3A_18 = tpu.memref_slice %arg4[%dma_start3A] : memref<100352xi32, #tpu.memory_space<hbm>> -> memref<100352xi32, #tpu.memory_space<hbm>>
      tpu.enqueue_indirect_dma source(%arg8 : memref<256xi32, #tpu.memory_space<vmem>>) target(%dma_start3A_18 : memref<100352xi32, #tpu.memory_space<hbm>>) offsets(%arg7 : memref<256xi32, #tpu.memory_space<vmem>>) semaphore(%arg9 : memref<!tpu.dma_semaphore, #tpu.memory_space<semaphore_mem>>)
      %dma_wait3A = arith.constant 0 : i32
      %dma_wait3A_19 = tpu.memref_slice %arg4[%dma_wait3A] : memref<100352xi32, #tpu.memory_space<hbm>> -> memref<100352xi32, #tpu.memory_space<hbm>>
      tpu.wait_indirect_dma semaphore(%arg9 : memref<!tpu.dma_semaphore, #tpu.memory_space<semaphore_mem>>) src(%arg8 : memref<256xi32, #tpu.memory_space<vmem>>) dst(%dma_wait3A_19 : memref<100352xi32, #tpu.memory_space<hbm>>)
      "tpu.region"() ({
        %run_scoped3A = tpu.sem_alloc : memref<!tpu.dma_semaphore, #tpu.memory_space<semaphore_mem>>
        %dma_start3A_24 = tpu.memref_slice %arg3[%mul3A_10] : memref<4096xi32, #tpu.memory_space<hbm>> -> memref<256xi32, #tpu.memory_space<hbm>>
        %dma_start3A_25 = tpu.memref_slice %arg3[%mul3A_10] : memref<4096xi32, #tpu.memory_space<hbm>> -> memref<256xi32, #tpu.memory_space<hbm>>
        tpu.enqueue_dma source(%dma_start3A_25 : memref<256xi32, #tpu.memory_space<hbm>>) target(%arg7 : memref<256xi32, #tpu.memory_space<vmem>>) target_semaphore(%run_scoped3A : memref<!tpu.dma_semaphore, #tpu.memory_space<semaphore_mem>>)
        %dma_wait3A_26 = tpu.memref_slice %arg3[%mul3A_10] : memref<4096xi32, #tpu.memory_space<hbm>> -> memref<256xi32, #tpu.memory_space<hbm>>
        %dma_wait3A_27 = tpu.memref_slice %arg3[%mul3A_10] : memref<4096xi32, #tpu.memory_space<hbm>> -> memref<256xi32, #tpu.memory_space<hbm>>
        tpu.wait_dma2 semaphore(%run_scoped3A : memref<!tpu.dma_semaphore, #tpu.memory_space<semaphore_mem>>) src(%dma_wait3A_27 : memref<256xi32, #tpu.memory_space<hbm>>) dst(%arg7 : memref<256xi32, #tpu.memory_space<vmem>>)
        tpu.yield
      }) : () -> ()
      %dma_start3A_20 = arith.constant 0 : i32
      %dma_start3A_21 = tpu.memref_slice %arg5[%dma_start3A_20] : memref<100352xi32, #tpu.memory_space<hbm>> -> memref<100352xi32, #tpu.memory_space<hbm>>
      tpu.enqueue_indirect_dma source(%arg8 : memref<256xi32, #tpu.memory_space<vmem>>) target(%dma_start3A_21 : memref<100352xi32, #tpu.memory_space<hbm>>) offsets(%arg7 : memref<256xi32, #tpu.memory_space<vmem>>) semaphore(%arg9 : memref<!tpu.dma_semaphore, #tpu.memory_space<semaphore_mem>>)
      %dma_wait3A_22 = arith.constant 0 : i32
      %dma_wait3A_23 = tpu.memref_slice %arg5[%dma_wait3A_22] : memref<100352xi32, #tpu.memory_space<hbm>> -> memref<100352xi32, #tpu.memory_space<hbm>>
      tpu.wait_indirect_dma semaphore(%arg9 : memref<!tpu.dma_semaphore, #tpu.memory_space<semaphore_mem>>) src(%arg8 : memref<256xi32, #tpu.memory_space<vmem>>) dst(%dma_wait3A_23 : memref<100352xi32, #tpu.memory_space<hbm>>)
    } else {
    }
    return
  }
}

#map = affine_map<(d0, d1) -> (0)>
#map1 = affine_map<(d0, d1) -> (0, 0)>
module attributes {stable_mosaic.version = 14 : i64} {
  func.func @_gather_body(%arg0: i32, %arg1: i32, %arg2: memref<1638400xi32, #tpu.memory_space<hbm>>, %arg3: memref<229376xi32, #tpu.memory_space<hbm>>, %arg4: memref<4096xi32, #tpu.memory_space<hbm>>, %arg5: memref<10240x64xf32, #tpu.memory_space<hbm>>, %arg6: memref<100000x64xf32, #tpu.memory_space<hbm>>, %arg7: memref<1638400x64xf32, #tpu.memory_space<hbm>>, %arg8: memref<4096x64xf32, #tpu.memory_space<hbm>>, %arg9: memref<4096x64xf32, #tpu.memory_space<hbm>>, %arg10: memref<640xi32, #tpu.memory_space<vmem>>, %arg11: memref<640x64xf32, #tpu.memory_space<vmem>>, %arg12: memref<640xi32, #tpu.memory_space<vmem>>, %arg13: memref<640x64xf32, #tpu.memory_space<vmem>>, %arg14: memref<128xi32, #tpu.memory_space<vmem>>, %arg15: memref<128x64xf32, #tpu.memory_space<vmem>>, %arg16: memref<224xi32, #tpu.memory_space<vmem>>, %arg17: memref<224x64xf32, #tpu.memory_space<vmem>>, %arg18: memref<128x64xf32, #tpu.memory_space<vmem>>, %arg19: memref<!tpu.dma_semaphore, #tpu.memory_space<semaphore_mem>>, %arg20: memref<!tpu.dma_semaphore, #tpu.memory_space<semaphore_mem>>, %arg21: memref<!tpu.dma_semaphore, #tpu.memory_space<semaphore_mem>>, %arg22: memref<!tpu.dma_semaphore, #tpu.memory_space<semaphore_mem>>) attributes {dimension_semantics = [#tpu.dimension_semantics<core_parallel>, #tpu.dimension_semantics<subcore_parallel>], iteration_bounds = array<i64: 2, 16>, scalar_prefetch = 0 : i64, scratch_operands = 13 : i64, tpu.core_type = #tpu.core_type<sc_vector_subcore>, window_params = [{transform_indices = #map}, {transform_indices = #map}, {transform_indices = #map}, {transform_indices = #map1}, {transform_indices = #map1}, {transform_indices = #map1}, {transform_indices = #map1}, {transform_indices = #map1}]} {
    %mul3A = arith.constant 2 : i32
    %mul3A_0 = arith.muli %arg1, %mul3A : i32
    %add3A = arith.addi %mul3A_0, %arg0 : i32
    %mul3A_1 = arith.constant 128 : i32
    %mul3A_2 = arith.muli %add3A, %mul3A_1 : i32
    "tpu.region"() ({
      %run_scoped3A = tpu.sem_alloc : memref<!tpu.dma_semaphore, #tpu.memory_space<semaphore_mem>>
      %dma_start3A_22 = tpu.memref_slice %arg4[%mul3A_2] : memref<4096xi32, #tpu.memory_space<hbm>> -> memref<128xi32, #tpu.memory_space<hbm>>
      %dma_start3A_23 = tpu.memref_slice %arg4[%mul3A_2] : memref<4096xi32, #tpu.memory_space<hbm>> -> memref<128xi32, #tpu.memory_space<hbm>>
      tpu.enqueue_dma source(%dma_start3A_23 : memref<128xi32, #tpu.memory_space<hbm>>) target(%arg14 : memref<128xi32, #tpu.memory_space<vmem>>) target_semaphore(%run_scoped3A : memref<!tpu.dma_semaphore, #tpu.memory_space<semaphore_mem>>)
      %dma_wait3A_24 = tpu.memref_slice %arg4[%mul3A_2] : memref<4096xi32, #tpu.memory_space<hbm>> -> memref<128xi32, #tpu.memory_space<hbm>>
      %dma_wait3A_25 = tpu.memref_slice %arg4[%mul3A_2] : memref<4096xi32, #tpu.memory_space<hbm>> -> memref<128xi32, #tpu.memory_space<hbm>>
      tpu.wait_dma2 semaphore(%run_scoped3A : memref<!tpu.dma_semaphore, #tpu.memory_space<semaphore_mem>>) src(%dma_wait3A_25 : memref<128xi32, #tpu.memory_space<hbm>>) dst(%arg14 : memref<128xi32, #tpu.memory_space<vmem>>)
      tpu.yield
    }) : () -> ()
    %dma_start3A = arith.constant 0 : i32
    %dma_start3A_3 = arith.constant 0 : i32
    %dma_start3A_4 = tpu.memref_slice %arg6[%dma_start3A, %dma_start3A_3] : memref<100000x64xf32, #tpu.memory_space<hbm>> -> memref<100000x64xf32, #tpu.memory_space<hbm>>
    tpu.enqueue_indirect_dma source(%dma_start3A_4 : memref<100000x64xf32, #tpu.memory_space<hbm>>) target(%arg15 : memref<128x64xf32, #tpu.memory_space<vmem>>) offsets(%arg14 : memref<128xi32, #tpu.memory_space<vmem>>) semaphore(%arg19 : memref<!tpu.dma_semaphore, #tpu.memory_space<semaphore_mem>>)
    %dma_wait3A = arith.constant 0 : i32
    %dma_wait3A_5 = arith.constant 0 : i32
    %dma_wait3A_6 = tpu.memref_slice %arg6[%dma_wait3A, %dma_wait3A_5] : memref<100000x64xf32, #tpu.memory_space<hbm>> -> memref<100000x64xf32, #tpu.memory_space<hbm>>
    tpu.wait_indirect_dma semaphore(%arg19 : memref<!tpu.dma_semaphore, #tpu.memory_space<semaphore_mem>>) src(%dma_wait3A_6 : memref<100000x64xf32, #tpu.memory_space<hbm>>) dst(%arg15 : memref<128x64xf32, #tpu.memory_space<vmem>>)
    "tpu.region"() ({
      %run_scoped3A = tpu.sem_alloc : memref<!tpu.dma_semaphore, #tpu.memory_space<semaphore_mem>>
      %dma_start3A_22 = arith.constant 0 : i32
      %dma_start3A_23 = tpu.memref_slice %arg9[%mul3A_2, %dma_start3A_22] : memref<4096x64xf32, #tpu.memory_space<hbm>> -> memref<128x64xf32, #tpu.memory_space<hbm>>
      %dma_start3A_24 = arith.constant 0 : i32
      %dma_start3A_25 = tpu.memref_slice %arg9[%mul3A_2, %dma_start3A_24] : memref<4096x64xf32, #tpu.memory_space<hbm>> -> memref<128x64xf32, #tpu.memory_space<hbm>>
      tpu.enqueue_dma source(%arg15 : memref<128x64xf32, #tpu.memory_space<vmem>>) target(%dma_start3A_25 : memref<128x64xf32, #tpu.memory_space<hbm>>) target_semaphore(%run_scoped3A : memref<!tpu.dma_semaphore, #tpu.memory_space<semaphore_mem>>)
      %dma_wait3A_26 = arith.constant 0 : i32
      %dma_wait3A_27 = tpu.memref_slice %arg9[%mul3A_2, %dma_wait3A_26] : memref<4096x64xf32, #tpu.memory_space<hbm>> -> memref<128x64xf32, #tpu.memory_space<hbm>>
      %dma_wait3A_28 = arith.constant 0 : i32
      %dma_wait3A_29 = tpu.memref_slice %arg9[%mul3A_2, %dma_wait3A_28] : memref<4096x64xf32, #tpu.memory_space<hbm>> -> memref<128x64xf32, #tpu.memory_space<hbm>>
      tpu.wait_dma2 semaphore(%run_scoped3A : memref<!tpu.dma_semaphore, #tpu.memory_space<semaphore_mem>>) src(%arg15 : memref<128x64xf32, #tpu.memory_space<vmem>>) dst(%dma_wait3A_29 : memref<128x64xf32, #tpu.memory_space<hbm>>)
      tpu.yield
    }) : () -> ()
    %scan3A = arith.constant 0 : i32
    %scan3A_7 = arith.constant 0 : i32
    %scan3A_8 = arith.constant 32 : i32
    %scan3A_9 = arith.addi %scan3A_7, %scan3A_8 : i32
    %scan3A_10 = arith.constant 1 : i32
    %scan3A_11 = scf.for %scan3A_22 = %scan3A_7 to %scan3A_9 step %scan3A_10 iter_args(%scan3A_23 = %scan3A) -> (i32)  : i32 {
      %mul3A_24 = arith.constant 4 : i32
      %mul3A_25 = arith.muli %scan3A_22, %mul3A_24 : i32
      %add3A_26 = arith.addi %mul3A_2, %mul3A_25 : i32
      %mul3A_27 = arith.constant 56 : i32
      %mul3A_28 = arith.muli %add3A_26, %mul3A_27 : i32
      "tpu.region"() ({
        %run_scoped3A = tpu.sem_alloc : memref<!tpu.dma_semaphore, #tpu.memory_space<semaphore_mem>>
        %dma_start3A_172 = tpu.memref_slice %arg3[%mul3A_28] : memref<229376xi32, #tpu.memory_space<hbm>> -> memref<224xi32, #tpu.memory_space<hbm>>
        %dma_start3A_173 = tpu.memref_slice %arg3[%mul3A_28] : memref<229376xi32, #tpu.memory_space<hbm>> -> memref<224xi32, #tpu.memory_space<hbm>>
        tpu.enqueue_dma source(%dma_start3A_173 : memref<224xi32, #tpu.memory_space<hbm>>) target(%arg16 : memref<224xi32, #tpu.memory_space<vmem>>) target_semaphore(%run_scoped3A : memref<!tpu.dma_semaphore, #tpu.memory_space<semaphore_mem>>)
        %dma_wait3A_174 = tpu.memref_slice %arg3[%mul3A_28] : memref<229376xi32, #tpu.memory_space<hbm>> -> memref<224xi32, #tpu.memory_space<hbm>>
        %dma_wait3A_175 = tpu.memref_slice %arg3[%mul3A_28] : memref<229376xi32, #tpu.memory_space<hbm>> -> memref<224xi32, #tpu.memory_space<hbm>>
        tpu.wait_dma2 semaphore(%run_scoped3A : memref<!tpu.dma_semaphore, #tpu.memory_space<semaphore_mem>>) src(%dma_wait3A_175 : memref<224xi32, #tpu.memory_space<hbm>>) dst(%arg16 : memref<224xi32, #tpu.memory_space<vmem>>)
        tpu.yield
      }) : () -> ()
      %dma_start3A_29 = arith.constant 0 : i32
      %dma_start3A_30 = arith.constant 0 : i32
      %dma_start3A_31 = tpu.memref_slice %arg6[%dma_start3A_29, %dma_start3A_30] : memref<100000x64xf32, #tpu.memory_space<hbm>> -> memref<100000x64xf32, #tpu.memory_space<hbm>>
      tpu.enqueue_indirect_dma source(%dma_start3A_31 : memref<100000x64xf32, #tpu.memory_space<hbm>>) target(%arg17 : memref<224x64xf32, #tpu.memory_space<vmem>>) offsets(%arg16 : memref<224xi32, #tpu.memory_space<vmem>>) semaphore(%arg19 : memref<!tpu.dma_semaphore, #tpu.memory_space<semaphore_mem>>)
      %dma_wait3A_32 = arith.constant 0 : i32
      %dma_wait3A_33 = arith.constant 0 : i32
      %dma_wait3A_34 = tpu.memref_slice %arg6[%dma_wait3A_32, %dma_wait3A_33] : memref<100000x64xf32, #tpu.memory_space<hbm>> -> memref<100000x64xf32, #tpu.memory_space<hbm>>
      tpu.wait_indirect_dma semaphore(%arg19 : memref<!tpu.dma_semaphore, #tpu.memory_space<semaphore_mem>>) src(%dma_wait3A_34 : memref<100000x64xf32, #tpu.memory_space<hbm>>) dst(%arg17 : memref<224x64xf32, #tpu.memory_space<vmem>>)
      %broadcast_in_dim3A = arith.constant 0.000000e+00 : f32
      %broadcast_in_dim3A_35 = vector.broadcast %broadcast_in_dim3A : f32 to vector<16xf32>
      %scan3A_36 = arith.constant 0 : i32
      %scan3A_37 = arith.constant 50 : i32
      %scan3A_38 = arith.addi %scan3A_36, %scan3A_37 : i32
      %scan3A_39 = arith.constant 1 : i32
      %scan3A_40:4 = scf.for %scan3A_172 = %scan3A_36 to %scan3A_38 step %scan3A_39 iter_args(%scan3A_173 = %broadcast_in_dim3A_35, %scan3A_174 = %broadcast_in_dim3A_35, %scan3A_175 = %broadcast_in_dim3A_35, %scan3A_176 = %broadcast_in_dim3A_35) -> (vector<16xf32>, vector<16xf32>, vector<16xf32>, vector<16xf32>)  : i32 {
        %add3A_177 = arith.constant 0 : i32
        %add3A_178 = arith.addi %add3A_177, %scan3A_172 : i32
        %get3A = arith.index_cast %add3A_178 : i32 to index
        %get3A_179 = arith.constant 0 : index
        %get3A_180 = tpu.vector_load %arg17[%get3A, %get3A_179] {strides = array<i32>} : memref<224x64xf32, #tpu.memory_space<vmem>>, vector<16xf32>,
        %add3A_181 = arith.addf %scan3A_173, %get3A_180 : vector<16xf32>
        %get3A_182 = arith.index_cast %add3A_178 : i32 to index
        %get3A_183 = arith.constant 16 : index
        %get3A_184 = tpu.vector_load %arg17[%get3A_182, %get3A_183] {strides = array<i32>} : memref<224x64xf32, #tpu.memory_space<vmem>>, vector<16xf32>,
        %add3A_185 = arith.addf %scan3A_174, %get3A_184 : vector<16xf32>
        %get3A_186 = arith.index_cast %add3A_178 : i32 to index
        %get3A_187 = arith.constant 32 : index
        %get3A_188 = tpu.vector_load %arg17[%get3A_186, %get3A_187] {strides = array<i32>} : memref<224x64xf32, #tpu.memory_space<vmem>>, vector<16xf32>,
        %add3A_189 = arith.addf %scan3A_175, %get3A_188 : vector<16xf32>
        %get3A_190 = arith.index_cast %add3A_178 : i32 to index
        %get3A_191 = arith.constant 48 : index
        %get3A_192 = tpu.vector_load %arg17[%get3A_190, %get3A_191] {strides = array<i32>} : memref<224x64xf32, #tpu.memory_space<vmem>>, vector<16xf32>,
        %add3A_193 = arith.addf %scan3A_176, %get3A_192 : vector<16xf32>
        scf.yield %add3A_181, %add3A_185, %add3A_189, %add3A_193 : vector<16xf32>, vector<16xf32>, vector<16xf32>, vector<16xf32>
      }
      %scan3A_41 = arith.constant 50 : i32
      %mul3A_42 = arith.constant 4 : i32
      %mul3A_43 = arith.muli %scan3A_22, %mul3A_42 : i32
      %add3A_44 = arith.constant 0 : i32
      %add3A_45 = arith.addi %mul3A_43, %add3A_44 : i32
      %swap3A = arith.index_cast %add3A_45 : i32 to index
      %swap3A_46 = arith.constant 0 : index
      %swap3A_47 = tpu.vector_load %arg18[%swap3A, %swap3A_46] {strides = array<i32>} : memref<128x64xf32, #tpu.memory_space<vmem>>, vector<16xf32>,
      tpu.vector_store %arg18[%swap3A, %swap3A_46], %scan3A_40#0 {strides = array<i32>} : memref<128x64xf32, #tpu.memory_space<vmem>>, vector<16xf32>,
      %mul3A_48 = arith.constant 4 : i32
      %mul3A_49 = arith.muli %scan3A_22, %mul3A_48 : i32
      %add3A_50 = arith.constant 0 : i32
      %add3A_51 = arith.addi %mul3A_49, %add3A_50 : i32
      %swap3A_52 = arith.index_cast %add3A_51 : i32 to index
      %swap3A_53 = arith.constant 16 : index
      %swap3A_54 = tpu.vector_load %arg18[%swap3A_52, %swap3A_53] {strides = array<i32>} : memref<128x64xf32, #tpu.memory_space<vmem>>, vector<16xf32>,
      tpu.vector_store %arg18[%swap3A_52, %swap3A_53], %scan3A_40#1 {strides = array<i32>} : memref<128x64xf32, #tpu.memory_space<vmem>>, vector<16xf32>,
      %mul3A_55 = arith.constant 4 : i32
      %mul3A_56 = arith.muli %scan3A_22, %mul3A_55 : i32
      %add3A_57 = arith.constant 0 : i32
      %add3A_58 = arith.addi %mul3A_56, %add3A_57 : i32
      %swap3A_59 = arith.index_cast %add3A_58 : i32 to index
      %swap3A_60 = arith.constant 32 : index
      %swap3A_61 = tpu.vector_load %arg18[%swap3A_59, %swap3A_60] {strides = array<i32>} : memref<128x64xf32, #tpu.memory_space<vmem>>, vector<16xf32>,
      tpu.vector_store %arg18[%swap3A_59, %swap3A_60], %scan3A_40#2 {strides = array<i32>} : memref<128x64xf32, #tpu.memory_space<vmem>>, vector<16xf32>,
      %mul3A_62 = arith.constant 4 : i32
      %mul3A_63 = arith.muli %scan3A_22, %mul3A_62 : i32
      %add3A_64 = arith.constant 0 : i32
      %add3A_65 = arith.addi %mul3A_63, %add3A_64 : i32
      %swap3A_66 = arith.index_cast %add3A_65 : i32 to index
      %swap3A_67 = arith.constant 48 : index
      %swap3A_68 = tpu.vector_load %arg18[%swap3A_66, %swap3A_67] {strides = array<i32>} : memref<128x64xf32, #tpu.memory_space<vmem>>, vector<16xf32>,
      tpu.vector_store %arg18[%swap3A_66, %swap3A_67], %scan3A_40#3 {strides = array<i32>} : memref<128x64xf32, #tpu.memory_space<vmem>>, vector<16xf32>,
      %scan3A_69 = arith.constant 0 : i32
      %scan3A_70 = arith.constant 50 : i32
      %scan3A_71 = arith.addi %scan3A_69, %scan3A_70 : i32
      %scan3A_72 = arith.constant 1 : i32
      %scan3A_73:4 = scf.for %scan3A_172 = %scan3A_69 to %scan3A_71 step %scan3A_72 iter_args(%scan3A_173 = %broadcast_in_dim3A_35, %scan3A_174 = %broadcast_in_dim3A_35, %scan3A_175 = %broadcast_in_dim3A_35, %scan3A_176 = %broadcast_in_dim3A_35) -> (vector<16xf32>, vector<16xf32>, vector<16xf32>, vector<16xf32>)  : i32 {
        %add3A_177 = arith.constant 56 : i32
        %add3A_178 = arith.addi %add3A_177, %scan3A_172 : i32
        %get3A = arith.index_cast %add3A_178 : i32 to index
        %get3A_179 = arith.constant 0 : index
        %get3A_180 = tpu.vector_load %arg17[%get3A, %get3A_179] {strides = array<i32>} : memref<224x64xf32, #tpu.memory_space<vmem>>, vector<16xf32>,
        %add3A_181 = arith.addf %scan3A_173, %get3A_180 : vector<16xf32>
        %get3A_182 = arith.index_cast %add3A_178 : i32 to index
        %get3A_183 = arith.constant 16 : index
        %get3A_184 = tpu.vector_load %arg17[%get3A_182, %get3A_183] {strides = array<i32>} : memref<224x64xf32, #tpu.memory_space<vmem>>, vector<16xf32>,
        %add3A_185 = arith.addf %scan3A_174, %get3A_184 : vector<16xf32>
        %get3A_186 = arith.index_cast %add3A_178 : i32 to index
        %get3A_187 = arith.constant 32 : index
        %get3A_188 = tpu.vector_load %arg17[%get3A_186, %get3A_187] {strides = array<i32>} : memref<224x64xf32, #tpu.memory_space<vmem>>, vector<16xf32>,
        %add3A_189 = arith.addf %scan3A_175, %get3A_188 : vector<16xf32>
        %get3A_190 = arith.index_cast %add3A_178 : i32 to index
        %get3A_191 = arith.constant 48 : index
        %get3A_192 = tpu.vector_load %arg17[%get3A_190, %get3A_191] {strides = array<i32>} : memref<224x64xf32, #tpu.memory_space<vmem>>, vector<16xf32>,
        %add3A_193 = arith.addf %scan3A_176, %get3A_192 : vector<16xf32>
        scf.yield %add3A_181, %add3A_185, %add3A_189, %add3A_193 : vector<16xf32>, vector<16xf32>, vector<16xf32>, vector<16xf32>
      }
      %scan3A_74 = arith.constant 50 : i32
      %mul3A_75 = arith.constant 4 : i32
      %mul3A_76 = arith.muli %scan3A_22, %mul3A_75 : i32
      %add3A_77 = arith.constant 1 : i32
      %add3A_78 = arith.addi %mul3A_76, %add3A_77 : i32
      %swap3A_79 = arith.index_cast %add3A_78 : i32 to index
      %swap3A_80 = arith.constant 0 : index
      %swap3A_81 = tpu.vector_load %arg18[%swap3A_79, %swap3A_80] {strides = array<i32>} : memref<128x64xf32, #tpu.memory_space<vmem>>, vector<16xf32>,
      tpu.vector_store %arg18[%swap3A_79, %swap3A_80], %scan3A_73#0 {strides = array<i32>} : memref<128x64xf32, #tpu.memory_space<vmem>>, vector<16xf32>,
      %mul3A_82 = arith.constant 4 : i32
      %mul3A_83 = arith.muli %scan3A_22, %mul3A_82 : i32
      %add3A_84 = arith.constant 1 : i32
      %add3A_85 = arith.addi %mul3A_83, %add3A_84 : i32
      %swap3A_86 = arith.index_cast %add3A_85 : i32 to index
      %swap3A_87 = arith.constant 16 : index
      %swap3A_88 = tpu.vector_load %arg18[%swap3A_86, %swap3A_87] {strides = array<i32>} : memref<128x64xf32, #tpu.memory_space<vmem>>, vector<16xf32>,
      tpu.vector_store %arg18[%swap3A_86, %swap3A_87], %scan3A_73#1 {strides = array<i32>} : memref<128x64xf32, #tpu.memory_space<vmem>>, vector<16xf32>,
      %mul3A_89 = arith.constant 4 : i32
      %mul3A_90 = arith.muli %scan3A_22, %mul3A_89 : i32
      %add3A_91 = arith.constant 1 : i32
      %add3A_92 = arith.addi %mul3A_90, %add3A_91 : i32
      %swap3A_93 = arith.index_cast %add3A_92 : i32 to index
      %swap3A_94 = arith.constant 32 : index
      %swap3A_95 = tpu.vector_load %arg18[%swap3A_93, %swap3A_94] {strides = array<i32>} : memref<128x64xf32, #tpu.memory_space<vmem>>, vector<16xf32>,
      tpu.vector_store %arg18[%swap3A_93, %swap3A_94], %scan3A_73#2 {strides = array<i32>} : memref<128x64xf32, #tpu.memory_space<vmem>>, vector<16xf32>,
      %mul3A_96 = arith.constant 4 : i32
      %mul3A_97 = arith.muli %scan3A_22, %mul3A_96 : i32
      %add3A_98 = arith.constant 1 : i32
      %add3A_99 = arith.addi %mul3A_97, %add3A_98 : i32
      %swap3A_100 = arith.index_cast %add3A_99 : i32 to index
      %swap3A_101 = arith.constant 48 : index
      %swap3A_102 = tpu.vector_load %arg18[%swap3A_100, %swap3A_101] {strides = array<i32>} : memref<128x64xf32, #tpu.memory_space<vmem>>, vector<16xf32>,
      tpu.vector_store %arg18[%swap3A_100, %swap3A_101], %scan3A_73#3 {strides = array<i32>} : memref<128x64xf32, #tpu.memory_space<vmem>>, vector<16xf32>,
      %scan3A_103 = arith.constant 0 : i32
      %scan3A_104 = arith.constant 50 : i32
      %scan3A_105 = arith.addi %scan3A_103, %scan3A_104 : i32
      %scan3A_106 = arith.constant 1 : i32
      %scan3A_107:4 = scf.for %scan3A_172 = %scan3A_103 to %scan3A_105 step %scan3A_106 iter_args(%scan3A_173 = %broadcast_in_dim3A_35, %scan3A_174 = %broadcast_in_dim3A_35, %scan3A_175 = %broadcast_in_dim3A_35, %scan3A_176 = %broadcast_in_dim3A_35) -> (vector<16xf32>, vector<16xf32>, vector<16xf32>, vector<16xf32>)  : i32 {
        %add3A_177 = arith.constant 112 : i32
        %add3A_178 = arith.addi %add3A_177, %scan3A_172 : i32
        %get3A = arith.index_cast %add3A_178 : i32 to index
        %get3A_179 = arith.constant 0 : index
        %get3A_180 = tpu.vector_load %arg17[%get3A, %get3A_179] {strides = array<i32>} : memref<224x64xf32, #tpu.memory_space<vmem>>, vector<16xf32>,
        %add3A_181 = arith.addf %scan3A_173, %get3A_180 : vector<16xf32>
        %get3A_182 = arith.index_cast %add3A_178 : i32 to index
        %get3A_183 = arith.constant 16 : index
        %get3A_184 = tpu.vector_load %arg17[%get3A_182, %get3A_183] {strides = array<i32>} : memref<224x64xf32, #tpu.memory_space<vmem>>, vector<16xf32>,
        %add3A_185 = arith.addf %scan3A_174, %get3A_184 : vector<16xf32>
        %get3A_186 = arith.index_cast %add3A_178 : i32 to index
        %get3A_187 = arith.constant 32 : index
        %get3A_188 = tpu.vector_load %arg17[%get3A_186, %get3A_187] {strides = array<i32>} : memref<224x64xf32, #tpu.memory_space<vmem>>, vector<16xf32>,
        %add3A_189 = arith.addf %scan3A_175, %get3A_188 : vector<16xf32>
        %get3A_190 = arith.index_cast %add3A_178 : i32 to index
        %get3A_191 = arith.constant 48 : index
        %get3A_192 = tpu.vector_load %arg17[%get3A_190, %get3A_191] {strides = array<i32>} : memref<224x64xf32, #tpu.memory_space<vmem>>, vector<16xf32>,
        %add3A_193 = arith.addf %scan3A_176, %get3A_192 : vector<16xf32>
        scf.yield %add3A_181, %add3A_185, %add3A_189, %add3A_193 : vector<16xf32>, vector<16xf32>, vector<16xf32>, vector<16xf32>
      }
      %scan3A_108 = arith.constant 50 : i32
      %mul3A_109 = arith.constant 4 : i32
      %mul3A_110 = arith.muli %scan3A_22, %mul3A_109 : i32
      %add3A_111 = arith.constant 2 : i32
      %add3A_112 = arith.addi %mul3A_110, %add3A_111 : i32
      %swap3A_113 = arith.index_cast %add3A_112 : i32 to index
      %swap3A_114 = arith.constant 0 : index
      %swap3A_115 = tpu.vector_load %arg18[%swap3A_113, %swap3A_114] {strides = array<i32>} : memref<128x64xf32, #tpu.memory_space<vmem>>, vector<16xf32>,
      tpu.vector_store %arg18[%swap3A_113, %swap3A_114], %scan3A_107#0 {strides = array<i32>} : memref<128x64xf32, #tpu.memory_space<vmem>>, vector<16xf32>,
      %mul3A_116 = arith.constant 4 : i32
      %mul3A_117 = arith.muli %scan3A_22, %mul3A_116 : i32
      %add3A_118 = arith.constant 2 : i32
      %add3A_119 = arith.addi %mul3A_117, %add3A_118 : i32
      %swap3A_120 = arith.index_cast %add3A_119 : i32 to index
      %swap3A_121 = arith.constant 16 : index
      %swap3A_122 = tpu.vector_load %arg18[%swap3A_120, %swap3A_121] {strides = array<i32>} : memref<128x64xf32, #tpu.memory_space<vmem>>, vector<16xf32>,
      tpu.vector_store %arg18[%swap3A_120, %swap3A_121], %scan3A_107#1 {strides = array<i32>} : memref<128x64xf32, #tpu.memory_space<vmem>>, vector<16xf32>,
      %mul3A_123 = arith.constant 4 : i32
      %mul3A_124 = arith.muli %scan3A_22, %mul3A_123 : i32
      %add3A_125 = arith.constant 2 : i32
      %add3A_126 = arith.addi %mul3A_124, %add3A_125 : i32
      %swap3A_127 = arith.index_cast %add3A_126 : i32 to index
      %swap3A_128 = arith.constant 32 : index
      %swap3A_129 = tpu.vector_load %arg18[%swap3A_127, %swap3A_128] {strides = array<i32>} : memref<128x64xf32, #tpu.memory_space<vmem>>, vector<16xf32>,
      tpu.vector_store %arg18[%swap3A_127, %swap3A_128], %scan3A_107#2 {strides = array<i32>} : memref<128x64xf32, #tpu.memory_space<vmem>>, vector<16xf32>,
      %mul3A_130 = arith.constant 4 : i32
      %mul3A_131 = arith.muli %scan3A_22, %mul3A_130 : i32
      %add3A_132 = arith.constant 2 : i32
      %add3A_133 = arith.addi %mul3A_131, %add3A_132 : i32
      %swap3A_134 = arith.index_cast %add3A_133 : i32 to index
      %swap3A_135 = arith.constant 48 : index
      %swap3A_136 = tpu.vector_load %arg18[%swap3A_134, %swap3A_135] {strides = array<i32>} : memref<128x64xf32, #tpu.memory_space<vmem>>, vector<16xf32>,
      tpu.vector_store %arg18[%swap3A_134, %swap3A_135], %scan3A_107#3 {strides = array<i32>} : memref<128x64xf32, #tpu.memory_space<vmem>>, vector<16xf32>,
      %scan3A_137 = arith.constant 0 : i32
      %scan3A_138 = arith.constant 50 : i32
      %scan3A_139 = arith.addi %scan3A_137, %scan3A_138 : i32
      %scan3A_140 = arith.constant 1 : i32
      %scan3A_141:4 = scf.for %scan3A_172 = %scan3A_137 to %scan3A_139 step %scan3A_140 iter_args(%scan3A_173 = %broadcast_in_dim3A_35, %scan3A_174 = %broadcast_in_dim3A_35, %scan3A_175 = %broadcast_in_dim3A_35, %scan3A_176 = %broadcast_in_dim3A_35) -> (vector<16xf32>, vector<16xf32>, vector<16xf32>, vector<16xf32>)  : i32 {
        %add3A_177 = arith.constant 168 : i32
        %add3A_178 = arith.addi %add3A_177, %scan3A_172 : i32
        %get3A = arith.index_cast %add3A_178 : i32 to index
        %get3A_179 = arith.constant 0 : index
        %get3A_180 = tpu.vector_load %arg17[%get3A, %get3A_179] {strides = array<i32>} : memref<224x64xf32, #tpu.memory_space<vmem>>, vector<16xf32>,
        %add3A_181 = arith.addf %scan3A_173, %get3A_180 : vector<16xf32>
        %get3A_182 = arith.index_cast %add3A_178 : i32 to index
        %get3A_183 = arith.constant 16 : index
        %get3A_184 = tpu.vector_load %arg17[%get3A_182, %get3A_183] {strides = array<i32>} : memref<224x64xf32, #tpu.memory_space<vmem>>, vector<16xf32>,
        %add3A_185 = arith.addf %scan3A_174, %get3A_184 : vector<16xf32>
        %get3A_186 = arith.index_cast %add3A_178 : i32 to index
        %get3A_187 = arith.constant 32 : index
        %get3A_188 = tpu.vector_load %arg17[%get3A_186, %get3A_187] {strides = array<i32>} : memref<224x64xf32, #tpu.memory_space<vmem>>, vector<16xf32>,
        %add3A_189 = arith.addf %scan3A_175, %get3A_188 : vector<16xf32>
        %get3A_190 = arith.index_cast %add3A_178 : i32 to index
        %get3A_191 = arith.constant 48 : index
        %get3A_192 = tpu.vector_load %arg17[%get3A_190, %get3A_191] {strides = array<i32>} : memref<224x64xf32, #tpu.memory_space<vmem>>, vector<16xf32>,
        %add3A_193 = arith.addf %scan3A_176, %get3A_192 : vector<16xf32>
        scf.yield %add3A_181, %add3A_185, %add3A_189, %add3A_193 : vector<16xf32>, vector<16xf32>, vector<16xf32>, vector<16xf32>
      }
      %scan3A_142 = arith.constant 50 : i32
      %mul3A_143 = arith.constant 4 : i32
      %mul3A_144 = arith.muli %scan3A_22, %mul3A_143 : i32
      %add3A_145 = arith.constant 3 : i32
      %add3A_146 = arith.addi %mul3A_144, %add3A_145 : i32
      %swap3A_147 = arith.index_cast %add3A_146 : i32 to index
      %swap3A_148 = arith.constant 0 : index
      %swap3A_149 = tpu.vector_load %arg18[%swap3A_147, %swap3A_148] {strides = array<i32>} : memref<128x64xf32, #tpu.memory_space<vmem>>, vector<16xf32>,
      tpu.vector_store %arg18[%swap3A_147, %swap3A_148], %scan3A_141#0 {strides = array<i32>} : memref<128x64xf32, #tpu.memory_space<vmem>>, vector<16xf32>,
      %mul3A_150 = arith.constant 4 : i32
      %mul3A_151 = arith.muli %scan3A_22, %mul3A_150 : i32
      %add3A_152 = arith.constant 3 : i32
      %add3A_153 = arith.addi %mul3A_151, %add3A_152 : i32
      %swap3A_154 = arith.index_cast %add3A_153 : i32 to index
      %swap3A_155 = arith.constant 16 : index
      %swap3A_156 = tpu.vector_load %arg18[%swap3A_154, %swap3A_155] {strides = array<i32>} : memref<128x64xf32, #tpu.memory_space<vmem>>, vector<16xf32>,
      tpu.vector_store %arg18[%swap3A_154, %swap3A_155], %scan3A_141#1 {strides = array<i32>} : memref<128x64xf32, #tpu.memory_space<vmem>>, vector<16xf32>,
      %mul3A_157 = arith.constant 4 : i32
      %mul3A_158 = arith.muli %scan3A_22, %mul3A_157 : i32
      %add3A_159 = arith.constant 3 : i32
      %add3A_160 = arith.addi %mul3A_158, %add3A_159 : i32
      %swap3A_161 = arith.index_cast %add3A_160 : i32 to index
      %swap3A_162 = arith.constant 32 : index
      %swap3A_163 = tpu.vector_load %arg18[%swap3A_161, %swap3A_162] {strides = array<i32>} : memref<128x64xf32, #tpu.memory_space<vmem>>, vector<16xf32>,
      tpu.vector_store %arg18[%swap3A_161, %swap3A_162], %scan3A_141#2 {strides = array<i32>} : memref<128x64xf32, #tpu.memory_space<vmem>>, vector<16xf32>,
      %mul3A_164 = arith.constant 4 : i32
      %mul3A_165 = arith.muli %scan3A_22, %mul3A_164 : i32
      %add3A_166 = arith.constant 3 : i32
      %add3A_167 = arith.addi %mul3A_165, %add3A_166 : i32
      %swap3A_168 = arith.index_cast %add3A_167 : i32 to index
      %swap3A_169 = arith.constant 48 : index
      %swap3A_170 = tpu.vector_load %arg18[%swap3A_168, %swap3A_169] {strides = array<i32>} : memref<128x64xf32, #tpu.memory_space<vmem>>, vector<16xf32>,
      tpu.vector_store %arg18[%swap3A_168, %swap3A_169], %scan3A_141#3 {strides = array<i32>} : memref<128x64xf32, #tpu.memory_space<vmem>>, vector<16xf32>,
      %scan3A_171 = arith.constant 0 : i32
      scf.yield %scan3A_171 : i32
    }
    %scan3A_12 = arith.constant 32 : i32
    "tpu.region"() ({
      %run_scoped3A = tpu.sem_alloc : memref<!tpu.dma_semaphore, #tpu.memory_space<semaphore_mem>>
      %dma_start3A_22 = arith.constant 0 : i32
      %dma_start3A_23 = tpu.memref_slice %arg8[%mul3A_2, %dma_start3A_22] : memref<4096x64xf32, #tpu.memory_space<hbm>> -> memref<128x64xf32, #tpu.memory_space<hbm>>
      %dma_start3A_24 = arith.constant 0 : i32
      %dma_start3A_25 = tpu.memref_slice %arg8[%mul3A_2, %dma_start3A_24] : memref<4096x64xf32, #tpu.memory_space<hbm>> -> memref<128x64xf32, #tpu.memory_space<hbm>>
      tpu.enqueue_dma source(%arg18 : memref<128x64xf32, #tpu.memory_space<vmem>>) target(%dma_start3A_25 : memref<128x64xf32, #tpu.memory_space<hbm>>) target_semaphore(%run_scoped3A : memref<!tpu.dma_semaphore, #tpu.memory_space<semaphore_mem>>)
      %dma_wait3A_26 = arith.constant 0 : i32
      %dma_wait3A_27 = tpu.memref_slice %arg8[%mul3A_2, %dma_wait3A_26] : memref<4096x64xf32, #tpu.memory_space<hbm>> -> memref<128x64xf32, #tpu.memory_space<hbm>>
      %dma_wait3A_28 = arith.constant 0 : i32
      %dma_wait3A_29 = tpu.memref_slice %arg8[%mul3A_2, %dma_wait3A_28] : memref<4096x64xf32, #tpu.memory_space<hbm>> -> memref<128x64xf32, #tpu.memory_space<hbm>>
      tpu.wait_dma2 semaphore(%run_scoped3A : memref<!tpu.dma_semaphore, #tpu.memory_space<semaphore_mem>>) src(%arg18 : memref<128x64xf32, #tpu.memory_space<vmem>>) dst(%dma_wait3A_29 : memref<128x64xf32, #tpu.memory_space<hbm>>)
      tpu.yield
    }) : () -> ()
    %mul3A_13 = arith.constant 51200 : i32
    %mul3A_14 = arith.muli %add3A, %mul3A_13 : i32
    %scan3A_15 = arith.constant 0 : i32
    %scan3A_16 = arith.constant 0 : i32
    %scan3A_17 = arith.constant 40 : i32
    %scan3A_18 = arith.addi %scan3A_16, %scan3A_17 : i32
    %scan3A_19 = arith.constant 1 : i32
    %scan3A_20 = scf.for %scan3A_22 = %scan3A_16 to %scan3A_18 step %scan3A_19 iter_args(%scan3A_23 = %scan3A_15) -> (i32)  : i32 {
      %mul3A_24 = arith.constant 2 : i32
      %mul3A_25 = arith.muli %mul3A_24, %scan3A_22 : i32
      %mul3A_26 = arith.constant 640 : i32
      %mul3A_27 = arith.muli %mul3A_25, %mul3A_26 : i32
      %add3A_28 = arith.addi %mul3A_14, %mul3A_27 : i32
      %add3A_29 = arith.constant 640 : i32
      %add3A_30 = arith.addi %add3A_28, %add3A_29 : i32
      "tpu.region"() ({
        %run_scoped3A = tpu.sem_alloc : memref<!tpu.dma_semaphore, #tpu.memory_space<semaphore_mem>>
        %dma_start3A_60 = tpu.memref_slice %arg2[%add3A_28] : memref<1638400xi32, #tpu.memory_space<hbm>> -> memref<640xi32, #tpu.memory_space<hbm>>
        %dma_start3A_61 = tpu.memref_slice %arg2[%add3A_28] : memref<1638400xi32, #tpu.memory_space<hbm>> -> memref<640xi32, #tpu.memory_space<hbm>>
        tpu.enqueue_dma source(%dma_start3A_61 : memref<640xi32, #tpu.memory_space<hbm>>) target(%arg10 : memref<640xi32, #tpu.memory_space<vmem>>) target_semaphore(%run_scoped3A : memref<!tpu.dma_semaphore, #tpu.memory_space<semaphore_mem>>)
        %dma_wait3A_62 = tpu.memref_slice %arg2[%add3A_28] : memref<1638400xi32, #tpu.memory_space<hbm>> -> memref<640xi32, #tpu.memory_space<hbm>>
        %dma_wait3A_63 = tpu.memref_slice %arg2[%add3A_28] : memref<1638400xi32, #tpu.memory_space<hbm>> -> memref<640xi32, #tpu.memory_space<hbm>>
        tpu.wait_dma2 semaphore(%run_scoped3A : memref<!tpu.dma_semaphore, #tpu.memory_space<semaphore_mem>>) src(%dma_wait3A_63 : memref<640xi32, #tpu.memory_space<hbm>>) dst(%arg10 : memref<640xi32, #tpu.memory_space<vmem>>)
        tpu.yield
      }) : () -> ()
      "tpu.region"() ({
        %run_scoped3A = tpu.sem_alloc : memref<!tpu.dma_semaphore, #tpu.memory_space<semaphore_mem>>
        %dma_start3A_60 = tpu.memref_slice %arg2[%add3A_30] : memref<1638400xi32, #tpu.memory_space<hbm>> -> memref<640xi32, #tpu.memory_space<hbm>>
        %dma_start3A_61 = tpu.memref_slice %arg2[%add3A_30] : memref<1638400xi32, #tpu.memory_space<hbm>> -> memref<640xi32, #tpu.memory_space<hbm>>
        tpu.enqueue_dma source(%dma_start3A_61 : memref<640xi32, #tpu.memory_space<hbm>>) target(%arg12 : memref<640xi32, #tpu.memory_space<vmem>>) target_semaphore(%run_scoped3A : memref<!tpu.dma_semaphore, #tpu.memory_space<semaphore_mem>>)
        %dma_wait3A_62 = tpu.memref_slice %arg2[%add3A_30] : memref<1638400xi32, #tpu.memory_space<hbm>> -> memref<640xi32, #tpu.memory_space<hbm>>
        %dma_wait3A_63 = tpu.memref_slice %arg2[%add3A_30] : memref<1638400xi32, #tpu.memory_space<hbm>> -> memref<640xi32, #tpu.memory_space<hbm>>
        tpu.wait_dma2 semaphore(%run_scoped3A : memref<!tpu.dma_semaphore, #tpu.memory_space<semaphore_mem>>) src(%dma_wait3A_63 : memref<640xi32, #tpu.memory_space<hbm>>) dst(%arg12 : memref<640xi32, #tpu.memory_space<vmem>>)
        tpu.yield
      }) : () -> ()
      %dma_start3A_31 = arith.constant 0 : i32
      %dma_start3A_32 = arith.constant 0 : i32
      %dma_start3A_33 = tpu.memref_slice %arg5[%dma_start3A_31, %dma_start3A_32] : memref<10240x64xf32, #tpu.memory_space<hbm>> -> memref<10240x64xf32, #tpu.memory_space<hbm>>
      tpu.enqueue_indirect_dma source(%dma_start3A_33 : memref<10240x64xf32, #tpu.memory_space<hbm>>) target(%arg11 : memref<640x64xf32, #tpu.memory_space<vmem>>) offsets(%arg10 : memref<640xi32, #tpu.memory_space<vmem>>) semaphore(%arg19 : memref<!tpu.dma_semaphore, #tpu.memory_space<semaphore_mem>>)
      %dma_start3A_34 = arith.constant 0 : i32
      %dma_start3A_35 = arith.constant 0 : i32
      %dma_start3A_36 = tpu.memref_slice %arg5[%dma_start3A_34, %dma_start3A_35] : memref<10240x64xf32, #tpu.memory_space<hbm>> -> memref<10240x64xf32, #tpu.memory_space<hbm>>
      tpu.enqueue_indirect_dma source(%dma_start3A_36 : memref<10240x64xf32, #tpu.memory_space<hbm>>) target(%arg13 : memref<640x64xf32, #tpu.memory_space<vmem>>) offsets(%arg12 : memref<640xi32, #tpu.memory_space<vmem>>) semaphore(%arg20 : memref<!tpu.dma_semaphore, #tpu.memory_space<semaphore_mem>>)
      %dma_wait3A_37 = arith.constant 0 : i32
      %dma_wait3A_38 = arith.constant 0 : i32
      %dma_wait3A_39 = tpu.memref_slice %arg5[%dma_wait3A_37, %dma_wait3A_38] : memref<10240x64xf32, #tpu.memory_space<hbm>> -> memref<10240x64xf32, #tpu.memory_space<hbm>>
      tpu.wait_indirect_dma semaphore(%arg19 : memref<!tpu.dma_semaphore, #tpu.memory_space<semaphore_mem>>) src(%dma_wait3A_39 : memref<10240x64xf32, #tpu.memory_space<hbm>>) dst(%arg11 : memref<640x64xf32, #tpu.memory_space<vmem>>)
      %dma_start3A_40 = arith.constant 0 : i32
      %dma_start3A_41 = tpu.memref_slice %arg7[%add3A_28, %dma_start3A_40] : memref<1638400x64xf32, #tpu.memory_space<hbm>> -> memref<640x64xf32, #tpu.memory_space<hbm>>
      %dma_start3A_42 = arith.constant 0 : i32
      %dma_start3A_43 = tpu.memref_slice %arg7[%add3A_28, %dma_start3A_42] : memref<1638400x64xf32, #tpu.memory_space<hbm>> -> memref<640x64xf32, #tpu.memory_space<hbm>>
      tpu.enqueue_dma source(%arg11 : memref<640x64xf32, #tpu.memory_space<vmem>>) target(%dma_start3A_43 : memref<640x64xf32, #tpu.memory_space<hbm>>) target_semaphore(%arg21 : memref<!tpu.dma_semaphore, #tpu.memory_space<semaphore_mem>>)
      %dma_wait3A_44 = arith.constant 0 : i32
      %dma_wait3A_45 = arith.constant 0 : i32
      %dma_wait3A_46 = tpu.memref_slice %arg5[%dma_wait3A_44, %dma_wait3A_45] : memref<10240x64xf32, #tpu.memory_space<hbm>> -> memref<10240x64xf32, #tpu.memory_space<hbm>>
      tpu.wait_indirect_dma semaphore(%arg20 : memref<!tpu.dma_semaphore, #tpu.memory_space<semaphore_mem>>) src(%dma_wait3A_46 : memref<10240x64xf32, #tpu.memory_space<hbm>>) dst(%arg13 : memref<640x64xf32, #tpu.memory_space<vmem>>)
      %dma_start3A_47 = arith.constant 0 : i32
      %dma_start3A_48 = tpu.memref_slice %arg7[%add3A_30, %dma_start3A_47] : memref<1638400x64xf32, #tpu.memory_space<hbm>> -> memref<640x64xf32, #tpu.memory_space<hbm>>
      %dma_start3A_49 = arith.constant 0 : i32
      %dma_start3A_50 = tpu.memref_slice %arg7[%add3A_30, %dma_start3A_49] : memref<1638400x64xf32, #tpu.memory_space<hbm>> -> memref<640x64xf32, #tpu.memory_space<hbm>>
      tpu.enqueue_dma source(%arg13 : memref<640x64xf32, #tpu.memory_space<vmem>>) target(%dma_start3A_50 : memref<640x64xf32, #tpu.memory_space<hbm>>) target_semaphore(%arg22 : memref<!tpu.dma_semaphore, #tpu.memory_space<semaphore_mem>>)
      %dma_wait3A_51 = arith.constant 0 : i32
      %dma_wait3A_52 = tpu.memref_slice %arg7[%add3A_28, %dma_wait3A_51] : memref<1638400x64xf32, #tpu.memory_space<hbm>> -> memref<640x64xf32, #tpu.memory_space<hbm>>
      %dma_wait3A_53 = arith.constant 0 : i32
      %dma_wait3A_54 = tpu.memref_slice %arg7[%add3A_28, %dma_wait3A_53] : memref<1638400x64xf32, #tpu.memory_space<hbm>> -> memref<640x64xf32, #tpu.memory_space<hbm>>
      tpu.wait_dma2 semaphore(%arg21 : memref<!tpu.dma_semaphore, #tpu.memory_space<semaphore_mem>>) src(%arg11 : memref<640x64xf32, #tpu.memory_space<vmem>>) dst(%dma_wait3A_54 : memref<640x64xf32, #tpu.memory_space<hbm>>)
      %dma_wait3A_55 = arith.constant 0 : i32
      %dma_wait3A_56 = tpu.memref_slice %arg7[%add3A_30, %dma_wait3A_55] : memref<1638400x64xf32, #tpu.memory_space<hbm>> -> memref<640x64xf32, #tpu.memory_space<hbm>>
      %dma_wait3A_57 = arith.constant 0 : i32
      %dma_wait3A_58 = tpu.memref_slice %arg7[%add3A_30, %dma_wait3A_57] : memref<1638400x64xf32, #tpu.memory_space<hbm>> -> memref<640x64xf32, #tpu.memory_space<hbm>>
      tpu.wait_dma2 semaphore(%arg22 : memref<!tpu.dma_semaphore, #tpu.memory_space<semaphore_mem>>) src(%arg13 : memref<640x64xf32, #tpu.memory_space<vmem>>) dst(%dma_wait3A_58 : memref<640x64xf32, #tpu.memory_space<hbm>>)
      %scan3A_59 = arith.constant 0 : i32
      scf.yield %scan3A_59 : i32
    }
    %scan3A_21 = arith.constant 40 : i32
    return
  }
}

#map = affine_map<(d0, d1) -> (0)>
#map1 = affine_map<(d0, d1) -> (0, 0)>
#map2 = affine_map<(d0, d1) -> (0, 0, 0)>
module attributes {stable_mosaic.version = 14 : i64} {
  func.func @_edge_body(%arg0: i32, %arg1: i32, %arg2: memref<1024000xi32, #tpu.memory_space<hbm>>, %arg3: memref<1024000xi32, #tpu.memory_space<hbm>>, %arg4: memref<100352xi32, #tpu.memory_space<hbm>>, %arg5: memref<100352xi32, #tpu.memory_space<hbm>>, %arg6: memref<100000x64xf32, #tpu.memory_space<hbm>>, %arg7: memref<100000x64xf32, #tpu.memory_space<hbm>>, %arg8: memref<2x4160x64xf32, #tpu.memory_space<hbm>>, %arg9: memref<2x4160x64xf32, #tpu.memory_space<hbm>>, %arg10: memref<2x4160x16xf32, #tpu.memory_space<hbm>>, %arg11: memref<2x4160x16xf32, #tpu.memory_space<hbm>>, %arg12: memref<2000xi32, #tpu.memory_space<vmem>>, %arg13: memref<2000xi32, #tpu.memory_space<vmem>>, %arg14: memref<2000xi32, #tpu.memory_space<vmem>>, %arg15: memref<2000xi32, #tpu.memory_space<vmem>>, %arg16: memref<8x512xi32, #tpu.memory_space<vmem>>, %arg17: memref<8x512xi32, #tpu.memory_space<vmem>>, %arg18: memref<8x512xi32, #tpu.memory_space<vmem>>, %arg19: memref<8x512xi32, #tpu.memory_space<vmem>>, %arg20: memref<512x64xf32, #tpu.memory_space<vmem>>, %arg21: memref<512x16xf32, #tpu.memory_space<vmem>>, %arg22: memref<260x64xf32, #tpu.memory_space<vmem>>, %arg23: memref<260x16xf32, #tpu.memory_space<vmem>>, %arg24: memref<4160x64xf32, #tpu.memory_space<vmem_shared>>, %arg25: memref<4160x64xf32, #tpu.memory_space<vmem_shared>>, %arg26: memref<4160x16xf32, #tpu.memory_space<vmem_shared>>, %arg27: memref<4160x16xf32, #tpu.memory_space<vmem_shared>>, %arg28: memref<!tpu.dma_semaphore, #tpu.memory_space<semaphore_mem>>, %arg29: memref<!tpu.dma_semaphore, #tpu.memory_space<semaphore_mem>>) attributes {dimension_semantics = [#tpu.dimension_semantics<core_parallel>, #tpu.dimension_semantics<subcore_parallel>], iteration_bounds = array<i64: 2, 16>, scalar_prefetch = 0 : i64, scratch_operands = 18 : i64, tpu.core_type = #tpu.core_type<sc_vector_subcore>, window_params = [{transform_indices = #map}, {transform_indices = #map}, {transform_indices = #map}, {transform_indices = #map}, {transform_indices = #map1}, {transform_indices = #map1}, {transform_indices = #map2}, {transform_indices = #map2}, {transform_indices = #map2}, {transform_indices = #map2}]} {
    %mul3A = arith.constant 2 : i32
    %mul3A_0 = arith.muli %arg1, %mul3A : i32
    %add3A = arith.addi %mul3A_0, %arg0 : i32
    %iota3A = tpu.iota {dimensions = array<i32: 0>} : vector<16xi32>
    %eq3A = arith.constant 0 : i32
    %eq3A_1 = vector.broadcast %eq3A : i32 to vector<16xi32>
    %eq3A_2 = arith.cmpi eq, %iota3A, %eq3A_1 : vector<16xi32>
    %jit3A = arith.constant 1.000000e+00 : f32
    %jit3A_3 = arith.constant 0.000000e+00 : f32
    %broadcast_in_dim3A = vector.broadcast %jit3A : f32 to vector<16xf32>
    %broadcast_in_dim3A_4 = vector.broadcast %jit3A_3 : f32 to vector<16xf32>
    %select_n3A = arith.select %eq3A_2, %broadcast_in_dim3A, %broadcast_in_dim3A_4 : vector<16xi1>, vector<16xf32>
    %scan3A = arith.constant 0 : i32
    %scan3A_5 = arith.constant 0 : i32
    %scan3A_6 = arith.constant 512 : i32
    %scan3A_7 = arith.addi %scan3A_5, %scan3A_6 : i32
    %scan3A_8 = arith.constant 1 : i32
    %scan3A_9 = scf.for %scan3A_77 = %scan3A_5 to %scan3A_7 step %scan3A_8 iter_args(%scan3A_78 = %scan3A) -> (i32)  : i32 {
      %swap3A = arith.index_cast %scan3A_77 : i32 to index
      %swap3A_79 = arith.constant 0 : index
      %swap3A_80 = tpu.vector_load %arg21[%swap3A, %swap3A_79] {strides = array<i32>} : memref<512x16xf32, #tpu.memory_space<vmem>>, vector<16xf32>,
      tpu.vector_store %arg21[%swap3A, %swap3A_79], %select_n3A {strides = array<i32>} : memref<512x16xf32, #tpu.memory_space<vmem>>, vector<16xf32>,
      %scan3A_81 = arith.constant 0 : i32
      scf.yield %scan3A_81 : i32
    }
    %scan3A_10 = arith.constant 512 : i32
    %broadcast_in_dim3A_11 = arith.constant 0.000000e+00 : f32
    %broadcast_in_dim3A_12 = vector.broadcast %broadcast_in_dim3A_11 : f32 to vector<16xf32>
    %scan3A_13 = arith.constant 0 : i32
    %scan3A_14 = arith.constant 0 : i32
    %scan3A_15 = arith.constant 260 : i32
    %scan3A_16 = arith.addi %scan3A_14, %scan3A_15 : i32
    %scan3A_17 = arith.constant 1 : i32
    %scan3A_18 = scf.for %scan3A_77 = %scan3A_14 to %scan3A_16 step %scan3A_17 iter_args(%scan3A_78 = %scan3A_13) -> (i32)  : i32 {
      %swap3A = arith.index_cast %scan3A_77 : i32 to index
      %swap3A_79 = arith.constant 0 : index
      %swap3A_80 = tpu.vector_load %arg22[%swap3A, %swap3A_79] {strides = array<i32>} : memref<260x64xf32, #tpu.memory_space<vmem>>, vector<16xf32>,
      tpu.vector_store %arg22[%swap3A, %swap3A_79], %broadcast_in_dim3A_12 {strides = array<i32>} : memref<260x64xf32, #tpu.memory_space<vmem>>, vector<16xf32>,
      %swap3A_81 = arith.index_cast %scan3A_77 : i32 to index
      %swap3A_82 = arith.constant 16 : index
      %swap3A_83 = tpu.vector_load %arg22[%swap3A_81, %swap3A_82] {strides = array<i32>} : memref<260x64xf32, #tpu.memory_space<vmem>>, vector<16xf32>,
      tpu.vector_store %arg22[%swap3A_81, %swap3A_82], %broadcast_in_dim3A_12 {strides = array<i32>} : memref<260x64xf32, #tpu.memory_space<vmem>>, vector<16xf32>,
      %swap3A_84 = arith.index_cast %scan3A_77 : i32 to index
      %swap3A_85 = arith.constant 32 : index
      %swap3A_86 = tpu.vector_load %arg22[%swap3A_84, %swap3A_85] {strides = array<i32>} : memref<260x64xf32, #tpu.memory_space<vmem>>, vector<16xf32>,
      tpu.vector_store %arg22[%swap3A_84, %swap3A_85], %broadcast_in_dim3A_12 {strides = array<i32>} : memref<260x64xf32, #tpu.memory_space<vmem>>, vector<16xf32>,
      %swap3A_87 = arith.index_cast %scan3A_77 : i32 to index
      %swap3A_88 = arith.constant 48 : index
      %swap3A_89 = tpu.vector_load %arg22[%swap3A_87, %swap3A_88] {strides = array<i32>} : memref<260x64xf32, #tpu.memory_space<vmem>>, vector<16xf32>,
      tpu.vector_store %arg22[%swap3A_87, %swap3A_88], %broadcast_in_dim3A_12 {strides = array<i32>} : memref<260x64xf32, #tpu.memory_space<vmem>>, vector<16xf32>,
      %swap3A_90 = arith.index_cast %scan3A_77 : i32 to index
      %swap3A_91 = arith.constant 0 : index
      %swap3A_92 = tpu.vector_load %arg23[%swap3A_90, %swap3A_91] {strides = array<i32>} : memref<260x16xf32, #tpu.memory_space<vmem>>, vector<16xf32>,
      tpu.vector_store %arg23[%swap3A_90, %swap3A_91], %broadcast_in_dim3A_12 {strides = array<i32>} : memref<260x16xf32, #tpu.memory_space<vmem>>, vector<16xf32>,
      %scan3A_93 = arith.constant 0 : i32
      scf.yield %scan3A_93 : i32
    }
    %scan3A_19 = arith.constant 260 : i32
    %mul3A_20 = arith.constant 260 : i32
    %mul3A_21 = arith.muli %arg1, %mul3A_20 : i32
    "tpu.region"() ({
      %run_scoped3A = tpu.sem_alloc : memref<!tpu.dma_semaphore, #tpu.memory_space<semaphore_mem>>
      %dma_start3A_77 = arith.constant 0 : i32
      %dma_start3A_78 = tpu.memref_slice %arg24[%mul3A_21, %dma_start3A_77] : memref<4160x64xf32, #tpu.memory_space<vmem_shared>> -> memref<260x64xf32, #tpu.memory_space<vmem_shared>>
      %dma_start3A_79 = arith.constant 0 : i32
      %dma_start3A_80 = tpu.memref_slice %arg24[%mul3A_21, %dma_start3A_79] : memref<4160x64xf32, #tpu.memory_space<vmem_shared>> -> memref<260x64xf32, #tpu.memory_space<vmem_shared>>
      tpu.enqueue_dma source(%arg22 : memref<260x64xf32, #tpu.memory_space<vmem>>) target(%dma_start3A_80 : memref<260x64xf32, #tpu.memory_space<vmem_shared>>) target_semaphore(%run_scoped3A : memref<!tpu.dma_semaphore, #tpu.memory_space<semaphore_mem>>)
      %dma_wait3A_81 = arith.constant 0 : i32
      %dma_wait3A_82 = tpu.memref_slice %arg24[%mul3A_21, %dma_wait3A_81] : memref<4160x64xf32, #tpu.memory_space<vmem_shared>> -> memref<260x64xf32, #tpu.memory_space<vmem_shared>>
      %dma_wait3A_83 = arith.constant 0 : i32
      %dma_wait3A_84 = tpu.memref_slice %arg24[%mul3A_21, %dma_wait3A_83] : memref<4160x64xf32, #tpu.memory_space<vmem_shared>> -> memref<260x64xf32, #tpu.memory_space<vmem_shared>>
      tpu.wait_dma2 semaphore(%run_scoped3A : memref<!tpu.dma_semaphore, #tpu.memory_space<semaphore_mem>>) src(%arg22 : memref<260x64xf32, #tpu.memory_space<vmem>>) dst(%dma_wait3A_84 : memref<260x64xf32, #tpu.memory_space<vmem_shared>>)
      tpu.yield
    }) : () -> ()
    "tpu.region"() ({
      %run_scoped3A = tpu.sem_alloc : memref<!tpu.dma_semaphore, #tpu.memory_space<semaphore_mem>>
      %dma_start3A_77 = arith.constant 0 : i32
      %dma_start3A_78 = tpu.memref_slice %arg25[%mul3A_21, %dma_start3A_77] : memref<4160x64xf32, #tpu.memory_space<vmem_shared>> -> memref<260x64xf32, #tpu.memory_space<vmem_shared>>
      %dma_start3A_79 = arith.constant 0 : i32
      %dma_start3A_80 = tpu.memref_slice %arg25[%mul3A_21, %dma_start3A_79] : memref<4160x64xf32, #tpu.memory_space<vmem_shared>> -> memref<260x64xf32, #tpu.memory_space<vmem_shared>>
      tpu.enqueue_dma source(%arg22 : memref<260x64xf32, #tpu.memory_space<vmem>>) target(%dma_start3A_80 : memref<260x64xf32, #tpu.memory_space<vmem_shared>>) target_semaphore(%run_scoped3A : memref<!tpu.dma_semaphore, #tpu.memory_space<semaphore_mem>>)
      %dma_wait3A_81 = arith.constant 0 : i32
      %dma_wait3A_82 = tpu.memref_slice %arg25[%mul3A_21, %dma_wait3A_81] : memref<4160x64xf32, #tpu.memory_space<vmem_shared>> -> memref<260x64xf32, #tpu.memory_space<vmem_shared>>
      %dma_wait3A_83 = arith.constant 0 : i32
      %dma_wait3A_84 = tpu.memref_slice %arg25[%mul3A_21, %dma_wait3A_83] : memref<4160x64xf32, #tpu.memory_space<vmem_shared>> -> memref<260x64xf32, #tpu.memory_space<vmem_shared>>
      tpu.wait_dma2 semaphore(%run_scoped3A : memref<!tpu.dma_semaphore, #tpu.memory_space<semaphore_mem>>) src(%arg22 : memref<260x64xf32, #tpu.memory_space<vmem>>) dst(%dma_wait3A_84 : memref<260x64xf32, #tpu.memory_space<vmem_shared>>)
      tpu.yield
    }) : () -> ()
    "tpu.region"() ({
      %run_scoped3A = tpu.sem_alloc : memref<!tpu.dma_semaphore, #tpu.memory_space<semaphore_mem>>
      %dma_start3A_77 = arith.constant 0 : i32
      %dma_start3A_78 = tpu.memref_slice %arg26[%mul3A_21, %dma_start3A_77] : memref<4160x16xf32, #tpu.memory_space<vmem_shared>> -> memref<260x16xf32, #tpu.memory_space<vmem_shared>>
      %dma_start3A_79 = arith.constant 0 : i32
      %dma_start3A_80 = tpu.memref_slice %arg26[%mul3A_21, %dma_start3A_79] : memref<4160x16xf32, #tpu.memory_space<vmem_shared>> -> memref<260x16xf32, #tpu.memory_space<vmem_shared>>
      tpu.enqueue_dma source(%arg23 : memref<260x16xf32, #tpu.memory_space<vmem>>) target(%dma_start3A_80 : memref<260x16xf32, #tpu.memory_space<vmem_shared>>) target_semaphore(%run_scoped3A : memref<!tpu.dma_semaphore, #tpu.memory_space<semaphore_mem>>)
      %dma_wait3A_81 = arith.constant 0 : i32
      %dma_wait3A_82 = tpu.memref_slice %arg26[%mul3A_21, %dma_wait3A_81] : memref<4160x16xf32, #tpu.memory_space<vmem_shared>> -> memref<260x16xf32, #tpu.memory_space<vmem_shared>>
      %dma_wait3A_83 = arith.constant 0 : i32
      %dma_wait3A_84 = tpu.memref_slice %arg26[%mul3A_21, %dma_wait3A_83] : memref<4160x16xf32, #tpu.memory_space<vmem_shared>> -> memref<260x16xf32, #tpu.memory_space<vmem_shared>>
      tpu.wait_dma2 semaphore(%run_scoped3A : memref<!tpu.dma_semaphore, #tpu.memory_space<semaphore_mem>>) src(%arg23 : memref<260x16xf32, #tpu.memory_space<vmem>>) dst(%dma_wait3A_84 : memref<260x16xf32, #tpu.memory_space<vmem_shared>>)
      tpu.yield
    }) : () -> ()
    "tpu.region"() ({
      %run_scoped3A = tpu.sem_alloc : memref<!tpu.dma_semaphore, #tpu.memory_space<semaphore_mem>>
      %dma_start3A_77 = arith.constant 0 : i32
      %dma_start3A_78 = tpu.memref_slice %arg27[%mul3A_21, %dma_start3A_77] : memref<4160x16xf32, #tpu.memory_space<vmem_shared>> -> memref<260x16xf32, #tpu.memory_space<vmem_shared>>
      %dma_start3A_79 = arith.constant 0 : i32
      %dma_start3A_80 = tpu.memref_slice %arg27[%mul3A_21, %dma_start3A_79] : memref<4160x16xf32, #tpu.memory_space<vmem_shared>> -> memref<260x16xf32, #tpu.memory_space<vmem_shared>>
      tpu.enqueue_dma source(%arg23 : memref<260x16xf32, #tpu.memory_space<vmem>>) target(%dma_start3A_80 : memref<260x16xf32, #tpu.memory_space<vmem_shared>>) target_semaphore(%run_scoped3A : memref<!tpu.dma_semaphore, #tpu.memory_space<semaphore_mem>>)
      %dma_wait3A_81 = arith.constant 0 : i32
      %dma_wait3A_82 = tpu.memref_slice %arg27[%mul3A_21, %dma_wait3A_81] : memref<4160x16xf32, #tpu.memory_space<vmem_shared>> -> memref<260x16xf32, #tpu.memory_space<vmem_shared>>
      %dma_wait3A_83 = arith.constant 0 : i32
      %dma_wait3A_84 = tpu.memref_slice %arg27[%mul3A_21, %dma_wait3A_83] : memref<4160x16xf32, #tpu.memory_space<vmem_shared>> -> memref<260x16xf32, #tpu.memory_space<vmem_shared>>
      tpu.wait_dma2 semaphore(%run_scoped3A : memref<!tpu.dma_semaphore, #tpu.memory_space<semaphore_mem>>) src(%arg23 : memref<260x16xf32, #tpu.memory_space<vmem>>) dst(%dma_wait3A_84 : memref<260x16xf32, #tpu.memory_space<vmem_shared>>)
      tpu.yield
    }) : () -> ()
    %barrier3A = arith.constant 0 : index
    tpu.barrier barrier_id(%barrier3A)
    %scan3A_22 = arith.constant 0 : i32
    %scan3A_23 = arith.constant 0 : i32
    %scan3A_24 = arith.constant 0 : i32
    %scan3A_25 = arith.constant 0 : i32
    %scan3A_26 = arith.constant 0 : i32
    %scan3A_27 = arith.constant 16 : i32
    %scan3A_28 = arith.addi %scan3A_26, %scan3A_27 : i32
    %scan3A_29 = arith.constant 1 : i32
    %scan3A_30:4 = scf.for %scan3A_77 = %scan3A_26 to %scan3A_28 step %scan3A_29 iter_args(%scan3A_78 = %scan3A_22, %scan3A_79 = %scan3A_23, %scan3A_80 = %scan3A_24, %scan3A_81 = %scan3A_25) -> (i32, i32, i32, i32)  : i32 {
      %mul3A_82 = arith.constant 16 : i32
      %mul3A_83 = arith.muli %add3A, %mul3A_82 : i32
      %add3A_84 = arith.addi %mul3A_83, %scan3A_77 : i32
      %mul3A_85 = arith.constant 2000 : i32
      %mul3A_86 = arith.muli %add3A_84, %mul3A_85 : i32
      %dma_start3A_87 = tpu.memref_slice %arg2[%mul3A_86] : memref<1024000xi32, #tpu.memory_space<hbm>> -> memref<2000xi32, #tpu.memory_space<hbm>>
      %dma_start3A_88 = tpu.memref_slice %arg2[%mul3A_86] : memref<1024000xi32, #tpu.memory_space<hbm>> -> memref<2000xi32, #tpu.memory_space<hbm>>
      tpu.enqueue_dma source(%dma_start3A_88 : memref<2000xi32, #tpu.memory_space<hbm>>) target(%arg12 : memref<2000xi32, #tpu.memory_space<vmem>>) target_semaphore(%arg28 : memref<!tpu.dma_semaphore, #tpu.memory_space<semaphore_mem>>)
      %dma_start3A_89 = tpu.memref_slice %arg3[%mul3A_86] : memref<1024000xi32, #tpu.memory_space<hbm>> -> memref<2000xi32, #tpu.memory_space<hbm>>
      %dma_start3A_90 = tpu.memref_slice %arg3[%mul3A_86] : memref<1024000xi32, #tpu.memory_space<hbm>> -> memref<2000xi32, #tpu.memory_space<hbm>>
      tpu.enqueue_dma source(%dma_start3A_90 : memref<2000xi32, #tpu.memory_space<hbm>>) target(%arg13 : memref<2000xi32, #tpu.memory_space<vmem>>) target_semaphore(%arg29 : memref<!tpu.dma_semaphore, #tpu.memory_space<semaphore_mem>>)
      %dma_wait3A_91 = tpu.memref_slice %arg2[%mul3A_86] : memref<1024000xi32, #tpu.memory_space<hbm>> -> memref<2000xi32, #tpu.memory_space<hbm>>
      %dma_wait3A_92 = tpu.memref_slice %arg2[%mul3A_86] : memref<1024000xi32, #tpu.memory_space<hbm>> -> memref<2000xi32, #tpu.memory_space<hbm>>
      tpu.wait_dma2 semaphore(%arg28 : memref<!tpu.dma_semaphore, #tpu.memory_space<semaphore_mem>>) src(%dma_wait3A_92 : memref<2000xi32, #tpu.memory_space<hbm>>) dst(%arg12 : memref<2000xi32, #tpu.memory_space<vmem>>)
      %dma_wait3A_93 = tpu.memref_slice %arg3[%mul3A_86] : memref<1024000xi32, #tpu.memory_space<hbm>> -> memref<2000xi32, #tpu.memory_space<hbm>>
      %dma_wait3A_94 = tpu.memref_slice %arg3[%mul3A_86] : memref<1024000xi32, #tpu.memory_space<hbm>> -> memref<2000xi32, #tpu.memory_space<hbm>>
      tpu.wait_dma2 semaphore(%arg29 : memref<!tpu.dma_semaphore, #tpu.memory_space<semaphore_mem>>) src(%dma_wait3A_94 : memref<2000xi32, #tpu.memory_space<hbm>>) dst(%arg13 : memref<2000xi32, #tpu.memory_space<vmem>>)
      %dma_start3A_95 = arith.constant 0 : i32
      %dma_start3A_96 = tpu.memref_slice %arg4[%dma_start3A_95] : memref<100352xi32, #tpu.memory_space<hbm>> -> memref<100352xi32, #tpu.memory_space<hbm>>
      tpu.enqueue_indirect_dma source(%dma_start3A_96 : memref<100352xi32, #tpu.memory_space<hbm>>) target(%arg14 : memref<2000xi32, #tpu.memory_space<vmem>>) offsets(%arg12 : memref<2000xi32, #tpu.memory_space<vmem>>) semaphore(%arg28 : memref<!tpu.dma_semaphore, #tpu.memory_space<semaphore_mem>>)
      %dma_start3A_97 = arith.constant 0 : i32
      %dma_start3A_98 = tpu.memref_slice %arg5[%dma_start3A_97] : memref<100352xi32, #tpu.memory_space<hbm>> -> memref<100352xi32, #tpu.memory_space<hbm>>
      tpu.enqueue_indirect_dma source(%dma_start3A_98 : memref<100352xi32, #tpu.memory_space<hbm>>) target(%arg15 : memref<2000xi32, #tpu.memory_space<vmem>>) offsets(%arg13 : memref<2000xi32, #tpu.memory_space<vmem>>) semaphore(%arg29 : memref<!tpu.dma_semaphore, #tpu.memory_space<semaphore_mem>>)
      %dma_wait3A_99 = arith.constant 0 : i32
      %dma_wait3A_100 = tpu.memref_slice %arg4[%dma_wait3A_99] : memref<100352xi32, #tpu.memory_space<hbm>> -> memref<100352xi32, #tpu.memory_space<hbm>>
      tpu.wait_indirect_dma semaphore(%arg28 : memref<!tpu.dma_semaphore, #tpu.memory_space<semaphore_mem>>) src(%dma_wait3A_100 : memref<100352xi32, #tpu.memory_space<hbm>>) dst(%arg14 : memref<2000xi32, #tpu.memory_space<vmem>>)
      %dma_wait3A_101 = arith.constant 0 : i32
      %dma_wait3A_102 = tpu.memref_slice %arg5[%dma_wait3A_101] : memref<100352xi32, #tpu.memory_space<hbm>> -> memref<100352xi32, #tpu.memory_space<hbm>>
      tpu.wait_indirect_dma semaphore(%arg29 : memref<!tpu.dma_semaphore, #tpu.memory_space<semaphore_mem>>) src(%dma_wait3A_102 : memref<100352xi32, #tpu.memory_space<hbm>>) dst(%arg15 : memref<2000xi32, #tpu.memory_space<vmem>>)
      %scan3A_103 = arith.constant 0 : i32
      %scan3A_104 = arith.constant 125 : i32
      %scan3A_105 = arith.addi %scan3A_103, %scan3A_104 : i32
      %scan3A_106 = arith.constant 1 : i32
      %scan3A_107:2 = scf.for %scan3A_143 = %scan3A_103 to %scan3A_105 step %scan3A_106 iter_args(%scan3A_144 = %scan3A_78, %scan3A_145 = %scan3A_80) -> (i32, i32)  : i32 {
        %mul3A_146 = arith.constant 16 : i32
        %mul3A_147 = arith.muli %scan3A_143, %mul3A_146 : i32
        %get3A = arith.index_cast %mul3A_147 : i32 to index
        %get3A_148 = tpu.vector_load %arg12[%get3A] {strides = array<i32>} : memref<2000xi32, #tpu.memory_space<vmem>>, vector<16xi32>,
        %mul3A_149 = arith.constant 16 : i32
        %mul3A_150 = arith.muli %scan3A_143, %mul3A_149 : i32
        %get3A_151 = arith.index_cast %mul3A_150 : i32 to index
        %get3A_152 = tpu.vector_load %arg13[%get3A_151] {strides = array<i32>} : memref<2000xi32, #tpu.memory_space<vmem>>, vector<16xi32>,
        %mul3A_153 = arith.constant 16 : i32
        %mul3A_154 = arith.muli %scan3A_143, %mul3A_153 : i32
        %get3A_155 = arith.index_cast %mul3A_154 : i32 to index
        %get3A_156 = tpu.vector_load %arg14[%get3A_155] {strides = array<i32>} : memref<2000xi32, #tpu.memory_space<vmem>>, vector<16xi32>,
        %mul3A_157 = arith.constant 16 : i32
        %mul3A_158 = arith.muli %scan3A_143, %mul3A_157 : i32
        %get3A_159 = arith.index_cast %mul3A_158 : i32 to index
        %get3A_160 = tpu.vector_load %arg15[%get3A_159] {strides = array<i32>} : memref<2000xi32, #tpu.memory_space<vmem>>, vector<16xi32>,
        %ge3A = arith.constant 0 : i32
        %ge3A_161 = vector.broadcast %ge3A : i32 to vector<16xi32>
        %ge3A_162 = arith.cmpi sge, %get3A_156, %ge3A_161 : vector<16xi32>
        %ge3A_163 = arith.constant 0 : i32
        %ge3A_164 = vector.broadcast %ge3A_163 : i32 to vector<16xi32>
        %ge3A_165 = arith.cmpi sge, %get3A_160, %ge3A_164 : vector<16xi32>
        %convert_element_type3A = arith.extui %ge3A_162 : vector<16xi1> to vector<16xi32>
        %broadcast_in_dim3A_166 = arith.constant true
        %broadcast_in_dim3A_167 = vector.broadcast %broadcast_in_dim3A_166 : i1 to vector<16xi1>
        %masked_cumsum3A = tpu.scan <sum>, %convert_element_type3A masked %broadcast_in_dim3A_167 : vector<16xi32>, vector<16xi1> -> vector<16xi32>
        %add3A_168 = vector.broadcast %scan3A_144 : i32 to vector<16xi32>
        %add3A_169 = arith.addi %add3A_168, %masked_cumsum3A : vector<16xi32>
        %sub3A_170 = arith.constant 1 : i32
        %sub3A_171 = vector.broadcast %sub3A_170 : i32 to vector<16xi32>
        %sub3A_172 = arith.subi %add3A_169, %sub3A_171 : vector<16xi32>
        %and3A_173 = arith.constant 4095 : i32
        %and3A_174 = vector.broadcast %and3A_173 : i32 to vector<16xi32>
        %and3A_175 = arith.andi %sub3A_172, %and3A_174 : vector<16xi32>
        %shift_right_arithmetic3A_176 = arith.constant 9 : i32
        %shift_right_arithmetic3A_177 = vector.broadcast %shift_right_arithmetic3A_176 : i32 to vector<16xi32>
        %shift_right_arithmetic3A_178 = arith.shrsi %and3A_175, %shift_right_arithmetic3A_177 : vector<16xi32>
        %and3A_179 = arith.constant 511 : i32
        %and3A_180 = vector.broadcast %and3A_179 : i32 to vector<16xi32>
        %and3A_181 = arith.andi %and3A_175, %and3A_180 : vector<16xi32>
        tpu.vector_store_idx %arg16[%shift_right_arithmetic3A_178, %and3A_181], %get3A_156 masked %ge3A_162 : memref<8x512xi32, #tpu.memory_space<vmem>>[vector<16xi32>, vector<16xi32>], vector<16xi32>, vector<16xi1>
        %shift_right_arithmetic3A_182 = arith.constant 9 : i32
        %shift_right_arithmetic3A_183 = vector.broadcast %shift_right_arithmetic3A_182 : i32 to vector<16xi32>
        %shift_right_arithmetic3A_184 = arith.shrsi %and3A_175, %shift_right_arithmetic3A_183 : vector<16xi32>
        %and3A_185 = arith.constant 511 : i32
        %and3A_186 = vector.broadcast %and3A_185 : i32 to vector<16xi32>
        %and3A_187 = arith.andi %and3A_175, %and3A_186 : vector<16xi32>
        tpu.vector_store_idx %arg17[%shift_right_arithmetic3A_184, %and3A_187], %get3A_152 masked %ge3A_162 : memref<8x512xi32, #tpu.memory_space<vmem>>[vector<16xi32>, vector<16xi32>], vector<16xi32>, vector<16xi1>
        %convert_element_type3A_188 = arith.extui %ge3A_162 : vector<16xi1> to vector<16xi32>
        %reduce_sum3A = arith.constant true
        %reduce_sum3A_189 = vector.broadcast %reduce_sum3A : i1 to vector<16xi1>
        %reduce_sum3A_190 = tpu.scan <sum>, %convert_element_type3A_188 masked %reduce_sum3A_189 : vector<16xi32>, vector<16xi1> -> vector<16xi32>
        %reduce_sum3A_191 = vector.extract %reduce_sum3A_190[15] : i32 from vector<16xi32>
        %add3A_192 = arith.addi %scan3A_144, %reduce_sum3A_191 : i32
        %convert_element_type3A_193 = arith.extui %ge3A_165 : vector<16xi1> to vector<16xi32>
        %broadcast_in_dim3A_194 = arith.constant true
        %broadcast_in_dim3A_195 = vector.broadcast %broadcast_in_dim3A_194 : i1 to vector<16xi1>
        %masked_cumsum3A_196 = tpu.scan <sum>, %convert_element_type3A_193 masked %broadcast_in_dim3A_195 : vector<16xi32>, vector<16xi1> -> vector<16xi32>
        %add3A_197 = vector.broadcast %scan3A_145 : i32 to vector<16xi32>
        %add3A_198 = arith.addi %add3A_197, %masked_cumsum3A_196 : vector<16xi32>
        %sub3A_199 = arith.constant 1 : i32
        %sub3A_200 = vector.broadcast %sub3A_199 : i32 to vector<16xi32>
        %sub3A_201 = arith.subi %add3A_198, %sub3A_200 : vector<16xi32>
        %and3A_202 = arith.constant 4095 : i32
        %and3A_203 = vector.broadcast %and3A_202 : i32 to vector<16xi32>
        %and3A_204 = arith.andi %sub3A_201, %and3A_203 : vector<16xi32>
        %shift_right_arithmetic3A_205 = arith.constant 9 : i32
        %shift_right_arithmetic3A_206 = vector.broadcast %shift_right_arithmetic3A_205 : i32 to vector<16xi32>
        %shift_right_arithmetic3A_207 = arith.shrsi %and3A_204, %shift_right_arithmetic3A_206 : vector<16xi32>
        %and3A_208 = arith.constant 511 : i32
        %and3A_209 = vector.broadcast %and3A_208 : i32 to vector<16xi32>
        %and3A_210 = arith.andi %and3A_204, %and3A_209 : vector<16xi32>
        tpu.vector_store_idx %arg18[%shift_right_arithmetic3A_207, %and3A_210], %get3A_160 masked %ge3A_165 : memref<8x512xi32, #tpu.memory_space<vmem>>[vector<16xi32>, vector<16xi32>], vector<16xi32>, vector<16xi1>
        %shift_right_arithmetic3A_211 = arith.constant 9 : i32
        %shift_right_arithmetic3A_212 = vector.broadcast %shift_right_arithmetic3A_211 : i32 to vector<16xi32>
        %shift_right_arithmetic3A_213 = arith.shrsi %and3A_204, %shift_right_arithmetic3A_212 : vector<16xi32>
        %and3A_214 = arith.constant 511 : i32
        %and3A_215 = vector.broadcast %and3A_214 : i32 to vector<16xi32>
        %and3A_216 = arith.andi %and3A_204, %and3A_215 : vector<16xi32>
        tpu.vector_store_idx %arg19[%shift_right_arithmetic3A_213, %and3A_216], %get3A_148 masked %ge3A_165 : memref<8x512xi32, #tpu.memory_space<vmem>>[vector<16xi32>, vector<16xi32>], vector<16xi32>, vector<16xi1>
        %convert_element_type3A_217 = arith.extui %ge3A_165 : vector<16xi1> to vector<16xi32>
        %reduce_sum3A_218 = arith.constant true
        %reduce_sum3A_219 = vector.broadcast %reduce_sum3A_218 : i1 to vector<16xi1>
        %reduce_sum3A_220 = tpu.scan <sum>, %convert_element_type3A_217 masked %reduce_sum3A_219 : vector<16xi32>, vector<16xi1> -> vector<16xi32>
        %reduce_sum3A_221 = vector.extract %reduce_sum3A_220[15] : i32 from vector<16xi32>
        %add3A_222 = arith.addi %scan3A_145, %reduce_sum3A_221 : i32
        scf.yield %add3A_192, %add3A_222 : i32, i32
      }
      %scan3A_108 = arith.constant 125 : i32
      %sub3A = arith.subi %scan3A_107#0, %scan3A_79 : i32
      %shift_right_arithmetic3A_109 = arith.constant 9 : i32
      %shift_right_arithmetic3A_110 = arith.shrsi %sub3A, %shift_right_arithmetic3A_109 : i32
      %while3A = arith.constant 0 : i32
      %while3A_111 = arith.constant 0 : i32
      %while3A_112 = arith.subi %shift_right_arithmetic3A_110, %while3A : i32
      %while3A_113 = arith.addi %while3A, %while3A_112 : i32
      %while3A_114 = arith.constant 1 : i32
      %while3A_115 = arith.divsi %while3A_112, %while3A_114 : i32
      %while3A_116 = arith.muli %while3A_115, %while3A_114 : i32
      %while3A_117 = arith.addi %while3A, %while3A_116 : i32
      %while3A_118 = arith.constant 1 : i32
      %while3A_119 = scf.for %while3A_143 = %while3A to %while3A_117 step %while3A_118 iter_args(%while3A_144 = %while3A_111) -> (i32)  : i32 {
        %mul3A_145 = arith.constant 512 : i32
        %mul3A_146 = arith.muli %while3A_143, %mul3A_145 : i32
        %add3A_147 = arith.addi %scan3A_79, %mul3A_146 : i32
        %shift_right_arithmetic3A_148 = arith.constant 9 : i32
        %shift_right_arithmetic3A_149 = arith.shrsi %add3A_147, %shift_right_arithmetic3A_148 : i32
        %and3A_150 = arith.constant 7 : i32
        %and3A_151 = arith.andi %shift_right_arithmetic3A_149, %and3A_150 : i32
        %dma_start3A_152 = arith.constant 0 : i32
        %dma_start3A_153 = tpu.memref_slice %arg17[%and3A_151, %dma_start3A_152] : memref<8x512xi32, #tpu.memory_space<vmem>> -> memref<1x512xi32, #tpu.memory_space<vmem>>
        %dma_start3A_154 = tpu.memref_squeeze %dma_start3A_153 : memref<1x512xi32, #tpu.memory_space<vmem>> -> memref<512xi32, #tpu.memory_space<vmem>>
        %dma_start3A_155 = arith.constant 0 : i32
        %dma_start3A_156 = arith.constant 0 : i32
        %dma_start3A_157 = tpu.memref_slice %arg6[%dma_start3A_155, %dma_start3A_156] : memref<100000x64xf32, #tpu.memory_space<hbm>> -> memref<100000x64xf32, #tpu.memory_space<hbm>>
        tpu.enqueue_indirect_dma source(%dma_start3A_157 : memref<100000x64xf32, #tpu.memory_space<hbm>>) target(%arg20 : memref<512x64xf32, #tpu.memory_space<vmem>>) offsets(%dma_start3A_154 : memref<512xi32, #tpu.memory_space<vmem>>) semaphore(%arg28 : memref<!tpu.dma_semaphore, #tpu.memory_space<semaphore_mem>>)
        %dma_wait3A_158 = arith.constant 0 : i32
        %dma_wait3A_159 = tpu.memref_slice %arg17[%and3A_151, %dma_wait3A_158] : memref<8x512xi32, #tpu.memory_space<vmem>> -> memref<1x512xi32, #tpu.memory_space<vmem>>
        %dma_wait3A_160 = tpu.memref_squeeze %dma_wait3A_159 : memref<1x512xi32, #tpu.memory_space<vmem>> -> memref<512xi32, #tpu.memory_space<vmem>>
        %dma_wait3A_161 = arith.constant 0 : i32
        %dma_wait3A_162 = arith.constant 0 : i32
        %dma_wait3A_163 = tpu.memref_slice %arg6[%dma_wait3A_161, %dma_wait3A_162] : memref<100000x64xf32, #tpu.memory_space<hbm>> -> memref<100000x64xf32, #tpu.memory_space<hbm>>
        tpu.wait_indirect_dma semaphore(%arg28 : memref<!tpu.dma_semaphore, #tpu.memory_space<semaphore_mem>>) src(%dma_wait3A_163 : memref<100000x64xf32, #tpu.memory_space<hbm>>) dst(%arg20 : memref<512x64xf32, #tpu.memory_space<vmem>>)
        "tpu.region"() ({
          %run_scoped3A = tpu.sem_alloc : memref<!tpu.dma_semaphore, #tpu.memory_space<semaphore_mem>>
          %dma_start3A_165 = arith.constant 0 : i32
          %dma_start3A_166 = tpu.memref_slice %arg16[%and3A_151, %dma_start3A_165] : memref<8x512xi32, #tpu.memory_space<vmem>> -> memref<1x512xi32, #tpu.memory_space<vmem>>
          %dma_start3A_167 = tpu.memref_squeeze %dma_start3A_166 : memref<1x512xi32, #tpu.memory_space<vmem>> -> memref<512xi32, #tpu.memory_space<vmem>>
          %dma_start3A_168 = arith.constant 0 : i32
          %dma_start3A_169 = arith.constant 0 : i32
          %dma_start3A_170 = tpu.memref_slice %arg24[%dma_start3A_168, %dma_start3A_169] : memref<4160x64xf32, #tpu.memory_space<vmem_shared>> -> memref<4160x64xf32, #tpu.memory_space<vmem_shared>>
          tpu.enqueue_indirect_dma source(%arg20 : memref<512x64xf32, #tpu.memory_space<vmem>>) target(%dma_start3A_170 : memref<4160x64xf32, #tpu.memory_space<vmem_shared>>) offsets(%dma_start3A_167 : memref<512xi32, #tpu.memory_space<vmem>>) semaphore(%run_scoped3A : memref<!tpu.dma_semaphore, #tpu.memory_space<semaphore_mem>>) {add = true}
          %dma_wait3A_171 = arith.constant 0 : i32
          %dma_wait3A_172 = tpu.memref_slice %arg16[%and3A_151, %dma_wait3A_171] : memref<8x512xi32, #tpu.memory_space<vmem>> -> memref<1x512xi32, #tpu.memory_space<vmem>>
          %dma_wait3A_173 = tpu.memref_squeeze %dma_wait3A_172 : memref<1x512xi32, #tpu.memory_space<vmem>> -> memref<512xi32, #tpu.memory_space<vmem>>
          %dma_wait3A_174 = arith.constant 0 : i32
          %dma_wait3A_175 = arith.constant 0 : i32
          %dma_wait3A_176 = tpu.memref_slice %arg24[%dma_wait3A_174, %dma_wait3A_175] : memref<4160x64xf32, #tpu.memory_space<vmem_shared>> -> memref<4160x64xf32, #tpu.memory_space<vmem_shared>>
          tpu.wait_indirect_dma semaphore(%run_scoped3A : memref<!tpu.dma_semaphore, #tpu.memory_space<semaphore_mem>>) src(%arg20 : memref<512x64xf32, #tpu.memory_space<vmem>>) dst(%dma_wait3A_176 : memref<4160x64xf32, #tpu.memory_space<vmem_shared>>)
          tpu.yield
        }) : () -> ()
        "tpu.region"() ({
          %run_scoped3A = tpu.sem_alloc : memref<!tpu.dma_semaphore, #tpu.memory_space<semaphore_mem>>
          %dma_start3A_165 = arith.constant 0 : i32
          %dma_start3A_166 = tpu.memref_slice %arg16[%and3A_151, %dma_start3A_165] : memref<8x512xi32, #tpu.memory_space<vmem>> -> memref<1x512xi32, #tpu.memory_space<vmem>>
          %dma_start3A_167 = tpu.memref_squeeze %dma_start3A_166 : memref<1x512xi32, #tpu.memory_space<vmem>> -> memref<512xi32, #tpu.memory_space<vmem>>
          %dma_start3A_168 = arith.constant 0 : i32
          %dma_start3A_169 = arith.constant 0 : i32
          %dma_start3A_170 = tpu.memref_slice %arg26[%dma_start3A_168, %dma_start3A_169] : memref<4160x16xf32, #tpu.memory_space<vmem_shared>> -> memref<4160x16xf32, #tpu.memory_space<vmem_shared>>
          tpu.enqueue_indirect_dma source(%arg21 : memref<512x16xf32, #tpu.memory_space<vmem>>) target(%dma_start3A_170 : memref<4160x16xf32, #tpu.memory_space<vmem_shared>>) offsets(%dma_start3A_167 : memref<512xi32, #tpu.memory_space<vmem>>) semaphore(%run_scoped3A : memref<!tpu.dma_semaphore, #tpu.memory_space<semaphore_mem>>) {add = true}
          %dma_wait3A_171 = arith.constant 0 : i32
          %dma_wait3A_172 = tpu.memref_slice %arg16[%and3A_151, %dma_wait3A_171] : memref<8x512xi32, #tpu.memory_space<vmem>> -> memref<1x512xi32, #tpu.memory_space<vmem>>
          %dma_wait3A_173 = tpu.memref_squeeze %dma_wait3A_172 : memref<1x512xi32, #tpu.memory_space<vmem>> -> memref<512xi32, #tpu.memory_space<vmem>>
          %dma_wait3A_174 = arith.constant 0 : i32
          %dma_wait3A_175 = arith.constant 0 : i32
          %dma_wait3A_176 = tpu.memref_slice %arg26[%dma_wait3A_174, %dma_wait3A_175] : memref<4160x16xf32, #tpu.memory_space<vmem_shared>> -> memref<4160x16xf32, #tpu.memory_space<vmem_shared>>
          tpu.wait_indirect_dma semaphore(%run_scoped3A : memref<!tpu.dma_semaphore, #tpu.memory_space<semaphore_mem>>) src(%arg21 : memref<512x16xf32, #tpu.memory_space<vmem>>) dst(%dma_wait3A_176 : memref<4160x16xf32, #tpu.memory_space<vmem_shared>>)
          tpu.yield
        }) : () -> ()
        %while3A_164 = arith.constant 0 : i32
        scf.yield %while3A_164 : i32
      }
      %while3A_120 = arith.constant 1 : i32
      %while3A_121 = scf.for %while3A_143 = %while3A_117 to %while3A_113 step %while3A_120 iter_args(%while3A_144 = %while3A_119) -> (i32)  : i32 {
        %mul3A_145 = arith.constant 512 : i32
        %mul3A_146 = arith.muli %while3A_143, %mul3A_145 : i32
        %add3A_147 = arith.addi %scan3A_79, %mul3A_146 : i32
        %shift_right_arithmetic3A_148 = arith.constant 9 : i32
        %shift_right_arithmetic3A_149 = arith.shrsi %add3A_147, %shift_right_arithmetic3A_148 : i32
        %and3A_150 = arith.constant 7 : i32
        %and3A_151 = arith.andi %shift_right_arithmetic3A_149, %and3A_150 : i32
        %dma_start3A_152 = arith.constant 0 : i32
        %dma_start3A_153 = tpu.memref_slice %arg17[%and3A_151, %dma_start3A_152] : memref<8x512xi32, #tpu.memory_space<vmem>> -> memref<1x512xi32, #tpu.memory_space<vmem>>
        %dma_start3A_154 = tpu.memref_squeeze %dma_start3A_153 : memref<1x512xi32, #tpu.memory_space<vmem>> -> memref<512xi32, #tpu.memory_space<vmem>>
        %dma_start3A_155 = arith.constant 0 : i32
        %dma_start3A_156 = arith.constant 0 : i32
        %dma_start3A_157 = tpu.memref_slice %arg6[%dma_start3A_155, %dma_start3A_156] : memref<100000x64xf32, #tpu.memory_space<hbm>> -> memref<100000x64xf32, #tpu.memory_space<hbm>>
        tpu.enqueue_indirect_dma source(%dma_start3A_157 : memref<100000x64xf32, #tpu.memory_space<hbm>>) target(%arg20 : memref<512x64xf32, #tpu.memory_space<vmem>>) offsets(%dma_start3A_154 : memref<512xi32, #tpu.memory_space<vmem>>) semaphore(%arg28 : memref<!tpu.dma_semaphore, #tpu.memory_space<semaphore_mem>>)
        %dma_wait3A_158 = arith.constant 0 : i32
        %dma_wait3A_159 = tpu.memref_slice %arg17[%and3A_151, %dma_wait3A_158] : memref<8x512xi32, #tpu.memory_space<vmem>> -> memref<1x512xi32, #tpu.memory_space<vmem>>
        %dma_wait3A_160 = tpu.memref_squeeze %dma_wait3A_159 : memref<1x512xi32, #tpu.memory_space<vmem>> -> memref<512xi32, #tpu.memory_space<vmem>>
        %dma_wait3A_161 = arith.constant 0 : i32
        %dma_wait3A_162 = arith.constant 0 : i32
        %dma_wait3A_163 = tpu.memref_slice %arg6[%dma_wait3A_161, %dma_wait3A_162] : memref<100000x64xf32, #tpu.memory_space<hbm>> -> memref<100000x64xf32, #tpu.memory_space<hbm>>
        tpu.wait_indirect_dma semaphore(%arg28 : memref<!tpu.dma_semaphore, #tpu.memory_space<semaphore_mem>>) src(%dma_wait3A_163 : memref<100000x64xf32, #tpu.memory_space<hbm>>) dst(%arg20 : memref<512x64xf32, #tpu.memory_space<vmem>>)
        "tpu.region"() ({
          %run_scoped3A = tpu.sem_alloc : memref<!tpu.dma_semaphore, #tpu.memory_space<semaphore_mem>>
          %dma_start3A_165 = arith.constant 0 : i32
          %dma_start3A_166 = tpu.memref_slice %arg16[%and3A_151, %dma_start3A_165] : memref<8x512xi32, #tpu.memory_space<vmem>> -> memref<1x512xi32, #tpu.memory_space<vmem>>
          %dma_start3A_167 = tpu.memref_squeeze %dma_start3A_166 : memref<1x512xi32, #tpu.memory_space<vmem>> -> memref<512xi32, #tpu.memory_space<vmem>>
          %dma_start3A_168 = arith.constant 0 : i32
          %dma_start3A_169 = arith.constant 0 : i32
          %dma_start3A_170 = tpu.memref_slice %arg24[%dma_start3A_168, %dma_start3A_169] : memref<4160x64xf32, #tpu.memory_space<vmem_shared>> -> memref<4160x64xf32, #tpu.memory_space<vmem_shared>>
          tpu.enqueue_indirect_dma source(%arg20 : memref<512x64xf32, #tpu.memory_space<vmem>>) target(%dma_start3A_170 : memref<4160x64xf32, #tpu.memory_space<vmem_shared>>) offsets(%dma_start3A_167 : memref<512xi32, #tpu.memory_space<vmem>>) semaphore(%run_scoped3A : memref<!tpu.dma_semaphore, #tpu.memory_space<semaphore_mem>>) {add = true}
          %dma_wait3A_171 = arith.constant 0 : i32
          %dma_wait3A_172 = tpu.memref_slice %arg16[%and3A_151, %dma_wait3A_171] : memref<8x512xi32, #tpu.memory_space<vmem>> -> memref<1x512xi32, #tpu.memory_space<vmem>>
          %dma_wait3A_173 = tpu.memref_squeeze %dma_wait3A_172 : memref<1x512xi32, #tpu.memory_space<vmem>> -> memref<512xi32, #tpu.memory_space<vmem>>
          %dma_wait3A_174 = arith.constant 0 : i32
          %dma_wait3A_175 = arith.constant 0 : i32
          %dma_wait3A_176 = tpu.memref_slice %arg24[%dma_wait3A_174, %dma_wait3A_175] : memref<4160x64xf32, #tpu.memory_space<vmem_shared>> -> memref<4160x64xf32, #tpu.memory_space<vmem_shared>>
          tpu.wait_indirect_dma semaphore(%run_scoped3A : memref<!tpu.dma_semaphore, #tpu.memory_space<semaphore_mem>>) src(%arg20 : memref<512x64xf32, #tpu.memory_space<vmem>>) dst(%dma_wait3A_176 : memref<4160x64xf32, #tpu.memory_space<vmem_shared>>)
          tpu.yield
        }) : () -> ()
        "tpu.region"() ({
          %run_scoped3A = tpu.sem_alloc : memref<!tpu.dma_semaphore, #tpu.memory_space<semaphore_mem>>
          %dma_start3A_165 = arith.constant 0 : i32
          %dma_start3A_166 = tpu.memref_slice %arg16[%and3A_151, %dma_start3A_165] : memref<8x512xi32, #tpu.memory_space<vmem>> -> memref<1x512xi32, #tpu.memory_space<vmem>>
          %dma_start3A_167 = tpu.memref_squeeze %dma_start3A_166 : memref<1x512xi32, #tpu.memory_space<vmem>> -> memref<512xi32, #tpu.memory_space<vmem>>
          %dma_start3A_168 = arith.constant 0 : i32
          %dma_start3A_169 = arith.constant 0 : i32
          %dma_start3A_170 = tpu.memref_slice %arg26[%dma_start3A_168, %dma_start3A_169] : memref<4160x16xf32, #tpu.memory_space<vmem_shared>> -> memref<4160x16xf32, #tpu.memory_space<vmem_shared>>
          tpu.enqueue_indirect_dma source(%arg21 : memref<512x16xf32, #tpu.memory_space<vmem>>) target(%dma_start3A_170 : memref<4160x16xf32, #tpu.memory_space<vmem_shared>>) offsets(%dma_start3A_167 : memref<512xi32, #tpu.memory_space<vmem>>) semaphore(%run_scoped3A : memref<!tpu.dma_semaphore, #tpu.memory_space<semaphore_mem>>) {add = true}
          %dma_wait3A_171 = arith.constant 0 : i32
          %dma_wait3A_172 = tpu.memref_slice %arg16[%and3A_151, %dma_wait3A_171] : memref<8x512xi32, #tpu.memory_space<vmem>> -> memref<1x512xi32, #tpu.memory_space<vmem>>
          %dma_wait3A_173 = tpu.memref_squeeze %dma_wait3A_172 : memref<1x512xi32, #tpu.memory_space<vmem>> -> memref<512xi32, #tpu.memory_space<vmem>>
          %dma_wait3A_174 = arith.constant 0 : i32
          %dma_wait3A_175 = arith.constant 0 : i32
          %dma_wait3A_176 = tpu.memref_slice %arg26[%dma_wait3A_174, %dma_wait3A_175] : memref<4160x16xf32, #tpu.memory_space<vmem_shared>> -> memref<4160x16xf32, #tpu.memory_space<vmem_shared>>
          tpu.wait_indirect_dma semaphore(%run_scoped3A : memref<!tpu.dma_semaphore, #tpu.memory_space<semaphore_mem>>) src(%arg21 : memref<512x16xf32, #tpu.memory_space<vmem>>) dst(%dma_wait3A_176 : memref<4160x16xf32, #tpu.memory_space<vmem_shared>>)
          tpu.yield
        }) : () -> ()
        %while3A_164 = arith.constant 0 : i32
        scf.yield %while3A_164 : i32
      }
      %mul3A_122 = arith.constant 512 : i32
      %mul3A_123 = arith.muli %shift_right_arithmetic3A_110, %mul3A_122 : i32
      %add3A_124 = arith.addi %scan3A_79, %mul3A_123 : i32
      %sub3A_125 = arith.subi %scan3A_107#1, %scan3A_81 : i32
      %shift_right_arithmetic3A_126 = arith.constant 9 : i32
      %shift_right_arithmetic3A_127 = arith.shrsi %sub3A_125, %shift_right_arithmetic3A_126 : i32
      %while3A_128 = arith.constant 0 : i32
      %while3A_129 = arith.constant 0 : i32
      %while3A_130 = arith.subi %shift_right_arithmetic3A_127, %while3A_128 : i32
      %while3A_131 = arith.addi %while3A_128, %while3A_130 : i32
      %while3A_132 = arith.constant 1 : i32
      %while3A_133 = arith.divsi %while3A_130, %while3A_132 : i32
      %while3A_134 = arith.muli %while3A_133, %while3A_132 : i32
      %while3A_135 = arith.addi %while3A_128, %while3A_134 : i32
      %while3A_136 = arith.constant 1 : i32
      %while3A_137 = scf.for %while3A_143 = %while3A_128 to %while3A_135 step %while3A_136 iter_args(%while3A_144 = %while3A_129) -> (i32)  : i32 {
        %mul3A_145 = arith.constant 512 : i32
        %mul3A_146 = arith.muli %while3A_143, %mul3A_145 : i32
        %add3A_147 = arith.addi %scan3A_81, %mul3A_146 : i32
        %shift_right_arithmetic3A_148 = arith.constant 9 : i32
        %shift_right_arithmetic3A_149 = arith.shrsi %add3A_147, %shift_right_arithmetic3A_148 : i32
        %and3A_150 = arith.constant 7 : i32
        %and3A_151 = arith.andi %shift_right_arithmetic3A_149, %and3A_150 : i32
        %dma_start3A_152 = arith.constant 0 : i32
        %dma_start3A_153 = tpu.memref_slice %arg19[%and3A_151, %dma_start3A_152] : memref<8x512xi32, #tpu.memory_space<vmem>> -> memref<1x512xi32, #tpu.memory_space<vmem>>
        %dma_start3A_154 = tpu.memref_squeeze %dma_start3A_153 : memref<1x512xi32, #tpu.memory_space<vmem>> -> memref<512xi32, #tpu.memory_space<vmem>>
        %dma_start3A_155 = arith.constant 0 : i32
        %dma_start3A_156 = arith.constant 0 : i32
        %dma_start3A_157 = tpu.memref_slice %arg7[%dma_start3A_155, %dma_start3A_156] : memref<100000x64xf32, #tpu.memory_space<hbm>> -> memref<100000x64xf32, #tpu.memory_space<hbm>>
        tpu.enqueue_indirect_dma source(%dma_start3A_157 : memref<100000x64xf32, #tpu.memory_space<hbm>>) target(%arg20 : memref<512x64xf32, #tpu.memory_space<vmem>>) offsets(%dma_start3A_154 : memref<512xi32, #tpu.memory_space<vmem>>) semaphore(%arg28 : memref<!tpu.dma_semaphore, #tpu.memory_space<semaphore_mem>>)
        %dma_wait3A_158 = arith.constant 0 : i32
        %dma_wait3A_159 = tpu.memref_slice %arg19[%and3A_151, %dma_wait3A_158] : memref<8x512xi32, #tpu.memory_space<vmem>> -> memref<1x512xi32, #tpu.memory_space<vmem>>
        %dma_wait3A_160 = tpu.memref_squeeze %dma_wait3A_159 : memref<1x512xi32, #tpu.memory_space<vmem>> -> memref<512xi32, #tpu.memory_space<vmem>>
        %dma_wait3A_161 = arith.constant 0 : i32
        %dma_wait3A_162 = arith.constant 0 : i32
        %dma_wait3A_163 = tpu.memref_slice %arg7[%dma_wait3A_161, %dma_wait3A_162] : memref<100000x64xf32, #tpu.memory_space<hbm>> -> memref<100000x64xf32, #tpu.memory_space<hbm>>
        tpu.wait_indirect_dma semaphore(%arg28 : memref<!tpu.dma_semaphore, #tpu.memory_space<semaphore_mem>>) src(%dma_wait3A_163 : memref<100000x64xf32, #tpu.memory_space<hbm>>) dst(%arg20 : memref<512x64xf32, #tpu.memory_space<vmem>>)
        "tpu.region"() ({
          %run_scoped3A = tpu.sem_alloc : memref<!tpu.dma_semaphore, #tpu.memory_space<semaphore_mem>>
          %dma_start3A_165 = arith.constant 0 : i32
          %dma_start3A_166 = tpu.memref_slice %arg18[%and3A_151, %dma_start3A_165] : memref<8x512xi32, #tpu.memory_space<vmem>> -> memref<1x512xi32, #tpu.memory_space<vmem>>
          %dma_start3A_167 = tpu.memref_squeeze %dma_start3A_166 : memref<1x512xi32, #tpu.memory_space<vmem>> -> memref<512xi32, #tpu.memory_space<vmem>>
          %dma_start3A_168 = arith.constant 0 : i32
          %dma_start3A_169 = arith.constant 0 : i32
          %dma_start3A_170 = tpu.memref_slice %arg25[%dma_start3A_168, %dma_start3A_169] : memref<4160x64xf32, #tpu.memory_space<vmem_shared>> -> memref<4160x64xf32, #tpu.memory_space<vmem_shared>>
          tpu.enqueue_indirect_dma source(%arg20 : memref<512x64xf32, #tpu.memory_space<vmem>>) target(%dma_start3A_170 : memref<4160x64xf32, #tpu.memory_space<vmem_shared>>) offsets(%dma_start3A_167 : memref<512xi32, #tpu.memory_space<vmem>>) semaphore(%run_scoped3A : memref<!tpu.dma_semaphore, #tpu.memory_space<semaphore_mem>>) {add = true}
          %dma_wait3A_171 = arith.constant 0 : i32
          %dma_wait3A_172 = tpu.memref_slice %arg18[%and3A_151, %dma_wait3A_171] : memref<8x512xi32, #tpu.memory_space<vmem>> -> memref<1x512xi32, #tpu.memory_space<vmem>>
          %dma_wait3A_173 = tpu.memref_squeeze %dma_wait3A_172 : memref<1x512xi32, #tpu.memory_space<vmem>> -> memref<512xi32, #tpu.memory_space<vmem>>
          %dma_wait3A_174 = arith.constant 0 : i32
          %dma_wait3A_175 = arith.constant 0 : i32
          %dma_wait3A_176 = tpu.memref_slice %arg25[%dma_wait3A_174, %dma_wait3A_175] : memref<4160x64xf32, #tpu.memory_space<vmem_shared>> -> memref<4160x64xf32, #tpu.memory_space<vmem_shared>>
          tpu.wait_indirect_dma semaphore(%run_scoped3A : memref<!tpu.dma_semaphore, #tpu.memory_space<semaphore_mem>>) src(%arg20 : memref<512x64xf32, #tpu.memory_space<vmem>>) dst(%dma_wait3A_176 : memref<4160x64xf32, #tpu.memory_space<vmem_shared>>)
          tpu.yield
        }) : () -> ()
        "tpu.region"() ({
          %run_scoped3A = tpu.sem_alloc : memref<!tpu.dma_semaphore, #tpu.memory_space<semaphore_mem>>
          %dma_start3A_165 = arith.constant 0 : i32
          %dma_start3A_166 = tpu.memref_slice %arg18[%and3A_151, %dma_start3A_165] : memref<8x512xi32, #tpu.memory_space<vmem>> -> memref<1x512xi32, #tpu.memory_space<vmem>>
          %dma_start3A_167 = tpu.memref_squeeze %dma_start3A_166 : memref<1x512xi32, #tpu.memory_space<vmem>> -> memref<512xi32, #tpu.memory_space<vmem>>
          %dma_start3A_168 = arith.constant 0 : i32
          %dma_start3A_169 = arith.constant 0 : i32
          %dma_start3A_170 = tpu.memref_slice %arg27[%dma_start3A_168, %dma_start3A_169] : memref<4160x16xf32, #tpu.memory_space<vmem_shared>> -> memref<4160x16xf32, #tpu.memory_space<vmem_shared>>
          tpu.enqueue_indirect_dma source(%arg21 : memref<512x16xf32, #tpu.memory_space<vmem>>) target(%dma_start3A_170 : memref<4160x16xf32, #tpu.memory_space<vmem_shared>>) offsets(%dma_start3A_167 : memref<512xi32, #tpu.memory_space<vmem>>) semaphore(%run_scoped3A : memref<!tpu.dma_semaphore, #tpu.memory_space<semaphore_mem>>) {add = true}
          %dma_wait3A_171 = arith.constant 0 : i32
          %dma_wait3A_172 = tpu.memref_slice %arg18[%and3A_151, %dma_wait3A_171] : memref<8x512xi32, #tpu.memory_space<vmem>> -> memref<1x512xi32, #tpu.memory_space<vmem>>
          %dma_wait3A_173 = tpu.memref_squeeze %dma_wait3A_172 : memref<1x512xi32, #tpu.memory_space<vmem>> -> memref<512xi32, #tpu.memory_space<vmem>>
          %dma_wait3A_174 = arith.constant 0 : i32
          %dma_wait3A_175 = arith.constant 0 : i32
          %dma_wait3A_176 = tpu.memref_slice %arg27[%dma_wait3A_174, %dma_wait3A_175] : memref<4160x16xf32, #tpu.memory_space<vmem_shared>> -> memref<4160x16xf32, #tpu.memory_space<vmem_shared>>
          tpu.wait_indirect_dma semaphore(%run_scoped3A : memref<!tpu.dma_semaphore, #tpu.memory_space<semaphore_mem>>) src(%arg21 : memref<512x16xf32, #tpu.memory_space<vmem>>) dst(%dma_wait3A_176 : memref<4160x16xf32, #tpu.memory_space<vmem_shared>>)
          tpu.yield
        }) : () -> ()
        %while3A_164 = arith.constant 0 : i32
        scf.yield %while3A_164 : i32
      }
      %while3A_138 = arith.constant 1 : i32
      %while3A_139 = scf.for %while3A_143 = %while3A_135 to %while3A_131 step %while3A_138 iter_args(%while3A_144 = %while3A_137) -> (i32)  : i32 {
        %mul3A_145 = arith.constant 512 : i32
        %mul3A_146 = arith.muli %while3A_143, %mul3A_145 : i32
        %add3A_147 = arith.addi %scan3A_81, %mul3A_146 : i32
        %shift_right_arithmetic3A_148 = arith.constant 9 : i32
        %shift_right_arithmetic3A_149 = arith.shrsi %add3A_147, %shift_right_arithmetic3A_148 : i32
        %and3A_150 = arith.constant 7 : i32
        %and3A_151 = arith.andi %shift_right_arithmetic3A_149, %and3A_150 : i32
        %dma_start3A_152 = arith.constant 0 : i32
        %dma_start3A_153 = tpu.memref_slice %arg19[%and3A_151, %dma_start3A_152] : memref<8x512xi32, #tpu.memory_space<vmem>> -> memref<1x512xi32, #tpu.memory_space<vmem>>
        %dma_start3A_154 = tpu.memref_squeeze %dma_start3A_153 : memref<1x512xi32, #tpu.memory_space<vmem>> -> memref<512xi32, #tpu.memory_space<vmem>>
        %dma_start3A_155 = arith.constant 0 : i32
        %dma_start3A_156 = arith.constant 0 : i32
        %dma_start3A_157 = tpu.memref_slice %arg7[%dma_start3A_155, %dma_start3A_156] : memref<100000x64xf32, #tpu.memory_space<hbm>> -> memref<100000x64xf32, #tpu.memory_space<hbm>>
        tpu.enqueue_indirect_dma source(%dma_start3A_157 : memref<100000x64xf32, #tpu.memory_space<hbm>>) target(%arg20 : memref<512x64xf32, #tpu.memory_space<vmem>>) offsets(%dma_start3A_154 : memref<512xi32, #tpu.memory_space<vmem>>) semaphore(%arg28 : memref<!tpu.dma_semaphore, #tpu.memory_space<semaphore_mem>>)
        %dma_wait3A_158 = arith.constant 0 : i32
        %dma_wait3A_159 = tpu.memref_slice %arg19[%and3A_151, %dma_wait3A_158] : memref<8x512xi32, #tpu.memory_space<vmem>> -> memref<1x512xi32, #tpu.memory_space<vmem>>
        %dma_wait3A_160 = tpu.memref_squeeze %dma_wait3A_159 : memref<1x512xi32, #tpu.memory_space<vmem>> -> memref<512xi32, #tpu.memory_space<vmem>>
        %dma_wait3A_161 = arith.constant 0 : i32
        %dma_wait3A_162 = arith.constant 0 : i32
        %dma_wait3A_163 = tpu.memref_slice %arg7[%dma_wait3A_161, %dma_wait3A_162] : memref<100000x64xf32, #tpu.memory_space<hbm>> -> memref<100000x64xf32, #tpu.memory_space<hbm>>
        tpu.wait_indirect_dma semaphore(%arg28 : memref<!tpu.dma_semaphore, #tpu.memory_space<semaphore_mem>>) src(%dma_wait3A_163 : memref<100000x64xf32, #tpu.memory_space<hbm>>) dst(%arg20 : memref<512x64xf32, #tpu.memory_space<vmem>>)
        "tpu.region"() ({
          %run_scoped3A = tpu.sem_alloc : memref<!tpu.dma_semaphore, #tpu.memory_space<semaphore_mem>>
          %dma_start3A_165 = arith.constant 0 : i32
          %dma_start3A_166 = tpu.memref_slice %arg18[%and3A_151, %dma_start3A_165] : memref<8x512xi32, #tpu.memory_space<vmem>> -> memref<1x512xi32, #tpu.memory_space<vmem>>
          %dma_start3A_167 = tpu.memref_squeeze %dma_start3A_166 : memref<1x512xi32, #tpu.memory_space<vmem>> -> memref<512xi32, #tpu.memory_space<vmem>>
          %dma_start3A_168 = arith.constant 0 : i32
          %dma_start3A_169 = arith.constant 0 : i32
          %dma_start3A_170 = tpu.memref_slice %arg25[%dma_start3A_168, %dma_start3A_169] : memref<4160x64xf32, #tpu.memory_space<vmem_shared>> -> memref<4160x64xf32, #tpu.memory_space<vmem_shared>>
          tpu.enqueue_indirect_dma source(%arg20 : memref<512x64xf32, #tpu.memory_space<vmem>>) target(%dma_start3A_170 : memref<4160x64xf32, #tpu.memory_space<vmem_shared>>) offsets(%dma_start3A_167 : memref<512xi32, #tpu.memory_space<vmem>>) semaphore(%run_scoped3A : memref<!tpu.dma_semaphore, #tpu.memory_space<semaphore_mem>>) {add = true}
          %dma_wait3A_171 = arith.constant 0 : i32
          %dma_wait3A_172 = tpu.memref_slice %arg18[%and3A_151, %dma_wait3A_171] : memref<8x512xi32, #tpu.memory_space<vmem>> -> memref<1x512xi32, #tpu.memory_space<vmem>>
          %dma_wait3A_173 = tpu.memref_squeeze %dma_wait3A_172 : memref<1x512xi32, #tpu.memory_space<vmem>> -> memref<512xi32, #tpu.memory_space<vmem>>
          %dma_wait3A_174 = arith.constant 0 : i32
          %dma_wait3A_175 = arith.constant 0 : i32
          %dma_wait3A_176 = tpu.memref_slice %arg25[%dma_wait3A_174, %dma_wait3A_175] : memref<4160x64xf32, #tpu.memory_space<vmem_shared>> -> memref<4160x64xf32, #tpu.memory_space<vmem_shared>>
          tpu.wait_indirect_dma semaphore(%run_scoped3A : memref<!tpu.dma_semaphore, #tpu.memory_space<semaphore_mem>>) src(%arg20 : memref<512x64xf32, #tpu.memory_space<vmem>>) dst(%dma_wait3A_176 : memref<4160x64xf32, #tpu.memory_space<vmem_shared>>)
          tpu.yield
        }) : () -> ()
        "tpu.region"() ({
          %run_scoped3A = tpu.sem_alloc : memref<!tpu.dma_semaphore, #tpu.memory_space<semaphore_mem>>
          %dma_start3A_165 = arith.constant 0 : i32
          %dma_start3A_166 = tpu.memref_slice %arg18[%and3A_151, %dma_start3A_165] : memref<8x512xi32, #tpu.memory_space<vmem>> -> memref<1x512xi32, #tpu.memory_space<vmem>>
          %dma_start3A_167 = tpu.memref_squeeze %dma_start3A_166 : memref<1x512xi32, #tpu.memory_space<vmem>> -> memref<512xi32, #tpu.memory_space<vmem>>
          %dma_start3A_168 = arith.constant 0 : i32
          %dma_start3A_169 = arith.constant 0 : i32
          %dma_start3A_170 = tpu.memref_slice %arg27[%dma_start3A_168, %dma_start3A_169] : memref<4160x16xf32, #tpu.memory_space<vmem_shared>> -> memref<4160x16xf32, #tpu.memory_space<vmem_shared>>
          tpu.enqueue_indirect_dma source(%arg21 : memref<512x16xf32, #tpu.memory_space<vmem>>) target(%dma_start3A_170 : memref<4160x16xf32, #tpu.memory_space<vmem_shared>>) offsets(%dma_start3A_167 : memref<512xi32, #tpu.memory_space<vmem>>) semaphore(%run_scoped3A : memref<!tpu.dma_semaphore, #tpu.memory_space<semaphore_mem>>) {add = true}
          %dma_wait3A_171 = arith.constant 0 : i32
          %dma_wait3A_172 = tpu.memref_slice %arg18[%and3A_151, %dma_wait3A_171] : memref<8x512xi32, #tpu.memory_space<vmem>> -> memref<1x512xi32, #tpu.memory_space<vmem>>
          %dma_wait3A_173 = tpu.memref_squeeze %dma_wait3A_172 : memref<1x512xi32, #tpu.memory_space<vmem>> -> memref<512xi32, #tpu.memory_space<vmem>>
          %dma_wait3A_174 = arith.constant 0 : i32
          %dma_wait3A_175 = arith.constant 0 : i32
          %dma_wait3A_176 = tpu.memref_slice %arg27[%dma_wait3A_174, %dma_wait3A_175] : memref<4160x16xf32, #tpu.memory_space<vmem_shared>> -> memref<4160x16xf32, #tpu.memory_space<vmem_shared>>
          tpu.wait_indirect_dma semaphore(%run_scoped3A : memref<!tpu.dma_semaphore, #tpu.memory_space<semaphore_mem>>) src(%arg21 : memref<512x16xf32, #tpu.memory_space<vmem>>) dst(%dma_wait3A_176 : memref<4160x16xf32, #tpu.memory_space<vmem_shared>>)
          tpu.yield
        }) : () -> ()
        %while3A_164 = arith.constant 0 : i32
        scf.yield %while3A_164 : i32
      }
      %mul3A_140 = arith.constant 512 : i32
      %mul3A_141 = arith.muli %shift_right_arithmetic3A_127, %mul3A_140 : i32
      %add3A_142 = arith.addi %scan3A_81, %mul3A_141 : i32
      scf.yield %scan3A_107#0, %add3A_124, %scan3A_107#1, %add3A_142 : i32, i32, i32, i32
    }
    %scan3A_31 = arith.constant 16 : i32
    %iota3A_32 = tpu.iota {dimensions = array<i32: 0>} : vector<16xi32>
    %scan3A_33 = arith.constant 0 : i32
    %scan3A_34 = arith.constant 0 : i32
    %scan3A_35 = arith.constant 32 : i32
    %scan3A_36 = arith.addi %scan3A_34, %scan3A_35 : i32
    %scan3A_37 = arith.constant 1 : i32
    %scan3A_38 = scf.for %scan3A_77 = %scan3A_34 to %scan3A_36 step %scan3A_37 iter_args(%scan3A_78 = %scan3A_33) -> (i32)  : i32 {
      %mul3A_79 = arith.constant 16 : i32
      %mul3A_80 = arith.muli %scan3A_77, %mul3A_79 : i32
      %add3A_81 = arith.addi %scan3A_30#1, %mul3A_80 : i32
      %add3A_82 = vector.broadcast %add3A_81 : i32 to vector<16xi32>
      %add3A_83 = arith.addi %add3A_82, %iota3A_32 : vector<16xi32>
      %ge3A = vector.broadcast %scan3A_30#0 : i32 to vector<16xi32>
      %ge3A_84 = arith.cmpi sge, %add3A_83, %ge3A : vector<16xi32>
      %and3A_85 = arith.constant 4095 : i32
      %and3A_86 = vector.broadcast %and3A_85 : i32 to vector<16xi32>
      %and3A_87 = arith.andi %add3A_83, %and3A_86 : vector<16xi32>
      %shift_right_arithmetic3A_88 = arith.constant 9 : i32
      %shift_right_arithmetic3A_89 = vector.broadcast %shift_right_arithmetic3A_88 : i32 to vector<16xi32>
      %shift_right_arithmetic3A_90 = arith.shrsi %and3A_87, %shift_right_arithmetic3A_89 : vector<16xi32>
      %and3A_91 = arith.constant 511 : i32
      %and3A_92 = vector.broadcast %and3A_91 : i32 to vector<16xi32>
      %and3A_93 = arith.andi %and3A_87, %and3A_92 : vector<16xi32>
      %broadcast_in_dim3A_94 = arith.constant 4096 : i32
      %broadcast_in_dim3A_95 = vector.broadcast %broadcast_in_dim3A_94 : i32 to vector<16xi32>
      tpu.vector_store_idx %arg16[%shift_right_arithmetic3A_90, %and3A_93], %broadcast_in_dim3A_95 masked %ge3A_84 : memref<8x512xi32, #tpu.memory_space<vmem>>[vector<16xi32>, vector<16xi32>], vector<16xi32>, vector<16xi1>
      %shift_right_arithmetic3A_96 = arith.constant 9 : i32
      %shift_right_arithmetic3A_97 = vector.broadcast %shift_right_arithmetic3A_96 : i32 to vector<16xi32>
      %shift_right_arithmetic3A_98 = arith.shrsi %and3A_87, %shift_right_arithmetic3A_97 : vector<16xi32>
      %and3A_99 = arith.constant 511 : i32
      %and3A_100 = vector.broadcast %and3A_99 : i32 to vector<16xi32>
      %and3A_101 = arith.andi %and3A_87, %and3A_100 : vector<16xi32>
      %broadcast_in_dim3A_102 = arith.constant 0 : i32
      %broadcast_in_dim3A_103 = vector.broadcast %broadcast_in_dim3A_102 : i32 to vector<16xi32>
      tpu.vector_store_idx %arg17[%shift_right_arithmetic3A_98, %and3A_101], %broadcast_in_dim3A_103 masked %ge3A_84 : memref<8x512xi32, #tpu.memory_space<vmem>>[vector<16xi32>, vector<16xi32>], vector<16xi32>, vector<16xi1>
      %scan3A_104 = arith.constant 0 : i32
      scf.yield %scan3A_104 : i32
    }
    %scan3A_39 = arith.constant 32 : i32
    %shift_right_arithmetic3A = arith.constant 9 : i32
    %shift_right_arithmetic3A_40 = arith.shrsi %scan3A_30#1, %shift_right_arithmetic3A : i32
    %and3A = arith.constant 7 : i32
    %and3A_41 = arith.andi %shift_right_arithmetic3A_40, %and3A : i32
    %dma_start3A = arith.constant 0 : i32
    %dma_start3A_42 = tpu.memref_slice %arg17[%and3A_41, %dma_start3A] : memref<8x512xi32, #tpu.memory_space<vmem>> -> memref<1x512xi32, #tpu.memory_space<vmem>>
    %dma_start3A_43 = tpu.memref_squeeze %dma_start3A_42 : memref<1x512xi32, #tpu.memory_space<vmem>> -> memref<512xi32, #tpu.memory_space<vmem>>
    %dma_start3A_44 = arith.constant 0 : i32
    %dma_start3A_45 = arith.constant 0 : i32
    %dma_start3A_46 = tpu.memref_slice %arg6[%dma_start3A_44, %dma_start3A_45] : memref<100000x64xf32, #tpu.memory_space<hbm>> -> memref<100000x64xf32, #tpu.memory_space<hbm>>
    tpu.enqueue_indirect_dma source(%dma_start3A_46 : memref<100000x64xf32, #tpu.memory_space<hbm>>) target(%arg20 : memref<512x64xf32, #tpu.memory_space<vmem>>) offsets(%dma_start3A_43 : memref<512xi32, #tpu.memory_space<vmem>>) semaphore(%arg28 : memref<!tpu.dma_semaphore, #tpu.memory_space<semaphore_mem>>)
    %dma_wait3A = arith.constant 0 : i32
    %dma_wait3A_47 = tpu.memref_slice %arg17[%and3A_41, %dma_wait3A] : memref<8x512xi32, #tpu.memory_space<vmem>> -> memref<1x512xi32, #tpu.memory_space<vmem>>
    %dma_wait3A_48 = tpu.memref_squeeze %dma_wait3A_47 : memref<1x512xi32, #tpu.memory_space<vmem>> -> memref<512xi32, #tpu.memory_space<vmem>>
    %dma_wait3A_49 = arith.constant 0 : i32
    %dma_wait3A_50 = arith.constant 0 : i32
    %dma_wait3A_51 = tpu.memref_slice %arg6[%dma_wait3A_49, %dma_wait3A_50] : memref<100000x64xf32, #tpu.memory_space<hbm>> -> memref<100000x64xf32, #tpu.memory_space<hbm>>
    tpu.wait_indirect_dma semaphore(%arg28 : memref<!tpu.dma_semaphore, #tpu.memory_space<semaphore_mem>>) src(%dma_wait3A_51 : memref<100000x64xf32, #tpu.memory_space<hbm>>) dst(%arg20 : memref<512x64xf32, #tpu.memory_space<vmem>>)
    "tpu.region"() ({
      %run_scoped3A = tpu.sem_alloc : memref<!tpu.dma_semaphore, #tpu.memory_space<semaphore_mem>>
      %dma_start3A_77 = arith.constant 0 : i32
      %dma_start3A_78 = tpu.memref_slice %arg16[%and3A_41, %dma_start3A_77] : memref<8x512xi32, #tpu.memory_space<vmem>> -> memref<1x512xi32, #tpu.memory_space<vmem>>
      %dma_start3A_79 = tpu.memref_squeeze %dma_start3A_78 : memref<1x512xi32, #tpu.memory_space<vmem>> -> memref<512xi32, #tpu.memory_space<vmem>>
      %dma_start3A_80 = arith.constant 0 : i32
      %dma_start3A_81 = arith.constant 0 : i32
      %dma_start3A_82 = tpu.memref_slice %arg24[%dma_start3A_80, %dma_start3A_81] : memref<4160x64xf32, #tpu.memory_space<vmem_shared>> -> memref<4160x64xf32, #tpu.memory_space<vmem_shared>>
      tpu.enqueue_indirect_dma source(%arg20 : memref<512x64xf32, #tpu.memory_space<vmem>>) target(%dma_start3A_82 : memref<4160x64xf32, #tpu.memory_space<vmem_shared>>) offsets(%dma_start3A_79 : memref<512xi32, #tpu.memory_space<vmem>>) semaphore(%run_scoped3A : memref<!tpu.dma_semaphore, #tpu.memory_space<semaphore_mem>>) {add = true}
      %dma_wait3A_83 = arith.constant 0 : i32
      %dma_wait3A_84 = tpu.memref_slice %arg16[%and3A_41, %dma_wait3A_83] : memref<8x512xi32, #tpu.memory_space<vmem>> -> memref<1x512xi32, #tpu.memory_space<vmem>>
      %dma_wait3A_85 = tpu.memref_squeeze %dma_wait3A_84 : memref<1x512xi32, #tpu.memory_space<vmem>> -> memref<512xi32, #tpu.memory_space<vmem>>
      %dma_wait3A_86 = arith.constant 0 : i32
      %dma_wait3A_87 = arith.constant 0 : i32
      %dma_wait3A_88 = tpu.memref_slice %arg24[%dma_wait3A_86, %dma_wait3A_87] : memref<4160x64xf32, #tpu.memory_space<vmem_shared>> -> memref<4160x64xf32, #tpu.memory_space<vmem_shared>>
      tpu.wait_indirect_dma semaphore(%run_scoped3A : memref<!tpu.dma_semaphore, #tpu.memory_space<semaphore_mem>>) src(%arg20 : memref<512x64xf32, #tpu.memory_space<vmem>>) dst(%dma_wait3A_88 : memref<4160x64xf32, #tpu.memory_space<vmem_shared>>)
      tpu.yield
    }) : () -> ()
    "tpu.region"() ({
      %run_scoped3A = tpu.sem_alloc : memref<!tpu.dma_semaphore, #tpu.memory_space<semaphore_mem>>
      %dma_start3A_77 = arith.constant 0 : i32
      %dma_start3A_78 = tpu.memref_slice %arg16[%and3A_41, %dma_start3A_77] : memref<8x512xi32, #tpu.memory_space<vmem>> -> memref<1x512xi32, #tpu.memory_space<vmem>>
      %dma_start3A_79 = tpu.memref_squeeze %dma_start3A_78 : memref<1x512xi32, #tpu.memory_space<vmem>> -> memref<512xi32, #tpu.memory_space<vmem>>
      %dma_start3A_80 = arith.constant 0 : i32
      %dma_start3A_81 = arith.constant 0 : i32
      %dma_start3A_82 = tpu.memref_slice %arg26[%dma_start3A_80, %dma_start3A_81] : memref<4160x16xf32, #tpu.memory_space<vmem_shared>> -> memref<4160x16xf32, #tpu.memory_space<vmem_shared>>
      tpu.enqueue_indirect_dma source(%arg21 : memref<512x16xf32, #tpu.memory_space<vmem>>) target(%dma_start3A_82 : memref<4160x16xf32, #tpu.memory_space<vmem_shared>>) offsets(%dma_start3A_79 : memref<512xi32, #tpu.memory_space<vmem>>) semaphore(%run_scoped3A : memref<!tpu.dma_semaphore, #tpu.memory_space<semaphore_mem>>) {add = true}
      %dma_wait3A_83 = arith.constant 0 : i32
      %dma_wait3A_84 = tpu.memref_slice %arg16[%and3A_41, %dma_wait3A_83] : memref<8x512xi32, #tpu.memory_space<vmem>> -> memref<1x512xi32, #tpu.memory_space<vmem>>
      %dma_wait3A_85 = tpu.memref_squeeze %dma_wait3A_84 : memref<1x512xi32, #tpu.memory_space<vmem>> -> memref<512xi32, #tpu.memory_space<vmem>>
      %dma_wait3A_86 = arith.constant 0 : i32
      %dma_wait3A_87 = arith.constant 0 : i32
      %dma_wait3A_88 = tpu.memref_slice %arg26[%dma_wait3A_86, %dma_wait3A_87] : memref<4160x16xf32, #tpu.memory_space<vmem_shared>> -> memref<4160x16xf32, #tpu.memory_space<vmem_shared>>
      tpu.wait_indirect_dma semaphore(%run_scoped3A : memref<!tpu.dma_semaphore, #tpu.memory_space<semaphore_mem>>) src(%arg21 : memref<512x16xf32, #tpu.memory_space<vmem>>) dst(%dma_wait3A_88 : memref<4160x16xf32, #tpu.memory_space<vmem_shared>>)
      tpu.yield
    }) : () -> ()
    %iota3A_52 = tpu.iota {dimensions = array<i32: 0>} : vector<16xi32>
    %scan3A_53 = arith.constant 0 : i32
    %scan3A_54 = arith.constant 0 : i32
    %scan3A_55 = arith.constant 32 : i32
    %scan3A_56 = arith.addi %scan3A_54, %scan3A_55 : i32
    %scan3A_57 = arith.constant 1 : i32
    %scan3A_58 = scf.for %scan3A_77 = %scan3A_54 to %scan3A_56 step %scan3A_57 iter_args(%scan3A_78 = %scan3A_53) -> (i32)  : i32 {
      %mul3A_79 = arith.constant 16 : i32
      %mul3A_80 = arith.muli %scan3A_77, %mul3A_79 : i32
      %add3A_81 = arith.addi %scan3A_30#3, %mul3A_80 : i32
      %add3A_82 = vector.broadcast %add3A_81 : i32 to vector<16xi32>
      %add3A_83 = arith.addi %add3A_82, %iota3A_52 : vector<16xi32>
      %ge3A = vector.broadcast %scan3A_30#2 : i32 to vector<16xi32>
      %ge3A_84 = arith.cmpi sge, %add3A_83, %ge3A : vector<16xi32>
      %and3A_85 = arith.constant 4095 : i32
      %and3A_86 = vector.broadcast %and3A_85 : i32 to vector<16xi32>
      %and3A_87 = arith.andi %add3A_83, %and3A_86 : vector<16xi32>
      %shift_right_arithmetic3A_88 = arith.constant 9 : i32
      %shift_right_arithmetic3A_89 = vector.broadcast %shift_right_arithmetic3A_88 : i32 to vector<16xi32>
      %shift_right_arithmetic3A_90 = arith.shrsi %and3A_87, %shift_right_arithmetic3A_89 : vector<16xi32>
      %and3A_91 = arith.constant 511 : i32
      %and3A_92 = vector.broadcast %and3A_91 : i32 to vector<16xi32>
      %and3A_93 = arith.andi %and3A_87, %and3A_92 : vector<16xi32>
      %broadcast_in_dim3A_94 = arith.constant 4096 : i32
      %broadcast_in_dim3A_95 = vector.broadcast %broadcast_in_dim3A_94 : i32 to vector<16xi32>
      tpu.vector_store_idx %arg18[%shift_right_arithmetic3A_90, %and3A_93], %broadcast_in_dim3A_95 masked %ge3A_84 : memref<8x512xi32, #tpu.memory_space<vmem>>[vector<16xi32>, vector<16xi32>], vector<16xi32>, vector<16xi1>
      %shift_right_arithmetic3A_96 = arith.constant 9 : i32
      %shift_right_arithmetic3A_97 = vector.broadcast %shift_right_arithmetic3A_96 : i32 to vector<16xi32>
      %shift_right_arithmetic3A_98 = arith.shrsi %and3A_87, %shift_right_arithmetic3A_97 : vector<16xi32>
      %and3A_99 = arith.constant 511 : i32
      %and3A_100 = vector.broadcast %and3A_99 : i32 to vector<16xi32>
      %and3A_101 = arith.andi %and3A_87, %and3A_100 : vector<16xi32>
      %broadcast_in_dim3A_102 = arith.constant 0 : i32
      %broadcast_in_dim3A_103 = vector.broadcast %broadcast_in_dim3A_102 : i32 to vector<16xi32>
      tpu.vector_store_idx %arg19[%shift_right_arithmetic3A_98, %and3A_101], %broadcast_in_dim3A_103 masked %ge3A_84 : memref<8x512xi32, #tpu.memory_space<vmem>>[vector<16xi32>, vector<16xi32>], vector<16xi32>, vector<16xi1>
      %scan3A_104 = arith.constant 0 : i32
      scf.yield %scan3A_104 : i32
    }
    %scan3A_59 = arith.constant 32 : i32
    %shift_right_arithmetic3A_60 = arith.constant 9 : i32
    %shift_right_arithmetic3A_61 = arith.shrsi %scan3A_30#3, %shift_right_arithmetic3A_60 : i32
    %and3A_62 = arith.constant 7 : i32
    %and3A_63 = arith.andi %shift_right_arithmetic3A_61, %and3A_62 : i32
    %dma_start3A_64 = arith.constant 0 : i32
    %dma_start3A_65 = tpu.memref_slice %arg19[%and3A_63, %dma_start3A_64] : memref<8x512xi32, #tpu.memory_space<vmem>> -> memref<1x512xi32, #tpu.memory_space<vmem>>
    %dma_start3A_66 = tpu.memref_squeeze %dma_start3A_65 : memref<1x512xi32, #tpu.memory_space<vmem>> -> memref<512xi32, #tpu.memory_space<vmem>>
    %dma_start3A_67 = arith.constant 0 : i32
    %dma_start3A_68 = arith.constant 0 : i32
    %dma_start3A_69 = tpu.memref_slice %arg7[%dma_start3A_67, %dma_start3A_68] : memref<100000x64xf32, #tpu.memory_space<hbm>> -> memref<100000x64xf32, #tpu.memory_space<hbm>>
    tpu.enqueue_indirect_dma source(%dma_start3A_69 : memref<100000x64xf32, #tpu.memory_space<hbm>>) target(%arg20 : memref<512x64xf32, #tpu.memory_space<vmem>>) offsets(%dma_start3A_66 : memref<512xi32, #tpu.memory_space<vmem>>) semaphore(%arg28 : memref<!tpu.dma_semaphore, #tpu.memory_space<semaphore_mem>>)
    %dma_wait3A_70 = arith.constant 0 : i32
    %dma_wait3A_71 = tpu.memref_slice %arg19[%and3A_63, %dma_wait3A_70] : memref<8x512xi32, #tpu.memory_space<vmem>> -> memref<1x512xi32, #tpu.memory_space<vmem>>
    %dma_wait3A_72 = tpu.memref_squeeze %dma_wait3A_71 : memref<1x512xi32, #tpu.memory_space<vmem>> -> memref<512xi32, #tpu.memory_space<vmem>>
    %dma_wait3A_73 = arith.constant 0 : i32
    %dma_wait3A_74 = arith.constant 0 : i32
    %dma_wait3A_75 = tpu.memref_slice %arg7[%dma_wait3A_73, %dma_wait3A_74] : memref<100000x64xf32, #tpu.memory_space<hbm>> -> memref<100000x64xf32, #tpu.memory_space<hbm>>
    tpu.wait_indirect_dma semaphore(%arg28 : memref<!tpu.dma_semaphore, #tpu.memory_space<semaphore_mem>>) src(%dma_wait3A_75 : memref<100000x64xf32, #tpu.memory_space<hbm>>) dst(%arg20 : memref<512x64xf32, #tpu.memory_space<vmem>>)
    "tpu.region"() ({
      %run_scoped3A = tpu.sem_alloc : memref<!tpu.dma_semaphore, #tpu.memory_space<semaphore_mem>>
      %dma_start3A_77 = arith.constant 0 : i32
      %dma_start3A_78 = tpu.memref_slice %arg18[%and3A_63, %dma_start3A_77] : memref<8x512xi32, #tpu.memory_space<vmem>> -> memref<1x512xi32, #tpu.memory_space<vmem>>
      %dma_start3A_79 = tpu.memref_squeeze %dma_start3A_78 : memref<1x512xi32, #tpu.memory_space<vmem>> -> memref<512xi32, #tpu.memory_space<vmem>>
      %dma_start3A_80 = arith.constant 0 : i32
      %dma_start3A_81 = arith.constant 0 : i32
      %dma_start3A_82 = tpu.memref_slice %arg25[%dma_start3A_80, %dma_start3A_81] : memref<4160x64xf32, #tpu.memory_space<vmem_shared>> -> memref<4160x64xf32, #tpu.memory_space<vmem_shared>>
      tpu.enqueue_indirect_dma source(%arg20 : memref<512x64xf32, #tpu.memory_space<vmem>>) target(%dma_start3A_82 : memref<4160x64xf32, #tpu.memory_space<vmem_shared>>) offsets(%dma_start3A_79 : memref<512xi32, #tpu.memory_space<vmem>>) semaphore(%run_scoped3A : memref<!tpu.dma_semaphore, #tpu.memory_space<semaphore_mem>>) {add = true}
      %dma_wait3A_83 = arith.constant 0 : i32
      %dma_wait3A_84 = tpu.memref_slice %arg18[%and3A_63, %dma_wait3A_83] : memref<8x512xi32, #tpu.memory_space<vmem>> -> memref<1x512xi32, #tpu.memory_space<vmem>>
      %dma_wait3A_85 = tpu.memref_squeeze %dma_wait3A_84 : memref<1x512xi32, #tpu.memory_space<vmem>> -> memref<512xi32, #tpu.memory_space<vmem>>
      %dma_wait3A_86 = arith.constant 0 : i32
      %dma_wait3A_87 = arith.constant 0 : i32
      %dma_wait3A_88 = tpu.memref_slice %arg25[%dma_wait3A_86, %dma_wait3A_87] : memref<4160x64xf32, #tpu.memory_space<vmem_shared>> -> memref<4160x64xf32, #tpu.memory_space<vmem_shared>>
      tpu.wait_indirect_dma semaphore(%run_scoped3A : memref<!tpu.dma_semaphore, #tpu.memory_space<semaphore_mem>>) src(%arg20 : memref<512x64xf32, #tpu.memory_space<vmem>>) dst(%dma_wait3A_88 : memref<4160x64xf32, #tpu.memory_space<vmem_shared>>)
      tpu.yield
    }) : () -> ()
    "tpu.region"() ({
      %run_scoped3A = tpu.sem_alloc : memref<!tpu.dma_semaphore, #tpu.memory_space<semaphore_mem>>
      %dma_start3A_77 = arith.constant 0 : i32
      %dma_start3A_78 = tpu.memref_slice %arg18[%and3A_63, %dma_start3A_77] : memref<8x512xi32, #tpu.memory_space<vmem>> -> memref<1x512xi32, #tpu.memory_space<vmem>>
      %dma_start3A_79 = tpu.memref_squeeze %dma_start3A_78 : memref<1x512xi32, #tpu.memory_space<vmem>> -> memref<512xi32, #tpu.memory_space<vmem>>
      %dma_start3A_80 = arith.constant 0 : i32
      %dma_start3A_81 = arith.constant 0 : i32
      %dma_start3A_82 = tpu.memref_slice %arg27[%dma_start3A_80, %dma_start3A_81] : memref<4160x16xf32, #tpu.memory_space<vmem_shared>> -> memref<4160x16xf32, #tpu.memory_space<vmem_shared>>
      tpu.enqueue_indirect_dma source(%arg21 : memref<512x16xf32, #tpu.memory_space<vmem>>) target(%dma_start3A_82 : memref<4160x16xf32, #tpu.memory_space<vmem_shared>>) offsets(%dma_start3A_79 : memref<512xi32, #tpu.memory_space<vmem>>) semaphore(%run_scoped3A : memref<!tpu.dma_semaphore, #tpu.memory_space<semaphore_mem>>) {add = true}
      %dma_wait3A_83 = arith.constant 0 : i32
      %dma_wait3A_84 = tpu.memref_slice %arg18[%and3A_63, %dma_wait3A_83] : memref<8x512xi32, #tpu.memory_space<vmem>> -> memref<1x512xi32, #tpu.memory_space<vmem>>
      %dma_wait3A_85 = tpu.memref_squeeze %dma_wait3A_84 : memref<1x512xi32, #tpu.memory_space<vmem>> -> memref<512xi32, #tpu.memory_space<vmem>>
      %dma_wait3A_86 = arith.constant 0 : i32
      %dma_wait3A_87 = arith.constant 0 : i32
      %dma_wait3A_88 = tpu.memref_slice %arg27[%dma_wait3A_86, %dma_wait3A_87] : memref<4160x16xf32, #tpu.memory_space<vmem_shared>> -> memref<4160x16xf32, #tpu.memory_space<vmem_shared>>
      tpu.wait_indirect_dma semaphore(%run_scoped3A : memref<!tpu.dma_semaphore, #tpu.memory_space<semaphore_mem>>) src(%arg21 : memref<512x16xf32, #tpu.memory_space<vmem>>) dst(%dma_wait3A_88 : memref<4160x16xf32, #tpu.memory_space<vmem_shared>>)
      tpu.yield
    }) : () -> ()
    %barrier3A_76 = arith.constant 0 : index
    tpu.barrier barrier_id(%barrier3A_76)
    "tpu.region"() ({
      %run_scoped3A = tpu.sem_alloc : memref<!tpu.dma_semaphore, #tpu.memory_space<semaphore_mem>>
      %dma_start3A_77 = arith.constant 0 : i32
      %dma_start3A_78 = tpu.memref_slice %arg8[%arg0, %mul3A_21, %dma_start3A_77] : memref<2x4160x64xf32, #tpu.memory_space<hbm>> -> memref<1x260x64xf32, #tpu.memory_space<hbm>>
      %dma_start3A_79 = tpu.memref_squeeze %dma_start3A_78 : memref<1x260x64xf32, #tpu.memory_space<hbm>> -> memref<260x64xf32, #tpu.memory_space<hbm>>
      %dma_start3A_80 = arith.constant 0 : i32
      %dma_start3A_81 = tpu.memref_slice %arg24[%mul3A_21, %dma_start3A_80] : memref<4160x64xf32, #tpu.memory_space<vmem_shared>> -> memref<260x64xf32, #tpu.memory_space<vmem_shared>>
      tpu.enqueue_dma source(%dma_start3A_81 : memref<260x64xf32, #tpu.memory_space<vmem_shared>>) target(%dma_start3A_79 : memref<260x64xf32, #tpu.memory_space<hbm>>) target_semaphore(%run_scoped3A : memref<!tpu.dma_semaphore, #tpu.memory_space<semaphore_mem>>)
      %dma_wait3A_82 = arith.constant 0 : i32
      %dma_wait3A_83 = tpu.memref_slice %arg8[%arg0, %mul3A_21, %dma_wait3A_82] : memref<2x4160x64xf32, #tpu.memory_space<hbm>> -> memref<1x260x64xf32, #tpu.memory_space<hbm>>
      %dma_wait3A_84 = tpu.memref_squeeze %dma_wait3A_83 : memref<1x260x64xf32, #tpu.memory_space<hbm>> -> memref<260x64xf32, #tpu.memory_space<hbm>>
      %dma_wait3A_85 = arith.constant 0 : i32
      %dma_wait3A_86 = tpu.memref_slice %arg24[%mul3A_21, %dma_wait3A_85] : memref<4160x64xf32, #tpu.memory_space<vmem_shared>> -> memref<260x64xf32, #tpu.memory_space<vmem_shared>>
      tpu.wait_dma2 semaphore(%run_scoped3A : memref<!tpu.dma_semaphore, #tpu.memory_space<semaphore_mem>>) src(%dma_wait3A_86 : memref<260x64xf32, #tpu.memory_space<vmem_shared>>) dst(%dma_wait3A_84 : memref<260x64xf32, #tpu.memory_space<hbm>>)
      tpu.yield
    }) : () -> ()
    "tpu.region"() ({
      %run_scoped3A = tpu.sem_alloc : memref<!tpu.dma_semaphore, #tpu.memory_space<semaphore_mem>>
      %dma_start3A_77 = arith.constant 0 : i32
      %dma_start3A_78 = tpu.memref_slice %arg9[%arg0, %mul3A_21, %dma_start3A_77] : memref<2x4160x64xf32, #tpu.memory_space<hbm>> -> memref<1x260x64xf32, #tpu.memory_space<hbm>>
      %dma_start3A_79 = tpu.memref_squeeze %dma_start3A_78 : memref<1x260x64xf32, #tpu.memory_space<hbm>> -> memref<260x64xf32, #tpu.memory_space<hbm>>
      %dma_start3A_80 = arith.constant 0 : i32
      %dma_start3A_81 = tpu.memref_slice %arg25[%mul3A_21, %dma_start3A_80] : memref<4160x64xf32, #tpu.memory_space<vmem_shared>> -> memref<260x64xf32, #tpu.memory_space<vmem_shared>>
      tpu.enqueue_dma source(%dma_start3A_81 : memref<260x64xf32, #tpu.memory_space<vmem_shared>>) target(%dma_start3A_79 : memref<260x64xf32, #tpu.memory_space<hbm>>) target_semaphore(%run_scoped3A : memref<!tpu.dma_semaphore, #tpu.memory_space<semaphore_mem>>)
      %dma_wait3A_82 = arith.constant 0 : i32
      %dma_wait3A_83 = tpu.memref_slice %arg9[%arg0, %mul3A_21, %dma_wait3A_82] : memref<2x4160x64xf32, #tpu.memory_space<hbm>> -> memref<1x260x64xf32, #tpu.memory_space<hbm>>
      %dma_wait3A_84 = tpu.memref_squeeze %dma_wait3A_83 : memref<1x260x64xf32, #tpu.memory_space<hbm>> -> memref<260x64xf32, #tpu.memory_space<hbm>>
      %dma_wait3A_85 = arith.constant 0 : i32
      %dma_wait3A_86 = tpu.memref_slice %arg25[%mul3A_21, %dma_wait3A_85] : memref<4160x64xf32, #tpu.memory_space<vmem_shared>> -> memref<260x64xf32, #tpu.memory_space<vmem_shared>>
      tpu.wait_dma2 semaphore(%run_scoped3A : memref<!tpu.dma_semaphore, #tpu.memory_space<semaphore_mem>>) src(%dma_wait3A_86 : memref<260x64xf32, #tpu.memory_space<vmem_shared>>) dst(%dma_wait3A_84 : memref<260x64xf32, #tpu.memory_space<hbm>>)
      tpu.yield
    }) : () -> ()
    "tpu.region"() ({
      %run_scoped3A = tpu.sem_alloc : memref<!tpu.dma_semaphore, #tpu.memory_space<semaphore_mem>>
      %dma_start3A_77 = arith.constant 0 : i32
      %dma_start3A_78 = tpu.memref_slice %arg10[%arg0, %mul3A_21, %dma_start3A_77] : memref<2x4160x16xf32, #tpu.memory_space<hbm>> -> memref<1x260x16xf32, #tpu.memory_space<hbm>>
      %dma_start3A_79 = tpu.memref_squeeze %dma_start3A_78 : memref<1x260x16xf32, #tpu.memory_space<hbm>> -> memref<260x16xf32, #tpu.memory_space<hbm>>
      %dma_start3A_80 = arith.constant 0 : i32
      %dma_start3A_81 = tpu.memref_slice %arg26[%mul3A_21, %dma_start3A_80] : memref<4160x16xf32, #tpu.memory_space<vmem_shared>> -> memref<260x16xf32, #tpu.memory_space<vmem_shared>>
      tpu.enqueue_dma source(%dma_start3A_81 : memref<260x16xf32, #tpu.memory_space<vmem_shared>>) target(%dma_start3A_79 : memref<260x16xf32, #tpu.memory_space<hbm>>) target_semaphore(%run_scoped3A : memref<!tpu.dma_semaphore, #tpu.memory_space<semaphore_mem>>)
      %dma_wait3A_82 = arith.constant 0 : i32
      %dma_wait3A_83 = tpu.memref_slice %arg10[%arg0, %mul3A_21, %dma_wait3A_82] : memref<2x4160x16xf32, #tpu.memory_space<hbm>> -> memref<1x260x16xf32, #tpu.memory_space<hbm>>
      %dma_wait3A_84 = tpu.memref_squeeze %dma_wait3A_83 : memref<1x260x16xf32, #tpu.memory_space<hbm>> -> memref<260x16xf32, #tpu.memory_space<hbm>>
      %dma_wait3A_85 = arith.constant 0 : i32
      %dma_wait3A_86 = tpu.memref_slice %arg26[%mul3A_21, %dma_wait3A_85] : memref<4160x16xf32, #tpu.memory_space<vmem_shared>> -> memref<260x16xf32, #tpu.memory_space<vmem_shared>>
      tpu.wait_dma2 semaphore(%run_scoped3A : memref<!tpu.dma_semaphore, #tpu.memory_space<semaphore_mem>>) src(%dma_wait3A_86 : memref<260x16xf32, #tpu.memory_space<vmem_shared>>) dst(%dma_wait3A_84 : memref<260x16xf32, #tpu.memory_space<hbm>>)
      tpu.yield
    }) : () -> ()
    "tpu.region"() ({
      %run_scoped3A = tpu.sem_alloc : memref<!tpu.dma_semaphore, #tpu.memory_space<semaphore_mem>>
      %dma_start3A_77 = arith.constant 0 : i32
      %dma_start3A_78 = tpu.memref_slice %arg11[%arg0, %mul3A_21, %dma_start3A_77] : memref<2x4160x16xf32, #tpu.memory_space<hbm>> -> memref<1x260x16xf32, #tpu.memory_space<hbm>>
      %dma_start3A_79 = tpu.memref_squeeze %dma_start3A_78 : memref<1x260x16xf32, #tpu.memory_space<hbm>> -> memref<260x16xf32, #tpu.memory_space<hbm>>
      %dma_start3A_80 = arith.constant 0 : i32
      %dma_start3A_81 = tpu.memref_slice %arg27[%mul3A_21, %dma_start3A_80] : memref<4160x16xf32, #tpu.memory_space<vmem_shared>> -> memref<260x16xf32, #tpu.memory_space<vmem_shared>>
      tpu.enqueue_dma source(%dma_start3A_81 : memref<260x16xf32, #tpu.memory_space<vmem_shared>>) target(%dma_start3A_79 : memref<260x16xf32, #tpu.memory_space<hbm>>) target_semaphore(%run_scoped3A : memref<!tpu.dma_semaphore, #tpu.memory_space<semaphore_mem>>)
      %dma_wait3A_82 = arith.constant 0 : i32
      %dma_wait3A_83 = tpu.memref_slice %arg11[%arg0, %mul3A_21, %dma_wait3A_82] : memref<2x4160x16xf32, #tpu.memory_space<hbm>> -> memref<1x260x16xf32, #tpu.memory_space<hbm>>
      %dma_wait3A_84 = tpu.memref_squeeze %dma_wait3A_83 : memref<1x260x16xf32, #tpu.memory_space<hbm>> -> memref<260x16xf32, #tpu.memory_space<hbm>>
      %dma_wait3A_85 = arith.constant 0 : i32
      %dma_wait3A_86 = tpu.memref_slice %arg27[%mul3A_21, %dma_wait3A_85] : memref<4160x16xf32, #tpu.memory_space<vmem_shared>> -> memref<260x16xf32, #tpu.memory_space<vmem_shared>>
      tpu.wait_dma2 semaphore(%run_scoped3A : memref<!tpu.dma_semaphore, #tpu.memory_space<semaphore_mem>>) src(%dma_wait3A_86 : memref<260x16xf32, #tpu.memory_space<vmem_shared>>) dst(%dma_wait3A_84 : memref<260x16xf32, #tpu.memory_space<hbm>>)
      tpu.yield
    }) : () -> ()
    return
  }
}

#map = affine_map<(d0, d1) -> (0)>
#map1 = affine_map<(d0, d1) -> (0, 0)>
module attributes {stable_mosaic.version = 14 : i64} {
  func.func @_bg_body(%arg0: i32, %arg1: i32, %arg2: memref<4096xi32, #tpu.memory_space<hbm>>, %arg3: memref<4096xi32, #tpu.memory_space<hbm>>, %arg4: memref<100352xi32, #tpu.memory_space<hbm>>, %arg5: memref<100352xi32, #tpu.memory_space<hbm>>, %arg6: memref<4160x64xf32, #tpu.memory_space<hbm>>, %arg7: memref<4160x64xf32, #tpu.memory_space<hbm>>, %arg8: memref<4160x64xf32, #tpu.memory_space<hbm>>, %arg9: memref<4160x64xf32, #tpu.memory_space<hbm>>, %arg10: memref<4160x16xf32, #tpu.memory_space<hbm>>, %arg11: memref<4160x16xf32, #tpu.memory_space<hbm>>, %arg12: memref<4160x16xf32, #tpu.memory_space<hbm>>, %arg13: memref<4160x16xf32, #tpu.memory_space<hbm>>, %arg14: memref<100000xf32, #tpu.memory_space<hbm>>, %arg15: memref<100000xf32, #tpu.memory_space<hbm>>, %arg16: memref<4096x64xf32, #tpu.memory_space<hbm>>, %arg17: memref<4096x64xf32, #tpu.memory_space<hbm>>, %arg18: memref<4096x16xf32, #tpu.memory_space<hbm>>, %arg19: memref<4096x16xf32, #tpu.memory_space<hbm>>, %arg20: memref<4096xf32, #tpu.memory_space<hbm>>, %arg21: memref<4096xf32, #tpu.memory_space<hbm>>, %arg22: memref<128xi32, #tpu.memory_space<vmem>>, %arg23: memref<128xi32, #tpu.memory_space<vmem>>, %arg24: memref<128xi32, #tpu.memory_space<vmem>>, %arg25: memref<128xi32, #tpu.memory_space<vmem>>, %arg26: memref<128x64xf32, #tpu.memory_space<vmem>>, %arg27: memref<128x64xf32, #tpu.memory_space<vmem>>, %arg28: memref<128x16xf32, #tpu.memory_space<vmem>>, %arg29: memref<128x16xf32, #tpu.memory_space<vmem>>, %arg30: memref<128xf32, #tpu.memory_space<vmem>>, %arg31: memref<!tpu.dma_semaphore, #tpu.memory_space<semaphore_mem>>) attributes {dimension_semantics = [#tpu.dimension_semantics<core_parallel>, #tpu.dimension_semantics<subcore_parallel>], iteration_bounds = array<i64: 2, 16>, scalar_prefetch = 0 : i64, scratch_operands = 10 : i64, tpu.core_type = #tpu.core_type<sc_vector_subcore>, window_params = [{transform_indices = #map}, {transform_indices = #map}, {transform_indices = #map}, {transform_indices = #map}, {transform_indices = #map1}, {transform_indices = #map1}, {transform_indices = #map1}, {transform_indices = #map1}, {transform_indices = #map1}, {transform_indices = #map1}, {transform_indices = #map1}, {transform_indices = #map1}, {transform_indices = #map}, {transform_indices = #map}, {transform_indices = #map1}, {transform_indices = #map1}, {transform_indices = #map1}, {transform_indices = #map1}, {transform_indices = #map}, {transform_indices = #map}]} {
    %mul3A = arith.constant 2 : i32
    %mul3A_0 = arith.muli %arg1, %mul3A : i32
    %add3A = arith.addi %mul3A_0, %arg0 : i32
    %mul3A_1 = arith.constant 128 : i32
    %mul3A_2 = arith.muli %add3A, %mul3A_1 : i32
    "tpu.region"() ({
      %run_scoped3A = tpu.sem_alloc : memref<!tpu.dma_semaphore, #tpu.memory_space<semaphore_mem>>
      %dma_start3A_92 = tpu.memref_slice %arg2[%mul3A_2] : memref<4096xi32, #tpu.memory_space<hbm>> -> memref<128xi32, #tpu.memory_space<hbm>>
      %dma_start3A_93 = tpu.memref_slice %arg2[%mul3A_2] : memref<4096xi32, #tpu.memory_space<hbm>> -> memref<128xi32, #tpu.memory_space<hbm>>
      tpu.enqueue_dma source(%dma_start3A_93 : memref<128xi32, #tpu.memory_space<hbm>>) target(%arg22 : memref<128xi32, #tpu.memory_space<vmem>>) target_semaphore(%run_scoped3A : memref<!tpu.dma_semaphore, #tpu.memory_space<semaphore_mem>>)
      %dma_wait3A_94 = tpu.memref_slice %arg2[%mul3A_2] : memref<4096xi32, #tpu.memory_space<hbm>> -> memref<128xi32, #tpu.memory_space<hbm>>
      %dma_wait3A_95 = tpu.memref_slice %arg2[%mul3A_2] : memref<4096xi32, #tpu.memory_space<hbm>> -> memref<128xi32, #tpu.memory_space<hbm>>
      tpu.wait_dma2 semaphore(%run_scoped3A : memref<!tpu.dma_semaphore, #tpu.memory_space<semaphore_mem>>) src(%dma_wait3A_95 : memref<128xi32, #tpu.memory_space<hbm>>) dst(%arg22 : memref<128xi32, #tpu.memory_space<vmem>>)
      tpu.yield
    }) : () -> ()
    "tpu.region"() ({
      %run_scoped3A = tpu.sem_alloc : memref<!tpu.dma_semaphore, #tpu.memory_space<semaphore_mem>>
      %dma_start3A_92 = tpu.memref_slice %arg3[%mul3A_2] : memref<4096xi32, #tpu.memory_space<hbm>> -> memref<128xi32, #tpu.memory_space<hbm>>
      %dma_start3A_93 = tpu.memref_slice %arg3[%mul3A_2] : memref<4096xi32, #tpu.memory_space<hbm>> -> memref<128xi32, #tpu.memory_space<hbm>>
      tpu.enqueue_dma source(%dma_start3A_93 : memref<128xi32, #tpu.memory_space<hbm>>) target(%arg23 : memref<128xi32, #tpu.memory_space<vmem>>) target_semaphore(%run_scoped3A : memref<!tpu.dma_semaphore, #tpu.memory_space<semaphore_mem>>)
      %dma_wait3A_94 = tpu.memref_slice %arg3[%mul3A_2] : memref<4096xi32, #tpu.memory_space<hbm>> -> memref<128xi32, #tpu.memory_space<hbm>>
      %dma_wait3A_95 = tpu.memref_slice %arg3[%mul3A_2] : memref<4096xi32, #tpu.memory_space<hbm>> -> memref<128xi32, #tpu.memory_space<hbm>>
      tpu.wait_dma2 semaphore(%run_scoped3A : memref<!tpu.dma_semaphore, #tpu.memory_space<semaphore_mem>>) src(%dma_wait3A_95 : memref<128xi32, #tpu.memory_space<hbm>>) dst(%arg23 : memref<128xi32, #tpu.memory_space<vmem>>)
      tpu.yield
    }) : () -> ()
    %dma_start3A = arith.constant 0 : i32
    %dma_start3A_3 = tpu.memref_slice %arg4[%dma_start3A] : memref<100352xi32, #tpu.memory_space<hbm>> -> memref<100352xi32, #tpu.memory_space<hbm>>
    tpu.enqueue_indirect_dma source(%dma_start3A_3 : memref<100352xi32, #tpu.memory_space<hbm>>) target(%arg24 : memref<128xi32, #tpu.memory_space<vmem>>) offsets(%arg22 : memref<128xi32, #tpu.memory_space<vmem>>) semaphore(%arg31 : memref<!tpu.dma_semaphore, #tpu.memory_space<semaphore_mem>>)
    %dma_wait3A = arith.constant 0 : i32
    %dma_wait3A_4 = tpu.memref_slice %arg4[%dma_wait3A] : memref<100352xi32, #tpu.memory_space<hbm>> -> memref<100352xi32, #tpu.memory_space<hbm>>
    tpu.wait_indirect_dma semaphore(%arg31 : memref<!tpu.dma_semaphore, #tpu.memory_space<semaphore_mem>>) src(%dma_wait3A_4 : memref<100352xi32, #tpu.memory_space<hbm>>) dst(%arg24 : memref<128xi32, #tpu.memory_space<vmem>>)
    %dma_start3A_5 = arith.constant 0 : i32
    %dma_start3A_6 = tpu.memref_slice %arg5[%dma_start3A_5] : memref<100352xi32, #tpu.memory_space<hbm>> -> memref<100352xi32, #tpu.memory_space<hbm>>
    tpu.enqueue_indirect_dma source(%dma_start3A_6 : memref<100352xi32, #tpu.memory_space<hbm>>) target(%arg25 : memref<128xi32, #tpu.memory_space<vmem>>) offsets(%arg23 : memref<128xi32, #tpu.memory_space<vmem>>) semaphore(%arg31 : memref<!tpu.dma_semaphore, #tpu.memory_space<semaphore_mem>>)
    %dma_wait3A_7 = arith.constant 0 : i32
    %dma_wait3A_8 = tpu.memref_slice %arg5[%dma_wait3A_7] : memref<100352xi32, #tpu.memory_space<hbm>> -> memref<100352xi32, #tpu.memory_space<hbm>>
    tpu.wait_indirect_dma semaphore(%arg31 : memref<!tpu.dma_semaphore, #tpu.memory_space<semaphore_mem>>) src(%dma_wait3A_8 : memref<100352xi32, #tpu.memory_space<hbm>>) dst(%arg25 : memref<128xi32, #tpu.memory_space<vmem>>)
    %dma_start3A_9 = arith.constant 0 : i32
    %dma_start3A_10 = arith.constant 0 : i32
    %dma_start3A_11 = tpu.memref_slice %arg6[%dma_start3A_9, %dma_start3A_10] : memref<4160x64xf32, #tpu.memory_space<hbm>> -> memref<4160x64xf32, #tpu.memory_space<hbm>>
    tpu.enqueue_indirect_dma source(%dma_start3A_11 : memref<4160x64xf32, #tpu.memory_space<hbm>>) target(%arg26 : memref<128x64xf32, #tpu.memory_space<vmem>>) offsets(%arg24 : memref<128xi32, #tpu.memory_space<vmem>>) semaphore(%arg31 : memref<!tpu.dma_semaphore, #tpu.memory_space<semaphore_mem>>)
    %dma_wait3A_12 = arith.constant 0 : i32
    %dma_wait3A_13 = arith.constant 0 : i32
    %dma_wait3A_14 = tpu.memref_slice %arg6[%dma_wait3A_12, %dma_wait3A_13] : memref<4160x64xf32, #tpu.memory_space<hbm>> -> memref<4160x64xf32, #tpu.memory_space<hbm>>
    tpu.wait_indirect_dma semaphore(%arg31 : memref<!tpu.dma_semaphore, #tpu.memory_space<semaphore_mem>>) src(%dma_wait3A_14 : memref<4160x64xf32, #tpu.memory_space<hbm>>) dst(%arg26 : memref<128x64xf32, #tpu.memory_space<vmem>>)
    %dma_start3A_15 = arith.constant 0 : i32
    %dma_start3A_16 = arith.constant 0 : i32
    %dma_start3A_17 = tpu.memref_slice %arg7[%dma_start3A_15, %dma_start3A_16] : memref<4160x64xf32, #tpu.memory_space<hbm>> -> memref<4160x64xf32, #tpu.memory_space<hbm>>
    tpu.enqueue_indirect_dma source(%dma_start3A_17 : memref<4160x64xf32, #tpu.memory_space<hbm>>) target(%arg27 : memref<128x64xf32, #tpu.memory_space<vmem>>) offsets(%arg24 : memref<128xi32, #tpu.memory_space<vmem>>) semaphore(%arg31 : memref<!tpu.dma_semaphore, #tpu.memory_space<semaphore_mem>>)
    %dma_wait3A_18 = arith.constant 0 : i32
    %dma_wait3A_19 = arith.constant 0 : i32
    %dma_wait3A_20 = tpu.memref_slice %arg7[%dma_wait3A_18, %dma_wait3A_19] : memref<4160x64xf32, #tpu.memory_space<hbm>> -> memref<4160x64xf32, #tpu.memory_space<hbm>>
    tpu.wait_indirect_dma semaphore(%arg31 : memref<!tpu.dma_semaphore, #tpu.memory_space<semaphore_mem>>) src(%dma_wait3A_20 : memref<4160x64xf32, #tpu.memory_space<hbm>>) dst(%arg27 : memref<128x64xf32, #tpu.memory_space<vmem>>)
    %scan3A = arith.constant 0 : i32
    %scan3A_21 = arith.constant 0 : i32
    %scan3A_22 = arith.constant 128 : i32
    %scan3A_23 = arith.addi %scan3A_21, %scan3A_22 : i32
    %scan3A_24 = arith.constant 1 : i32
    %scan3A_25 = scf.for %scan3A_92 = %scan3A_21 to %scan3A_23 step %scan3A_24 iter_args(%scan3A_93 = %scan3A) -> (i32)  : i32 {
      %get3A = arith.index_cast %scan3A_92 : i32 to index
      %get3A_94 = arith.constant 0 : index
      %get3A_95 = tpu.vector_load %arg26[%get3A, %get3A_94] {strides = array<i32>} : memref<128x64xf32, #tpu.memory_space<vmem>>, vector<16xf32>,
      %get3A_96 = arith.index_cast %scan3A_92 : i32 to index
      %get3A_97 = arith.constant 0 : index
      %get3A_98 = tpu.vector_load %arg27[%get3A_96, %get3A_97] {strides = array<i32>} : memref<128x64xf32, #tpu.memory_space<vmem>>, vector<16xf32>,
      %add3A_99 = arith.addf %get3A_95, %get3A_98 : vector<16xf32>
      %swap3A = arith.index_cast %scan3A_92 : i32 to index
      %swap3A_100 = arith.constant 0 : index
      %swap3A_101 = tpu.vector_load %arg26[%swap3A, %swap3A_100] {strides = array<i32>} : memref<128x64xf32, #tpu.memory_space<vmem>>, vector<16xf32>,
      tpu.vector_store %arg26[%swap3A, %swap3A_100], %add3A_99 {strides = array<i32>} : memref<128x64xf32, #tpu.memory_space<vmem>>, vector<16xf32>,
      %get3A_102 = arith.index_cast %scan3A_92 : i32 to index
      %get3A_103 = arith.constant 16 : index
      %get3A_104 = tpu.vector_load %arg26[%get3A_102, %get3A_103] {strides = array<i32>} : memref<128x64xf32, #tpu.memory_space<vmem>>, vector<16xf32>,
      %get3A_105 = arith.index_cast %scan3A_92 : i32 to index
      %get3A_106 = arith.constant 16 : index
      %get3A_107 = tpu.vector_load %arg27[%get3A_105, %get3A_106] {strides = array<i32>} : memref<128x64xf32, #tpu.memory_space<vmem>>, vector<16xf32>,
      %add3A_108 = arith.addf %get3A_104, %get3A_107 : vector<16xf32>
      %swap3A_109 = arith.index_cast %scan3A_92 : i32 to index
      %swap3A_110 = arith.constant 16 : index
      %swap3A_111 = tpu.vector_load %arg26[%swap3A_109, %swap3A_110] {strides = array<i32>} : memref<128x64xf32, #tpu.memory_space<vmem>>, vector<16xf32>,
      tpu.vector_store %arg26[%swap3A_109, %swap3A_110], %add3A_108 {strides = array<i32>} : memref<128x64xf32, #tpu.memory_space<vmem>>, vector<16xf32>,
      %get3A_112 = arith.index_cast %scan3A_92 : i32 to index
      %get3A_113 = arith.constant 32 : index
      %get3A_114 = tpu.vector_load %arg26[%get3A_112, %get3A_113] {strides = array<i32>} : memref<128x64xf32, #tpu.memory_space<vmem>>, vector<16xf32>,
      %get3A_115 = arith.index_cast %scan3A_92 : i32 to index
      %get3A_116 = arith.constant 32 : index
      %get3A_117 = tpu.vector_load %arg27[%get3A_115, %get3A_116] {strides = array<i32>} : memref<128x64xf32, #tpu.memory_space<vmem>>, vector<16xf32>,
      %add3A_118 = arith.addf %get3A_114, %get3A_117 : vector<16xf32>
      %swap3A_119 = arith.index_cast %scan3A_92 : i32 to index
      %swap3A_120 = arith.constant 32 : index
      %swap3A_121 = tpu.vector_load %arg26[%swap3A_119, %swap3A_120] {strides = array<i32>} : memref<128x64xf32, #tpu.memory_space<vmem>>, vector<16xf32>,
      tpu.vector_store %arg26[%swap3A_119, %swap3A_120], %add3A_118 {strides = array<i32>} : memref<128x64xf32, #tpu.memory_space<vmem>>, vector<16xf32>,
      %get3A_122 = arith.index_cast %scan3A_92 : i32 to index
      %get3A_123 = arith.constant 48 : index
      %get3A_124 = tpu.vector_load %arg26[%get3A_122, %get3A_123] {strides = array<i32>} : memref<128x64xf32, #tpu.memory_space<vmem>>, vector<16xf32>,
      %get3A_125 = arith.index_cast %scan3A_92 : i32 to index
      %get3A_126 = arith.constant 48 : index
      %get3A_127 = tpu.vector_load %arg27[%get3A_125, %get3A_126] {strides = array<i32>} : memref<128x64xf32, #tpu.memory_space<vmem>>, vector<16xf32>,
      %add3A_128 = arith.addf %get3A_124, %get3A_127 : vector<16xf32>
      %swap3A_129 = arith.index_cast %scan3A_92 : i32 to index
      %swap3A_130 = arith.constant 48 : index
      %swap3A_131 = tpu.vector_load %arg26[%swap3A_129, %swap3A_130] {strides = array<i32>} : memref<128x64xf32, #tpu.memory_space<vmem>>, vector<16xf32>,
      tpu.vector_store %arg26[%swap3A_129, %swap3A_130], %add3A_128 {strides = array<i32>} : memref<128x64xf32, #tpu.memory_space<vmem>>, vector<16xf32>,
      %scan3A_132 = arith.constant 0 : i32
      scf.yield %scan3A_132 : i32
    }
    %scan3A_26 = arith.constant 128 : i32
    "tpu.region"() ({
      %run_scoped3A = tpu.sem_alloc : memref<!tpu.dma_semaphore, #tpu.memory_space<semaphore_mem>>
      %dma_start3A_92 = arith.constant 0 : i32
      %dma_start3A_93 = tpu.memref_slice %arg16[%mul3A_2, %dma_start3A_92] : memref<4096x64xf32, #tpu.memory_space<hbm>> -> memref<128x64xf32, #tpu.memory_space<hbm>>
      %dma_start3A_94 = arith.constant 0 : i32
      %dma_start3A_95 = tpu.memref_slice %arg16[%mul3A_2, %dma_start3A_94] : memref<4096x64xf32, #tpu.memory_space<hbm>> -> memref<128x64xf32, #tpu.memory_space<hbm>>
      tpu.enqueue_dma source(%arg26 : memref<128x64xf32, #tpu.memory_space<vmem>>) target(%dma_start3A_95 : memref<128x64xf32, #tpu.memory_space<hbm>>) target_semaphore(%run_scoped3A : memref<!tpu.dma_semaphore, #tpu.memory_space<semaphore_mem>>)
      %dma_wait3A_96 = arith.constant 0 : i32
      %dma_wait3A_97 = tpu.memref_slice %arg16[%mul3A_2, %dma_wait3A_96] : memref<4096x64xf32, #tpu.memory_space<hbm>> -> memref<128x64xf32, #tpu.memory_space<hbm>>
      %dma_wait3A_98 = arith.constant 0 : i32
      %dma_wait3A_99 = tpu.memref_slice %arg16[%mul3A_2, %dma_wait3A_98] : memref<4096x64xf32, #tpu.memory_space<hbm>> -> memref<128x64xf32, #tpu.memory_space<hbm>>
      tpu.wait_dma2 semaphore(%run_scoped3A : memref<!tpu.dma_semaphore, #tpu.memory_space<semaphore_mem>>) src(%arg26 : memref<128x64xf32, #tpu.memory_space<vmem>>) dst(%dma_wait3A_99 : memref<128x64xf32, #tpu.memory_space<hbm>>)
      tpu.yield
    }) : () -> ()
    %dma_start3A_27 = arith.constant 0 : i32
    %dma_start3A_28 = arith.constant 0 : i32
    %dma_start3A_29 = tpu.memref_slice %arg8[%dma_start3A_27, %dma_start3A_28] : memref<4160x64xf32, #tpu.memory_space<hbm>> -> memref<4160x64xf32, #tpu.memory_space<hbm>>
    tpu.enqueue_indirect_dma source(%dma_start3A_29 : memref<4160x64xf32, #tpu.memory_space<hbm>>) target(%arg26 : memref<128x64xf32, #tpu.memory_space<vmem>>) offsets(%arg25 : memref<128xi32, #tpu.memory_space<vmem>>) semaphore(%arg31 : memref<!tpu.dma_semaphore, #tpu.memory_space<semaphore_mem>>)
    %dma_wait3A_30 = arith.constant 0 : i32
    %dma_wait3A_31 = arith.constant 0 : i32
    %dma_wait3A_32 = tpu.memref_slice %arg8[%dma_wait3A_30, %dma_wait3A_31] : memref<4160x64xf32, #tpu.memory_space<hbm>> -> memref<4160x64xf32, #tpu.memory_space<hbm>>
    tpu.wait_indirect_dma semaphore(%arg31 : memref<!tpu.dma_semaphore, #tpu.memory_space<semaphore_mem>>) src(%dma_wait3A_32 : memref<4160x64xf32, #tpu.memory_space<hbm>>) dst(%arg26 : memref<128x64xf32, #tpu.memory_space<vmem>>)
    %dma_start3A_33 = arith.constant 0 : i32
    %dma_start3A_34 = arith.constant 0 : i32
    %dma_start3A_35 = tpu.memref_slice %arg9[%dma_start3A_33, %dma_start3A_34] : memref<4160x64xf32, #tpu.memory_space<hbm>> -> memref<4160x64xf32, #tpu.memory_space<hbm>>
    tpu.enqueue_indirect_dma source(%dma_start3A_35 : memref<4160x64xf32, #tpu.memory_space<hbm>>) target(%arg27 : memref<128x64xf32, #tpu.memory_space<vmem>>) offsets(%arg25 : memref<128xi32, #tpu.memory_space<vmem>>) semaphore(%arg31 : memref<!tpu.dma_semaphore, #tpu.memory_space<semaphore_mem>>)
    %dma_wait3A_36 = arith.constant 0 : i32
    %dma_wait3A_37 = arith.constant 0 : i32
    %dma_wait3A_38 = tpu.memref_slice %arg9[%dma_wait3A_36, %dma_wait3A_37] : memref<4160x64xf32, #tpu.memory_space<hbm>> -> memref<4160x64xf32, #tpu.memory_space<hbm>>
    tpu.wait_indirect_dma semaphore(%arg31 : memref<!tpu.dma_semaphore, #tpu.memory_space<semaphore_mem>>) src(%dma_wait3A_38 : memref<4160x64xf32, #tpu.memory_space<hbm>>) dst(%arg27 : memref<128x64xf32, #tpu.memory_space<vmem>>)
    %scan3A_39 = arith.constant 0 : i32
    %scan3A_40 = arith.constant 0 : i32
    %scan3A_41 = arith.constant 128 : i32
    %scan3A_42 = arith.addi %scan3A_40, %scan3A_41 : i32
    %scan3A_43 = arith.constant 1 : i32
    %scan3A_44 = scf.for %scan3A_92 = %scan3A_40 to %scan3A_42 step %scan3A_43 iter_args(%scan3A_93 = %scan3A_39) -> (i32)  : i32 {
      %get3A = arith.index_cast %scan3A_92 : i32 to index
      %get3A_94 = arith.constant 0 : index
      %get3A_95 = tpu.vector_load %arg26[%get3A, %get3A_94] {strides = array<i32>} : memref<128x64xf32, #tpu.memory_space<vmem>>, vector<16xf32>,
      %get3A_96 = arith.index_cast %scan3A_92 : i32 to index
      %get3A_97 = arith.constant 0 : index
      %get3A_98 = tpu.vector_load %arg27[%get3A_96, %get3A_97] {strides = array<i32>} : memref<128x64xf32, #tpu.memory_space<vmem>>, vector<16xf32>,
      %add3A_99 = arith.addf %get3A_95, %get3A_98 : vector<16xf32>
      %swap3A = arith.index_cast %scan3A_92 : i32 to index
      %swap3A_100 = arith.constant 0 : index
      %swap3A_101 = tpu.vector_load %arg26[%swap3A, %swap3A_100] {strides = array<i32>} : memref<128x64xf32, #tpu.memory_space<vmem>>, vector<16xf32>,
      tpu.vector_store %arg26[%swap3A, %swap3A_100], %add3A_99 {strides = array<i32>} : memref<128x64xf32, #tpu.memory_space<vmem>>, vector<16xf32>,
      %get3A_102 = arith.index_cast %scan3A_92 : i32 to index
      %get3A_103 = arith.constant 16 : index
      %get3A_104 = tpu.vector_load %arg26[%get3A_102, %get3A_103] {strides = array<i32>} : memref<128x64xf32, #tpu.memory_space<vmem>>, vector<16xf32>,
      %get3A_105 = arith.index_cast %scan3A_92 : i32 to index
      %get3A_106 = arith.constant 16 : index
      %get3A_107 = tpu.vector_load %arg27[%get3A_105, %get3A_106] {strides = array<i32>} : memref<128x64xf32, #tpu.memory_space<vmem>>, vector<16xf32>,
      %add3A_108 = arith.addf %get3A_104, %get3A_107 : vector<16xf32>
      %swap3A_109 = arith.index_cast %scan3A_92 : i32 to index
      %swap3A_110 = arith.constant 16 : index
      %swap3A_111 = tpu.vector_load %arg26[%swap3A_109, %swap3A_110] {strides = array<i32>} : memref<128x64xf32, #tpu.memory_space<vmem>>, vector<16xf32>,
      tpu.vector_store %arg26[%swap3A_109, %swap3A_110], %add3A_108 {strides = array<i32>} : memref<128x64xf32, #tpu.memory_space<vmem>>, vector<16xf32>,
      %get3A_112 = arith.index_cast %scan3A_92 : i32 to index
      %get3A_113 = arith.constant 32 : index
      %get3A_114 = tpu.vector_load %arg26[%get3A_112, %get3A_113] {strides = array<i32>} : memref<128x64xf32, #tpu.memory_space<vmem>>, vector<16xf32>,
      %get3A_115 = arith.index_cast %scan3A_92 : i32 to index
      %get3A_116 = arith.constant 32 : index
      %get3A_117 = tpu.vector_load %arg27[%get3A_115, %get3A_116] {strides = array<i32>} : memref<128x64xf32, #tpu.memory_space<vmem>>, vector<16xf32>,
      %add3A_118 = arith.addf %get3A_114, %get3A_117 : vector<16xf32>
      %swap3A_119 = arith.index_cast %scan3A_92 : i32 to index
      %swap3A_120 = arith.constant 32 : index
      %swap3A_121 = tpu.vector_load %arg26[%swap3A_119, %swap3A_120] {strides = array<i32>} : memref<128x64xf32, #tpu.memory_space<vmem>>, vector<16xf32>,
      tpu.vector_store %arg26[%swap3A_119, %swap3A_120], %add3A_118 {strides = array<i32>} : memref<128x64xf32, #tpu.memory_space<vmem>>, vector<16xf32>,
      %get3A_122 = arith.index_cast %scan3A_92 : i32 to index
      %get3A_123 = arith.constant 48 : index
      %get3A_124 = tpu.vector_load %arg26[%get3A_122, %get3A_123] {strides = array<i32>} : memref<128x64xf32, #tpu.memory_space<vmem>>, vector<16xf32>,
      %get3A_125 = arith.index_cast %scan3A_92 : i32 to index
      %get3A_126 = arith.constant 48 : index
      %get3A_127 = tpu.vector_load %arg27[%get3A_125, %get3A_126] {strides = array<i32>} : memref<128x64xf32, #tpu.memory_space<vmem>>, vector<16xf32>,
      %add3A_128 = arith.addf %get3A_124, %get3A_127 : vector<16xf32>
      %swap3A_129 = arith.index_cast %scan3A_92 : i32 to index
      %swap3A_130 = arith.constant 48 : index
      %swap3A_131 = tpu.vector_load %arg26[%swap3A_129, %swap3A_130] {strides = array<i32>} : memref<128x64xf32, #tpu.memory_space<vmem>>, vector<16xf32>,
      tpu.vector_store %arg26[%swap3A_129, %swap3A_130], %add3A_128 {strides = array<i32>} : memref<128x64xf32, #tpu.memory_space<vmem>>, vector<16xf32>,
      %scan3A_132 = arith.constant 0 : i32
      scf.yield %scan3A_132 : i32
    }
    %scan3A_45 = arith.constant 128 : i32
    "tpu.region"() ({
      %run_scoped3A = tpu.sem_alloc : memref<!tpu.dma_semaphore, #tpu.memory_space<semaphore_mem>>
      %dma_start3A_92 = arith.constant 0 : i32
      %dma_start3A_93 = tpu.memref_slice %arg17[%mul3A_2, %dma_start3A_92] : memref<4096x64xf32, #tpu.memory_space<hbm>> -> memref<128x64xf32, #tpu.memory_space<hbm>>
      %dma_start3A_94 = arith.constant 0 : i32
      %dma_start3A_95 = tpu.memref_slice %arg17[%mul3A_2, %dma_start3A_94] : memref<4096x64xf32, #tpu.memory_space<hbm>> -> memref<128x64xf32, #tpu.memory_space<hbm>>
      tpu.enqueue_dma source(%arg26 : memref<128x64xf32, #tpu.memory_space<vmem>>) target(%dma_start3A_95 : memref<128x64xf32, #tpu.memory_space<hbm>>) target_semaphore(%run_scoped3A : memref<!tpu.dma_semaphore, #tpu.memory_space<semaphore_mem>>)
      %dma_wait3A_96 = arith.constant 0 : i32
      %dma_wait3A_97 = tpu.memref_slice %arg17[%mul3A_2, %dma_wait3A_96] : memref<4096x64xf32, #tpu.memory_space<hbm>> -> memref<128x64xf32, #tpu.memory_space<hbm>>
      %dma_wait3A_98 = arith.constant 0 : i32
      %dma_wait3A_99 = tpu.memref_slice %arg17[%mul3A_2, %dma_wait3A_98] : memref<4096x64xf32, #tpu.memory_space<hbm>> -> memref<128x64xf32, #tpu.memory_space<hbm>>
      tpu.wait_dma2 semaphore(%run_scoped3A : memref<!tpu.dma_semaphore, #tpu.memory_space<semaphore_mem>>) src(%arg26 : memref<128x64xf32, #tpu.memory_space<vmem>>) dst(%dma_wait3A_99 : memref<128x64xf32, #tpu.memory_space<hbm>>)
      tpu.yield
    }) : () -> ()
    %dma_start3A_46 = arith.constant 0 : i32
    %dma_start3A_47 = arith.constant 0 : i32
    %dma_start3A_48 = tpu.memref_slice %arg10[%dma_start3A_46, %dma_start3A_47] : memref<4160x16xf32, #tpu.memory_space<hbm>> -> memref<4160x16xf32, #tpu.memory_space<hbm>>
    tpu.enqueue_indirect_dma source(%dma_start3A_48 : memref<4160x16xf32, #tpu.memory_space<hbm>>) target(%arg28 : memref<128x16xf32, #tpu.memory_space<vmem>>) offsets(%arg24 : memref<128xi32, #tpu.memory_space<vmem>>) semaphore(%arg31 : memref<!tpu.dma_semaphore, #tpu.memory_space<semaphore_mem>>)
    %dma_wait3A_49 = arith.constant 0 : i32
    %dma_wait3A_50 = arith.constant 0 : i32
    %dma_wait3A_51 = tpu.memref_slice %arg10[%dma_wait3A_49, %dma_wait3A_50] : memref<4160x16xf32, #tpu.memory_space<hbm>> -> memref<4160x16xf32, #tpu.memory_space<hbm>>
    tpu.wait_indirect_dma semaphore(%arg31 : memref<!tpu.dma_semaphore, #tpu.memory_space<semaphore_mem>>) src(%dma_wait3A_51 : memref<4160x16xf32, #tpu.memory_space<hbm>>) dst(%arg28 : memref<128x16xf32, #tpu.memory_space<vmem>>)
    %dma_start3A_52 = arith.constant 0 : i32
    %dma_start3A_53 = arith.constant 0 : i32
    %dma_start3A_54 = tpu.memref_slice %arg11[%dma_start3A_52, %dma_start3A_53] : memref<4160x16xf32, #tpu.memory_space<hbm>> -> memref<4160x16xf32, #tpu.memory_space<hbm>>
    tpu.enqueue_indirect_dma source(%dma_start3A_54 : memref<4160x16xf32, #tpu.memory_space<hbm>>) target(%arg29 : memref<128x16xf32, #tpu.memory_space<vmem>>) offsets(%arg24 : memref<128xi32, #tpu.memory_space<vmem>>) semaphore(%arg31 : memref<!tpu.dma_semaphore, #tpu.memory_space<semaphore_mem>>)
    %dma_wait3A_55 = arith.constant 0 : i32
    %dma_wait3A_56 = arith.constant 0 : i32
    %dma_wait3A_57 = tpu.memref_slice %arg11[%dma_wait3A_55, %dma_wait3A_56] : memref<4160x16xf32, #tpu.memory_space<hbm>> -> memref<4160x16xf32, #tpu.memory_space<hbm>>
    tpu.wait_indirect_dma semaphore(%arg31 : memref<!tpu.dma_semaphore, #tpu.memory_space<semaphore_mem>>) src(%dma_wait3A_57 : memref<4160x16xf32, #tpu.memory_space<hbm>>) dst(%arg29 : memref<128x16xf32, #tpu.memory_space<vmem>>)
    %scan3A_58 = arith.constant 0 : i32
    %scan3A_59 = arith.constant 0 : i32
    %scan3A_60 = arith.constant 128 : i32
    %scan3A_61 = arith.addi %scan3A_59, %scan3A_60 : i32
    %scan3A_62 = arith.constant 1 : i32
    %scan3A_63 = scf.for %scan3A_92 = %scan3A_59 to %scan3A_61 step %scan3A_62 iter_args(%scan3A_93 = %scan3A_58) -> (i32)  : i32 {
      %get3A = arith.index_cast %scan3A_92 : i32 to index
      %get3A_94 = arith.constant 0 : index
      %get3A_95 = tpu.vector_load %arg28[%get3A, %get3A_94] {strides = array<i32>} : memref<128x16xf32, #tpu.memory_space<vmem>>, vector<16xf32>,
      %get3A_96 = arith.index_cast %scan3A_92 : i32 to index
      %get3A_97 = arith.constant 0 : index
      %get3A_98 = tpu.vector_load %arg29[%get3A_96, %get3A_97] {strides = array<i32>} : memref<128x16xf32, #tpu.memory_space<vmem>>, vector<16xf32>,
      %add3A_99 = arith.addf %get3A_95, %get3A_98 : vector<16xf32>
      %swap3A = arith.index_cast %scan3A_92 : i32 to index
      %swap3A_100 = arith.constant 0 : index
      %swap3A_101 = tpu.vector_load %arg28[%swap3A, %swap3A_100] {strides = array<i32>} : memref<128x16xf32, #tpu.memory_space<vmem>>, vector<16xf32>,
      tpu.vector_store %arg28[%swap3A, %swap3A_100], %add3A_99 {strides = array<i32>} : memref<128x16xf32, #tpu.memory_space<vmem>>, vector<16xf32>,
      %scan3A_102 = arith.constant 0 : i32
      scf.yield %scan3A_102 : i32
    }
    %scan3A_64 = arith.constant 128 : i32
    "tpu.region"() ({
      %run_scoped3A = tpu.sem_alloc : memref<!tpu.dma_semaphore, #tpu.memory_space<semaphore_mem>>
      %dma_start3A_92 = arith.constant 0 : i32
      %dma_start3A_93 = tpu.memref_slice %arg18[%mul3A_2, %dma_start3A_92] : memref<4096x16xf32, #tpu.memory_space<hbm>> -> memref<128x16xf32, #tpu.memory_space<hbm>>
      %dma_start3A_94 = arith.constant 0 : i32
      %dma_start3A_95 = tpu.memref_slice %arg18[%mul3A_2, %dma_start3A_94] : memref<4096x16xf32, #tpu.memory_space<hbm>> -> memref<128x16xf32, #tpu.memory_space<hbm>>
      tpu.enqueue_dma source(%arg28 : memref<128x16xf32, #tpu.memory_space<vmem>>) target(%dma_start3A_95 : memref<128x16xf32, #tpu.memory_space<hbm>>) target_semaphore(%run_scoped3A : memref<!tpu.dma_semaphore, #tpu.memory_space<semaphore_mem>>)
      %dma_wait3A_96 = arith.constant 0 : i32
      %dma_wait3A_97 = tpu.memref_slice %arg18[%mul3A_2, %dma_wait3A_96] : memref<4096x16xf32, #tpu.memory_space<hbm>> -> memref<128x16xf32, #tpu.memory_space<hbm>>
      %dma_wait3A_98 = arith.constant 0 : i32
      %dma_wait3A_99 = tpu.memref_slice %arg18[%mul3A_2, %dma_wait3A_98] : memref<4096x16xf32, #tpu.memory_space<hbm>> -> memref<128x16xf32, #tpu.memory_space<hbm>>
      tpu.wait_dma2 semaphore(%run_scoped3A : memref<!tpu.dma_semaphore, #tpu.memory_space<semaphore_mem>>) src(%arg28 : memref<128x16xf32, #tpu.memory_space<vmem>>) dst(%dma_wait3A_99 : memref<128x16xf32, #tpu.memory_space<hbm>>)
      tpu.yield
    }) : () -> ()
    %dma_start3A_65 = arith.constant 0 : i32
    %dma_start3A_66 = arith.constant 0 : i32
    %dma_start3A_67 = tpu.memref_slice %arg12[%dma_start3A_65, %dma_start3A_66] : memref<4160x16xf32, #tpu.memory_space<hbm>> -> memref<4160x16xf32, #tpu.memory_space<hbm>>
    tpu.enqueue_indirect_dma source(%dma_start3A_67 : memref<4160x16xf32, #tpu.memory_space<hbm>>) target(%arg28 : memref<128x16xf32, #tpu.memory_space<vmem>>) offsets(%arg25 : memref<128xi32, #tpu.memory_space<vmem>>) semaphore(%arg31 : memref<!tpu.dma_semaphore, #tpu.memory_space<semaphore_mem>>)
    %dma_wait3A_68 = arith.constant 0 : i32
    %dma_wait3A_69 = arith.constant 0 : i32
    %dma_wait3A_70 = tpu.memref_slice %arg12[%dma_wait3A_68, %dma_wait3A_69] : memref<4160x16xf32, #tpu.memory_space<hbm>> -> memref<4160x16xf32, #tpu.memory_space<hbm>>
    tpu.wait_indirect_dma semaphore(%arg31 : memref<!tpu.dma_semaphore, #tpu.memory_space<semaphore_mem>>) src(%dma_wait3A_70 : memref<4160x16xf32, #tpu.memory_space<hbm>>) dst(%arg28 : memref<128x16xf32, #tpu.memory_space<vmem>>)
    %dma_start3A_71 = arith.constant 0 : i32
    %dma_start3A_72 = arith.constant 0 : i32
    %dma_start3A_73 = tpu.memref_slice %arg13[%dma_start3A_71, %dma_start3A_72] : memref<4160x16xf32, #tpu.memory_space<hbm>> -> memref<4160x16xf32, #tpu.memory_space<hbm>>
    tpu.enqueue_indirect_dma source(%dma_start3A_73 : memref<4160x16xf32, #tpu.memory_space<hbm>>) target(%arg29 : memref<128x16xf32, #tpu.memory_space<vmem>>) offsets(%arg25 : memref<128xi32, #tpu.memory_space<vmem>>) semaphore(%arg31 : memref<!tpu.dma_semaphore, #tpu.memory_space<semaphore_mem>>)
    %dma_wait3A_74 = arith.constant 0 : i32
    %dma_wait3A_75 = arith.constant 0 : i32
    %dma_wait3A_76 = tpu.memref_slice %arg13[%dma_wait3A_74, %dma_wait3A_75] : memref<4160x16xf32, #tpu.memory_space<hbm>> -> memref<4160x16xf32, #tpu.memory_space<hbm>>
    tpu.wait_indirect_dma semaphore(%arg31 : memref<!tpu.dma_semaphore, #tpu.memory_space<semaphore_mem>>) src(%dma_wait3A_76 : memref<4160x16xf32, #tpu.memory_space<hbm>>) dst(%arg29 : memref<128x16xf32, #tpu.memory_space<vmem>>)
    %scan3A_77 = arith.constant 0 : i32
    %scan3A_78 = arith.constant 0 : i32
    %scan3A_79 = arith.constant 128 : i32
    %scan3A_80 = arith.addi %scan3A_78, %scan3A_79 : i32
    %scan3A_81 = arith.constant 1 : i32
    %scan3A_82 = scf.for %scan3A_92 = %scan3A_78 to %scan3A_80 step %scan3A_81 iter_args(%scan3A_93 = %scan3A_77) -> (i32)  : i32 {
      %get3A = arith.index_cast %scan3A_92 : i32 to index
      %get3A_94 = arith.constant 0 : index
      %get3A_95 = tpu.vector_load %arg28[%get3A, %get3A_94] {strides = array<i32>} : memref<128x16xf32, #tpu.memory_space<vmem>>, vector<16xf32>,
      %get3A_96 = arith.index_cast %scan3A_92 : i32 to index
      %get3A_97 = arith.constant 0 : index
      %get3A_98 = tpu.vector_load %arg29[%get3A_96, %get3A_97] {strides = array<i32>} : memref<128x16xf32, #tpu.memory_space<vmem>>, vector<16xf32>,
      %add3A_99 = arith.addf %get3A_95, %get3A_98 : vector<16xf32>
      %swap3A = arith.index_cast %scan3A_92 : i32 to index
      %swap3A_100 = arith.constant 0 : index
      %swap3A_101 = tpu.vector_load %arg28[%swap3A, %swap3A_100] {strides = array<i32>} : memref<128x16xf32, #tpu.memory_space<vmem>>, vector<16xf32>,
      tpu.vector_store %arg28[%swap3A, %swap3A_100], %add3A_99 {strides = array<i32>} : memref<128x16xf32, #tpu.memory_space<vmem>>, vector<16xf32>,
      %scan3A_102 = arith.constant 0 : i32
      scf.yield %scan3A_102 : i32
    }
    %scan3A_83 = arith.constant 128 : i32
    "tpu.region"() ({
      %run_scoped3A = tpu.sem_alloc : memref<!tpu.dma_semaphore, #tpu.memory_space<semaphore_mem>>
      %dma_start3A_92 = arith.constant 0 : i32
      %dma_start3A_93 = tpu.memref_slice %arg19[%mul3A_2, %dma_start3A_92] : memref<4096x16xf32, #tpu.memory_space<hbm>> -> memref<128x16xf32, #tpu.memory_space<hbm>>
      %dma_start3A_94 = arith.constant 0 : i32
      %dma_start3A_95 = tpu.memref_slice %arg19[%mul3A_2, %dma_start3A_94] : memref<4096x16xf32, #tpu.memory_space<hbm>> -> memref<128x16xf32, #tpu.memory_space<hbm>>
      tpu.enqueue_dma source(%arg28 : memref<128x16xf32, #tpu.memory_space<vmem>>) target(%dma_start3A_95 : memref<128x16xf32, #tpu.memory_space<hbm>>) target_semaphore(%run_scoped3A : memref<!tpu.dma_semaphore, #tpu.memory_space<semaphore_mem>>)
      %dma_wait3A_96 = arith.constant 0 : i32
      %dma_wait3A_97 = tpu.memref_slice %arg19[%mul3A_2, %dma_wait3A_96] : memref<4096x16xf32, #tpu.memory_space<hbm>> -> memref<128x16xf32, #tpu.memory_space<hbm>>
      %dma_wait3A_98 = arith.constant 0 : i32
      %dma_wait3A_99 = tpu.memref_slice %arg19[%mul3A_2, %dma_wait3A_98] : memref<4096x16xf32, #tpu.memory_space<hbm>> -> memref<128x16xf32, #tpu.memory_space<hbm>>
      tpu.wait_dma2 semaphore(%run_scoped3A : memref<!tpu.dma_semaphore, #tpu.memory_space<semaphore_mem>>) src(%arg28 : memref<128x16xf32, #tpu.memory_space<vmem>>) dst(%dma_wait3A_99 : memref<128x16xf32, #tpu.memory_space<hbm>>)
      tpu.yield
    }) : () -> ()
    %dma_start3A_84 = arith.constant 0 : i32
    %dma_start3A_85 = tpu.memref_slice %arg14[%dma_start3A_84] : memref<100000xf32, #tpu.memory_space<hbm>> -> memref<100000xf32, #tpu.memory_space<hbm>>
    tpu.enqueue_indirect_dma source(%dma_start3A_85 : memref<100000xf32, #tpu.memory_space<hbm>>) target(%arg30 : memref<128xf32, #tpu.memory_space<vmem>>) offsets(%arg22 : memref<128xi32, #tpu.memory_space<vmem>>) semaphore(%arg31 : memref<!tpu.dma_semaphore, #tpu.memory_space<semaphore_mem>>)
    %dma_wait3A_86 = arith.constant 0 : i32
    %dma_wait3A_87 = tpu.memref_slice %arg14[%dma_wait3A_86] : memref<100000xf32, #tpu.memory_space<hbm>> -> memref<100000xf32, #tpu.memory_space<hbm>>
    tpu.wait_indirect_dma semaphore(%arg31 : memref<!tpu.dma_semaphore, #tpu.memory_space<semaphore_mem>>) src(%dma_wait3A_87 : memref<100000xf32, #tpu.memory_space<hbm>>) dst(%arg30 : memref<128xf32, #tpu.memory_space<vmem>>)
    "tpu.region"() ({
      %run_scoped3A = tpu.sem_alloc : memref<!tpu.dma_semaphore, #tpu.memory_space<semaphore_mem>>
      %dma_start3A_92 = tpu.memref_slice %arg20[%mul3A_2] : memref<4096xf32, #tpu.memory_space<hbm>> -> memref<128xf32, #tpu.memory_space<hbm>>
      %dma_start3A_93 = tpu.memref_slice %arg20[%mul3A_2] : memref<4096xf32, #tpu.memory_space<hbm>> -> memref<128xf32, #tpu.memory_space<hbm>>
      tpu.enqueue_dma source(%arg30 : memref<128xf32, #tpu.memory_space<vmem>>) target(%dma_start3A_93 : memref<128xf32, #tpu.memory_space<hbm>>) target_semaphore(%run_scoped3A : memref<!tpu.dma_semaphore, #tpu.memory_space<semaphore_mem>>)
      %dma_wait3A_94 = tpu.memref_slice %arg20[%mul3A_2] : memref<4096xf32, #tpu.memory_space<hbm>> -> memref<128xf32, #tpu.memory_space<hbm>>
      %dma_wait3A_95 = tpu.memref_slice %arg20[%mul3A_2] : memref<4096xf32, #tpu.memory_space<hbm>> -> memref<128xf32, #tpu.memory_space<hbm>>
      tpu.wait_dma2 semaphore(%run_scoped3A : memref<!tpu.dma_semaphore, #tpu.memory_space<semaphore_mem>>) src(%arg30 : memref<128xf32, #tpu.memory_space<vmem>>) dst(%dma_wait3A_95 : memref<128xf32, #tpu.memory_space<hbm>>)
      tpu.yield
    }) : () -> ()
    %dma_start3A_88 = arith.constant 0 : i32
    %dma_start3A_89 = tpu.memref_slice %arg15[%dma_start3A_88] : memref<100000xf32, #tpu.memory_space<hbm>> -> memref<100000xf32, #tpu.memory_space<hbm>>
    tpu.enqueue_indirect_dma source(%dma_start3A_89 : memref<100000xf32, #tpu.memory_space<hbm>>) target(%arg30 : memref<128xf32, #tpu.memory_space<vmem>>) offsets(%arg23 : memref<128xi32, #tpu.memory_space<vmem>>) semaphore(%arg31 : memref<!tpu.dma_semaphore, #tpu.memory_space<semaphore_mem>>)
    %dma_wait3A_90 = arith.constant 0 : i32
    %dma_wait3A_91 = tpu.memref_slice %arg15[%dma_wait3A_90] : memref<100000xf32, #tpu.memory_space<hbm>> -> memref<100000xf32, #tpu.memory_space<hbm>>
    tpu.wait_indirect_dma semaphore(%arg31 : memref<!tpu.dma_semaphore, #tpu.memory_space<semaphore_mem>>) src(%dma_wait3A_91 : memref<100000xf32, #tpu.memory_space<hbm>>) dst(%arg30 : memref<128xf32, #tpu.memory_space<vmem>>)
    "tpu.region"() ({
      %run_scoped3A = tpu.sem_alloc : memref<!tpu.dma_semaphore, #tpu.memory_space<semaphore_mem>>
      %dma_start3A_92 = tpu.memref_slice %arg21[%mul3A_2] : memref<4096xf32, #tpu.memory_space<hbm>> -> memref<128xf32, #tpu.memory_space<hbm>>
      %dma_start3A_93 = tpu.memref_slice %arg21[%mul3A_2] : memref<4096xf32, #tpu.memory_space<hbm>> -> memref<128xf32, #tpu.memory_space<hbm>>
      tpu.enqueue_dma source(%arg30 : memref<128xf32, #tpu.memory_space<vmem>>) target(%dma_start3A_93 : memref<128xf32, #tpu.memory_space<hbm>>) target_semaphore(%run_scoped3A : memref<!tpu.dma_semaphore, #tpu.memory_space<semaphore_mem>>)
      %dma_wait3A_94 = tpu.memref_slice %arg21[%mul3A_2] : memref<4096xf32, #tpu.memory_space<hbm>> -> memref<128xf32, #tpu.memory_space<hbm>>
      %dma_wait3A_95 = tpu.memref_slice %arg21[%mul3A_2] : memref<4096xf32, #tpu.memory_space<hbm>> -> memref<128xf32, #tpu.memory_space<hbm>>
      tpu.wait_dma2 semaphore(%run_scoped3A : memref<!tpu.dma_semaphore, #tpu.memory_space<semaphore_mem>>) src(%arg30 : memref<128xf32, #tpu.memory_space<vmem>>) dst(%dma_wait3A_95 : memref<128xf32, #tpu.memory_space<hbm>>)
      tpu.yield
    }) : () -> ()
    return
  }
}

module attributes {stable_mosaic.version = 14 : i64} {
  func.func @_t1_body(%arg0: i32, %arg1: i32, %arg2: memref<1x128x100x64xf32, #tpu.memory_space<vmem>>, %arg3: memref<128x64xf32, #tpu.memory_space<vmem>>, %arg4: memref<128x1xf32, #tpu.memory_space<vmem>>, %arg5: memref<1x64x64xf32, #tpu.memory_space<vmem>>, %arg6: memref<1x64x64xf32, #tpu.memory_space<vmem>>, %arg7: memref<1x64x64xf32, #tpu.memory_space<vmem>>, %arg8: memref<1x64x64xf32, #tpu.memory_space<vmem>>, %arg9: memref<1x128x64xf32, #tpu.memory_space<vmem>>) attributes {dimension_semantics = [#tpu.dimension_semantics<arbitrary>, #tpu.dimension_semantics<arbitrary>], iteration_bounds = array<i64: 4, 32>, scalar_prefetch = 0 : i64, scratch_operands = 0 : i64, tpu.core_type = #tpu.core_type<tc>, window_params = [{transform_indices = @transform_0, window_bounds = array<i64: 1, 128, 100, 64>}, {transform_indices = @transform_1, window_bounds = array<i64: 128, 64>}, {transform_indices = @transform_2, window_bounds = array<i64: 128, 1>}, {transform_indices = @transform_3, window_bounds = array<i64: 1, 64, 64>}, {transform_indices = @transform_4, window_bounds = array<i64: 1, 64, 64>}, {transform_indices = @transform_5, window_bounds = array<i64: 1, 64, 64>}, {transform_indices = @transform_6, window_bounds = array<i64: 1, 64, 64>}, {transform_indices = @transform_7, window_bounds = array<i64: 1, 128, 64>}]} {
    %get3A = arith.constant 0 : index
    %get3A_0 = arith.constant 0 : index
    %get3A_1 = arith.constant 0 : index
    %get3A_2 = arith.constant 0 : index
    %get3A_3 = vector.load %arg2[%get3A, %get3A_0, %get3A_1, %get3A_2] : memref<1x128x100x64xf32, #tpu.memory_space<vmem>>, vector<1x128x100x64xf32>
    %get3A_4 = vector.shape_cast %get3A_3 : vector<1x128x100x64xf32> to vector<128x100x64xf32>
    %get3A_5 = arith.constant 0 : index
    %get3A_6 = arith.constant 0 : index
    %get3A_7 = vector.load %arg3[%get3A_5, %get3A_6] : memref<128x64xf32, #tpu.memory_space<vmem>>, vector<128x64xf32>
    %get3A_8 = arith.constant 0 : index
    %get3A_9 = arith.constant 0 : index
    %get3A_10 = vector.load %arg4[%get3A_8, %get3A_9] : memref<128x1xf32, #tpu.memory_space<vmem>>, vector<128x1xf32>
    %div3A = vector.broadcast %get3A_10 : vector<128x1xf32> to vector<128x64xf32>
    %div3A_11 = arith.divf %get3A_7, %div3A : vector<128x64xf32>
    %get3A_12 = arith.constant 0 : index
    %get3A_13 = arith.constant 0 : index
    %get3A_14 = arith.constant 0 : index
    %get3A_15 = vector.load %arg5[%get3A_12, %get3A_13, %get3A_14] : memref<1x64x64xf32, #tpu.memory_space<vmem>>, vector<1x64x64xf32>
    %get3A_16 = vector.shape_cast %get3A_15 : vector<1x64x64xf32> to vector<64x64xf32>
    %dot_general3A = arith.constant dense<0.000000e+00> : vector<128x64xf32>
    %dot_general3A_17 = tpu.matmul %div3A_11, %get3A_16, %dot_general3A {dimension_numbers = #tpu.dot_dimension_numbers<[1], [0], [0], [1], [0, 0, 1, 1], [], []>, transpose_lhs_hint = false} : vector<128x64xf32>, vector<64x64xf32>, vector<128x64xf32> -> vector<128x64xf32>
    %get3A_18 = arith.constant 0 : index
    %get3A_19 = arith.constant 0 : index
    %get3A_20 = arith.constant 0 : index
    %get3A_21 = vector.load %arg6[%get3A_18, %get3A_19, %get3A_20] : memref<1x64x64xf32, #tpu.memory_space<vmem>>, vector<1x64x64xf32>
    %get3A_22 = vector.shape_cast %get3A_21 : vector<1x64x64xf32> to vector<64x64xf32>
    %dot_general3A_23 = arith.constant dense<0.000000e+00> : vector<128x64xf32>
    %dot_general3A_24 = tpu.matmul %dot_general3A_17, %get3A_22, %dot_general3A_23 {dimension_numbers = #tpu.dot_dimension_numbers<[1], [0], [0], [1], [0, 0, 1, 1], [], []>, precision = #tpu.contract_precision<fp32>, transpose_lhs_hint = false} : vector<128x64xf32>, vector<64x64xf32>, vector<128x64xf32> -> vector<128x64xf32>
    %broadcast_in_dim3A = vector.shape_cast %dot_general3A_24 : vector<128x64xf32> to vector<128x1x64xf32>
    %mul3A = vector.broadcast %broadcast_in_dim3A : vector<128x1x64xf32> to vector<128x100x64xf32>
    %mul3A_25 = arith.mulf %get3A_4, %mul3A : vector<128x100x64xf32>
    %reduce_sum3A = arith.constant dense<0.000000e+00> : vector<128x100xf32>
    %reduce_sum3A_26 = vector.multi_reduction <add>, %mul3A_25, %reduce_sum3A [2] : vector<128x100x64xf32> to vector<128x100xf32>
    %reduce_max3A = arith.constant dense<0xFF800000> : vector<128xf32>
    %reduce_max3A_27 = vector.multi_reduction <maximumf>, %reduce_sum3A_26, %reduce_max3A [1] : vector<128x100xf32> to vector<128xf32>
    %broadcast_in_dim3A_28 = vector.shape_cast %reduce_max3A_27 : vector<128xf32> to vector<128x1xf32>
    %sub3A = vector.broadcast %broadcast_in_dim3A_28 : vector<128x1xf32> to vector<128x100xf32>
    %sub3A_29 = arith.subf %reduce_sum3A_26, %sub3A : vector<128x100xf32>
    %exp3A = math.exp %sub3A_29 : vector<128x100xf32>
    %reduce_sum3A_30 = arith.constant dense<0.000000e+00> : vector<128xf32>
    %reduce_sum3A_31 = vector.multi_reduction <add>, %exp3A, %reduce_sum3A_30 [1] : vector<128x100xf32> to vector<128xf32>
    %broadcast_in_dim3A_32 = vector.shape_cast %reduce_sum3A_31 : vector<128xf32> to vector<128x1xf32>
    %div3A_33 = vector.broadcast %broadcast_in_dim3A_32 : vector<128x1xf32> to vector<128x100xf32>
    %div3A_34 = arith.divf %exp3A, %div3A_33 : vector<128x100xf32>
    %broadcast_in_dim3A_35 = vector.shape_cast %div3A_34 : vector<128x100xf32> to vector<128x100x1xf32>
    %mul3A_36 = vector.broadcast %broadcast_in_dim3A_35 : vector<128x100x1xf32> to vector<128x100x64xf32>
    %mul3A_37 = arith.mulf %get3A_4, %mul3A_36 : vector<128x100x64xf32>
    %reduce_sum3A_38 = arith.constant dense<0.000000e+00> : vector<128x64xf32>
    %reduce_sum3A_39 = vector.multi_reduction <add>, %mul3A_37, %reduce_sum3A_38 [1] : vector<128x100x64xf32> to vector<128x64xf32>
    %get3A_40 = arith.constant 0 : index
    %get3A_41 = arith.constant 0 : index
    %get3A_42 = arith.constant 0 : index
    %get3A_43 = vector.load %arg7[%get3A_40, %get3A_41, %get3A_42] : memref<1x64x64xf32, #tpu.memory_space<vmem>>, vector<1x64x64xf32>
    %get3A_44 = vector.shape_cast %get3A_43 : vector<1x64x64xf32> to vector<64x64xf32>
    %dot_general3A_45 = arith.constant dense<0.000000e+00> : vector<128x64xf32>
    %dot_general3A_46 = tpu.matmul %reduce_sum3A_39, %get3A_44, %dot_general3A_45 {dimension_numbers = #tpu.dot_dimension_numbers<[1], [0], [0], [1], [0, 0, 1, 1], [], []>, precision = #tpu.contract_precision<fp32>, transpose_lhs_hint = false} : vector<128x64xf32>, vector<64x64xf32>, vector<128x64xf32> -> vector<128x64xf32>
    %get3A_47 = arith.constant 0 : index
    %get3A_48 = arith.constant 0 : index
    %get3A_49 = arith.constant 0 : index
    %get3A_50 = vector.load %arg8[%get3A_47, %get3A_48, %get3A_49] : memref<1x64x64xf32, #tpu.memory_space<vmem>>, vector<1x64x64xf32>
    %get3A_51 = vector.shape_cast %get3A_50 : vector<1x64x64xf32> to vector<64x64xf32>
    %dot_general3A_52 = arith.constant dense<0.000000e+00> : vector<128x64xf32>
    %dot_general3A_53 = tpu.matmul %dot_general3A_46, %get3A_51, %dot_general3A_52 {dimension_numbers = #tpu.dot_dimension_numbers<[1], [0], [0], [1], [0, 0, 1, 1], [], []>, transpose_lhs_hint = false} : vector<128x64xf32>, vector<64x64xf32>, vector<128x64xf32> -> vector<128x64xf32>
    %swap3A = arith.constant 0 : index
    %swap3A_54 = arith.constant 0 : index
    %swap3A_55 = arith.constant 0 : index
    %swap3A_56 = vector.load %arg9[%swap3A, %swap3A_54, %swap3A_55] : memref<1x128x64xf32, #tpu.memory_space<vmem>>, vector<1x128x64xf32>
    %swap3A_57 = vector.shape_cast %swap3A_56 : vector<1x128x64xf32> to vector<128x64xf32>
    %swap3A_58 = vector.shape_cast %dot_general3A_53 : vector<128x64xf32> to vector<1x128x64xf32>
    tpu.vector_store %arg9[%swap3A, %swap3A_54, %swap3A_55], %swap3A_58 {strides = array<i32>} : memref<1x128x64xf32, #tpu.memory_space<vmem>>, vector<1x128x64xf32>,
    return
  }
  func.func @transform_0(%arg0: i32, %arg1: i32) -> (i32, i32, i32, i32) {
    %c0_i32 = arith.constant 0 : i32
    %c0_i32_0 = arith.constant 0 : i32
    %c0_i32_1 = arith.constant 0 : i32
    return %arg0, %arg1, %c0_i32, %c0_i32_0 : i32, i32, i32, i32
  }
  func.func @transform_1(%arg0: i32, %arg1: i32) -> (i32, i32) {
    %c0_i32 = arith.constant 0 : i32
    %c0_i32_0 = arith.constant 0 : i32
    return %arg1, %c0_i32 : i32, i32
  }
  func.func @transform_2(%arg0: i32, %arg1: i32) -> (i32, i32) {
    %c0_i32 = arith.constant 0 : i32
    %c0_i32_0 = arith.constant 0 : i32
    return %arg1, %c0_i32 : i32, i32
  }
  func.func @transform_3(%arg0: i32, %arg1: i32) -> (i32, i32, i32) {
    %c0_i32 = arith.constant 0 : i32
    %c0_i32_0 = arith.constant 0 : i32
    %c0_i32_1 = arith.constant 0 : i32
    return %arg0, %c0_i32, %c0_i32_0 : i32, i32, i32
  }
  func.func @transform_4(%arg0: i32, %arg1: i32) -> (i32, i32, i32) {
    %c0_i32 = arith.constant 0 : i32
    %c0_i32_0 = arith.constant 0 : i32
    %c0_i32_1 = arith.constant 0 : i32
    return %arg0, %c0_i32, %c0_i32_0 : i32, i32, i32
  }
  func.func @transform_5(%arg0: i32, %arg1: i32) -> (i32, i32, i32) {
    %c0_i32 = arith.constant 0 : i32
    %c0_i32_0 = arith.constant 0 : i32
    %c0_i32_1 = arith.constant 0 : i32
    return %arg0, %c0_i32, %c0_i32_0 : i32, i32, i32
  }
  func.func @transform_6(%arg0: i32, %arg1: i32) -> (i32, i32, i32) {
    %c0_i32 = arith.constant 0 : i32
    %c0_i32_0 = arith.constant 0 : i32
    %c0_i32_1 = arith.constant 0 : i32
    return %arg0, %c0_i32, %c0_i32_0 : i32, i32, i32
  }
  func.func @transform_7(%arg0: i32, %arg1: i32) -> (i32, i32, i32) {
    %c0_i32 = arith.constant 0 : i32
    %c0_i32_0 = arith.constant 0 : i32
    return %arg0, %arg1, %c0_i32 : i32, i32, i32
  }
}

module attributes {stable_mosaic.version = 14 : i64} {
  func.func @_t2_body(%arg0: i32, %arg1: memref<4x512x64xf32, #tpu.memory_space<vmem>>, %arg2: memref<512x64xf32, #tpu.memory_space<vmem>>, %arg3: memref<512x64xf32, #tpu.memory_space<vmem>>, %arg4: memref<512x64xf32, #tpu.memory_space<vmem>>, %arg5: memref<512x16xf32, #tpu.memory_space<vmem>>, %arg6: memref<512x16xf32, #tpu.memory_space<vmem>>, %arg7: memref<512x1xf32, #tpu.memory_space<vmem>>, %arg8: memref<512x1xf32, #tpu.memory_space<vmem>>, %arg9: memref<256x64xf32, #tpu.memory_space<vmem>>, %arg10: memref<64x64xf32, #tpu.memory_space<vmem>>, %arg11: memref<1x64xf32, #tpu.memory_space<vmem>>, %arg12: memref<64x64xf32, #tpu.memory_space<vmem>>, %arg13: memref<1x64xf32, #tpu.memory_space<vmem>>, %arg14: memref<256x128xf32, #tpu.memory_space<vmem>>, %arg15: memref<1x128xf32, #tpu.memory_space<vmem>>, %arg16: memref<128x64xf32, #tpu.memory_space<vmem>>, %arg17: memref<1x64xf32, #tpu.memory_space<vmem>>, %arg18: memref<1x64xf32, #tpu.memory_space<vmem>>, %arg19: memref<1x1xf32, #tpu.memory_space<vmem>>, %arg20: memref<512x1xf32, #tpu.memory_space<vmem>>) attributes {dimension_semantics = [#tpu.dimension_semantics<arbitrary>], iteration_bounds = array<i64: 8>, scalar_prefetch = 0 : i64, scratch_operands = 0 : i64, tpu.core_type = #tpu.core_type<tc>, window_params = [{transform_indices = @transform_0, window_bounds = array<i64: 4, 512, 64>}, {transform_indices = @transform_1, window_bounds = array<i64: 512, 64>}, {transform_indices = @transform_2, window_bounds = array<i64: 512, 64>}, {transform_indices = @transform_3, window_bounds = array<i64: 512, 64>}, {transform_indices = @transform_4, window_bounds = array<i64: 512, 16>}, {transform_indices = @transform_5, window_bounds = array<i64: 512, 16>}, {transform_indices = @transform_6, window_bounds = array<i64: 512, 1>}, {transform_indices = @transform_7, window_bounds = array<i64: 512, 1>}, {pipeline_mode = #tpu.pipeline_mode<synchronous>, transform_indices = @transform_8, window_bounds = array<i64: 256, 64>}, {pipeline_mode = #tpu.pipeline_mode<synchronous>, transform_indices = @transform_9, window_bounds = array<i64: 64, 64>}, {pipeline_mode = #tpu.pipeline_mode<synchronous>, transform_indices = @transform_10, window_bounds = array<i64: 1, 64>}, {pipeline_mode = #tpu.pipeline_mode<synchronous>, transform_indices = @transform_11, window_bounds = array<i64: 64, 64>}, {pipeline_mode = #tpu.pipeline_mode<synchronous>, transform_indices = @transform_12, window_bounds = array<i64: 1, 64>}, {pipeline_mode = #tpu.pipeline_mode<synchronous>, transform_indices = @transform_13, window_bounds = array<i64: 256, 128>}, {pipeline_mode = #tpu.pipeline_mode<synchronous>, transform_indices = @transform_14, window_bounds = array<i64: 1, 128>}, {pipeline_mode = #tpu.pipeline_mode<synchronous>, transform_indices = @transform_15, window_bounds = array<i64: 128, 64>}, {pipeline_mode = #tpu.pipeline_mode<synchronous>, transform_indices = @transform_16, window_bounds = array<i64: 1, 64>}, {pipeline_mode = #tpu.pipeline_mode<synchronous>, transform_indices = @transform_17, window_bounds = array<i64: 1, 64>}, {pipeline_mode = #tpu.pipeline_mode<synchronous>, transform_indices = @transform_18, window_bounds = array<i64: 1, 1>}, {transform_indices = @transform_19, window_bounds = array<i64: 512, 1>}]} {
    %broadcast_in_dim3A = arith.constant 0.000000e+00 : f32
    %broadcast_in_dim3A_0 = vector.broadcast %broadcast_in_dim3A : f32 to vector<512x64xf32>
    %get3A = arith.constant 0 : index
    %get3A_1 = arith.constant 0 : index
    %get3A_2 = arith.constant 0 : index
    %get3A_3 = vector.load %arg1[%get3A, %get3A_1, %get3A_2] : memref<4x512x64xf32, #tpu.memory_space<vmem>>, vector<1x512x64xf32>
    %get3A_4 = vector.shape_cast %get3A_3 : vector<1x512x64xf32> to vector<512x64xf32>
    %get3A_5 = arith.constant 0 : index
    %get3A_6 = arith.constant 0 : index
    %get3A_7 = vector.load %arg9[%get3A_5, %get3A_6] : memref<256x64xf32, #tpu.memory_space<vmem>>, vector<64x64xf32>
    %dot_general3A = arith.constant dense<0.000000e+00> : vector<512x64xf32>
    %dot_general3A_8 = tpu.matmul %get3A_4, %get3A_7, %dot_general3A {dimension_numbers = #tpu.dot_dimension_numbers<[1], [0], [0], [1], [0, 0, 1, 1], [], []>, transpose_lhs_hint = false} : vector<512x64xf32>, vector<64x64xf32>, vector<512x64xf32> -> vector<512x64xf32>
    %add3A = arith.addf %broadcast_in_dim3A_0, %dot_general3A_8 : vector<512x64xf32>
    %get3A_9 = arith.constant 1 : index
    %get3A_10 = arith.constant 0 : index
    %get3A_11 = arith.constant 0 : index
    %get3A_12 = vector.load %arg1[%get3A_9, %get3A_10, %get3A_11] : memref<4x512x64xf32, #tpu.memory_space<vmem>>, vector<1x512x64xf32>
    %get3A_13 = vector.shape_cast %get3A_12 : vector<1x512x64xf32> to vector<512x64xf32>
    %get3A_14 = arith.constant 64 : index
    %get3A_15 = arith.constant 0 : index
    %get3A_16 = vector.load %arg9[%get3A_14, %get3A_15] : memref<256x64xf32, #tpu.memory_space<vmem>>, vector<64x64xf32>
    %dot_general3A_17 = arith.constant dense<0.000000e+00> : vector<512x64xf32>
    %dot_general3A_18 = tpu.matmul %get3A_13, %get3A_16, %dot_general3A_17 {dimension_numbers = #tpu.dot_dimension_numbers<[1], [0], [0], [1], [0, 0, 1, 1], [], []>, transpose_lhs_hint = false} : vector<512x64xf32>, vector<64x64xf32>, vector<512x64xf32> -> vector<512x64xf32>
    %add3A_19 = arith.addf %add3A, %dot_general3A_18 : vector<512x64xf32>
    %get3A_20 = arith.constant 2 : index
    %get3A_21 = arith.constant 0 : index
    %get3A_22 = arith.constant 0 : index
    %get3A_23 = vector.load %arg1[%get3A_20, %get3A_21, %get3A_22] : memref<4x512x64xf32, #tpu.memory_space<vmem>>, vector<1x512x64xf32>
    %get3A_24 = vector.shape_cast %get3A_23 : vector<1x512x64xf32> to vector<512x64xf32>
    %get3A_25 = arith.constant 128 : index
    %get3A_26 = arith.constant 0 : index
    %get3A_27 = vector.load %arg9[%get3A_25, %get3A_26] : memref<256x64xf32, #tpu.memory_space<vmem>>, vector<64x64xf32>
    %dot_general3A_28 = arith.constant dense<0.000000e+00> : vector<512x64xf32>
    %dot_general3A_29 = tpu.matmul %get3A_24, %get3A_27, %dot_general3A_28 {dimension_numbers = #tpu.dot_dimension_numbers<[1], [0], [0], [1], [0, 0, 1, 1], [], []>, transpose_lhs_hint = false} : vector<512x64xf32>, vector<64x64xf32>, vector<512x64xf32> -> vector<512x64xf32>
    %add3A_30 = arith.addf %add3A_19, %dot_general3A_29 : vector<512x64xf32>
    %get3A_31 = arith.constant 3 : index
    %get3A_32 = arith.constant 0 : index
    %get3A_33 = arith.constant 0 : index
    %get3A_34 = vector.load %arg1[%get3A_31, %get3A_32, %get3A_33] : memref<4x512x64xf32, #tpu.memory_space<vmem>>, vector<1x512x64xf32>
    %get3A_35 = vector.shape_cast %get3A_34 : vector<1x512x64xf32> to vector<512x64xf32>
    %get3A_36 = arith.constant 192 : index
    %get3A_37 = arith.constant 0 : index
    %get3A_38 = vector.load %arg9[%get3A_36, %get3A_37] : memref<256x64xf32, #tpu.memory_space<vmem>>, vector<64x64xf32>
    %dot_general3A_39 = arith.constant dense<0.000000e+00> : vector<512x64xf32>
    %dot_general3A_40 = tpu.matmul %get3A_35, %get3A_38, %dot_general3A_39 {dimension_numbers = #tpu.dot_dimension_numbers<[1], [0], [0], [1], [0, 0, 1, 1], [], []>, transpose_lhs_hint = false} : vector<512x64xf32>, vector<64x64xf32>, vector<512x64xf32> -> vector<512x64xf32>
    %add3A_41 = arith.addf %add3A_30, %dot_general3A_40 : vector<512x64xf32>
    %get3A_42 = arith.constant 0 : index
    %get3A_43 = arith.constant 0 : index
    %get3A_44 = vector.load %arg2[%get3A_42, %get3A_43] : memref<512x64xf32, #tpu.memory_space<vmem>>, vector<512x64xf32>
    %get3A_45 = arith.constant 0 : index
    %get3A_46 = arith.constant 0 : index
    %get3A_47 = vector.load %arg5[%get3A_45, %get3A_46] : memref<512x16xf32, #tpu.memory_space<vmem>>, vector<512x1xf32>
    %add3A_48 = arith.constant 1.000000e+00 : f32
    %add3A_49 = vector.broadcast %add3A_48 : f32 to vector<512x1xf32>
    %add3A_50 = arith.addf %get3A_47, %add3A_49 : vector<512x1xf32>
    %get3A_51 = arith.constant 0 : index
    %get3A_52 = arith.constant 0 : index
    %get3A_53 = vector.load %arg6[%get3A_51, %get3A_52] : memref<512x16xf32, #tpu.memory_space<vmem>>, vector<512x1xf32>
    %add3A_54 = arith.constant 1.000000e+00 : f32
    %add3A_55 = vector.broadcast %add3A_54 : f32 to vector<512x1xf32>
    %add3A_56 = arith.addf %get3A_53, %add3A_55 : vector<512x1xf32>
    %get3A_57 = arith.constant 0 : index
    %get3A_58 = arith.constant 0 : index
    %get3A_59 = vector.load %arg3[%get3A_57, %get3A_58] : memref<512x64xf32, #tpu.memory_space<vmem>>, vector<512x64xf32>
    %div3A = vector.broadcast %add3A_50 : vector<512x1xf32> to vector<512x64xf32>
    %div3A_60 = arith.divf %get3A_59, %div3A : vector<512x64xf32>
    %get3A_61 = arith.constant 0 : index
    %get3A_62 = arith.constant 0 : index
    %get3A_63 = vector.load %arg4[%get3A_61, %get3A_62] : memref<512x64xf32, #tpu.memory_space<vmem>>, vector<512x64xf32>
    %div3A_64 = vector.broadcast %add3A_56 : vector<512x1xf32> to vector<512x64xf32>
    %div3A_65 = arith.divf %get3A_63, %div3A_64 : vector<512x64xf32>
    %get3A_66 = arith.constant 0 : index
    %get3A_67 = arith.constant 0 : index
    %get3A_68 = vector.load %arg10[%get3A_66, %get3A_67] : memref<64x64xf32, #tpu.memory_space<vmem>>, vector<64x64xf32>
    %dot_general3A_69 = arith.constant dense<0.000000e+00> : vector<512x64xf32>
    %dot_general3A_70 = tpu.matmul %div3A_65, %get3A_68, %dot_general3A_69 {dimension_numbers = #tpu.dot_dimension_numbers<[1], [0], [0], [1], [0, 0, 1, 1], [], []>, transpose_lhs_hint = false} : vector<512x64xf32>, vector<64x64xf32>, vector<512x64xf32> -> vector<512x64xf32>
    %get3A_71 = arith.constant 0 : index
    %get3A_72 = arith.constant 0 : index
    %get3A_73 = vector.load %arg11[%get3A_71, %get3A_72] : memref<1x64xf32, #tpu.memory_space<vmem>>, vector<1x64xf32>
    %add3A_74 = vector.broadcast %get3A_73 : vector<1x64xf32> to vector<512x64xf32>
    %add3A_75 = arith.addf %dot_general3A_70, %add3A_74 : vector<512x64xf32>
    %max3A = arith.constant 0.000000e+00 : f32
    %max3A_76 = vector.broadcast %max3A : f32 to vector<512x64xf32>
    %max3A_77 = arith.maximumf %add3A_75, %max3A_76 : vector<512x64xf32>
    %get3A_78 = arith.constant 0 : index
    %get3A_79 = arith.constant 0 : index
    %get3A_80 = vector.load %arg12[%get3A_78, %get3A_79] : memref<64x64xf32, #tpu.memory_space<vmem>>, vector<64x64xf32>
    %dot_general3A_81 = arith.constant dense<0.000000e+00> : vector<512x64xf32>
    %dot_general3A_82 = tpu.matmul %div3A_60, %get3A_80, %dot_general3A_81 {dimension_numbers = #tpu.dot_dimension_numbers<[1], [0], [0], [1], [0, 0, 1, 1], [], []>, transpose_lhs_hint = false} : vector<512x64xf32>, vector<64x64xf32>, vector<512x64xf32> -> vector<512x64xf32>
    %get3A_83 = arith.constant 0 : index
    %get3A_84 = arith.constant 0 : index
    %get3A_85 = vector.load %arg13[%get3A_83, %get3A_84] : memref<1x64xf32, #tpu.memory_space<vmem>>, vector<1x64xf32>
    %add3A_86 = vector.broadcast %get3A_85 : vector<1x64xf32> to vector<512x64xf32>
    %add3A_87 = arith.addf %dot_general3A_82, %add3A_86 : vector<512x64xf32>
    %max3A_88 = arith.constant 0.000000e+00 : f32
    %max3A_89 = vector.broadcast %max3A_88 : f32 to vector<512x64xf32>
    %max3A_90 = arith.maximumf %add3A_87, %max3A_89 : vector<512x64xf32>
    %mul3A = arith.mulf %add3A_41, %get3A_44 : vector<512x64xf32>
    %mul3A_91 = arith.mulf %add3A_41, %max3A_90 : vector<512x64xf32>
    %mul3A_92 = arith.mulf %max3A_77, %get3A_44 : vector<512x64xf32>
    %mul3A_93 = arith.mulf %max3A_77, %max3A_90 : vector<512x64xf32>
    %concatenate3A = tpu.concatenate %mul3A, %mul3A_91, %mul3A_92, %mul3A_93 in 1 : vector<512x64xf32>, vector<512x64xf32>, vector<512x64xf32>, vector<512x64xf32> -> vector<512x256xf32>
    %get3A_94 = arith.constant 0 : index
    %get3A_95 = arith.constant 0 : index
    %get3A_96 = vector.load %arg14[%get3A_94, %get3A_95] : memref<256x128xf32, #tpu.memory_space<vmem>>, vector<256x128xf32>
    %dot_general3A_97 = arith.constant dense<0.000000e+00> : vector<512x128xf32>
    %dot_general3A_98 = tpu.matmul %concatenate3A, %get3A_96, %dot_general3A_97 {dimension_numbers = #tpu.dot_dimension_numbers<[1], [0], [0], [1], [0, 0, 1, 1], [], []>, transpose_lhs_hint = false} : vector<512x256xf32>, vector<256x128xf32>, vector<512x128xf32> -> vector<512x128xf32>
    %get3A_99 = arith.constant 0 : index
    %get3A_100 = arith.constant 0 : index
    %get3A_101 = vector.load %arg15[%get3A_99, %get3A_100] : memref<1x128xf32, #tpu.memory_space<vmem>>, vector<1x128xf32>
    %add3A_102 = vector.broadcast %get3A_101 : vector<1x128xf32> to vector<512x128xf32>
    %add3A_103 = arith.addf %dot_general3A_98, %add3A_102 : vector<512x128xf32>
    %tanh3A = math.tanh %add3A_103 : vector<512x128xf32>
    %get3A_104 = arith.constant 0 : index
    %get3A_105 = arith.constant 0 : index
    %get3A_106 = vector.load %arg16[%get3A_104, %get3A_105] : memref<128x64xf32, #tpu.memory_space<vmem>>, vector<128x64xf32>
    %dot_general3A_107 = arith.constant dense<0.000000e+00> : vector<512x64xf32>
    %dot_general3A_108 = tpu.matmul %tanh3A, %get3A_106, %dot_general3A_107 {dimension_numbers = #tpu.dot_dimension_numbers<[1], [0], [0], [1], [0, 0, 1, 1], [], []>, transpose_lhs_hint = false} : vector<512x128xf32>, vector<128x64xf32>, vector<512x64xf32> -> vector<512x64xf32>
    %get3A_109 = arith.constant 0 : index
    %get3A_110 = arith.constant 0 : index
    %get3A_111 = vector.load %arg17[%get3A_109, %get3A_110] : memref<1x64xf32, #tpu.memory_space<vmem>>, vector<1x64xf32>
    %add3A_112 = vector.broadcast %get3A_111 : vector<1x64xf32> to vector<512x64xf32>
    %add3A_113 = arith.addf %dot_general3A_108, %add3A_112 : vector<512x64xf32>
    %tanh3A_114 = math.tanh %add3A_113 : vector<512x64xf32>
    %get3A_115 = arith.constant 0 : index
    %get3A_116 = arith.constant 0 : index
    %get3A_117 = vector.load %arg18[%get3A_115, %get3A_116] : memref<1x64xf32, #tpu.memory_space<vmem>>, vector<1x64xf32>
    %mul3A_118 = vector.broadcast %get3A_117 : vector<1x64xf32> to vector<512x64xf32>
    %mul3A_119 = arith.mulf %tanh3A_114, %mul3A_118 : vector<512x64xf32>
    %reduce_sum3A = arith.constant dense<0.000000e+00> : vector<512xf32>
    %reduce_sum3A_120 = vector.multi_reduction <add>, %mul3A_119, %reduce_sum3A [1] : vector<512x64xf32> to vector<512xf32>
    %broadcast_in_dim3A_121 = vector.shape_cast %reduce_sum3A_120 : vector<512xf32> to vector<512x1xf32>
    %get3A_122 = arith.constant 0 : index
    %get3A_123 = arith.constant 0 : index
    %get3A_124 = vector.load %arg19[%get3A_122, %get3A_123] : memref<1x1xf32, #tpu.memory_space<vmem>>, vector<1x1xf32>
    %add3A_125 = vector.broadcast %get3A_124 : vector<1x1xf32> to vector<512x1xf32>
    %add3A_126 = arith.addf %broadcast_in_dim3A_121, %add3A_125 : vector<512x1xf32>
    %get3A_127 = arith.constant 0 : index
    %get3A_128 = arith.constant 0 : index
    %get3A_129 = vector.load %arg7[%get3A_127, %get3A_128] : memref<512x1xf32, #tpu.memory_space<vmem>>, vector<512x1xf32>
    %add3A_130 = arith.addf %add3A_126, %get3A_129 : vector<512x1xf32>
    %get3A_131 = arith.constant 0 : index
    %get3A_132 = arith.constant 0 : index
    %get3A_133 = vector.load %arg8[%get3A_131, %get3A_132] : memref<512x1xf32, #tpu.memory_space<vmem>>, vector<512x1xf32>
    %add3A_134 = arith.addf %add3A_130, %get3A_133 : vector<512x1xf32>
    %swap3A = arith.constant 0 : index
    %swap3A_135 = arith.constant 0 : index
    %swap3A_136 = vector.load %arg20[%swap3A, %swap3A_135] : memref<512x1xf32, #tpu.memory_space<vmem>>, vector<512x1xf32>
    tpu.vector_store %arg20[%swap3A, %swap3A_135], %add3A_134 {strides = array<i32>} : memref<512x1xf32, #tpu.memory_space<vmem>>, vector<512x1xf32>,
    return
  }
  func.func @transform_0(%arg0: i32) -> (i32, i32, i32) {
    %c0_i32 = arith.constant 0 : i32
    %c0_i32_0 = arith.constant 0 : i32
    %c0_i32_1 = arith.constant 0 : i32
    return %c0_i32, %arg0, %c0_i32_0 : i32, i32, i32
  }
  func.func @transform_1(%arg0: i32) -> (i32, i32) {
    %c0_i32 = arith.constant 0 : i32
    %c0_i32_0 = arith.constant 0 : i32
    return %arg0, %c0_i32 : i32, i32
  }
  func.func @transform_2(%arg0: i32) -> (i32, i32) {
    %c0_i32 = arith.constant 0 : i32
    %c0_i32_0 = arith.constant 0 : i32
    return %arg0, %c0_i32 : i32, i32
  }
  func.func @transform_3(%arg0: i32) -> (i32, i32) {
    %c0_i32 = arith.constant 0 : i32
    %c0_i32_0 = arith.constant 0 : i32
    return %arg0, %c0_i32 : i32, i32
  }
  func.func @transform_4(%arg0: i32) -> (i32, i32) {
    %c0_i32 = arith.constant 0 : i32
    %c0_i32_0 = arith.constant 0 : i32
    return %arg0, %c0_i32 : i32, i32
  }
  func.func @transform_5(%arg0: i32) -> (i32, i32) {
    %c0_i32 = arith.constant 0 : i32
    %c0_i32_0 = arith.constant 0 : i32
    return %arg0, %c0_i32 : i32, i32
  }
  func.func @transform_6(%arg0: i32) -> (i32, i32) {
    %c0_i32 = arith.constant 0 : i32
    %c0_i32_0 = arith.constant 0 : i32
    return %arg0, %c0_i32 : i32, i32
  }
  func.func @transform_7(%arg0: i32) -> (i32, i32) {
    %c0_i32 = arith.constant 0 : i32
    %c0_i32_0 = arith.constant 0 : i32
    return %arg0, %c0_i32 : i32, i32
  }
  func.func @transform_8(%arg0: i32) -> (i32, i32) {
    %c0_i32 = arith.constant 0 : i32
    %c0_i32_0 = arith.constant 0 : i32
    %c0_i32_1 = arith.constant 0 : i32
    return %c0_i32, %c0_i32_0 : i32, i32
  }
  func.func @transform_9(%arg0: i32) -> (i32, i32) {
    %c0_i32 = arith.constant 0 : i32
    %c0_i32_0 = arith.constant 0 : i32
    %c0_i32_1 = arith.constant 0 : i32
    return %c0_i32, %c0_i32_0 : i32, i32
  }
  func.func @transform_10(%arg0: i32) -> (i32, i32) {
    %c0_i32 = arith.constant 0 : i32
    %c0_i32_0 = arith.constant 0 : i32
    %c0_i32_1 = arith.constant 0 : i32
    return %c0_i32, %c0_i32_0 : i32, i32
  }
  func.func @transform_11(%arg0: i32) -> (i32, i32) {
    %c0_i32 = arith.constant 0 : i32
    %c0_i32_0 = arith.constant 0 : i32
    %c0_i32_1 = arith.constant 0 : i32
    return %c0_i32, %c0_i32_0 : i32, i32
  }
  func.func @transform_12(%arg0: i32) -> (i32, i32) {
    %c0_i32 = arith.constant 0 : i32
    %c0_i32_0 = arith.constant 0 : i32
    %c0_i32_1 = arith.constant 0 : i32
    return %c0_i32, %c0_i32_0 : i32, i32
  }
  func.func @transform_13(%arg0: i32) -> (i32, i32) {
    %c0_i32 = arith.constant 0 : i32
    %c0_i32_0 = arith.constant 0 : i32
    %c0_i32_1 = arith.constant 0 : i32
    return %c0_i32, %c0_i32_0 : i32, i32
  }
  func.func @transform_14(%arg0: i32) -> (i32, i32) {
    %c0_i32 = arith.constant 0 : i32
    %c0_i32_0 = arith.constant 0 : i32
    %c0_i32_1 = arith.constant 0 : i32
    return %c0_i32, %c0_i32_0 : i32, i32
  }
  func.func @transform_15(%arg0: i32) -> (i32, i32) {
    %c0_i32 = arith.constant 0 : i32
    %c0_i32_0 = arith.constant 0 : i32
    %c0_i32_1 = arith.constant 0 : i32
    return %c0_i32, %c0_i32_0 : i32, i32
  }
  func.func @transform_16(%arg0: i32) -> (i32, i32) {
    %c0_i32 = arith.constant 0 : i32
    %c0_i32_0 = arith.constant 0 : i32
    %c0_i32_1 = arith.constant 0 : i32
    return %c0_i32, %c0_i32_0 : i32, i32
  }
  func.func @transform_17(%arg0: i32) -> (i32, i32) {
    %c0_i32 = arith.constant 0 : i32
    %c0_i32_0 = arith.constant 0 : i32
    %c0_i32_1 = arith.constant 0 : i32
    return %c0_i32, %c0_i32_0 : i32, i32
  }
  func.func @transform_18(%arg0: i32) -> (i32, i32) {
    %c0_i32 = arith.constant 0 : i32
    %c0_i32_0 = arith.constant 0 : i32
    %c0_i32_1 = arith.constant 0 : i32
    return %c0_i32, %c0_i32_0 : i32, i32
  }
  func.func @transform_19(%arg0: i32) -> (i32, i32) {
    %c0_i32 = arith.constant 0 : i32
    %c0_i32_0 = arith.constant 0 : i32
    return %arg0, %c0_i32 : i32, i32
  }
}

</mosaic_0001>

<sc_bundles>
// kernel: kernel.14.cloned.1.call-start
scs
__scs_entry_jumppad:
0x0: {  	(pc) =	sbr.rel $0x88, $3  }
0x1: {  	(tag) =	ssettag $0x0;
	lr =	simm.s32 $0x1  }
0x2: {  	[smem:$0x3F8A] =	sst lr;
	_ =	strace $0xD0000000  }
0x3: {  	_ = 	snop  }
0x4: {  	_ = 	snop  }
0x5: {  	_ = 	snop  }
0x6: {  	_ = 	snop  }
0x7: {  	_ = 	snop  }
__scs_overlays_trampoline_lowered:
0x8: {  	[smem:$0x3F99] =	sst s0  }
0x9: {  	[smem:$0x3F9A] =	sst s1  }
0xa: {  	[smem:$0x3F9B] =	sst s2  }
0xb: {  	[smem:$0x3F9C] =	sst s3  }
0xc: {  	[smem:$0x3F9D] =	sst s4  }
0xd: {  	[smem:$0x3F9E] =	sst s5  }
0xe: {  	[smem:$0x3F9F] =	sst s6  }
0xf: {  	[smem:$0x3FA0] =	sst s7  }
0x10: {  	[smem:$0x3FA1] =	sst s8  }
0x11: {  	[smem:$0x3FA2] =	sst s9;
	s0 =	simm.s32 @!p0 $0x0  }
0x12: {  	s1 =	sld [smem:$0x3F88];
	s0 =	simm.s32 @p0 $0x1  }
0x13: {  	[smem:$0x3FA3] =	sst s0;
	s0 =	simm.s32 @!p1 $0x0  }
0x14: {  	s2 =	sld [smem:$0x3F87];
	s0 =	simm.s32 @p1 $0x1  }
0x15: {  	[smem:$0x3FA4] =	sst s0;
	s0 =	simm.s32 @!p2 $0x0  }
0x16: {  	s3 =	sld [smem:$0x3FDB];
	s0 =	simm.s32 @p2 $0x1  }
0x17: {  	s4 =	simm.s32 $0x1BF5;
	[smem:$0x3FA6] =	sst s0  }
0x18: {  	s0 =	sld [smem:$0x3F89];
	_ =	swait.ge [sflag:s4], $0x0  }
0x19: {  	s7 =	sld [smem:$0x3F8A]  }
0x1a: {  	s8 =	sadd.s32 $0xFFFFE003, lr  }
0x1b: {  	s9 =	sadd.s32 $0xFFFFFEF7, lr;
	s5 =	simm.s32 $0xFFFFFFFF;
	p2 =	slt.u32 s8, $0xFFFFF086  }
0x1c: {  	p1 =	slt.u32 s9, $0xF7A;
	s5 =	simm.s32 @!p2 $0x0  }
0x1d: {  	s5 =	simm.s32 @p1 $0x1;
	p0 =	seq.s32 s7, s2  }
0x1e: {  	s7 =	smul.u32 @!p0 $0xF7A, s2;
	p2 =	seq.s32 @!p0 s5, $0x0  }
0x1f: {  	s9 =	smul.u32 $0xF7A, s1;
	s8 =	simm.s32 @!p0 $0x1BF5;
	p2 =	por !p2, p0  }
0x20: {  	[sflag:s8] =	ssyncset.s32 @!p0 $0xFFFFF086;
	s6 =	sadd.s32 @!p0 s3, s7;
	s7 =	simm.s32 @!p0 $0x108  }
0x21: {  	s3 =	sadd.s32 s3, s9;
	s6 =	sadd.s32 @!p0 $0x88, s6;
	s7 =	simm.s32 @p2 $0x1082  }
0x22: {  	[simem:s7], [sflag:s8] =	dma.local @!p0 [hbm:s6], $0xF7A  }
0x23: {  	s9 =	sor.u32 $0xD0000000, s2;
	s6 =	simm.s32 $0x108;
	_ =	swait.ge @!p0 [sflag:s8], $0x0  }
0x24: {  	s3 =	sadd.s32 $0x88, s3;
	s6 =	simm.s32 @!p1 $0x1082;
	[sflag:s4] =	ssyncset.s32 $0xFFFFF086  }
0x25: {  	[simem:s6], [sflag:s4] =	dma.local [hbm:s3], $0xF7A  }
0x26: {  	[smem:$0x3F8A] =	sst s1;
	(tag) =	ssettag s2;
	_ =	strace s9  }
0x27: {  	s1 =	sld [smem:$0x3F9A]  }
0x28: {  	s2 =	sld [smem:$0x3F9B]  }
0x29: {  	s4 =	sld [smem:$0x3F9D]  }
0x2a: {  	p0 =	seq.s32 s5, $0x0;
	s5 =	sld [smem:$0x3F9E]  }
0x2b: {  	s6 =	sld [smem:$0x3F9F]  }
0x2c: {  	s7 =	sld [smem:$0x3FA0]  }
0x2d: {  	s3 =	simm.s32 $0x108;
	s8 =	sld [smem:$0x3FA1]  }
0x2e: {  	s3 =	simm.s32 @!p0 $0x1082;
	s9 =	sld [smem:$0x3FA2]  }
0x2f: {  	lr =	sadd.s32 s0, s3;
	s0 =	sld [smem:$0x3F99]  }
0x30: {  	s3 =	sld [smem:$0x3F9C]  }
0x31: {  	[smem:$0x3FA5] =	sst s10  }
0x32: {  	s10 =	sld [smem:$0x3FA3];
	_ =	sdelay $0x3  }
0x33: {  	p0 =	seq.s32 s10, $0x1;
	s10 =	sld [smem:$0x3FA5];
	_ =	sdelay $0x3  }
0x34: {  	[smem:$0x3FA5] =	sst s10  }
0x35: {  	s10 =	sld [smem:$0x3FA4];
	_ =	sdelay $0x3  }
0x36: {  	p1 =	seq.s32 s10, $0x1;
	s10 =	sld [smem:$0x3FA5];
	_ =	sdelay $0x3  }
0x37: {  	[smem:$0x3FA5] =	sst s10  }
0x38: {  	s10 =	sld [smem:$0x3FA6]  }
0x39: {  	_ = 	snop;
	(pc) =	sbr.ind lr, $3  }
0x3a: {  	_ = 	snop  }
0x3b: {  	_ = 	snop  }
0x3c: {  	p2 =	seq.s32 s10, $0x1;
	s10 =	sld [smem:$0x3FA5]  }
0x3d: {  	_ =	shalt  }
0x3e: {  	_ =	shalt  }
0x3f: {  	_ =	shalt  }
0x40: {  	_ =	shalt  }
0x41: {  	_ =	shalt  }
0x42: {  	_ =	shalt  }
0x43: {  	_ =	shalt  }
0x44: {  	_ =	shalt  }
0x45: {  	_ =	shalt  }
0x46: {  	_ =	shalt  }
0x47: {  	_ =	shalt  }
0x48: {  	_ =	shalt  }
0x49: {  	_ =	shalt  }
0x4a: {  	_ =	shalt  }
0x4b: {  	_ =	shalt  }
0x4c: {  	_ =	shalt  }
0x4d: {  	_ =	shalt  }
0x4e: {  	_ =	shalt  }
0x4f: {  	_ =	shalt  }
0x50: {  	_ =	shalt  }
0x51: {  	_ =	shalt  }
0x52: {  	_ =	shalt  }
0x53: {  	_ =	shalt  }
0x54: {  	_ =	shalt  }
0x55: {  	_ =	shalt  }
0x56: {  	_ =	shalt  }
0x57: {  	_ =	shalt  }
0x58: {  	_ =	shalt  }
0x59: {  	_ =	shalt  }
0x5a: {  	_ =	shalt  }
0x5b: {  	_ =	shalt  }
0x5c: {  	_ =	shalt  }
0x5d: {  	_ =	shalt  }
0x5e: {  	_ =	shalt  }
0x5f: {  	_ =	shalt  }
0x60: {  	_ =	shalt  }
0x61: {  	_ =	shalt  }
0x62: {  	_ =	shalt  }
0x63: {  	_ =	shalt  }
0x64: {  	_ =	shalt  }
0x65: {  	_ =	shalt  }
0x66: {  	_ =	shalt  }
0x67: {  	_ =	shalt  }
0x68: {  	_ =	shalt  }
0x69: {  	_ =	shalt  }
0x6a: {  	_ =	shalt  }
0x6b: {  	_ =	shalt  }
0x6c: {  	_ =	shalt  }
0x6d: {  	_ =	shalt  }
0x6e: {  	_ =	shalt  }
0x6f: {  	_ =	shalt  }
0x70: {  	_ =	shalt  }
0x71: {  	_ =	shalt  }
0x72: {  	_ =	shalt  }
0x73: {  	_ =	shalt  }
0x74: {  	_ =	shalt  }
0x75: {  	_ =	shalt  }
0x76: {  	_ =	shalt  }
0x77: {  	_ =	shalt  }
0x78: {  	_ =	shalt  }
0x79: {  	_ =	shalt  }
0x7a: {  	_ =	shalt  }
0x7b: {  	_ =	shalt  }
0x7c: {  	_ =	shalt  }
0x7d: {  	_ =	shalt  }
0x7e: {  	_ =	shalt  }
0x7f: {  	_ =	shalt  }
0x80: {  	_ =	shalt  }
0x81: {  	_ =	shalt  }
0x82: {  	_ =	shalt  }
0x83: {  	_ =	shalt  }
0x84: {  	_ =	shalt  }
0x85: {  	_ =	shalt  }
0x86: {  	_ =	shalt  }
0x87: {  	_ =	shalt  }
.Lfunc_end0:
.L_simem_size_0:
called_computation.1_lowered:
.L_overlay_start_0:
0x88: {  	s2 =	sld [smem:$0x3FD9]  }
0x89: {  	s3 =	sld [smem:$0x3FFE];
	_ =	sdelay $0x1  }
0x8a: {  	s1 =	srdreg.scid  }
0x8b: {  	s0 =	sand.u32 $0x1, s1  }
0x8c: {  	s17 =	sshll.u32 s0, $0xA;
	s2 =	sadd.s32 s3, s2  }
0x8d: {  	s2 =	sadd.s32 s2, s17  }
0x8e: {  	[smem:$0x3FB1] =	sst s2  }
0x8f: {  	_ = 	snop  }
0x90: {  	(tm) =	ssettm $0x1  }
0x91: {  	s18 =	sld [smem:$0x3FFB];
	_ =	sdelay $0x3  }
0x92: {  	_ =	strace s18  }
0x93: {  	s2 =	sld [smem:$0x3FFC];
	_ =	sdelay $0x3  }
0x94: {  	_ =	strace s2  }
0x95: {  	s2 =	sld [smem:$0x3FFD];
	_ =	sdelay $0x3  }
0x96: {  	_ =	strace s2  }
0x97: {  	_ =	strace $0x8FFFFFFF  }
0x98: {  	s19 =	sld [smem:$0x3FDB];
	_ =	sdelay $0x1  }
0x99: {  	s20 =	simm.s32 $_scs_section_size  }
0x9a: {  	s4 =	simm.s32 $_size__tile_overlayer_lowered;
	s5 =	simm.s32 $_tile_overlayer_lowered  }
0x9b: {  	s6 =	simm.s32 $0x1BFF;
	s21 =	sshll.u32 s5, $0x1;
	s3 =	sadd.s32 s20, s19  }
0x9c: {  	s22 =	simm.s32 $0x0;
	s4 =	sshll.u32 s4, $0x1;
	s5 =	sadd.s32 s21, s3  }
0x9d: {  	[timem:s22], [sflag:s6] =	dma.local [hbm:s5], s4  }
0x9e: {  	_ =	swait.ge [sflag:s6], s4  }
0x9f: {  	s4 =	ssub.s32 $0x0, s4;
	[sflag:s6] =	ssyncset.done $0x0  }
0xa0: {  	[sflag:s6] =	ssyncadd.s32 s4;
	_ =	sdelay $0x1  }
0xa1: {  	s23 =	simm.s32 $0x1B8B  }
0xa2: {  	_ =	swait.ge [sflag:s23], $0x1  }
0xa3: {  	[sflag:s23] =	ssyncset.done $0x0  }
0xa4: {  	[sflag:s23] =	ssyncadd.s32 $0xFFFFFFFF  }
0xa5: {  	s4 =	sld [smem:$0x0]  }
0xa6: {  	s5 =	sand.u32 $0xFFFFFFFE, s1  }
0xa7: {  	p0 =	sne.s32 s1, s5  }
0xa8: {  	s5 =	sshll.u32 @p0 s5, $0xE  }
0xa9: {  	s5 =	sadd.s32 @p0 $0x11B8D, s5;
	s6 =	sshll.u32 @p0 s4, $0x11  }
0xaa: {  	s5 =	sor.u32 @p0 s6, s5  }
0xab: {  	[sflag:s5] =	ssyncadd.remote.s32 @p0 $0x1;
	_ =	sdelay $0x1  }
0xac: {  	s5 =	simm.s32 @p0 $0x1B8D  }
0xad: {  	_ =	swait.eq @p0 [sflag:s5], $0x1  }
0xae: {  	[sflag:s5] =	ssyncadd.s32 @p0 $0xFFFFFFFF  }
0xaf: {  	s6 =	sshll.u32 @!p0 s1, $0xE  }
0xb0: {  	s6 =	sor.u32 @!p0 $0x4000, s6;
	s5 =	simm.s32 @!p0 $0x1B8D  }
0xb1: {  	s4 =	sshll.u32 @!p0 s4, $0x11;
	s6 =	sadd.s32 @!p0 $0x11B8D, s6;
	_ =	swait.eq @!p0 [sflag:s5], $0x1  }
0xb2: {  	s4 =	sor.u32 @!p0 s4, s6;
	[sflag:s5] =	ssyncadd.s32 @!p0 $0xFFFFFFFF  }
0xb3: {  	s25 =	simm.s32 $0x1B8E;
	s24 =	sld [smem:$0x3FFE];
	[sflag:s4] =	ssyncadd.remote.s32 @!p0 $0x1  }
0xb4: {  	s26 =	simm.s32 $execute0_lowered;
	[smem:$0x3FD2] =	sst s25  }
0xb5: {  	s5 =	sshll.u32 s26, $0x1;
	_ =	strace $0x8000004F;
	[dreg:$0x1] =	wrdreg $0xFFFFFFFF  }
0xb6: {  	s28 =	simm.s32 $_size_execute0_lowered;
	s3 =	sadd.s32 s3, s5;
	[dreg:$0x0] =	wrdreg $0x0  }
0xb7: {  	s5 =	sshll.u32 s28, $0x1;
	[dreg:$0x2] =	wrdreg s3  }
0xb8: {  	[dreg:$0x3] =	wrdreg s5  }
0xb9: {  	[dreg:$0x4] =	wrdreg $0xC0  }
0xba: {  	_ =	task [dreg:s22], $0x5FFFF  }
0xbb: {  	[dreg:$0x1] =	wrdreg $0xFFFFFFFF  }
0xbc: {  	[dreg:$0x0] =	wrdreg $0x60  }
0xbd: {  	[dreg:$0x2] =	wrdreg s24  }
0xbe: {  	[dreg:$0x3] =	wrdreg $0x9  }
0xbf: {  	_ =	task.clear_ibuf [dreg:s22], $0x4FFFF;
	_ =	strace $0x9000004F  }
0xc0: {  	s29 =	simm.s32 $0x9;
	_ =	strace $0x80000051  }
0xc1: {  	_ =	swait.ge [sflag:s29], $0x1  }
0xc2: {  	[sflag:s29] =	ssyncadd.s32 $0xFFFFFFFF  }
0xc3: {  	_ =	strace $0x90000051  }
0xc4: {  	_ =	sfence  }
0xc5: {  	s30 =	sld [smem:$0x0];
	_ =	sdelay $0x2  }
0xc6: {  	s31 =	sshll.u32 s1, $0xD;
	s1 =	sshrl.u32 s1, $0x2  }
0xc7: {  	s4 =	sand.u32 $0x4000, s31;
	s1 =	sadd.s32 s1, s30  }
0xc8: {  	s0 =	sor.u32 s4, s0;
	s1 =	sshll.u32 s1, $0x11  }
0xc9: {  	s0 =	sor.u32 s1, s0  }
0xca: {  	s0 =	sadd.s32 $0x8F2B, s0  }
0xcb: {  	[sflag:s0] =	ssyncadd.remote.s32 $0x1  }
0xcc: {  	_ =	sfence.sel $0xFFFF  }
0xcd: {  	[dreg:$0x0] =	wrdreg $0xFFFFFFFF;
	(pc) =	sbr.abs _section_cstart, $3  }
0xce: {  	[dreg:$0x1] =	wrdreg $0xFFFFFFFF  }
0xcf: {  	_ =	task.clear_ibuf [dreg:s22], $0x2FFFF;
	_ =	strace $0x9FFFFFFF  }
0xd0: {  	(tm) =	ssettm $0x7FFFFFFF  }
0xd1: {  	_ =	shalt  }
tec
execute0_lowered:
.L_overlay_start_1:
0x0: {  	(tag) =	ssettag $0x1  }
0x1: {  	s0 =	rddreg [dreg:$0x0]  }
0x2: {  	s1 =	srdreg.scid;
	s12 =	stileid.u32  }
0x3: {  	s2 =	simm.s32 $0x0;
	s16 =	simm.s32 $0x5;
	s18 =	simm.s32 $0x14580  }
0x4: {  	s19 =	simm.s32 $0x1;
	s28 =	simm.s32 $0x2;
	s29 =	simm.s32 $0x3  }
0x5: {  	s30 =	simm.s32 $0x4;
	s31 =	simm.s32 $0x0;
	s1 =	sand.u32 $0x1, s1  }
0x6: {  	s3 =	sshll.u32 s12, $0x1;
	[smem:$0x7FF] =	sst s2;
	s14 =	sadd.s32 $0x159400, s0  }
0x7: {  	s5 =	sadd.s32 $0x64200, s0;
	s13 =	sadd.s32 $0x263400, s0;
	s11 =	smul.u32 $0xC8000, s12  }
0x8: {  	s12 =	smul.u32 $0x19000, s12;
	s6 =	sor.u32 s1, s3;
	_ =	strace $0x80000050  }
0x9: {  	s3 =	sadd.s32 $0x152400, s0;
	s7 =	ssub.s32 $0x2, s1;
	s15 =	smul.u32 $0xC800, s1  }
0xa: {  	s22 =	smul.u32 $0x64000, s1;
	s4 =	sshll.u32 s6, $0x4;
	s9 =	sshll.u32 s6, $0xA  }
0xb: {  	s10 =	sshrl.u32 s7, $0x1;
	s6 =	sshll.u32 s6, $0x7;
	s23 =	sadd.s32 s11, s13  }
0xc: {  	s8 =	sadd.s32 s4, s0;
	s4 =	sadd.s32 $0x11A00, s0;
	s0 =	sadd.s32 s9, s0  }
0xd: {  	s10 =	ssub.s32 s7, s10;
	s12 =	sadd.s32 s15, s12;
	s11 =	sadd.s32 s22, s23  }
0xe: {  	s15 =	simm.s32 $0x14500;
	s22 =	simm.s32 $0x16660;
	s20 =	sadd.s32 $0x25B400, s0  }
0xf: {  	s21 =	sadd.s32 $0xAE00, s8;
	s0 =	sadd.s32 $0x18B400, s0;
	[dreg:$0x2] =	wrdreg s20  }
0x10: {  	s10 =	smax.u32 s10, $0x1;
	s24 =	sshrl.u32 s12, $0x3;
	[dreg:$0x3] =	wrdreg s21  }
0x11: {  	s25 =	sor.u32 $0x280, s12;
	[dreg:$0x4] =	wrdreg s0;
	s12 =	sadd.s32 s24, s14  }
0x12: {  	s26 =	sshll.u32 s25, $0x3;
	s1 =	sshrl.u32 s25, $0x3;
	s20 =	simm.s32 $0x16580  }
0x13: {  	s21 =	simm.s32 $0xE0;
	s24 =	simm.s32 $0xA280;
	s25 =	simm.s32 $0x280  }
0x14: {  	s13 =	sadd.s32 s26, s13;
	s14 =	sadd.s32 s1, s14;
	s26 =	simm.s32 $0xA500  }
.LBB2_1:
0x15: {  	s0 =	rddreg [dreg:$0x3]  }
0x16: {  	[tilespmem:s15], [sflag:$0x5] =	stream.linear.gather [hbm4b:s0+s2], $0x80, $0x38;
	[tilespmem:$0x1BE60] =	vst v63  }
0x17: {  	_ =	swait.ge [sflag:s16], $0x80  }
0x18: {  	[sflag:s16] =	ssyncset.done $0x0  }
0x19: {  	s17 =	simm.s32 $0x80;
	[sflag:s16] =	ssyncadd.s32 $0xFFFFFF80  }
0x1a: {  	[tilespmem:s18], [sflag:$0x1] =	stream.indirect.gather [hbm4b:s5+s17], $0x40, s15, s17, $0xb8;
	[tilespmem:$0x1BE60] =	vst v63  }
0x1b: {  	_ =	swait.ge [sflag:s19], $0x2000  }
0x1c: {  	[sflag:s19] =	ssyncset.done $0x0  }
0x1d: {  	s23 =	rddreg [dreg:$0x2];
	[sflag:s19] =	ssyncadd.s32 $0xFFFFE000  }
0x1e: {  	[hbm4b:s23+s2] =	stream.linear.scatter [tilespmem:s18], [sflag:$0x5], $0x2000, $0x38;
	[tilespmem:$0x1BE60] =	vst v63  }
0x1f: {  	_ =	swait.ge [sflag:s16], $0x2000  }
0x20: {  	[sflag:s16] =	ssyncset.done $0x0  }
0x21: {  	s0 =	simm.s32 $0x0;
	[sflag:s16] =	ssyncadd.s32 $0xFFFFE000  }
.LBB2_2:
0x22: {  	s1 =	sshll.u32 s0, $0x2  }
0x23: {  	s1 =	sadd.s32 s6, s1  }
0x24: {  	s1 =	smul.u32 $0x7, s1;
	_ =	sdelay $0x1  }
0x25: {  	s17 =	simm.s32 $0x0;
	s1 =	sadd.s32 s3, s1  }
0x26: {  	[tilespmem:s20], [sflag:$0x5] =	stream.linear.gather [hbm4b:s1+s17], $0xE0, $0x38;
	[tilespmem:$0x1BE60] =	vst v63  }
0x27: {  	_ =	swait.ge [sflag:s16], $0xE0  }
0x28: {  	[sflag:s16] =	ssyncset.done $0x0  }
0x29: {  	[sflag:s16] =	ssyncadd.s32 $0xFFFFFF20  }
0x2a: {  	[tilespmem:s22], [sflag:$0x1] =	stream.indirect.gather [hbm4b:s5+s21], $0x40, s20, s21, $0xb8;
	[tilespmem:$0x1BE60] =	vst v63  }
0x2b: {  	_ =	swait.ge [sflag:s19], $0x3800  }
0x2c: {  	[sflag:s19] =	ssyncset.done $0x0  }
0x2d: {  	s23 =	simm.s32 $0x0;
	[sflag:s19] =	ssyncadd.s32 $0xFFFFC800  }
0x2e: {  	v1 =	vld [tilespmem:s23+$0x16690]  }
0x2f: {  	v2 =	vld [tilespmem:s23+$0x16660]  }
0x30: {  	v0 =	vimm.f32 $0.0e+00;
	v3 =	vld [tilespmem:s23+$0x16670]  }
0x31: {  	v7 =	vimm.f32 $0.0e+00;
	v6 =	vimm.f32 $0.0e+00;
	v5 =	vimm.f32 $0.0e+00;
	s1 =	simm.s32 $0x100;
	v4 =	vld [tilespmem:s23+$0x16680]  }
.LBB2_3:
0x32: {  	p0 =	sne.s32 s1, $0x3100  }
.Ltmp0:
0x33: {  	s17 =	sshra.s32 s1, $0x2;
	s1 =	sadd.s32 $0x100, s1;
	v0 =	vadd.f32 v1, v0;
	(pc) =	sbr.rel @p0 .LBB2_3-.Ltmp0, $4  }
0x34: {  	v1 =	vld [tilespmem:s17+$0x16690];
	v7 =	vadd.f32 v2, v7  }
0x35: {  	v2 =	vld [tilespmem:s17+$0x16660];
	v6 =	vadd.f32 v3, v6  }
0x36: {  	v3 =	vld [tilespmem:s17+$0x16670];
	v5 =	vadd.f32 v4, v5  }
0x37: {  	v4 =	vld [tilespmem:s17+$0x16680]  }
0x38: {  	_ = 	snop  }
0x39: {  	s1 =	sshll.u32 s0, $0x8;
	v0 =	vadd.f32 v1, v0  }
0x3a: {  	s1 =	sand.u32 $0x3FFFFF00, s1;
	v2 =	vadd.f32 v2, v7  }
0x3b: {  	v3 =	vadd.f32 v3, v6;
	[tilespmem:s1+$0x19E90] =	vst v0  }
0x3c: {  	v4 =	vadd.f32 v4, v5;
	[tilespmem:s1+$0x19E60] =	vst v2  }
0x3d: {  	[tilespmem:s1+$0x19E70] =	vst v3  }
0x3e: {  	s23 =	simm.s32 $0x0;
	[tilespmem:s1+$0x19E80] =	vst v4  }
0x3f: {  	v1 =	vld [tilespmem:s23+$0x17490]  }
0x40: {  	v2 =	vld [tilespmem:s23+$0x17460]  }
0x41: {  	v7 =	vimm.f32 $0.0e+00;
	v3 =	vld [tilespmem:s23+$0x17470]  }
0x42: {  	s17 =	simm.s32 $0x100;
	v0 =	vimm.f32 $0.0e+00;
	v6 =	vimm.f32 $0.0e+00;
	v5 =	vimm.f32 $0.0e+00;
	v4 =	vld [tilespmem:s23+$0x17480]  }
.LBB2_5:
0x43: {  	p0 =	sne.s32 s17, $0x3100  }
.Ltmp1:
0x44: {  	s23 =	sshra.s32 s17, $0x2;
	s17 =	sadd.s32 $0x100, s17;
	v0 =	vadd.f32 v1, v0;
	(pc) =	sbr.rel @p0 .LBB2_5-.Ltmp1, $4  }
0x45: {  	v1 =	vld [tilespmem:s23+$0x17490];
	v5 =	vadd.f32 v2, v5  }
0x46: {  	v2 =	vld [tilespmem:s23+$0x17460];
	v6 =	vadd.f32 v3, v6  }
0x47: {  	v3 =	vld [tilespmem:s23+$0x17470];
	v7 =	vadd.f32 v4, v7  }
0x48: {  	v4 =	vld [tilespmem:s23+$0x17480]  }
0x49: {  	_ = 	snop  }
0x4a: {  	v0 =	vadd.f32 v1, v0  }
0x4b: {  	v2 =	vadd.f32 v2, v5  }
0x4c: {  	v3 =	vadd.f32 v3, v6;
	[tilespmem:s1+$0x19ED0] =	vst v0  }
0x4d: {  	v4 =	vadd.f32 v4, v7;
	[tilespmem:s1+$0x19EA0] =	vst v2  }
0x4e: {  	[tilespmem:s1+$0x19EB0] =	vst v3  }
0x4f: {  	s23 =	simm.s32 $0x0;
	[tilespmem:s1+$0x19EC0] =	vst v4  }
0x50: {  	v1 =	vld [tilespmem:s23+$0x18290]  }
0x51: {  	v2 =	vld [tilespmem:s23+$0x18260]  }
0x52: {  	v5 =	vimm.f32 $0.0e+00;
	v3 =	vld [tilespmem:s23+$0x18270]  }
0x53: {  	s17 =	simm.s32 $0x100;
	v0 =	vimm.f32 $0.0e+00;
	v6 =	vimm.f32 $0.0e+00;
	v7 =	vimm.f32 $0.0e+00;
	v4 =	vld [tilespmem:s23+$0x18280]  }
.LBB2_7:
0x54: {  	p0 =	sne.s32 s17, $0x3100  }
.Ltmp2:
0x55: {  	s23 =	sshra.s32 s17, $0x2;
	s17 =	sadd.s32 $0x100, s17;
	v0 =	vadd.f32 v1, v0;
	(pc) =	sbr.rel @p0 .LBB2_7-.Ltmp2, $4  }
0x56: {  	v1 =	vld [tilespmem:s23+$0x18290];
	v5 =	vadd.f32 v2, v5  }
0x57: {  	v2 =	vld [tilespmem:s23+$0x18260];
	v6 =	vadd.f32 v3, v6  }
0x58: {  	v3 =	vld [tilespmem:s23+$0x18270];
	v7 =	vadd.f32 v4, v7  }
0x59: {  	v4 =	vld [tilespmem:s23+$0x18280]  }
0x5a: {  	_ = 	snop  }
0x5b: {  	v0 =	vadd.f32 v1, v0  }
0x5c: {  	v2 =	vadd.f32 v2, v5  }
0x5d: {  	v3 =	vadd.f32 v3, v6;
	[tilespmem:s1+$0x19F10] =	vst v0  }
0x5e: {  	v4 =	vadd.f32 v4, v7;
	[tilespmem:s1+$0x19EE0] =	vst v2  }
0x5f: {  	[tilespmem:s1+$0x19EF0] =	vst v3  }
0x60: {  	s23 =	simm.s32 $0x0;
	[tilespmem:s1+$0x19F00] =	vst v4  }
0x61: {  	v1 =	vld [tilespmem:s23+$0x19090]  }
0x62: {  	v2 =	vld [tilespmem:s23+$0x19060]  }
0x63: {  	v5 =	vimm.f32 $0.0e+00;
	v3 =	vld [tilespmem:s23+$0x19070]  }
0x64: {  	s17 =	simm.s32 $0x100;
	v0 =	vimm.f32 $0.0e+00;
	v6 =	vimm.f32 $0.0e+00;
	v7 =	vimm.f32 $0.0e+00;
	v4 =	vld [tilespmem:s23+$0x19080]  }
.LBB2_9:
0x65: {  	p0 =	sne.s32 s17, $0x3100  }
.Ltmp3:
0x66: {  	s23 =	sshra.s32 s17, $0x2;
	s17 =	sadd.s32 $0x100, s17;
	v0 =	vadd.f32 v1, v0;
	(pc) =	sbr.rel @p0 .LBB2_9-.Ltmp3, $4  }
0x67: {  	v1 =	vld [tilespmem:s23+$0x19090];
	v5 =	vadd.f32 v2, v5  }
0x68: {  	v2 =	vld [tilespmem:s23+$0x19060];
	v6 =	vadd.f32 v3, v6  }
0x69: {  	v3 =	vld [tilespmem:s23+$0x19070];
	v7 =	vadd.f32 v4, v7  }
0x6a: {  	v4 =	vld [tilespmem:s23+$0x19080]  }
0x6b: {  	s0 =	sadd.s32 $0x1, s0  }
0x6c: {  	v0 =	vadd.f32 v1, v0;
	p0 =	sne.s32 s0, $0x20  }
.Ltmp4:
0x6d: {  	v2 =	vadd.f32 v2, v5;
	(pc) =	sbr.rel @p0 .LBB2_2-.Ltmp4, $4  }
0x6e: {  	v3 =	vadd.f32 v3, v6;
	[tilespmem:s1+$0x19F50] =	vst v0  }
0x6f: {  	v4 =	vadd.f32 v4, v7;
	[tilespmem:s1+$0x19F20] =	vst v2  }
0x70: {  	[tilespmem:s1+$0x19F30] =	vst v3  }
0x71: {  	[tilespmem:s1+$0x19F40] =	vst v4  }
0x72: {  	s0 =	simm.s32 $0x0;
	s1 =	rddreg [dreg:$0x4];
	s7 =	simm.s32 $0x19E60  }
0x73: {  	[hbm4b:s1+s0] =	stream.linear.scatter [tilespmem:s7], [sflag:$0x5], $0x2000, $0x38;
	[tilespmem:$0x1BE60] =	vst v63  }
0x74: {  	_ =	swait.ge [sflag:s16], $0x2000  }
0x75: {  	[sflag:s16] =	ssyncset.done $0x0  }
0x76: {  	s17 =	sadd.s32 $0x0, s12;
	[sflag:s16] =	ssyncadd.s32 $0xFFFFE000  }
0x77: {  	[tilespmem:s2], [sflag:$0x5] =	stream.linear.gather [hbm4b:s17+s2], $0x280, $0x38;
	[tilespmem:$0x1BE60] =	vst v63  }
0x78: {  	_ =	swait.ge [sflag:s16], $0x280  }
0x79: {  	[sflag:s16] =	ssyncset.done $0x0  }
0x7a: {  	s23 =	sadd.s32 $0x0, s14;
	[sflag:s16] =	ssyncadd.s32 $0xFFFFFD80  }
0x7b: {  	[tilespmem:s24], [sflag:$0x5] =	stream.linear.gather [hbm4b:s23+s2], $0x280, $0x38;
	[tilespmem:$0x1BE60] =	vst v63  }
0x7c: {  	_ =	swait.ge [sflag:s16], $0x280  }
0x7d: {  	[sflag:s16] =	ssyncset.done $0x0  }
0x7e: {  	[sflag:s16] =	ssyncadd.s32 $0xFFFFFD80  }
0x7f: {  	[tilespmem:s25], [sflag:$0x1] =	stream.indirect.gather [hbm4b:s4+s25], $0x40, s2, s25, $0xb8;
	[tilespmem:$0x1BE60] =	vst v63  }
0x80: {  	_ = 	snop  }
0x81: {  	[tilespmem:s26], [sflag:$0x2] =	stream.indirect.gather [hbm4b:s4+s25], $0x40, s24, s25, $0xb8;
	[tilespmem:$0x1BE60] =	vst v63  }
0x82: {  	_ =	swait.ge [sflag:s19], $0xA000  }
0x83: {  	[sflag:s19] =	ssyncset.done $0x0  }
0x84: {  	[sflag:s19] =	ssyncadd.s32 $0xFFFF6000  }
0x85: {  	[hbm4b:s11+s2] =	stream.linear.scatter [tilespmem:s25], [sflag:$0x3], $0xA000, $0x38;
	[tilespmem:$0x1BE60] =	vst v63  }
0x86: {  	_ =	swait.ge [sflag:s28], $0xA000  }
0x87: {  	[sflag:s28] =	ssyncset.done $0x0  }
0x88: {  	[sflag:s28] =	ssyncadd.s32 $0xFFFF6000  }
0x89: {  	[hbm4b:s13+s2] =	stream.linear.scatter [tilespmem:s26], [sflag:$0x4], $0xA000, $0x38;
	[tilespmem:$0x1BE60] =	vst v63  }
0x8a: {  	_ =	swait.ge [sflag:s29], $0xA000  }
0x8b: {  	[sflag:s29] =	ssyncset.done $0x0  }
0x8c: {  	[sflag:s29] =	ssyncadd.s32 $0xFFFF6000  }
0x8d: {  	s1 =	sadd.s32 $0x2800, s11;
	s0 =	sadd.s32 $0x2800, s13;
	_ =	swait.ge [sflag:s30], $0xA000  }
0x8e: {  	s17 =	simm.s32 $0xA0;
	s23 =	simm.s32 $0x140;
	[sflag:s30] =	ssyncset.done $0x0  }
.LBB2_12:
0x8f: {  	s7 =	sadd.s32 s17, s12  }
0x90: {  	[sflag:s30] =	ssyncadd.s32 $0xFFFF6000;
	s8 =	smov.u32 s23;
	s9 =	sadd.s32 $0xA0, s23  }
0x91: {  	[tilespmem:s2], [sflag:$0x5] =	stream.linear.gather [hbm4b:s7+s2], $0x280, $0x38;
	[tilespmem:$0x1BE60] =	vst v63  }
0x92: {  	p0 =	sne.s32 s23, $0x1860;
	_ =	swait.ge [sflag:s16], $0x280  }
0x93: {  	[sflag:s16] =	ssyncset.done $0x0  }
0x94: {  	s7 =	sadd.s32 s17, s14;
	s17 =	smov.u32 s8;
	[sflag:s16] =	ssyncadd.s32 $0xFFFFFD80  }
0x95: {  	[tilespmem:s24], [sflag:$0x5] =	stream.linear.gather [hbm4b:s7+s2], $0x280, $0x38;
	[tilespmem:$0x1BE60] =	vst v63  }
0x96: {  	_ =	swait.ge [sflag:s16], $0x280  }
0x97: {  	[sflag:s16] =	ssyncset.done $0x0  }
0x98: {  	[sflag:s16] =	ssyncadd.s32 $0xFFFFFD80  }
0x99: {  	[tilespmem:s25], [sflag:$0x1] =	stream.indirect.gather [hbm4b:s4+s25], $0x40, s2, s25, $0xb8;
	[tilespmem:$0x1BE60] =	vst v63  }
0x9a: {  	_ = 	snop  }
0x9b: {  	[tilespmem:s26], [sflag:$0x2] =	stream.indirect.gather [hbm4b:s4+s25], $0x40, s24, s25, $0xb8;
	[tilespmem:$0x1BE60] =	vst v63  }
0x9c: {  	_ =	swait.ge [sflag:s19], $0xA000  }
0x9d: {  	[sflag:s19] =	ssyncset.done $0x0  }
0x9e: {  	[sflag:s19] =	ssyncadd.s32 $0xFFFF6000  }
0x9f: {  	[hbm4b:s1+s2] =	stream.linear.scatter [tilespmem:s25], [sflag:$0x3], $0xA000, $0x38;
	[tilespmem:$0x1BE60] =	vst v63  }
0xa0: {  	_ =	swait.ge [sflag:s28], $0xA000  }
0xa1: {  	[sflag:s28] =	ssyncset.done $0x0  }
0xa2: {  	[sflag:s28] =	ssyncadd.s32 $0xFFFF6000  }
0xa3: {  	[hbm4b:s0+s2] =	stream.linear.scatter [tilespmem:s26], [sflag:$0x4], $0xA000, $0x38;
	[tilespmem:$0x1BE60] =	vst v63  }
.Ltmp5:
0xa4: {  	_ =	swait.ge [sflag:s29], $0xA000;
	(pc) =	sbr.rel @p0 .LBB2_12-.Ltmp5, $4  }
0xa5: {  	[sflag:s29] =	ssyncset.done $0x0  }
0xa6: {  	[sflag:s29] =	ssyncadd.s32 $0xFFFF6000  }
0xa7: {  	s23 =	smov.u32 s9;
	_ =	swait.ge [sflag:s30], $0xA000  }
0xa8: {  	s1 =	sadd.s32 $0x2800, s1;
	s0 =	sadd.s32 $0x2800, s0;
	[sflag:s30] =	ssyncset.done $0x0  }
0xa9: {  	s7 =	sadd.s32 s17, s12;
	[sflag:s30] =	ssyncadd.s32 $0xFFFF6000  }
0xaa: {  	[tilespmem:s2], [sflag:$0x5] =	stream.linear.gather [hbm4b:s7+s2], $0x280, $0x38;
	[tilespmem:$0x1BE60] =	vst v63  }
0xab: {  	_ =	swait.ge [sflag:s16], $0x280  }
0xac: {  	[sflag:s16] =	ssyncset.done $0x0  }
0xad: {  	s23 =	sadd.s32 s17, s14;
	[sflag:s16] =	ssyncadd.s32 $0xFFFFFD80  }
0xae: {  	[tilespmem:s24], [sflag:$0x5] =	stream.linear.gather [hbm4b:s23+s2], $0x280, $0x38;
	[tilespmem:$0x1BE60] =	vst v63  }
0xaf: {  	_ =	swait.ge [sflag:s16], $0x280  }
0xb0: {  	[sflag:s16] =	ssyncset.done $0x0  }
0xb1: {  	[sflag:s16] =	ssyncadd.s32 $0xFFFFFD80  }
0xb2: {  	[tilespmem:s25], [sflag:$0x1] =	stream.indirect.gather [hbm4b:s4+s25], $0x40, s2, s25, $0xb8;
	[tilespmem:$0x1BE60] =	vst v63  }
0xb3: {  	_ = 	snop  }
0xb4: {  	[tilespmem:s26], [sflag:$0x2] =	stream.indirect.gather [hbm4b:s4+s25], $0x40, s24, s25, $0xb8;
	[tilespmem:$0x1BE60] =	vst v63  }
0xb5: {  	_ =	swait.ge [sflag:s19], $0xA000  }
0xb6: {  	[sflag:s19] =	ssyncset.done $0x0  }
0xb7: {  	[sflag:s19] =	ssyncadd.s32 $0xFFFF6000  }
0xb8: {  	[hbm4b:s1+s2] =	stream.linear.scatter [tilespmem:s25], [sflag:$0x3], $0xA000, $0x38;
	[tilespmem:$0x1BE60] =	vst v63  }
0xb9: {  	_ =	swait.ge [sflag:s28], $0xA000  }
0xba: {  	[sflag:s28] =	ssyncset.done $0x0  }
0xbb: {  	s31 =	sadd.s32 $0x1, s31;
	[sflag:s28] =	ssyncadd.s32 $0xFFFF6000  }
0xbc: {  	[hbm4b:s0+s2] =	stream.linear.scatter [tilespmem:s26], [sflag:$0x4], $0xA000, $0x38;
	[tilespmem:$0x1BE60] =	vst v63  }
0xbd: {  	p0 =	sne.s32 s31, s10;
	_ =	swait.ge [sflag:s29], $0xA000  }
.Ltmp6:
0xbe: {  	[sflag:s29] =	ssyncset.done $0x0;
	(pc) =	sbr.rel @p0 .LBB2_1-.Ltmp6, $4  }
0xbf: {  	[sflag:s29] =	ssyncadd.s32 $0xFFFF6000  }
0xc0: {  	_ =	swait.ge [sflag:s30], $0xA000  }
0xc1: {  	[sflag:s30] =	ssyncset.done $0x0  }
0xc2: {  	[sflag:s30] =	ssyncadd.s32 $0xFFFF6000  }
0xc3: {  	_ =	sfence.sel $0x180000  }
0xc4: {  	[bflag:$0x0] =	sbarrier.arrive $0xFFFF  }
0xc5: {  	_ =	strace $0x90000050  }
0xc6: {  	s0 =	stileid.u32;
	[bflag:$0x2] =	sbarrier.arrive $0xFFFF  }
0xc7: {  	p0 =	sne.s32 s0, $0x0;
	s0 =	rddreg [dreg:$0x1]  }
0xc8: {  	s0 =	sadd.s32 @!p0 $0x100000, s0  }
0xc9: {  	[sflag:s0] =	ssyncadd.tile.s32 @!p0 $0x1;
	_ =	shalt  }
.Lfunc_end2:
_tile_overlayer_lowered:
.L_overlay_start_2:
0xca: {  	(tag) =	ssettag $0x2  }
0xcb: {  	s0 =	rddreg [dreg:$0x0];
	s2 =	stileid.u32  }
0xcc: {  	s1 =	rddreg [dreg:$0x1];
	p0 =	sne.s32 s2, $0x0  }
0xcd: {  	s3 =	rddreg [dreg:$0x2];
	[bflag:$0x3] =	sbarrier.arrive $0xFFFF;
	s2 =	simm.s32 @!p0 $0x1C05  }
0xce: {  	[timem:s3], [sflag:s2] =	dma.local @!p0 [hbm:s0], s1  }
0xcf: {  	s0 =	simm.s32 @!p0 $0x5  }
0xd0: {  	_ =	swait.ge @!p0 [sflag:s0], s1  }
0xd1: {  	s1 =	ssub.s32 @!p0 $0x0, s1;
	[sflag:s0] =	ssyncset.done @!p0 $0x0  }
0xd2: {  	[sflag:s0] =	ssyncadd.s32 @!p0 s1  }
0xd3: {  	[bflag:$0x3] =	sbarrier.arrive $0xFFFF  }
0xd4: {  	_ =	shalt  }

// kernel: kernel.17.cloned.1.call-start
scs
__scs_entry_jumppad:
0x0: {  	(pc) =	sbr.rel $0x88, $3  }
0x1: {  	(tag) =	ssettag $0x0;
	lr =	simm.s32 $0x1  }
0x2: {  	[smem:$0x3F8A] =	sst lr;
	_ =	strace $0xD0000000  }
0x3: {  	_ = 	snop  }
0x4: {  	_ = 	snop  }
0x5: {  	_ = 	snop  }
0x6: {  	_ = 	snop  }
0x7: {  	_ = 	snop  }
__scs_overlays_trampoline_lowered:
0x8: {  	[smem:$0x3F99] =	sst s0  }
0x9: {  	[smem:$0x3F9A] =	sst s1  }
0xa: {  	[smem:$0x3F9B] =	sst s2  }
0xb: {  	[smem:$0x3F9C] =	sst s3  }
0xc: {  	[smem:$0x3F9D] =	sst s4  }
0xd: {  	[smem:$0x3F9E] =	sst s5  }
0xe: {  	[smem:$0x3F9F] =	sst s6  }
0xf: {  	[smem:$0x3FA0] =	sst s7  }
0x10: {  	[smem:$0x3FA1] =	sst s8  }
0x11: {  	[smem:$0x3FA2] =	sst s9;
	s0 =	simm.s32 @!p0 $0x0  }
0x12: {  	s1 =	sld [smem:$0x3F88];
	s0 =	simm.s32 @p0 $0x1  }
0x13: {  	[smem:$0x3FA3] =	sst s0;
	s0 =	simm.s32 @!p1 $0x0  }
0x14: {  	s2 =	sld [smem:$0x3F87];
	s0 =	simm.s32 @p1 $0x1  }
0x15: {  	[smem:$0x3FA4] =	sst s0;
	s0 =	simm.s32 @!p2 $0x0  }
0x16: {  	s3 =	sld [smem:$0x3FDB];
	s0 =	simm.s32 @p2 $0x1  }
0x17: {  	s4 =	simm.s32 $0x1BF5;
	[smem:$0x3FA6] =	sst s0  }
0x18: {  	s0 =	sld [smem:$0x3F89];
	_ =	swait.ge [sflag:s4], $0x0  }
0x19: {  	s7 =	sld [smem:$0x3F8A]  }
0x1a: {  	s8 =	sadd.s32 $0xFFFFE003, lr  }
0x1b: {  	s9 =	sadd.s32 $0xFFFFFEF7, lr;
	s5 =	simm.s32 $0xFFFFFFFF;
	p2 =	slt.u32 s8, $0xFFFFF086  }
0x1c: {  	p1 =	slt.u32 s9, $0xF7A;
	s5 =	simm.s32 @!p2 $0x0  }
0x1d: {  	s5 =	simm.s32 @p1 $0x1;
	p0 =	seq.s32 s7, s2  }
0x1e: {  	s7 =	smul.u32 @!p0 $0xF7A, s2;
	p2 =	seq.s32 @!p0 s5, $0x0  }
0x1f: {  	s9 =	smul.u32 $0xF7A, s1;
	s8 =	simm.s32 @!p0 $0x1BF5;
	p2 =	por !p2, p0  }
0x20: {  	[sflag:s8] =	ssyncset.s32 @!p0 $0xFFFFF086;
	s6 =	sadd.s32 @!p0 s3, s7;
	s7 =	simm.s32 @!p0 $0x108  }
0x21: {  	s3 =	sadd.s32 s3, s9;
	s6 =	sadd.s32 @!p0 $0x88, s6;
	s7 =	simm.s32 @p2 $0x1082  }
0x22: {  	[simem:s7], [sflag:s8] =	dma.local @!p0 [hbm:s6], $0xF7A  }
0x23: {  	s9 =	sor.u32 $0xD0000000, s2;
	s6 =	simm.s32 $0x108;
	_ =	swait.ge @!p0 [sflag:s8], $0x0  }
0x24: {  	s3 =	sadd.s32 $0x88, s3;
	s6 =	simm.s32 @!p1 $0x1082;
	[sflag:s4] =	ssyncset.s32 $0xFFFFF086  }
0x25: {  	[simem:s6], [sflag:s4] =	dma.local [hbm:s3], $0xF7A  }
0x26: {  	[smem:$0x3F8A] =	sst s1;
	(tag) =	ssettag s2;
	_ =	strace s9  }
0x27: {  	s1 =	sld [smem:$0x3F9A]  }
0x28: {  	s2 =	sld [smem:$0x3F9B]  }
0x29: {  	s4 =	sld [smem:$0x3F9D]  }
0x2a: {  	p0 =	seq.s32 s5, $0x0;
	s5 =	sld [smem:$0x3F9E]  }
0x2b: {  	s6 =	sld [smem:$0x3F9F]  }
0x2c: {  	s7 =	sld [smem:$0x3FA0]  }
0x2d: {  	s3 =	simm.s32 $0x108;
	s8 =	sld [smem:$0x3FA1]  }
0x2e: {  	s3 =	simm.s32 @!p0 $0x1082;
	s9 =	sld [smem:$0x3FA2]  }
0x2f: {  	lr =	sadd.s32 s0, s3;
	s0 =	sld [smem:$0x3F99]  }
0x30: {  	s3 =	sld [smem:$0x3F9C]  }
0x31: {  	[smem:$0x3FA5] =	sst s10  }
0x32: {  	s10 =	sld [smem:$0x3FA3];
	_ =	sdelay $0x3  }
0x33: {  	p0 =	seq.s32 s10, $0x1;
	s10 =	sld [smem:$0x3FA5];
	_ =	sdelay $0x3  }
0x34: {  	[smem:$0x3FA5] =	sst s10  }
0x35: {  	s10 =	sld [smem:$0x3FA4];
	_ =	sdelay $0x3  }
0x36: {  	p1 =	seq.s32 s10, $0x1;
	s10 =	sld [smem:$0x3FA5];
	_ =	sdelay $0x3  }
0x37: {  	[smem:$0x3FA5] =	sst s10  }
0x38: {  	s10 =	sld [smem:$0x3FA6]  }
0x39: {  	_ = 	snop;
	(pc) =	sbr.ind lr, $3  }
0x3a: {  	_ = 	snop  }
0x3b: {  	_ = 	snop  }
0x3c: {  	p2 =	seq.s32 s10, $0x1;
	s10 =	sld [smem:$0x3FA5]  }
0x3d: {  	_ =	shalt  }
0x3e: {  	_ =	shalt  }
0x3f: {  	_ =	shalt  }
0x40: {  	_ =	shalt  }
0x41: {  	_ =	shalt  }
0x42: {  	_ =	shalt  }
0x43: {  	_ =	shalt  }
0x44: {  	_ =	shalt  }
0x45: {  	_ =	shalt  }
0x46: {  	_ =	shalt  }
0x47: {  	_ =	shalt  }
0x48: {  	_ =	shalt  }
0x49: {  	_ =	shalt  }
0x4a: {  	_ =	shalt  }
0x4b: {  	_ =	shalt  }
0x4c: {  	_ =	shalt  }
0x4d: {  	_ =	shalt  }
0x4e: {  	_ =	shalt  }
0x4f: {  	_ =	shalt  }
0x50: {  	_ =	shalt  }
0x51: {  	_ =	shalt  }
0x52: {  	_ =	shalt  }
0x53: {  	_ =	shalt  }
0x54: {  	_ =	shalt  }
0x55: {  	_ =	shalt  }
0x56: {  	_ =	shalt  }
0x57: {  	_ =	shalt  }
0x58: {  	_ =	shalt  }
0x59: {  	_ =	shalt  }
0x5a: {  	_ =	shalt  }
0x5b: {  	_ =	shalt  }
0x5c: {  	_ =	shalt  }
0x5d: {  	_ =	shalt  }
0x5e: {  	_ =	shalt  }
0x5f: {  	_ =	shalt  }
0x60: {  	_ =	shalt  }
0x61: {  	_ =	shalt  }
0x62: {  	_ =	shalt  }
0x63: {  	_ =	shalt  }
0x64: {  	_ =	shalt  }
0x65: {  	_ =	shalt  }
0x66: {  	_ =	shalt  }
0x67: {  	_ =	shalt  }
0x68: {  	_ =	shalt  }
0x69: {  	_ =	shalt  }
0x6a: {  	_ =	shalt  }
0x6b: {  	_ =	shalt  }
0x6c: {  	_ =	shalt  }
0x6d: {  	_ =	shalt  }
0x6e: {  	_ =	shalt  }
0x6f: {  	_ =	shalt  }
0x70: {  	_ =	shalt  }
0x71: {  	_ =	shalt  }
0x72: {  	_ =	shalt  }
0x73: {  	_ =	shalt  }
0x74: {  	_ =	shalt  }
0x75: {  	_ =	shalt  }
0x76: {  	_ =	shalt  }
0x77: {  	_ =	shalt  }
0x78: {  	_ =	shalt  }
0x79: {  	_ =	shalt  }
0x7a: {  	_ =	shalt  }
0x7b: {  	_ =	shalt  }
0x7c: {  	_ =	shalt  }
0x7d: {  	_ =	shalt  }
0x7e: {  	_ =	shalt  }
0x7f: {  	_ =	shalt  }
0x80: {  	_ =	shalt  }
0x81: {  	_ =	shalt  }
0x82: {  	_ =	shalt  }
0x83: {  	_ =	shalt  }
0x84: {  	_ =	shalt  }
0x85: {  	_ =	shalt  }
0x86: {  	_ =	shalt  }
0x87: {  	_ =	shalt  }
.Lfunc_end0:
.L_simem_size_0:
called_computation.2_lowered:
.L_overlay_start_0:
0x88: {  	s2 =	sld [smem:$0x3FD9]  }
0x89: {  	s3 =	sld [smem:$0x3FFE];
	_ =	sdelay $0x1  }
0x8a: {  	s1 =	srdreg.scid  }
0x8b: {  	s0 =	sand.u32 $0x1, s1  }
0x8c: {  	s17 =	sshll.u32 s0, $0xA;
	s2 =	sadd.s32 s3, s2  }
0x8d: {  	s2 =	sadd.s32 s2, s17  }
0x8e: {  	[smem:$0x3FB1] =	sst s2  }
0x8f: {  	_ = 	snop  }
0x90: {  	s2 =	sld [smem:$0x3FD0];
	(tm) =	ssettm $0x1  }
0x91: {  	s18 =	sld [smem:$0x3FFB];
	_ =	sdelay $0x3  }
0x92: {  	_ =	strace s18  }
0x93: {  	s3 =	sld [smem:$0x3FFC];
	_ =	sdelay $0x3  }
0x94: {  	_ =	strace s3  }
0x95: {  	s3 =	sld [smem:$0x3FFD];
	_ =	sdelay $0x3  }
0x96: {  	_ =	strace s3  }
0x97: {  	_ =	strace $0x8FFFFFFF  }
0x98: {  	s19 =	sld [smem:$0x3FDB];
	_ =	sdelay $0x1  }
0x99: {  	s4 =	simm.s32 $_scs_section_size  }
0x9a: {  	s5 =	simm.s32 $_size__tile_overlayer_lowered;
	s6 =	simm.s32 $_tile_overlayer_lowered  }
0x9b: {  	s22 =	simm.s32 $0x1BFF;
	s21 =	sshll.u32 s6, $0x1;
	s3 =	sadd.s32 s4, s19  }
0x9c: {  	s7 =	simm.s32 $0x0;
	s20 =	sshll.u32 s5, $0x1;
	s5 =	sadd.s32 s21, s3  }
0x9d: {  	[timem:s7], [sflag:s22] =	dma.local [hbm:s5], s20  }
0x9e: {  	_ =	swait.ge [sflag:s22], s20  }
0x9f: {  	s4 =	ssub.s32 $0x0, s20;
	[sflag:s22] =	ssyncset.done $0x0  }
0xa0: {  	[sflag:s22] =	ssyncadd.s32 s4;
	_ =	sdelay $0x1  }
0xa1: {  	s23 =	simm.s32 $0x1B8B  }
0xa2: {  	_ =	swait.ge [sflag:s23], $0x1  }
0xa3: {  	[sflag:s23] =	ssyncset.done $0x0  }
0xa4: {  	s25 =	simm.s32 $0x1B8E;
	s24 =	sld [smem:$0x3FFE];
	[sflag:s23] =	ssyncadd.s32 $0xFFFFFFFF  }
0xa5: {  	s26 =	simm.s32 $execute0_lowered;
	[smem:$0x3FD2] =	sst s25  }
0xa6: {  	s5 =	sshll.u32 s26, $0x1;
	_ =	strace $0x80000046;
	[dreg:$0x1] =	wrdreg $0xFFFFFFFF  }
0xa7: {  	s28 =	simm.s32 $_size_execute0_lowered;
	s3 =	sadd.s32 s3, s5;
	[dreg:$0x0] =	wrdreg $0x0  }
0xa8: {  	s5 =	sshll.u32 s28, $0x1;
	[dreg:$0x2] =	wrdreg s3  }
0xa9: {  	[dreg:$0x3] =	wrdreg s5  }
0xaa: {  	[dreg:$0x4] =	wrdreg $0xC0  }
0xab: {  	_ =	task [dreg:s7], $0x5FFFF  }
0xac: {  	[dreg:$0x1] =	wrdreg $0xFFFFFFFF  }
0xad: {  	[dreg:$0x0] =	wrdreg $0x60  }
0xae: {  	[dreg:$0x2] =	wrdreg s2  }
0xaf: {  	[dreg:$0x3] =	wrdreg s24  }
0xb0: {  	[dreg:$0x4] =	wrdreg $0xA  }
0xb1: {  	_ =	task.clear_ibuf [dreg:s7], $0x5FFFF;
	_ =	strace $0x90000046  }
0xb2: {  	s29 =	simm.s32 $0xA;
	_ =	strace $0x80000048  }
0xb3: {  	_ =	swait.ge [sflag:s29], $0x1  }
0xb4: {  	[sflag:s29] =	ssyncadd.s32 $0xFFFFFFFF  }
0xb5: {  	_ =	strace $0x90000048  }
0xb6: {  	_ =	sfence  }
0xb7: {  	s30 =	sld [smem:$0x0];
	_ =	sdelay $0x2  }
0xb8: {  	s31 =	sshll.u32 s1, $0xD;
	s1 =	sshrl.u32 s1, $0x2  }
0xb9: {  	s3 =	sand.u32 $0x4000, s31;
	s1 =	sadd.s32 s1, s30  }
0xba: {  	s0 =	sor.u32 s3, s0;
	s1 =	sshll.u32 s1, $0x11  }
0xbb: {  	s0 =	sor.u32 s1, s0  }
0xbc: {  	s0 =	sadd.s32 $0x8F2B, s0  }
0xbd: {  	[sflag:s0] =	ssyncadd.remote.s32 $0x1  }
0xbe: {  	_ =	sfence.sel $0xFFFF  }
0xbf: {  	[dreg:$0x0] =	wrdreg $0xFFFFFFFF;
	(pc) =	sbr.abs _section_cstart, $3  }
0xc0: {  	[dreg:$0x1] =	wrdreg $0xFFFFFFFF  }
0xc1: {  	_ =	task.clear_ibuf [dreg:s7], $0x2FFFF;
	_ =	strace $0x9FFFFFFF  }
0xc2: {  	(tm) =	ssettm $0x7FFFFFFF  }
0xc3: {  	_ =	shalt  }
tec
execute0_lowered:
.L_overlay_start_1:
0x0: {  	(tag) =	ssettag $0x1  }
0x1: {  	s1 =	srdreg.scid  }
0x2: {  	s1 =	sand.u32 $0x1, s1  }
0x3: {  	p0 =	seq.s32 s1, $0x1  }
.Ltmp0:
0x4: {  	_ = 	snop;
	(pc) =	sbr.rel @p0 .LBB2_6-.Ltmp0, $4  }
0x5: {  	s3 =	rddreg [dreg:$0x0]  }
0x6: {  	s4 =	rddreg [dreg:$0x1];
	s2 =	simm.s32 $0x0  }
0x7: {  	[smem:$0x7FF] =	sst s2  }
0x8: {  	s0 =	rddreg [dreg:$0x2];
	_ =	strace $0x80000047;
	s1 =	stileid.u32  }
0x9: {  	s8 =	smul.u32 $0x310, s1;
	s5 =	sshll.u32 s1, $0x5;
	s2 =	sadd.s32 $0xE200, s4  }
0xa: {  	s6 =	sshll.u32 s1, $0x8;
	s10 =	simm.s32 $0x0;
	s9 =	sadd.s32 s5, s4  }
0xb: {  	s4 =	sadd.s32 $0xB000, s4;
	s5 =	sadd.s32 s3, s5;
	s7 =	sadd.s32 s2, s8  }
0xc: {  	v0 =	vimm.s32 $0xFFFFFFFF;
	s3 =	sadd.s32 $0xAE00, s9;
	s8 =	sadd.s32 s4, s8;
	s9 =	simm.s32 $0x40  }
.LBB2_2:
0xd: {  	p0 =	sne.s32 s9, $0x61C0;
	[tilespmem:s10+$0x0] =	vst v0;
	s10 =	smov.u32 s9;
	s9 =	sadd.s32 $0x40, s9  }
.Ltmp1:
0xe: {  	(pc) =	sbr.rel @p0 .LBB2_2-.Ltmp1, $2  }
0xf: {  	_ =	sdelay $0x2  }
0x10: {  	s10 =	sshra.s32 s10, $0x2  }
0x11: {  	[tilespmem:s10+$0x0] =	vst v0;
	s9 =	simm.s32 $0x0;
	s31 =	simm.s32 $0x2  }
0x12: {  	[hbm4b:s8+s9] =	stream.linear.scatter [tilespmem:s9], [sflag:$0x2], $0x1880, $0x38;
	[tilespmem:$0x1A80] =	vst v63  }
0x13: {  	_ =	swait.ge [sflag:s31], $0x1880  }
0x14: {  	[sflag:s31] =	ssyncset.done $0x0  }
0x15: {  	[sflag:s31] =	ssyncadd.s32 $0xFFFFE780  }
0x16: {  	[hbm4b:s7+s9] =	stream.linear.scatter [tilespmem:s9], [sflag:$0x2], $0x1880, $0x38;
	[tilespmem:$0x1A80] =	vst v63  }
0x17: {  	_ =	swait.ge [sflag:s31], $0x1880  }
0x18: {  	[sflag:s31] =	ssyncset.done $0x0  }
0x19: {  	v0 =	vlaneseq.u32;
	[sflag:s31] =	ssyncadd.s32 $0xFFFFE780  }
0x1a: {  	v1 =	vor.u32 s6, v0;
	s8 =	simm.s32 $0x0;
	s7 =	simm.s32 $0x40;
	[bflag:$0x0] =	sbarrier.arrive $0xFFFF  }
.LBB2_4:
0x1b: {  	p0 =	sne.s32 s7, $0x3C0  }
0x1c: {  	[tilespmem:s8+$0x1980] =	vst v1;
	s6 =	sadd.s32 $0x10, s6;
	s8 =	smov.u32 s7;
	s7 =	sadd.s32 $0x40, s7  }
.Ltmp2:
0x1d: {  	(pc) =	sbr.rel @p0 .LBB2_4-.Ltmp2, $2  }
0x1e: {  	_ =	sdelay $0x2  }
0x1f: {  	v1 =	vor.u32 s6, v0;
	s8 =	sshra.s32 s8, $0x2  }
0x20: {  	[tilespmem:s8+$0x1980] =	vst v1;
	s6 =	simm.s32 $0x0;
	s7 =	simm.s32 $0x1880;
	s29 =	simm.s32 $0x2  }
0x21: {  	[tilespmem:s7], [sflag:$0x2] =	stream.linear.gather [hbm4b:s5+s6], $0x100, $0x38;
	[tilespmem:$0x1A80] =	vst v63  }
0x22: {  	_ =	swait.ge [sflag:s29], $0x100  }
0x23: {  	s30 =	simm.s32 $0x100;
	[sflag:s29] =	ssyncset.done $0x0  }
0x24: {  	s9 =	simm.s32 $0x1980;
	s31 =	simm.s32 $0x1;
	[sflag:s29] =	ssyncadd.s32 $0xFFFFFF00  }
0x25: {  	[hbm4b:s4+s30] =	stream.indirect.scatter [tilespmem:s9], [sflag:$0x1], $0x1, s7, s30, $0xb8;
	[tilespmem:$0x1A80] =	vst v63  }
0x26: {  	_ =	swait.ge [sflag:s31], $0x100  }
0x27: {  	[sflag:s31] =	ssyncset.done $0x0  }
0x28: {  	[sflag:s31] =	ssyncadd.s32 $0xFFFFFF00  }
0x29: {  	[tilespmem:s7], [sflag:$0x2] =	stream.linear.gather [hbm4b:s3+s6], $0x100, $0x38;
	[tilespmem:$0x1A80] =	vst v63  }
0x2a: {  	_ =	swait.ge [sflag:s29], $0x100  }
0x2b: {  	[sflag:s29] =	ssyncset.done $0x0  }
0x2c: {  	[sflag:s29] =	ssyncadd.s32 $0xFFFFFF00  }
0x2d: {  	[hbm4b:s2+s30] =	stream.indirect.scatter [tilespmem:s9], [sflag:$0x1], $0x1, s7, s30, $0xb8;
	[tilespmem:$0x1A80] =	vst v63  }
0x2e: {  	_ =	swait.ge [sflag:s31], $0x100  }
0x2f: {  	[sflag:s31] =	ssyncset.done $0x0  }
0x30: {  	[sflag:s31] =	ssyncadd.s32 $0xFFFFFF00  }
.LBB2_6:
0x31: {  	_ =	sfence.sel $0x180000  }
0x32: {  	[bflag:$0x0] =	sbarrier.arrive $0xFFFF  }
0x33: {  	p0 =	sne.s32 s1, $0x0;
	_ =	strace $0x90000047  }
0x34: {  	s0 =	sadd.s32 @!p0 $0x100000, s0;
	[bflag:$0x2] =	sbarrier.arrive $0xFFFF  }
0x35: {  	[sflag:s0] =	ssyncadd.tile.s32 @!p0 $0x1;
	_ =	shalt  }
.Lfunc_end2:
_tile_overlayer_lowered:
.L_overlay_start_2:
0x36: {  	(tag) =	ssettag $0x2  }
0x37: {  	s0 =	rddreg [dreg:$0x0];
	s2 =	stileid.u32  }
0x38: {  	s1 =	rddreg [dreg:$0x1];
	p0 =	sne.s32 s2, $0x0  }
0x39: {  	s3 =	rddreg [dreg:$0x2];
	[bflag:$0x3] =	sbarrier.arrive $0xFFFF;
	s2 =	simm.s32 @!p0 $0x1C02  }
0x3a: {  	[timem:s3], [sflag:s2] =	dma.local @!p0 [hbm:s0], s1  }
0x3b: {  	s0 =	simm.s32 @!p0 $0x2  }
0x3c: {  	_ =	swait.ge @!p0 [sflag:s0], s1  }
0x3d: {  	s1 =	ssub.s32 @!p0 $0x0, s1;
	[sflag:s0] =	ssyncset.done @!p0 $0x0  }
0x3e: {  	[sflag:s0] =	ssyncadd.s32 @!p0 s1  }
0x3f: {  	[bflag:$0x3] =	sbarrier.arrive $0xFFFF  }
0x40: {  	_ =	shalt  }

// kernel: kernel.20.cloned.1.call-start
scs
__scs_entry_jumppad:
0x0: {  	(pc) =	sbr.rel $0x88, $3  }
0x1: {  	(tag) =	ssettag $0x0;
	lr =	simm.s32 $0x1  }
0x2: {  	[smem:$0x3F8A] =	sst lr;
	_ =	strace $0xD0000000  }
0x3: {  	_ = 	snop  }
0x4: {  	_ = 	snop  }
0x5: {  	_ = 	snop  }
0x6: {  	_ = 	snop  }
0x7: {  	_ = 	snop  }
__scs_overlays_trampoline_lowered:
0x8: {  	[smem:$0x3F99] =	sst s0  }
0x9: {  	[smem:$0x3F9A] =	sst s1  }
0xa: {  	[smem:$0x3F9B] =	sst s2  }
0xb: {  	[smem:$0x3F9C] =	sst s3  }
0xc: {  	[smem:$0x3F9D] =	sst s4  }
0xd: {  	[smem:$0x3F9E] =	sst s5  }
0xe: {  	[smem:$0x3F9F] =	sst s6  }
0xf: {  	[smem:$0x3FA0] =	sst s7  }
0x10: {  	[smem:$0x3FA1] =	sst s8  }
0x11: {  	[smem:$0x3FA2] =	sst s9;
	s0 =	simm.s32 @!p0 $0x0  }
0x12: {  	s1 =	sld [smem:$0x3F88];
	s0 =	simm.s32 @p0 $0x1  }
0x13: {  	[smem:$0x3FA3] =	sst s0;
	s0 =	simm.s32 @!p1 $0x0  }
0x14: {  	s2 =	sld [smem:$0x3F87];
	s0 =	simm.s32 @p1 $0x1  }
0x15: {  	[smem:$0x3FA4] =	sst s0;
	s0 =	simm.s32 @!p2 $0x0  }
0x16: {  	s3 =	sld [smem:$0x3FDB];
	s0 =	simm.s32 @p2 $0x1  }
0x17: {  	s4 =	simm.s32 $0x1BF5;
	[smem:$0x3FA6] =	sst s0  }
0x18: {  	s0 =	sld [smem:$0x3F89];
	_ =	swait.ge [sflag:s4], $0x0  }
0x19: {  	s7 =	sld [smem:$0x3F8A]  }
0x1a: {  	s8 =	sadd.s32 $0xFFFFE003, lr  }
0x1b: {  	s9 =	sadd.s32 $0xFFFFFEF7, lr;
	s5 =	simm.s32 $0xFFFFFFFF;
	p2 =	slt.u32 s8, $0xFFFFF086  }
0x1c: {  	p1 =	slt.u32 s9, $0xF7A;
	s5 =	simm.s32 @!p2 $0x0  }
0x1d: {  	s5 =	simm.s32 @p1 $0x1;
	p0 =	seq.s32 s7, s2  }
0x1e: {  	s7 =	smul.u32 @!p0 $0xF7A, s2;
	p2 =	seq.s32 @!p0 s5, $0x0  }
0x1f: {  	s9 =	smul.u32 $0xF7A, s1;
	s8 =	simm.s32 @!p0 $0x1BF5;
	p2 =	por !p2, p0  }
0x20: {  	[sflag:s8] =	ssyncset.s32 @!p0 $0xFFFFF086;
	s6 =	sadd.s32 @!p0 s3, s7;
	s7 =	simm.s32 @!p0 $0x108  }
0x21: {  	s3 =	sadd.s32 s3, s9;
	s6 =	sadd.s32 @!p0 $0x88, s6;
	s7 =	simm.s32 @p2 $0x1082  }
0x22: {  	[simem:s7], [sflag:s8] =	dma.local @!p0 [hbm:s6], $0xF7A  }
0x23: {  	s9 =	sor.u32 $0xD0000000, s2;
	s6 =	simm.s32 $0x108;
	_ =	swait.ge @!p0 [sflag:s8], $0x0  }
0x24: {  	s3 =	sadd.s32 $0x88, s3;
	s6 =	simm.s32 @!p1 $0x1082;
	[sflag:s4] =	ssyncset.s32 $0xFFFFF086  }
0x25: {  	[simem:s6], [sflag:s4] =	dma.local [hbm:s3], $0xF7A  }
0x26: {  	[smem:$0x3F8A] =	sst s1;
	(tag) =	ssettag s2;
	_ =	strace s9  }
0x27: {  	s1 =	sld [smem:$0x3F9A]  }
0x28: {  	s2 =	sld [smem:$0x3F9B]  }
0x29: {  	s4 =	sld [smem:$0x3F9D]  }
0x2a: {  	p0 =	seq.s32 s5, $0x0;
	s5 =	sld [smem:$0x3F9E]  }
0x2b: {  	s6 =	sld [smem:$0x3F9F]  }
0x2c: {  	s7 =	sld [smem:$0x3FA0]  }
0x2d: {  	s3 =	simm.s32 $0x108;
	s8 =	sld [smem:$0x3FA1]  }
0x2e: {  	s3 =	simm.s32 @!p0 $0x1082;
	s9 =	sld [smem:$0x3FA2]  }
0x2f: {  	lr =	sadd.s32 s0, s3;
	s0 =	sld [smem:$0x3F99]  }
0x30: {  	s3 =	sld [smem:$0x3F9C]  }
0x31: {  	[smem:$0x3FA5] =	sst s10  }
0x32: {  	s10 =	sld [smem:$0x3FA3];
	_ =	sdelay $0x3  }
0x33: {  	p0 =	seq.s32 s10, $0x1;
	s10 =	sld [smem:$0x3FA5];
	_ =	sdelay $0x3  }
0x34: {  	[smem:$0x3FA5] =	sst s10  }
0x35: {  	s10 =	sld [smem:$0x3FA4];
	_ =	sdelay $0x3  }
0x36: {  	p1 =	seq.s32 s10, $0x1;
	s10 =	sld [smem:$0x3FA5];
	_ =	sdelay $0x3  }
0x37: {  	[smem:$0x3FA5] =	sst s10  }
0x38: {  	s10 =	sld [smem:$0x3FA6]  }
0x39: {  	_ = 	snop;
	(pc) =	sbr.ind lr, $3  }
0x3a: {  	_ = 	snop  }
0x3b: {  	_ = 	snop  }
0x3c: {  	p2 =	seq.s32 s10, $0x1;
	s10 =	sld [smem:$0x3FA5]  }
0x3d: {  	_ =	shalt  }
0x3e: {  	_ =	shalt  }
0x3f: {  	_ =	shalt  }
0x40: {  	_ =	shalt  }
0x41: {  	_ =	shalt  }
0x42: {  	_ =	shalt  }
0x43: {  	_ =	shalt  }
0x44: {  	_ =	shalt  }
0x45: {  	_ =	shalt  }
0x46: {  	_ =	shalt  }
0x47: {  	_ =	shalt  }
0x48: {  	_ =	shalt  }
0x49: {  	_ =	shalt  }
0x4a: {  	_ =	shalt  }
0x4b: {  	_ =	shalt  }
0x4c: {  	_ =	shalt  }
0x4d: {  	_ =	shalt  }
0x4e: {  	_ =	shalt  }
0x4f: {  	_ =	shalt  }
0x50: {  	_ =	shalt  }
0x51: {  	_ =	shalt  }
0x52: {  	_ =	shalt  }
0x53: {  	_ =	shalt  }
0x54: {  	_ =	shalt  }
0x55: {  	_ =	shalt  }
0x56: {  	_ =	shalt  }
0x57: {  	_ =	shalt  }
0x58: {  	_ =	shalt  }
0x59: {  	_ =	shalt  }
0x5a: {  	_ =	shalt  }
0x5b: {  	_ =	shalt  }
0x5c: {  	_ =	shalt  }
0x5d: {  	_ =	shalt  }
0x5e: {  	_ =	shalt  }
0x5f: {  	_ =	shalt  }
0x60: {  	_ =	shalt  }
0x61: {  	_ =	shalt  }
0x62: {  	_ =	shalt  }
0x63: {  	_ =	shalt  }
0x64: {  	_ =	shalt  }
0x65: {  	_ =	shalt  }
0x66: {  	_ =	shalt  }
0x67: {  	_ =	shalt  }
0x68: {  	_ =	shalt  }
0x69: {  	_ =	shalt  }
0x6a: {  	_ =	shalt  }
0x6b: {  	_ =	shalt  }
0x6c: {  	_ =	shalt  }
0x6d: {  	_ =	shalt  }
0x6e: {  	_ =	shalt  }
0x6f: {  	_ =	shalt  }
0x70: {  	_ =	shalt  }
0x71: {  	_ =	shalt  }
0x72: {  	_ =	shalt  }
0x73: {  	_ =	shalt  }
0x74: {  	_ =	shalt  }
0x75: {  	_ =	shalt  }
0x76: {  	_ =	shalt  }
0x77: {  	_ =	shalt  }
0x78: {  	_ =	shalt  }
0x79: {  	_ =	shalt  }
0x7a: {  	_ =	shalt  }
0x7b: {  	_ =	shalt  }
0x7c: {  	_ =	shalt  }
0x7d: {  	_ =	shalt  }
0x7e: {  	_ =	shalt  }
0x7f: {  	_ =	shalt  }
0x80: {  	_ =	shalt  }
0x81: {  	_ =	shalt  }
0x82: {  	_ =	shalt  }
0x83: {  	_ =	shalt  }
0x84: {  	_ =	shalt  }
0x85: {  	_ =	shalt  }
0x86: {  	_ =	shalt  }
0x87: {  	_ =	shalt  }
.Lfunc_end0:
.L_simem_size_0:
called_computation.3_lowered:
.L_overlay_start_0:
0x88: {  	s2 =	sld [smem:$0x3FD9]  }
0x89: {  	s3 =	sld [smem:$0x3FFE];
	_ =	sdelay $0x1  }
0x8a: {  	s1 =	srdreg.scid  }
0x8b: {  	s0 =	sand.u32 $0x1, s1  }
0x8c: {  	s17 =	sshll.u32 s0, $0xA;
	s2 =	sadd.s32 s3, s2  }
0x8d: {  	s2 =	sadd.s32 s2, s17  }
0x8e: {  	[smem:$0x3FB1] =	sst s2  }
0x8f: {  	_ = 	snop  }
0x90: {  	(tm) =	ssettm $0x1  }
0x91: {  	s18 =	sld [smem:$0x3FFB];
	_ =	sdelay $0x3  }
0x92: {  	_ =	strace s18  }
0x93: {  	s2 =	sld [smem:$0x3FFC];
	_ =	sdelay $0x3  }
0x94: {  	_ =	strace s2  }
0x95: {  	s2 =	sld [smem:$0x3FFD];
	_ =	sdelay $0x3  }
0x96: {  	_ =	strace s2  }
0x97: {  	_ =	strace $0x8FFFFFFF  }
0x98: {  	s19 =	sld [smem:$0x3FDB];
	_ =	sdelay $0x1  }
0x99: {  	s20 =	simm.s32 $_scs_section_size  }
0x9a: {  	s4 =	simm.s32 $_size__tile_overlayer_lowered;
	s5 =	simm.s32 $_tile_overlayer_lowered  }
0x9b: {  	s6 =	simm.s32 $0x1BFF;
	s21 =	sshll.u32 s5, $0x1;
	s3 =	sadd.s32 s20, s19  }
0x9c: {  	s22 =	simm.s32 $0x0;
	s4 =	sshll.u32 s4, $0x1;
	s5 =	sadd.s32 s21, s3  }
0x9d: {  	[timem:s22], [sflag:s6] =	dma.local [hbm:s5], s4  }
0x9e: {  	_ =	swait.ge [sflag:s6], s4  }
0x9f: {  	s4 =	ssub.s32 $0x0, s4;
	[sflag:s6] =	ssyncset.done $0x0  }
0xa0: {  	[sflag:s6] =	ssyncadd.s32 s4;
	_ =	sdelay $0x1  }
0xa1: {  	s23 =	simm.s32 $0x1B8B  }
0xa2: {  	_ =	swait.ge [sflag:s23], $0x1  }
0xa3: {  	[sflag:s23] =	ssyncset.done $0x0  }
0xa4: {  	[sflag:s23] =	ssyncadd.s32 $0xFFFFFFFF  }
0xa5: {  	s4 =	sld [smem:$0x0]  }
0xa6: {  	s5 =	sand.u32 $0xFFFFFFFE, s1  }
0xa7: {  	p0 =	sne.s32 s1, s5  }
0xa8: {  	s5 =	sshll.u32 @p0 s5, $0xE  }
0xa9: {  	s5 =	sadd.s32 @p0 $0x11B8D, s5;
	s6 =	sshll.u32 @p0 s4, $0x11  }
0xaa: {  	s5 =	sor.u32 @p0 s6, s5  }
0xab: {  	[sflag:s5] =	ssyncadd.remote.s32 @p0 $0x1;
	_ =	sdelay $0x1  }
0xac: {  	s5 =	simm.s32 @p0 $0x1B8D  }
0xad: {  	_ =	swait.eq @p0 [sflag:s5], $0x1  }
0xae: {  	[sflag:s5] =	ssyncadd.s32 @p0 $0xFFFFFFFF  }
0xaf: {  	s6 =	sshll.u32 @!p0 s1, $0xE  }
0xb0: {  	s6 =	sor.u32 @!p0 $0x4000, s6;
	s5 =	simm.s32 @!p0 $0x1B8D  }
0xb1: {  	s4 =	sshll.u32 @!p0 s4, $0x11;
	s6 =	sadd.s32 @!p0 $0x11B8D, s6;
	_ =	swait.eq @!p0 [sflag:s5], $0x1  }
0xb2: {  	s4 =	sor.u32 @!p0 s4, s6;
	[sflag:s5] =	ssyncadd.s32 @!p0 $0xFFFFFFFF  }
0xb3: {  	s25 =	simm.s32 $0x1B8E;
	s24 =	sld [smem:$0x3FFE];
	[sflag:s4] =	ssyncadd.remote.s32 @!p0 $0x1  }
0xb4: {  	s26 =	simm.s32 $execute0_lowered;
	[smem:$0x3FD2] =	sst s25  }
0xb5: {  	s5 =	sshll.u32 s26, $0x1;
	_ =	strace $0x8000004C;
	[dreg:$0x1] =	wrdreg $0xFFFFFFFF  }
0xb6: {  	s28 =	simm.s32 $_size_execute0_lowered;
	s3 =	sadd.s32 s3, s5;
	[dreg:$0x0] =	wrdreg $0x0  }
0xb7: {  	s5 =	sshll.u32 s28, $0x1;
	[dreg:$0x2] =	wrdreg s3  }
0xb8: {  	[dreg:$0x3] =	wrdreg s5  }
0xb9: {  	[dreg:$0x4] =	wrdreg $0xC0  }
0xba: {  	_ =	task [dreg:s22], $0x5FFFF  }
0xbb: {  	[dreg:$0x1] =	wrdreg $0xFFFFFFFF  }
0xbc: {  	[dreg:$0x0] =	wrdreg $0x60  }
0xbd: {  	[dreg:$0x2] =	wrdreg s24  }
0xbe: {  	[dreg:$0x3] =	wrdreg $0x150800  }
0xbf: {  	[dreg:$0x4] =	wrdreg $0x191800  }
0xc0: {  	[dreg:$0x5] =	wrdreg $0x1D2800  }
0xc1: {  	[dreg:$0x6] =	wrdreg $0x1E2C00  }
0xc2: {  	[dreg:$0x7] =	wrdreg $0xA  }
0xc3: {  	_ =	task.clear_ibuf [dreg:s22], $0x8FFFF;
	_ =	strace $0x9000004C  }
0xc4: {  	s29 =	simm.s32 $0xA;
	_ =	strace $0x8000004E  }
0xc5: {  	_ =	swait.ge [sflag:s29], $0x1  }
0xc6: {  	[sflag:s29] =	ssyncadd.s32 $0xFFFFFFFF  }
0xc7: {  	_ =	strace $0x9000004E  }
0xc8: {  	_ =	sfence  }
0xc9: {  	s30 =	sld [smem:$0x0];
	_ =	sdelay $0x2  }
0xca: {  	s31 =	sshll.u32 s1, $0xD;
	s1 =	sshrl.u32 s1, $0x2  }
0xcb: {  	s4 =	sand.u32 $0x4000, s31;
	s1 =	sadd.s32 s1, s30  }
0xcc: {  	s0 =	sor.u32 s4, s0;
	s1 =	sshll.u32 s1, $0x11  }
0xcd: {  	s0 =	sor.u32 s1, s0  }
0xce: {  	s0 =	sadd.s32 $0x8F2B, s0  }
0xcf: {  	[sflag:s0] =	ssyncadd.remote.s32 $0x1  }
0xd0: {  	_ =	sfence.sel $0xFFFF  }
0xd1: {  	[dreg:$0x0] =	wrdreg $0xFFFFFFFF;
	(pc) =	sbr.abs _section_cstart, $3  }
0xd2: {  	[dreg:$0x1] =	wrdreg $0xFFFFFFFF  }
0xd3: {  	_ =	task.clear_ibuf [dreg:s22], $0x2FFFF;
	_ =	strace $0x9FFFFFFF  }
0xd4: {  	(tm) =	ssettm $0x7FFFFFFF  }
0xd5: {  	_ =	shalt  }
tec
execute0_lowered:
.L_overlay_start_1:
0x0: {  	(tag) =	ssettag $0x1  }
0x1: {  	s0 =	rddreg [dreg:$0x0]  }
0x2: {  	s1 =	rddreg [dreg:$0x1]  }
0x3: {  	s2 =	rddreg [dreg:$0x2]  }
0x4: {  	s4 =	rddreg [dreg:$0x3]  }
0x5: {  	s5 =	rddreg [dreg:$0x4];
	s3 =	srdreg.scid  }
0x6: {  	s14 =	stileid.u32;
	s15 =	simm.s32 $0x0;
	s28 =	simm.s32 $0x1  }
0x7: {  	s29 =	simm.s32 $0x2;
	s18 =	simm.s32 $0x200;
	s3 =	sand.u32 $0x1, s3  }
0x8: {  	s6 =	smul.u32 $0x4100, s14;
	[smem:$0x7FF] =	sst s15;
	s8 =	sadd.s32 $0x44E00, s0  }
0x9: {  	s19 =	smul.u32 $0x1040, s14;
	s9 =	sadd.s32 $0x25A00, s0;
	s20 =	sadd.s32 $0xB000, s0  }
0xa: {  	s10 =	sadd.s32 $0xE200, s0;
	_ =	strace $0x8000004D;
	[dreg:$0x7] =	wrdreg s8  }
0xb: {  	s11 =	sadd.s32 $0x64200, s0;
	s12 =	sadd.s32 $0x197E00, s0;
	[dreg:$0x8] =	wrdreg s9  }
0xc: {  	s24 =	sshll.u32 s14, $0x5;
	s7 =	smul.u32 $0x41000, s3;
	[dreg:$0x9] =	wrdreg s20  }
0xd: {  	s21 =	smul.u32 $0x10400, s3;
	[dreg:$0xa] =	wrdreg s10;
	s22 =	ssub.s32 $0x2, s3  }
0xe: {  	s3 =	sshll.u32 s3, $0x4;
	s20 =	simm.s32 $0xDF40;
	s13 =	sshrl.u32 s22, $0x1  }
0xf: {  	s10 =	sadd.s32 s6, s1;
	s16 =	sadd.s32 s19, s4;
	s3 =	sor.u32 s3, s24  }
0x10: {  	s17 =	sadd.s32 s19, s5;
	s24 =	simm.s32 $0x3;
	[dreg:$0xf] =	wrdreg s3  }
0x11: {  	s7 =	sadd.s32 s6, s7;
	s9 =	sadd.s32 s19, s21;
	[dreg:$0xb] =	wrdreg s10  }
0x12: {  	s23 =	ssub.s32 s22, s13;
	s13 =	sadd.s32 s6, s2;
	[dreg:$0xd] =	wrdreg s16  }
0x13: {  	s3 =	simm.s32 $0x2F40;
	[dreg:$0xe] =	wrdreg s17;
	s7 =	sshrl.u32 s7, $0x3  }
0x14: {  	s31 =	smax.u32 s23, $0x1;
	[dreg:$0xc] =	wrdreg s13;
	s7 =	sadd.s32 s7, s0  }
0x15: {  	s9 =	sshrl.u32 s9, $0x3;
	[dreg:$0x14] =	wrdreg s31;
	s25 =	sadd.s32 $0x137C00, s7  }
0x16: {  	s0 =	sadd.s32 s9, s0;
	s26 =	sadd.s32 $0x127800, s7;
	[dreg:$0x10] =	wrdreg s25  }
0x17: {  	v0 =	vimm.f32 $0.0e+00;
	vm0 =	vcmask $0x300;
	v1 =	vlaneseq.u32;
	s19 =	simm.s32 $0x5F40;
	s30 =	sadd.s32 $0x148000, s0;
	[dreg:$0x11] =	wrdreg s26  }
0x18: {  	v3 =	vimm.s32 $0x0;
	v6 =	vimm.s32 $0x1000;
	v4 =	vshrl.u32 v1, $0x3;
	s23 =	simm.s32 $0x3F40;
	s0 =	sadd.s32 $0x14C200, s0;
	[dreg:$0x12] =	wrdreg s30  }
0x19: {  	v2 =	vsel vm0, $0x3F800000, v0;
	v5 =	vand.u32 $0x7, v1;
	v4 =	vmul.u32 $0x8, v4;
	[dreg:$0x13] =	wrdreg s0;
	s0 =	simm.s32 $0x1F40;
	s25 =	simm.s32 $0x4F40  }
.LBB2_1:
0x1a: {  	s6 =	simm.s32 $0x0  }
.LBB2_2:
0x1b: {  	p0 =	sne.s32 s6, $0x7FC0  }
.Ltmp0:
0x1c: {  	_ = 	snop;
	(pc) =	sbr.rel @p0 .LBB2_2-.Ltmp0, $3  }
0x1d: {  	_ =	sdelay $0x1  }
0x1e: {  	s7 =	sshra.s32 s6, $0x2  }
0x1f: {  	s6 =	sadd.s32 $0x40, s6;
	[tilespmem:s7+$0xDF40] =	vst v2  }
0x20: {  	s6 =	simm.s32 $0xFF60  }
0x21: {  	[tilespmem:s6+$0x0] =	vst v0  }
0x22: {  	[tilespmem:s6+$0xFFFFFFE0] =	vst v0  }
0x23: {  	[tilespmem:s6+$0x10] =	vst v0  }
0x24: {  	[dreg:$0x6] =	wrdreg s15;
	s7 =	simm.s32 $0x40;
	s8 =	simm.s32 $0x0;
	[tilespmem:s6+$0xFFFFFFF0] =	vst v0  }
.LBB2_4:
0x25: {  	p0 =	sne.s32 s7, $0x40C0  }
0x26: {  	[tilespmem:s8+$0x14040] =	vst v0;
	s6 =	sadd.s32 $0x40, s6;
	s8 =	smov.u32 s7;
	s7 =	sadd.s32 $0x40, s7  }
.Ltmp1:
0x27: {  	[tilespmem:s6+$0x0] =	vst v0;
	(pc) =	sbr.rel @p0 .LBB2_4-.Ltmp1, $4  }
0x28: {  	_ = 	snop  }
0x29: {  	[tilespmem:s6+$0xFFFFFFE0] =	vst v0  }
0x2a: {  	[tilespmem:s6+$0x10] =	vst v0  }
0x2b: {  	s8 =	sshra.s32 s8, $0x2;
	[tilespmem:s6+$0xFFFFFFF0] =	vst v0  }
0x2c: {  	[tilespmem:s8+$0x14040] =	vst v0;
	s6 =	simm.s32 $0xFF40  }
0x2d: {  	[spmem:s10] =	stream.linear.scatter [tilespmem:s6], [sflag:$0x3], $0x4100, $0x38;
	[tilespmem:$0x1F300] =	vst v63  }
0x2e: {  	_ =	swait.ge [sflag:s24], $0x4100  }
0x2f: {  	[sflag:s24] =	ssyncset.done $0x0  }
0x30: {  	[sflag:s24] =	ssyncadd.s32 $0xFFFFBF00  }
0x31: {  	[spmem:s13] =	stream.linear.scatter [tilespmem:s6], [sflag:$0x3], $0x4100, $0x38;
	[tilespmem:$0x1F300] =	vst v63  }
0x32: {  	_ =	swait.ge [sflag:s24], $0x4100  }
0x33: {  	[sflag:s24] =	ssyncset.done $0x0  }
0x34: {  	s31 =	simm.s32 $0x14040;
	[sflag:s24] =	ssyncadd.s32 $0xFFFFBF00  }
0x35: {  	[spmem:s16] =	stream.linear.scatter [tilespmem:s31], [sflag:$0x3], $0x1040, $0x38;
	[tilespmem:$0x1F300] =	vst v63  }
0x36: {  	_ =	swait.ge [sflag:s24], $0x1040  }
0x37: {  	[sflag:s24] =	ssyncset.done $0x0  }
0x38: {  	[sflag:s24] =	ssyncadd.s32 $0xFFFFEFC0  }
0x39: {  	[spmem:s17] =	stream.linear.scatter [tilespmem:s31], [sflag:$0x3], $0x1040, $0x38;
	[tilespmem:$0x1F300] =	vst v63  }
.Ltmp2:
0x3a: {  	_ =	swait.ge [sflag:s24], $0x1040;
	(pc) =	sbr.rel .LBB2_6-.Ltmp2, $4  }
0x3b: {  	[sflag:s24] =	ssyncset.done $0x0  }
0x3c: {  	[sflag:s24] =	ssyncadd.s32 $0xFFFFEFC0  }
0x3d: {  	s8 =	simm.s32 $0x0;
	s21 =	simm.s32 $0x0;
	[bflag:$0x0] =	sbarrier.arrive $0xFFFF  }
0x3e: {  	s15 =	simm.s32 $0x0;
	s13 =	simm.s32 $0x0;
	s16 =	simm.s32 $0x0  }
.LBB2_17:
0x3f: {  	s17 =	sadd.s32 $0x4F40, s10;
	[sflag:s24] =	ssyncadd.s32 @p0 $0xFFFFE000  }
0x40: {  	[tilespmem:s19], [sflag:$0x1] =	stream.indirect.gather [hbm4b:s12+s18], $0x40, s17, s18, $0xb8;
	[tilespmem:$0x1F300] =	vst v63  }
0x41: {  	_ =	swait.ge [sflag:s28], $0x8000  }
0x42: {  	[sflag:s28] =	ssyncset.done $0x0  }
0x43: {  	s26 =	sadd.s32 $0x3F40, s10;
	[sflag:s28] =	ssyncadd.s32 $0xFFFF8000  }
0x44: {  	[spmem:s2] =	stream.indirect.scatter.add.f32 [tilespmem:s19], [sflag:$0x3], $0x40, s26, s18, $0xb8;
	[tilespmem:$0x1F300] =	vst v63  }
0x45: {  	_ =	swait.ge [sflag:s24], $0x8000  }
0x46: {  	[sflag:s24] =	ssyncset.done $0x0  }
0x47: {  	[sflag:s24] =	ssyncadd.s32 $0xFFFF8000  }
0x48: {  	[spmem:s5] =	stream.indirect.scatter.add.f32 [tilespmem:s20], [sflag:$0x3], $0x10, s26, s18, $0xb8;
	[tilespmem:$0x1F300] =	vst v63  }
0x49: {  	_ =	swait.ge [sflag:s24], $0x2000  }
0x4a: {  	[sflag:s24] =	ssyncset.done $0x0  }
0x4b: {  	[sflag:s24] =	ssyncadd.s32 $0xFFFFE000  }
.LBB2_18:
0x4c: {  	s13 =	sadd.s32 $0x1, s13  }
0x4d: {  	p0 =	seq.s32 s13, $0x10  }
.Ltmp3:
0x4e: {  	_ = 	snop;
	(pc) =	sbr.rel @p0 .LBB2_19-.Ltmp3, $3  }
0x4f: {  	_ =	sdelay $0x1  }
0x50: {  	s8 =	sand.u32 $0xFFFFFE00, s8;
	s10 =	sand.u32 $0xFFFFFE00, s16  }
0x51: {  	s16 =	sadd.s32 s9, s8;
	s8 =	sadd.s32 s14, s10  }
.LBB2_6:
0x52: {  	s6 =	rddreg [dreg:$0xf]  }
0x53: {  	s6 =	sadd.s32 s6, s13  }
0x54: {  	s6 =	smul.u32 $0xFA, s6  }
0x55: {  	s7 =	rddreg [dreg:$0x7]  }
0x56: {  	s10 =	simm.s32 $0x0;
	s14 =	rddreg [dreg:$0x8];
	s7 =	sadd.s32 s7, s6  }
0x57: {  	[tilespmem:s10], [sflag:$0x1] =	stream.linear.gather [hbm4b:s7+s10], $0x7D0, $0x38;
	[tilespmem:$0x1F300] =	vst v63  }
0x58: {  	s17 =	simm.s32 $0x7D0;
	s6 =	sadd.s32 s14, s6  }
0x59: {  	[tilespmem:s17], [sflag:$0x2] =	stream.linear.gather [hbm4b:s6+s10], $0x7D0, $0x38;
	[tilespmem:$0x1F300] =	vst v63  }
0x5a: {  	_ =	swait.ge [sflag:s28], $0x7D0  }
0x5b: {  	[sflag:s28] =	ssyncset.done $0x0  }
0x5c: {  	[sflag:s28] =	ssyncadd.s32 $0xFFFFF830  }
0x5d: {  	_ =	swait.ge [sflag:s29], $0x7D0  }
0x5e: {  	[sflag:s29] =	ssyncset.done $0x0  }
0x5f: {  	s9 =	simm.s32 $0xFA0;
	s22 =	rddreg [dreg:$0x9];
	[sflag:s29] =	ssyncadd.s32 $0xFFFFF830  }
0x60: {  	[tilespmem:s9], [sflag:$0x1] =	stream.indirect.gather [hbm4b:s22+s17], $0x1, s10, s17, $0xb8;
	[tilespmem:$0x1F300] =	vst v63  }
0x61: {  	s30 =	simm.s32 $0x1770;
	s26 =	rddreg [dreg:$0xa]  }
0x62: {  	[tilespmem:s30], [sflag:$0x2] =	stream.indirect.gather [hbm4b:s26+s17], $0x1, s17, s17, $0xb8;
	[tilespmem:$0x1F300] =	vst v63  }
0x63: {  	_ =	swait.ge [sflag:s28], $0x7D0  }
0x64: {  	[sflag:s28] =	ssyncset.done $0x0  }
0x65: {  	[sflag:s28] =	ssyncadd.s32 $0xFFFFF830  }
0x66: {  	_ =	swait.ge [sflag:s29], $0x7D0  }
0x67: {  	[sflag:s29] =	ssyncset.done $0x0  }
0x68: {  	s31 =	simm.s32 $0x0;
	[sflag:s29] =	ssyncadd.s32 $0xFFFFF830  }
0x69: {  	v7 =	vld [tilespmem:s31+$0xFA0];
	_ =	sdelay $0x1  }
0x6a: {  	v8 =	vld [tilespmem:s31+$0x1770];
	_ =	sdelay $0x2  }
0x6b: {  	vm0 =	vgt.s32 v7, $0xFFFFFFFF  }
0x6c: {  	v9 =	vsel vm0, $0x1, v3  }
0x6d: {  	vm1 =	vgt.s32 v8, $0xFFFFFFFF;
	(xrf0) =	vadd.scan.msk.s32 $0xffff, v9  }
0x6e: {  	v9 =	vsel vm1, $0x1, v3  }
0x6f: {  	(xrf0) =	vadd.scan.msk.s32 $0xffff, v9  }
0x70: {  	v9 =	vmov s15  }
0x71: {  	v9 =	vadd.s32 $0xFFF, v9  }
0x72: {  	v10 =	vmov s21;
	v9 =	vbroadcast v9, $0x0  }
0x73: {  	v10 =	vadd.s32 $0xFFF, v10;
	v11, _, _ =	vpop (xrf0)  }
0x74: {  	v10 =	vbroadcast v10, $0x0;
	v9 =	vadd.s32 v11, v9;
	(v2sf) =	vpush v11, $0xF  }
0x75: {  	v11, _, _ =	vpop (xrf0);
	v9 =	vand.u32 $0xFFF, v9  }
0x76: {  	v12 =	vld [tilespmem:s31+$0x7D0];
	v10 =	vadd.s32 v11, v10;
	(v2sf) =	vpush v11, $0xF  }
0x77: {  	v10 =	vand.u32 $0xFFF, v10  }
0x78: {  	v13 =	vld [tilespmem:s31+$0x0];
	_ =	sdelay $0x1  }
0x79: {  	[tilespmem:v9+s0+$0x0] =	vst.idx.msk vm0, v7  }
0x7a: {  	[tilespmem:v9+s3+$0x0] =	vst.idx.msk vm0, v12  }
0x7b: {  	[tilespmem:v10+s23+$0x0] =	vst.idx.msk vm1, v8  }
0x7c: {  	s7 =	simm.s32 $0x10;
	[tilespmem:v10+s25+$0x0] =	vst.idx.msk vm1, v13  }
0x7d: {  	v8 =	vld [tilespmem:s7+$0xFA0];
	_ =	sdelay $0x1  }
0x7e: {  	v7 =	vld [tilespmem:s7+$0x1770];
	_ =	sdelay $0x1  }
0x7f: {  	s14 =	smov.u32 s8  }
0x80: {  	s8 =	simm.s32 $0x80;
	s9 =	smov.u32 s16;
	vm0 =	vgt.s32 v8, $0xFFFFFFFF;
	s6 =	spop (v2sf)  }
.LBB2_7:
0x81: {  	s15 =	sadd.s32 s15, s6  }
0x82: {  	vm1 =	vgt.s32 v7, $0xFFFFFFFF;
	v9 =	vsel vm0, $0x1, v3;
	s6 =	spop (v2sf);
	s10 =	smov.u32 s8;
	s16 =	sadd.s32 $0x40, s8  }
0x83: {  	p0 =	sne.s32 s8, $0x1F00;
	v10 =	vmov s15;
	v11 =	vsel vm1, $0x1, v3;
	(xrf0) =	vadd.scan.msk.s32 $0xffff, v9;
	s21 =	sadd.s32 s21, s6  }
0x84: {  	v9 =	vadd.s32 $0xFFF, v10;
	v10 =	vmov s21;
	(xrf0) =	vadd.scan.msk.s32 $0xffff, v11  }
0x85: {  	v10 =	vadd.s32 $0xFFF, v10;
	_ =	sdelay $0x2  }
0x86: {  	v9 =	vbroadcast v9, $0x0  }
0x87: {  	v10 =	vbroadcast v10, $0x0;
	v11, _, _ =	vpop (xrf0)  }
0x88: {  	v9 =	vadd.s32 v11, v9;
	(v2sf) =	vpush v11, $0xF;
	v11, _, _ =	vpop (xrf0)  }
0x89: {  	v9 =	vand.u32 $0xFFF, v9;
	v10 =	vadd.s32 v11, v10;
	(v2sf) =	vpush v11, $0xF  }
0x8a: {  	v11 =	vld [tilespmem:s7+$0x7D0]  }
0x8b: {  	v10 =	vand.u32 $0xFFF, v10  }
0x8c: {  	v12 =	vld [tilespmem:s7+$0x0];
	_ =	sdelay $0x1  }
0x8d: {  	[tilespmem:v9+s0+$0x0] =	vst.idx.msk vm0, v8  }
0x8e: {  	[tilespmem:v9+s3+$0x0] =	vst.idx.msk vm0, v11  }
0x8f: {  	[tilespmem:v10+s23+$0x0] =	vst.idx.msk vm1, v7  }
0x90: {  	s7 =	sshra.s32 s10, $0x2;
	[tilespmem:v10+s25+$0x0] =	vst.idx.msk vm1, v12  }
0x91: {  	v8 =	vld [tilespmem:s7+$0xFA0]  }
.Ltmp4:
0x92: {  	v7 =	vld [tilespmem:s7+$0x1770];
	(pc) =	sbr.rel @p0 .LBB2_7-.Ltmp4, $2  }
0x93: {  	_ =	sdelay $0x2  }
0x94: {  	s8 =	smov.u32 s16;
	vm0 =	vgt.s32 v8, $0xFFFFFFFF;
	s6 =	spop (v2sf)  }
0x95: {  	v9 =	vsel vm0, $0x1, v3  }
0x96: {  	(xrf0) =	vadd.scan.msk.s32 $0xffff, v9;
	_ =	sdelay $0x5  }
0x97: {  	vm1 =	vgt.s32 v7, $0xFFFFFFFF;
	v61, _, _ =	vpop (xrf0)  }
0x98: {  	v60 =	vsel vm1, $0x1, v3;
	(v2sf) =	vpush v61, $0xF  }
0x99: {  	(xrf0) =	vadd.scan.msk.s32 $0xffff, v60;
	_ =	sdelay $0x5  }
0x9a: {  	v10, _, _ =	vpop (xrf0)  }
0x9b: {  	(v2sf) =	vpush v10, $0xF;
	_ =	sdelay $0x1  }
0x9c: {  	s31 =	sadd.s32 s15, s6  }
0x9d: {  	s26 =	spop (v2sf);
	v11 =	vmov s31  }
0x9e: {  	s6 =	sadd.s32 s21, s26;
	v11 =	vadd.s32 $0xFFF, v11  }
0x9f: {  	v12 =	vmov s6;
	v11 =	vbroadcast v11, $0x0  }
0xa0: {  	v62 =	vld [tilespmem:s7+$0x7D0];
	v12 =	vadd.s32 $0xFFF, v12  }
0xa1: {  	v63 =	vld [tilespmem:s7+$0x0];
	v12 =	vbroadcast v12, $0x0;
	v9 =	vadd.s32 v61, v11;
	s7 =	spop (v2sf)  }
0xa2: {  	v9 =	vand.u32 $0xFFF, v9;
	s15 =	sadd.s32 s31, s7  }
0xa3: {  	v10 =	vadd.s32 v10, v12;
	s8 =	ssub.s32 s15, s9  }
0xa4: {  	v10 =	vand.u32 $0xFFF, v10;
	s10 =	sshra.s32 s8, $0x9  }
0xa5: {  	p0 =	slt.s32 s10, $0x1  }
.Ltmp5:
0xa6: {  	_ = 	snop;
	(pc) =	sbr.rel @p0 .LBB2_13-.Ltmp5, $4  }
0xa7: {  	[tilespmem:v9+s0+$0x0] =	vst.idx.msk vm0, v8  }
0xa8: {  	[tilespmem:v9+s3+$0x0] =	vst.idx.msk vm0, v62  }
0xa9: {  	[tilespmem:v10+s23+$0x0] =	vst.idx.msk vm1, v7;
	s30 =	spop (v2sf)  }
0xaa: {  	[tilespmem:v10+s25+$0x0] =	vst.idx.msk vm1, v63;
	s21 =	sadd.s32 s6, s30  }
0xab: {  	p1 =	sne.s32 s10, $0x1  }
.Ltmp6:
0xac: {  	_ = 	snop;
	(pc) =	sbr.rel @!p1 .LBB2_12-.Ltmp6, $2  }
0xad: {  	_ =	sdelay $0x2  }
0xae: {  	s10 =	sadd.s32 $0xFFFFFFFF, s10;
	s16 =	sand.u32 $0xE00, s9;
	p0 =	por $0x0, $0x0  }
0xaf: {  	s17 =	sadd.s32 $0x2F40, s16  }
0xb0: {  	[tilespmem:s19], [sflag:$0x1] =	stream.indirect.gather [hbm4b:s11+s18], $0x40, s17, s18, $0xb8;
	[tilespmem:$0x1F300] =	vst v63  }
0xb1: {  	_ =	swait.ge [sflag:s28], $0x8000  }
0xb2: {  	[sflag:s28] =	ssyncset.done $0x0  }
0xb3: {  	s26 =	sadd.s32 $0x1F40, s16;
	[sflag:s28] =	ssyncadd.s32 $0xFFFF8000  }
0xb4: {  	[spmem:s1] =	stream.indirect.scatter.add.f32 [tilespmem:s19], [sflag:$0x3], $0x40, s26, s18, $0xb8;
	[tilespmem:$0x1F300] =	vst v63  }
0xb5: {  	p1 =	sne.s32 s10, $0x1;
	_ =	swait.ge [sflag:s24], $0x8000  }
.Ltmp7:
0xb6: {  	[sflag:s24] =	ssyncset.done $0x0;
	(pc) =	sbr.rel @!p1 .LBB2_12-.Ltmp7, $4  }
0xb7: {  	[sflag:s24] =	ssyncadd.s32 $0xFFFF8000  }
0xb8: {  	[spmem:s4] =	stream.indirect.scatter.add.f32 [tilespmem:s20], [sflag:$0x3], $0x10, s26, s18, $0xb8;
	[tilespmem:$0x1F300] =	vst v63  }
0xb9: {  	s10 =	sadd.s32 $0xFFFFFFFF, s10;
	s17 =	sadd.s32 $0x200, s9;
	_ =	swait.ge [sflag:s24], $0x2000  }
0xba: {  	p0 =	por $0x1, $0x1;
	s16 =	sand.u32 $0xE00, s17;
	[sflag:s24] =	ssyncset.done $0x0  }
.LBB2_11:
0xbb: {  	p1 =	sne.s32 s10, $0x1;
	s26 =	sadd.s32 $0x2F40, s16;
	[sflag:s24] =	ssyncadd.s32 $0xFFFFE000  }
0xbc: {  	[tilespmem:s19], [sflag:$0x1] =	stream.indirect.gather [hbm4b:s11+s18], $0x40, s26, s18, $0xb8;
	[tilespmem:$0x1F300] =	vst v63  }
0xbd: {  	s10 =	sadd.s32 $0xFFFFFFFF, s10;
	_ =	swait.ge [sflag:s28], $0x8000  }
0xbe: {  	[sflag:s28] =	ssyncset.done $0x0  }
0xbf: {  	s16 =	sadd.s32 $0x1F40, s16;
	[sflag:s28] =	ssyncadd.s32 $0xFFFF8000  }
0xc0: {  	[spmem:s1] =	stream.indirect.scatter.add.f32 [tilespmem:s19], [sflag:$0x3], $0x40, s16, s18, $0xb8;
	[tilespmem:$0x1F300] =	vst v63  }
0xc1: {  	_ =	swait.ge [sflag:s24], $0x8000  }
.Ltmp8:
0xc2: {  	[sflag:s24] =	ssyncset.done $0x0;
	(pc) =	sbr.rel @p1 .LBB2_11-.Ltmp8, $4  }
0xc3: {  	[sflag:s24] =	ssyncadd.s32 $0xFFFF8000  }
0xc4: {  	[spmem:s4] =	stream.indirect.scatter.add.f32 [tilespmem:s20], [sflag:$0x3], $0x10, s16, s18, $0xb8;
	[tilespmem:$0x1F300] =	vst v63  }
0xc5: {  	s17 =	sadd.s32 $0x200, s17;
	_ =	swait.ge [sflag:s24], $0x2000  }
0xc6: {  	s16 =	sand.u32 $0xE00, s17;
	[sflag:s24] =	ssyncset.done $0x0  }
.LBB2_12:
0xc7: {  	s10 =	sadd.s32 $0x2F40, s16;
	[sflag:s24] =	ssyncadd.s32 @p0 $0xFFFFE000  }
0xc8: {  	[tilespmem:s19], [sflag:$0x1] =	stream.indirect.gather [hbm4b:s11+s18], $0x40, s10, s18, $0xb8;
	[tilespmem:$0x1F300] =	vst v63  }
0xc9: {  	_ =	swait.ge [sflag:s28], $0x8000  }
0xca: {  	[sflag:s28] =	ssyncset.done $0x0  }
0xcb: {  	s26 =	sadd.s32 $0x1F40, s16;
	[sflag:s28] =	ssyncadd.s32 $0xFFFF8000  }
0xcc: {  	[spmem:s1] =	stream.indirect.scatter.add.f32 [tilespmem:s19], [sflag:$0x3], $0x40, s26, s18, $0xb8;
	[tilespmem:$0x1F300] =	vst v63  }
0xcd: {  	_ =	swait.ge [sflag:s24], $0x8000  }
0xce: {  	[sflag:s24] =	ssyncset.done $0x0  }
0xcf: {  	[sflag:s24] =	ssyncadd.s32 $0xFFFF8000  }
0xd0: {  	[spmem:s4] =	stream.indirect.scatter.add.f32 [tilespmem:s20], [sflag:$0x3], $0x10, s26, s18, $0xb8;
	[tilespmem:$0x1F300] =	vst v63  }
0xd1: {  	_ =	swait.ge [sflag:s24], $0x2000  }
0xd2: {  	[sflag:s24] =	ssyncset.done $0x0  }
0xd3: {  	[sflag:s24] =	ssyncadd.s32 $0xFFFFE000  }
.LBB2_13:
0xd4: {  	s16 =	ssub.s32 s21, s14  }
0xd5: {  	s10 =	sshra.s32 s16, $0x9  }
0xd6: {  	p0 =	slt.s32 s10, $0x1  }
.Ltmp9:
0xd7: {  	_ = 	snop;
	(pc) =	sbr.rel @p0 .LBB2_18-.Ltmp9, $1  }
0xd8: {  	_ =	sdelay $0x3  }
0xd9: {  	p1 =	sne.s32 s10, $0x1  }
.Ltmp10:
0xda: {  	_ = 	snop;
	(pc) =	sbr.rel @!p1 .LBB2_17-.Ltmp10, $2  }
0xdb: {  	_ =	sdelay $0x2  }
0xdc: {  	s17 =	sadd.s32 $0xFFFFFFFF, s10;
	s10 =	sand.u32 $0xE00, s14;
	p0 =	por $0x0, $0x0  }
0xdd: {  	s26 =	sadd.s32 $0x4F40, s10  }
0xde: {  	[tilespmem:s19], [sflag:$0x1] =	stream.indirect.gather [hbm4b:s12+s18], $0x40, s26, s18, $0xb8;
	[tilespmem:$0x1F300] =	vst v63  }
0xdf: {  	_ =	swait.ge [sflag:s28], $0x8000  }
0xe0: {  	[sflag:s28] =	ssyncset.done $0x0  }
0xe1: {  	s26 =	sadd.s32 $0x3F40, s10;
	[sflag:s28] =	ssyncadd.s32 $0xFFFF8000  }
0xe2: {  	[spmem:s2] =	stream.indirect.scatter.add.f32 [tilespmem:s19], [sflag:$0x3], $0x40, s26, s18, $0xb8;
	[tilespmem:$0x1F300] =	vst v63  }
0xe3: {  	p1 =	sne.s32 s17, $0x1;
	_ =	swait.ge [sflag:s24], $0x8000  }
.Ltmp11:
0xe4: {  	[sflag:s24] =	ssyncset.done $0x0;
	(pc) =	sbr.rel @!p1 .LBB2_17-.Ltmp11, $4  }
0xe5: {  	[sflag:s24] =	ssyncadd.s32 $0xFFFF8000  }
0xe6: {  	[spmem:s5] =	stream.indirect.scatter.add.f32 [tilespmem:s20], [sflag:$0x3], $0x10, s26, s18, $0xb8;
	[tilespmem:$0x1F300] =	vst v63  }
0xe7: {  	s17 =	sadd.s32 $0xFFFFFFFF, s17;
	s26 =	sadd.s32 $0x200, s14;
	_ =	swait.ge [sflag:s24], $0x2000  }
0xe8: {  	p0 =	por $0x1, $0x1;
	s10 =	sand.u32 $0xE00, s26;
	[sflag:s24] =	ssyncset.done $0x0  }
.LBB2_16:
0xe9: {  	p1 =	sne.s32 s17, $0x1;
	s22 =	sadd.s32 $0x4F40, s10;
	[sflag:s24] =	ssyncadd.s32 $0xFFFFE000  }
0xea: {  	[tilespmem:s19], [sflag:$0x1] =	stream.indirect.gather [hbm4b:s12+s18], $0x40, s22, s18, $0xb8;
	[tilespmem:$0x1F300] =	vst v63  }
0xeb: {  	s17 =	sadd.s32 $0xFFFFFFFF, s17;
	_ =	swait.ge [sflag:s28], $0x8000  }
0xec: {  	[sflag:s28] =	ssyncset.done $0x0  }
0xed: {  	s10 =	sadd.s32 $0x3F40, s10;
	[sflag:s28] =	ssyncadd.s32 $0xFFFF8000  }
0xee: {  	[spmem:s2] =	stream.indirect.scatter.add.f32 [tilespmem:s19], [sflag:$0x3], $0x40, s10, s18, $0xb8;
	[tilespmem:$0x1F300] =	vst v63  }
0xef: {  	_ =	swait.ge [sflag:s24], $0x8000  }
.Ltmp12:
0xf0: {  	[sflag:s24] =	ssyncset.done $0x0;
	(pc) =	sbr.rel @p1 .LBB2_16-.Ltmp12, $4  }
0xf1: {  	[sflag:s24] =	ssyncadd.s32 $0xFFFF8000  }
0xf2: {  	[spmem:s5] =	stream.indirect.scatter.add.f32 [tilespmem:s20], [sflag:$0x3], $0x10, s10, s18, $0xb8;
	[tilespmem:$0x1F300] =	vst v63  }
0xf3: {  	s26 =	sadd.s32 $0x200, s26;
	_ =	swait.ge [sflag:s24], $0x2000  }
0xf4: {  	s10 =	sand.u32 $0xE00, s26;
	[sflag:s24] =	ssyncset.done $0x0  }
.Ltmp13:
0xf5: {  	_ = 	snop;
	(pc) =	sbr.rel .LBB2_17-.Ltmp13, $1  }
0xf6: {  	_ =	sdelay $0x3  }
.LBB2_19:
0xf7: {  	s7 =	ssub.s32 s7, s9  }
0xf8: {  	s7 =	sadd.s32 s31, s7  }
0xf9: {  	s7 =	sand.u32 $0xFFFFFE00, s7  }
0xfa: {  	s7 =	sadd.s32 s7, s9  }
0xfb: {  	s9 =	sadd.s32 $0x0, s7  }
0xfc: {  	v8 =	vmov s9  }
0xfd: {  	v7 =	vmov s15;
	v9 =	vor.u32 s9, v1;
	v8 =	vand.u32 $0xFF8, v8  }
0xfe: {  	s15 =	rddreg [dreg:$0x6];
	vm0 =	vge.s32 v9, v7;
	v8 =	vor.u32 v4, v8  }
0xff: {  	s13 =	rddreg [dreg:$0xc];
	s9 =	simm.s32 $0x10;
	vm1 =	vmmov vm0;
	v8 =	vor.u32 v5, v8  }
.LBB2_20:
0x100: {  	p0 =	sne.s32 s9, $0x1F0  }
.Ltmp14:
0x101: {  	s10 =	sadd.s32 s9, s7;
	(pc) =	sbr.rel @p0 .LBB2_20-.Ltmp14, $4  }
0x102: {  	s9 =	sadd.s32 $0x10, s9;
	v9 =	vmov s10  }
0x103: {  	v10 =	vor.u32 s10, v1;
	v9 =	vand.u32 $0xFF8, v9  }
0x104: {  	v9 =	vor.u32 v4, v9;
	[tilespmem:v8+s0+$0x0] =	vst.idx.msk vm0, v6;
	vm0 =	vge.s32 v10, v7  }
0x105: {  	[tilespmem:v8+s3+$0x0] =	vst.idx.msk vm1, v3;
	v8 =	vor.u32 v5, v9;
	vm1 =	vmmov vm0  }
0x106: {  	_ =	sdelay $0x4  }
0x107: {  	[tilespmem:v8+s0+$0x0] =	vst.idx.msk vm0, v6;
	s7 =	sand.u32 $0xE00, s16  }
0x108: {  	[tilespmem:v8+s3+$0x0] =	vst.idx.msk vm1, v3;
	s9 =	sadd.s32 $0x2F40, s7  }
0x109: {  	[tilespmem:s19], [sflag:$0x1] =	stream.indirect.gather [hbm4b:s11+s18], $0x40, s9, s18, $0xb8;
	[tilespmem:$0x1F300] =	vst v63  }
0x10a: {  	_ =	swait.ge [sflag:s28], $0x8000  }
0x10b: {  	s30 =	ssub.s32 s30, s14;
	[sflag:s28] =	ssyncset.done $0x0  }
0x10c: {  	s7 =	sadd.s32 $0x1F40, s7;
	s6 =	sadd.s32 s6, s30;
	[sflag:s28] =	ssyncadd.s32 $0xFFFF8000  }
0x10d: {  	[spmem:s1] =	stream.indirect.scatter.add.f32 [tilespmem:s19], [sflag:$0x3], $0x40, s7, s18, $0xb8;
	[tilespmem:$0x1F300] =	vst v63  }
0x10e: {  	s6 =	sand.u32 $0xFFFFFE00, s6;
	_ =	swait.ge [sflag:s24], $0x8000  }
0x10f: {  	s6 =	sadd.s32 s6, s14;
	[sflag:s24] =	ssyncset.done $0x0  }
0x110: {  	s31 =	sadd.s32 $0x0, s6;
	[sflag:s24] =	ssyncadd.s32 $0xFFFF8000  }
0x111: {  	v8 =	vmov s31;
	[spmem:s4] =	stream.indirect.scatter.add.f32 [tilespmem:s20], [sflag:$0x3], $0x10, s7, s18, $0xb8;
	[tilespmem:$0x1F300] =	vst v63  }
0x112: {  	v7 =	vmov s21;
	v9 =	vor.u32 s31, v1;
	v8 =	vand.u32 $0xFF8, v8;
	_ =	swait.ge [sflag:s24], $0x2000  }
0x113: {  	vm0 =	vge.s32 v9, v7;
	v8 =	vor.u32 v4, v8;
	[sflag:s24] =	ssyncset.done $0x0  }
0x114: {  	vm1 =	vmmov vm0;
	v8 =	vor.u32 v5, v8;
	s7 =	simm.s32 $0x10;
	[sflag:s24] =	ssyncadd.s32 $0xFFFFE000  }
.LBB2_22:
0x115: {  	p0 =	sne.s32 s7, $0x1F0  }
.Ltmp15:
0x116: {  	s9 =	sadd.s32 s7, s6;
	(pc) =	sbr.rel @p0 .LBB2_22-.Ltmp15, $4  }
0x117: {  	s7 =	sadd.s32 $0x10, s7;
	v9 =	vmov s9  }
0x118: {  	v10 =	vor.u32 s9, v1;
	v9 =	vand.u32 $0xFF8, v9  }
0x119: {  	v9 =	vor.u32 v4, v9;
	[tilespmem:v8+s23+$0x0] =	vst.idx.msk vm0, v6;
	vm0 =	vge.s32 v10, v7  }
0x11a: {  	[tilespmem:v8+s25+$0x0] =	vst.idx.msk vm1, v3;
	v8 =	vor.u32 v5, v9;
	vm1 =	vmmov vm0  }
0x11b: {  	_ =	sdelay $0x4  }
0x11c: {  	[tilespmem:v8+s23+$0x0] =	vst.idx.msk vm0, v6;
	s6 =	sand.u32 $0xE00, s8  }
0x11d: {  	[tilespmem:v8+s25+$0x0] =	vst.idx.msk vm1, v3;
	s7 =	sadd.s32 $0x4F40, s6  }
0x11e: {  	[tilespmem:s19], [sflag:$0x1] =	stream.indirect.gather [hbm4b:s12+s18], $0x40, s7, s18, $0xb8;
	[tilespmem:$0x1F300] =	vst v63  }
0x11f: {  	_ =	swait.ge [sflag:s28], $0x8000  }
0x120: {  	[sflag:s28] =	ssyncset.done $0x0  }
0x121: {  	s6 =	sadd.s32 $0x3F40, s6;
	[sflag:s28] =	ssyncadd.s32 $0xFFFF8000  }
0x122: {  	[spmem:s2] =	stream.indirect.scatter.add.f32 [tilespmem:s19], [sflag:$0x3], $0x40, s6, s18, $0xb8;
	[tilespmem:$0x1F300] =	vst v63  }
0x123: {  	_ =	swait.ge [sflag:s24], $0x8000  }
0x124: {  	[sflag:s24] =	ssyncset.done $0x0  }
0x125: {  	[sflag:s24] =	ssyncadd.s32 $0xFFFF8000  }
0x126: {  	[spmem:s5] =	stream.indirect.scatter.add.f32 [tilespmem:s20], [sflag:$0x3], $0x10, s6, s18, $0xb8;
	[tilespmem:$0x1F300] =	vst v63  }
0x127: {  	_ =	swait.ge [sflag:s24], $0x2000  }
0x128: {  	[sflag:s24] =	ssyncset.done $0x0  }
0x129: {  	[sflag:s24] =	ssyncadd.s32 $0xFFFFE000  }
0x12a: {  	s8 =	stileid.u32;
	[bflag:$0x0] =	sbarrier.arrive $0xFFFF  }
0x12b: {  	s6 =	sshll.u32 s8, $0x6;
	s10 =	rddreg [dreg:$0xb]  }
0x12c: {  	s6 =	sor.u32 $0x1C03, s6;
	s14 =	rddreg [dreg:$0x10];
	s9 =	sshrl.u32 s10, $0x3  }
0x12d: {  	[hbm:s14], [sflag:s6] =	dma.local [spmem:s9], $0x820  }
0x12e: {  	_ =	swait.ge [sflag:s24], $0x820  }
0x12f: {  	[sflag:s24] =	ssyncset.done $0x0  }
0x130: {  	s16 =	sshrl.u32 s13, $0x3;
	s17 =	rddreg [dreg:$0x11];
	[sflag:s24] =	ssyncadd.s32 $0xFFFFF7E0  }
0x131: {  	[hbm:s17], [sflag:s6] =	dma.local [spmem:s16], $0x820  }
0x132: {  	_ =	swait.ge [sflag:s24], $0x820  }
0x133: {  	[sflag:s24] =	ssyncset.done $0x0;
	s16 =	rddreg [dreg:$0xd]  }
0x134: {  	s22 =	rddreg [dreg:$0x12];
	[sflag:s24] =	ssyncadd.s32 $0xFFFFF7E0;
	s21 =	sshrl.u32 s16, $0x3  }
0x135: {  	[hbm:s22], [sflag:s6] =	dma.local [spmem:s21], $0x208  }
0x136: {  	_ =	swait.ge [sflag:s24], $0x208  }
0x137: {  	[sflag:s24] =	ssyncset.done $0x0;
	s17 =	rddreg [dreg:$0xe]  }
0x138: {  	s30 =	rddreg [dreg:$0x13];
	[sflag:s24] =	ssyncadd.s32 $0xFFFFFDF8;
	s26 =	sshrl.u32 s17, $0x3  }
0x139: {  	[hbm:s30], [sflag:s6] =	dma.local [spmem:s26], $0x208  }
0x13a: {  	_ =	swait.ge [sflag:s24], $0x208  }
0x13b: {  	s15 =	sadd.s32 $0x1, s15;
	s31 =	rddreg [dreg:$0x14]  }
0x13c: {  	p0 =	sne.s32 s15, s31  }
.Ltmp16:
0x13d: {  	_ = 	snop;
	(pc) =	sbr.rel @p0 .LBB2_1-.Ltmp16, $3  }
0x13e: {  	_ =	sdelay $0x1  }
0x13f: {  	[sflag:s24] =	ssyncset.done $0x0  }
0x140: {  	[sflag:s24] =	ssyncadd.s32 $0xFFFFFDF8  }
0x141: {  	_ =	sfence.sel $0x180000  }
0x142: {  	[bflag:$0x0] =	sbarrier.arrive $0xFFFF  }
0x143: {  	_ =	strace $0x9000004D  }
0x144: {  	s0 =	stileid.u32;
	[bflag:$0x2] =	sbarrier.arrive $0xFFFF  }
0x145: {  	p0 =	sne.s32 s0, $0x0;
	s0 =	rddreg [dreg:$0x5]  }
0x146: {  	s0 =	sadd.s32 @!p0 $0x100000, s0  }
0x147: {  	[sflag:s0] =	ssyncadd.tile.s32 @!p0 $0x1;
	_ =	shalt  }
.Lfunc_end2:
_tile_overlayer_lowered:
.L_overlay_start_2:
0x148: {  	(tag) =	ssettag $0x2  }
0x149: {  	s0 =	rddreg [dreg:$0x0];
	s2 =	stileid.u32  }
0x14a: {  	s1 =	rddreg [dreg:$0x1];
	p0 =	sne.s32 s2, $0x0  }
0x14b: {  	s3 =	rddreg [dreg:$0x2];
	[bflag:$0x3] =	sbarrier.arrive $0xFFFF;
	s2 =	simm.s32 @!p0 $0x1C03  }
0x14c: {  	[timem:s3], [sflag:s2] =	dma.local @!p0 [hbm:s0], s1  }
0x14d: {  	s0 =	simm.s32 @!p0 $0x3  }
0x14e: {  	_ =	swait.ge @!p0 [sflag:s0], s1  }
0x14f: {  	s1 =	ssub.s32 @!p0 $0x0, s1;
	[sflag:s0] =	ssyncset.done @!p0 $0x0  }
0x150: {  	[sflag:s0] =	ssyncadd.s32 @!p0 s1  }
0x151: {  	[bflag:$0x3] =	sbarrier.arrive $0xFFFF  }
0x152: {  	_ =	shalt  }

// kernel: kernel.23.cloned.1.call-start
scs
__scs_entry_jumppad:
0x0: {  	(pc) =	sbr.rel $0x88, $3  }
0x1: {  	(tag) =	ssettag $0x0;
	lr =	simm.s32 $0x1  }
0x2: {  	[smem:$0x3F8A] =	sst lr;
	_ =	strace $0xD0000000  }
0x3: {  	_ = 	snop  }
0x4: {  	_ = 	snop  }
0x5: {  	_ = 	snop  }
0x6: {  	_ = 	snop  }
0x7: {  	_ = 	snop  }
__scs_overlays_trampoline_lowered:
0x8: {  	[smem:$0x3F99] =	sst s0  }
0x9: {  	[smem:$0x3F9A] =	sst s1  }
0xa: {  	[smem:$0x3F9B] =	sst s2  }
0xb: {  	[smem:$0x3F9C] =	sst s3  }
0xc: {  	[smem:$0x3F9D] =	sst s4  }
0xd: {  	[smem:$0x3F9E] =	sst s5  }
0xe: {  	[smem:$0x3F9F] =	sst s6  }
0xf: {  	[smem:$0x3FA0] =	sst s7  }
0x10: {  	[smem:$0x3FA1] =	sst s8  }
0x11: {  	[smem:$0x3FA2] =	sst s9;
	s0 =	simm.s32 @!p0 $0x0  }
0x12: {  	s1 =	sld [smem:$0x3F88];
	s0 =	simm.s32 @p0 $0x1  }
0x13: {  	[smem:$0x3FA3] =	sst s0;
	s0 =	simm.s32 @!p1 $0x0  }
0x14: {  	s2 =	sld [smem:$0x3F87];
	s0 =	simm.s32 @p1 $0x1  }
0x15: {  	[smem:$0x3FA4] =	sst s0;
	s0 =	simm.s32 @!p2 $0x0  }
0x16: {  	s3 =	sld [smem:$0x3FDB];
	s0 =	simm.s32 @p2 $0x1  }
0x17: {  	s4 =	simm.s32 $0x1BF5;
	[smem:$0x3FA6] =	sst s0  }
0x18: {  	s0 =	sld [smem:$0x3F89];
	_ =	swait.ge [sflag:s4], $0x0  }
0x19: {  	s7 =	sld [smem:$0x3F8A]  }
0x1a: {  	s8 =	sadd.s32 $0xFFFFE003, lr  }
0x1b: {  	s9 =	sadd.s32 $0xFFFFFEF7, lr;
	s5 =	simm.s32 $0xFFFFFFFF;
	p2 =	slt.u32 s8, $0xFFFFF086  }
0x1c: {  	p1 =	slt.u32 s9, $0xF7A;
	s5 =	simm.s32 @!p2 $0x0  }
0x1d: {  	s5 =	simm.s32 @p1 $0x1;
	p0 =	seq.s32 s7, s2  }
0x1e: {  	s7 =	smul.u32 @!p0 $0xF7A, s2;
	p2 =	seq.s32 @!p0 s5, $0x0  }
0x1f: {  	s9 =	smul.u32 $0xF7A, s1;
	s8 =	simm.s32 @!p0 $0x1BF5;
	p2 =	por !p2, p0  }
0x20: {  	[sflag:s8] =	ssyncset.s32 @!p0 $0xFFFFF086;
	s6 =	sadd.s32 @!p0 s3, s7;
	s7 =	simm.s32 @!p0 $0x108  }
0x21: {  	s3 =	sadd.s32 s3, s9;
	s6 =	sadd.s32 @!p0 $0x88, s6;
	s7 =	simm.s32 @p2 $0x1082  }
0x22: {  	[simem:s7], [sflag:s8] =	dma.local @!p0 [hbm:s6], $0xF7A  }
0x23: {  	s9 =	sor.u32 $0xD0000000, s2;
	s6 =	simm.s32 $0x108;
	_ =	swait.ge @!p0 [sflag:s8], $0x0  }
0x24: {  	s3 =	sadd.s32 $0x88, s3;
	s6 =	simm.s32 @!p1 $0x1082;
	[sflag:s4] =	ssyncset.s32 $0xFFFFF086  }
0x25: {  	[simem:s6], [sflag:s4] =	dma.local [hbm:s3], $0xF7A  }
0x26: {  	[smem:$0x3F8A] =	sst s1;
	(tag) =	ssettag s2;
	_ =	strace s9  }
0x27: {  	s1 =	sld [smem:$0x3F9A]  }
0x28: {  	s2 =	sld [smem:$0x3F9B]  }
0x29: {  	s4 =	sld [smem:$0x3F9D]  }
0x2a: {  	p0 =	seq.s32 s5, $0x0;
	s5 =	sld [smem:$0x3F9E]  }
0x2b: {  	s6 =	sld [smem:$0x3F9F]  }
0x2c: {  	s7 =	sld [smem:$0x3FA0]  }
0x2d: {  	s3 =	simm.s32 $0x108;
	s8 =	sld [smem:$0x3FA1]  }
0x2e: {  	s3 =	simm.s32 @!p0 $0x1082;
	s9 =	sld [smem:$0x3FA2]  }
0x2f: {  	lr =	sadd.s32 s0, s3;
	s0 =	sld [smem:$0x3F99]  }
0x30: {  	s3 =	sld [smem:$0x3F9C]  }
0x31: {  	[smem:$0x3FA5] =	sst s10  }
0x32: {  	s10 =	sld [smem:$0x3FA3];
	_ =	sdelay $0x3  }
0x33: {  	p0 =	seq.s32 s10, $0x1;
	s10 =	sld [smem:$0x3FA5];
	_ =	sdelay $0x3  }
0x34: {  	[smem:$0x3FA5] =	sst s10  }
0x35: {  	s10 =	sld [smem:$0x3FA4];
	_ =	sdelay $0x3  }
0x36: {  	p1 =	seq.s32 s10, $0x1;
	s10 =	sld [smem:$0x3FA5];
	_ =	sdelay $0x3  }
0x37: {  	[smem:$0x3FA5] =	sst s10  }
0x38: {  	s10 =	sld [smem:$0x3FA6]  }
0x39: {  	_ = 	snop;
	(pc) =	sbr.ind lr, $3  }
0x3a: {  	_ = 	snop  }
0x3b: {  	_ = 	snop  }
0x3c: {  	p2 =	seq.s32 s10, $0x1;
	s10 =	sld [smem:$0x3FA5]  }
0x3d: {  	_ =	shalt  }
0x3e: {  	_ =	shalt  }
0x3f: {  	_ =	shalt  }
0x40: {  	_ =	shalt  }
0x41: {  	_ =	shalt  }
0x42: {  	_ =	shalt  }
0x43: {  	_ =	shalt  }
0x44: {  	_ =	shalt  }
0x45: {  	_ =	shalt  }
0x46: {  	_ =	shalt  }
0x47: {  	_ =	shalt  }
0x48: {  	_ =	shalt  }
0x49: {  	_ =	shalt  }
0x4a: {  	_ =	shalt  }
0x4b: {  	_ =	shalt  }
0x4c: {  	_ =	shalt  }
0x4d: {  	_ =	shalt  }
0x4e: {  	_ =	shalt  }
0x4f: {  	_ =	shalt  }
0x50: {  	_ =	shalt  }
0x51: {  	_ =	shalt  }
0x52: {  	_ =	shalt  }
0x53: {  	_ =	shalt  }
0x54: {  	_ =	shalt  }
0x55: {  	_ =	shalt  }
0x56: {  	_ =	shalt  }
0x57: {  	_ =	shalt  }
0x58: {  	_ =	shalt  }
0x59: {  	_ =	shalt  }
0x5a: {  	_ =	shalt  }
0x5b: {  	_ =	shalt  }
0x5c: {  	_ =	shalt  }
0x5d: {  	_ =	shalt  }
0x5e: {  	_ =	shalt  }
0x5f: {  	_ =	shalt  }
0x60: {  	_ =	shalt  }
0x61: {  	_ =	shalt  }
0x62: {  	_ =	shalt  }
0x63: {  	_ =	shalt  }
0x64: {  	_ =	shalt  }
0x65: {  	_ =	shalt  }
0x66: {  	_ =	shalt  }
0x67: {  	_ =	shalt  }
0x68: {  	_ =	shalt  }
0x69: {  	_ =	shalt  }
0x6a: {  	_ =	shalt  }
0x6b: {  	_ =	shalt  }
0x6c: {  	_ =	shalt  }
0x6d: {  	_ =	shalt  }
0x6e: {  	_ =	shalt  }
0x6f: {  	_ =	shalt  }
0x70: {  	_ =	shalt  }
0x71: {  	_ =	shalt  }
0x72: {  	_ =	shalt  }
0x73: {  	_ =	shalt  }
0x74: {  	_ =	shalt  }
0x75: {  	_ =	shalt  }
0x76: {  	_ =	shalt  }
0x77: {  	_ =	shalt  }
0x78: {  	_ =	shalt  }
0x79: {  	_ =	shalt  }
0x7a: {  	_ =	shalt  }
0x7b: {  	_ =	shalt  }
0x7c: {  	_ =	shalt  }
0x7d: {  	_ =	shalt  }
0x7e: {  	_ =	shalt  }
0x7f: {  	_ =	shalt  }
0x80: {  	_ =	shalt  }
0x81: {  	_ =	shalt  }
0x82: {  	_ =	shalt  }
0x83: {  	_ =	shalt  }
0x84: {  	_ =	shalt  }
0x85: {  	_ =	shalt  }
0x86: {  	_ =	shalt  }
0x87: {  	_ =	shalt  }
.Lfunc_end0:
.L_simem_size_0:
called_computation.4_lowered:
.L_overlay_start_0:
0x88: {  	s2 =	sld [smem:$0x3FD9]  }
0x89: {  	s3 =	sld [smem:$0x3FFE];
	_ =	sdelay $0x1  }
0x8a: {  	s1 =	srdreg.scid  }
0x8b: {  	s0 =	sand.u32 $0x1, s1  }
0x8c: {  	s17 =	sshll.u32 s0, $0xA;
	s2 =	sadd.s32 s3, s2  }
0x8d: {  	s2 =	sadd.s32 s2, s17  }
0x8e: {  	[smem:$0x3FB1] =	sst s2  }
0x8f: {  	_ = 	snop  }
0x90: {  	s18 =	sld [smem:$0x3FD0];
	(tm) =	ssettm $0x1  }
0x91: {  	s19 =	sld [smem:$0x3FFB];
	_ =	sdelay $0x3  }
0x92: {  	_ =	strace s19  }
0x93: {  	s2 =	sld [smem:$0x3FFC];
	_ =	sdelay $0x3  }
0x94: {  	_ =	strace s2  }
0x95: {  	s2 =	sld [smem:$0x3FFD];
	_ =	sdelay $0x3  }
0x96: {  	_ =	strace s2  }
0x97: {  	_ =	strace $0x8FFFFFFF  }
0x98: {  	s20 =	sld [smem:$0x3FDB];
	_ =	sdelay $0x1  }
0x99: {  	s4 =	simm.s32 $_scs_section_size  }
0x9a: {  	s5 =	simm.s32 $_size__tile_overlayer_lowered;
	s6 =	simm.s32 $_tile_overlayer_lowered  }
0x9b: {  	s7 =	simm.s32 $0x1BFF;
	s21 =	sshll.u32 s6, $0x1;
	s4 =	sadd.s32 s4, s20  }
0x9c: {  	s22 =	simm.s32 $0x0;
	s5 =	sshll.u32 s5, $0x1;
	s6 =	sadd.s32 s21, s4  }
0x9d: {  	[timem:s22], [sflag:s7] =	dma.local [hbm:s6], s5  }
0x9e: {  	_ =	swait.ge [sflag:s7], s5  }
0x9f: {  	s5 =	ssub.s32 $0x0, s5;
	[sflag:s7] =	ssyncset.done $0x0  }
0xa0: {  	[sflag:s7] =	ssyncadd.s32 s5;
	_ =	sdelay $0x1  }
0xa1: {  	s23 =	simm.s32 $0x1B8B  }
0xa2: {  	_ =	swait.ge [sflag:s23], $0x1  }
0xa3: {  	[sflag:s23] =	ssyncset.done $0x0  }
0xa4: {  	[sflag:s23] =	ssyncadd.s32 $0xFFFFFFFF  }
0xa5: {  	s5 =	sld [smem:$0x0]  }
0xa6: {  	s6 =	sand.u32 $0xFFFFFFFE, s1  }
0xa7: {  	p0 =	sne.s32 s1, s6  }
0xa8: {  	s6 =	sshll.u32 @p0 s6, $0xE  }
0xa9: {  	s6 =	sadd.s32 @p0 $0x11B8D, s6;
	s7 =	sshll.u32 @p0 s5, $0x11  }
0xaa: {  	s6 =	sor.u32 @p0 s7, s6  }
0xab: {  	[sflag:s6] =	ssyncadd.remote.s32 @p0 $0x1;
	_ =	sdelay $0x1  }
0xac: {  	s6 =	simm.s32 @p0 $0x1B8D  }
0xad: {  	_ =	swait.eq @p0 [sflag:s6], $0x1  }
0xae: {  	[sflag:s6] =	ssyncadd.s32 @p0 $0xFFFFFFFF  }
0xaf: {  	s7 =	sshll.u32 @!p0 s1, $0xE  }
0xb0: {  	s7 =	sor.u32 @!p0 $0x4000, s7;
	s6 =	simm.s32 @!p0 $0x1B8D  }
0xb1: {  	s5 =	sshll.u32 @!p0 s5, $0x11;
	s7 =	sadd.s32 @!p0 $0x11B8D, s7;
	_ =	swait.eq @!p0 [sflag:s6], $0x1  }
0xb2: {  	s5 =	sor.u32 @!p0 s5, s7;
	[sflag:s6] =	ssyncadd.s32 @!p0 $0xFFFFFFFF  }
0xb3: {  	s25 =	simm.s32 $0x1B8E;
	s24 =	sld [smem:$0x3FFE];
	[sflag:s5] =	ssyncadd.remote.s32 @!p0 $0x1  }
0xb4: {  	s26 =	simm.s32 $execute0_lowered;
	[smem:$0x3FD2] =	sst s25  }
0xb5: {  	s6 =	sshll.u32 s26, $0x1;
	_ =	strace $0x80000052;
	[dreg:$0x1] =	wrdreg $0xFFFFFFFF  }
0xb6: {  	s28 =	simm.s32 $_size_execute0_lowered;
	s4 =	sadd.s32 s4, s6;
	[dreg:$0x0] =	wrdreg $0x0  }
0xb7: {  	s6 =	sshll.u32 s28, $0x1;
	[dreg:$0x2] =	wrdreg s4  }
0xb8: {  	[dreg:$0x3] =	wrdreg s6  }
0xb9: {  	[dreg:$0x4] =	wrdreg $0xC0  }
0xba: {  	_ =	task [dreg:s22], $0x5FFFF  }
0xbb: {  	[dreg:$0x1] =	wrdreg $0xFFFFFFFF  }
0xbc: {  	[dreg:$0x0] =	wrdreg $0x60  }
0xbd: {  	[dreg:$0x2] =	wrdreg s18  }
0xbe: {  	[dreg:$0x3] =	wrdreg s24  }
0xbf: {  	[dreg:$0x4] =	wrdreg $0xA  }
0xc0: {  	_ =	task.clear_ibuf [dreg:s22], $0x5FFFF;
	_ =	strace $0x90000052  }
0xc1: {  	s29 =	simm.s32 $0xA;
	_ =	strace $0x80000054  }
0xc2: {  	_ =	swait.ge [sflag:s29], $0x1  }
0xc3: {  	[sflag:s29] =	ssyncadd.s32 $0xFFFFFFFF  }
0xc4: {  	_ =	strace $0x90000054  }
0xc5: {  	_ =	sfence  }
0xc6: {  	s30 =	sld [smem:$0x0];
	_ =	sdelay $0x2  }
0xc7: {  	s31 =	sshll.u32 s1, $0xD;
	s1 =	sshrl.u32 s1, $0x2  }
0xc8: {  	s4 =	sand.u32 $0x4000, s31;
	s1 =	sadd.s32 s1, s30  }
0xc9: {  	s0 =	sor.u32 s4, s0;
	s1 =	sshll.u32 s1, $0x11  }
0xca: {  	s0 =	sor.u32 s1, s0  }
0xcb: {  	s0 =	sadd.s32 $0x8F2B, s0  }
0xcc: {  	[sflag:s0] =	ssyncadd.remote.s32 $0x1  }
0xcd: {  	_ =	sfence.sel $0xFFFF  }
0xce: {  	[dreg:$0x0] =	wrdreg $0xFFFFFFFF;
	(pc) =	sbr.abs _section_cstart, $3  }
0xcf: {  	[dreg:$0x1] =	wrdreg $0xFFFFFFFF  }
0xd0: {  	_ =	task.clear_ibuf [dreg:s22], $0x2FFFF;
	_ =	strace $0x9FFFFFFF  }
0xd1: {  	(tm) =	ssettm $0x7FFFFFFF  }
tec
execute0_lowered:
.L_overlay_start_1:
0x0: {  	(tag) =	ssettag $0x1  }
0x1: {  	s0 =	rddreg [dreg:$0x0]  }
0x2: {  	s2 =	rddreg [dreg:$0x1];
	s1 =	simm.s32 $0x0  }
0x3: {  	s25 =	srdreg.scid;
	s26 =	stileid.u32;
	s29 =	simm.s32 $0x180  }
0x4: {  	s30 =	simm.s32 $0x200;
	s31 =	simm.s32 $0x2200;
	[smem:$0x7FF] =	sst s1  }
0x5: {  	s3 =	sadd.s32 $0xB000, s2;
	s22 =	sadd.s32 $0xE200, s2;
	s23 =	sadd.s32 $0x13FE00, s2  }
0x6: {  	s28 =	simm.s32 $0x1;
	s24 =	sadd.s32 $0x137C00, s2;
	s4 =	sadd.s32 $0x12FA00, s2  }
0x7: {  	s8 =	sadd.s32 $0x127800, s2;
	_ =	strace $0x80000053;
	[dreg:$0x3] =	wrdreg s3  }
0x8: {  	s9 =	sadd.s32 $0x25A00, s2;
	s10 =	sadd.s32 $0x148000, s2;
	[dreg:$0x4] =	wrdreg s22  }
0x9: {  	s11 =	sadd.s32 $0x14C400, s2;
	s12 =	sadd.s32 $0x14A200, s2;
	[dreg:$0x5] =	wrdreg s23  }
0xa: {  	s13 =	sadd.s32 $0x193400, s2;
	s14 =	sadd.s32 $0xEE3400, s2;
	[dreg:$0x6] =	wrdreg s24  }
0xb: {  	[dreg:$0x7] =	wrdreg s4;
	s3 =	sand.u32 $0x1, s25;
	s4 =	sshll.u32 s26, $0x8  }
0xc: {  	s24 =	simm.s32 $0x2;
	s25 =	simm.s32 $0x80;
	s5 =	sshll.u32 s3, $0x7  }
0xd: {  	s26 =	simm.s32 $0x100;
	s3 =	ssub.s32 $0x2, s3;
	s4 =	sor.u32 s5, s4  }
0xe: {  	s15 =	sshrl.u32 s3, $0x1;
	s5 =	sshll.u32 s4, $0x3;
	s6 =	sshll.u32 s4, $0x1  }
0xf: {  	s4 =	sshrl.u32 s4, $0x3;
	s3 =	ssub.s32 s3, s15;
	s5 =	sadd.s32 s5, s2  }
0x10: {  	s6 =	sadd.s32 s6, s2;
	s2 =	sadd.s32 s4, s2;
	s15 =	sadd.s32 s0, s4  }
0x11: {  	s23 =	smax.u32 s3, $0x1;
	s0 =	simm.s32 $0x4200;
	s4 =	simm.s32 $0x4A00  }
0x12: {  	s3 =	simm.s32 $0x0;
	s16 =	sadd.s32 $0xAE00, s2;
	s17 =	sadd.s32 $0x2FC00, s5  }
0x13: {  	s18 =	sadd.s32 $0x27C00, s5;
	s19 =	sadd.s32 $0x14E600, s6;
	s20 =	sadd.s32 $0x37C00, s6  }
0x14: {  	s21 =	sadd.s32 $0x11400, s2;
	s22 =	sadd.s32 $0x11600, s2;
	s2 =	simm.s32 $0x5200  }
.LBB2_1:
0x15: {  	[tilespmem:s1], [sflag:$0x2] =	stream.linear.gather [hbm4b:s15+s1], $0x80, $0x38;
	[tilespmem:$0x5280] =	vst v63  }
0x16: {  	_ =	swait.ge [sflag:s24], $0x80  }
0x17: {  	[sflag:s24] =	ssyncset.done $0x0  }
0x18: {  	[sflag:s24] =	ssyncadd.s32 $0xFFFFFF80  }
0x19: {  	[tilespmem:s25], [sflag:$0x2] =	stream.linear.gather [hbm4b:s16+s1], $0x80, $0x38;
	[tilespmem:$0x5280] =	vst v63  }
0x1a: {  	_ =	swait.ge [sflag:s24], $0x80  }
0x1b: {  	[sflag:s24] =	ssyncset.done $0x0  }
0x1c: {  	s5 =	rddreg [dreg:$0x3];
	[sflag:s24] =	ssyncadd.s32 $0xFFFFFF80  }
0x1d: {  	[tilespmem:s26], [sflag:$0x1] =	stream.indirect.gather [hbm4b:s5+s25], $0x1, s1, s25, $0xb8;
	[tilespmem:$0x5280] =	vst v63  }
0x1e: {  	_ =	swait.ge [sflag:s28], $0x80  }
0x1f: {  	[sflag:s28] =	ssyncset.done $0x0  }
0x20: {  	s7 =	rddreg [dreg:$0x4];
	[sflag:s28] =	ssyncadd.s32 $0xFFFFFF80  }
0x21: {  	[tilespmem:s29], [sflag:$0x1] =	stream.indirect.gather [hbm4b:s7+s25], $0x1, s25, s25, $0xb8;
	[tilespmem:$0x5280] =	vst v63  }
0x22: {  	_ =	swait.ge [sflag:s28], $0x80  }
0x23: {  	[sflag:s28] =	ssyncset.done $0x0  }
0x24: {  	s6 =	rddreg [dreg:$0x5];
	[sflag:s28] =	ssyncadd.s32 $0xFFFFFF80  }
0x25: {  	[tilespmem:s30], [sflag:$0x1] =	stream.indirect.gather [hbm4b:s6+s25], $0x40, s26, s25, $0xb8;
	[tilespmem:$0x5280] =	vst v63  }
0x26: {  	_ =	swait.ge [sflag:s28], $0x2000  }
0x27: {  	[sflag:s28] =	ssyncset.done $0x0  }
0x28: {  	s7 =	rddreg [dreg:$0x6];
	[sflag:s28] =	ssyncadd.s32 $0xFFFFE000  }
0x29: {  	[tilespmem:s31], [sflag:$0x1] =	stream.indirect.gather [hbm4b:s7+s25], $0x40, s26, s25, $0xb8;
	[tilespmem:$0x5280] =	vst v63  }
0x2a: {  	_ =	swait.ge [sflag:s28], $0x2000  }
0x2b: {  	[sflag:s28] =	ssyncset.done $0x0  }
0x2c: {  	s5 =	simm.s32 $0x0;
	[sflag:s28] =	ssyncadd.s32 $0xFFFFE000  }
0x2d: {  	v5 =	vld [tilespmem:s5+$0x2200]  }
0x2e: {  	v6 =	vld [tilespmem:s5+$0x2210]  }
0x2f: {  	v1 =	vld [tilespmem:s5+$0x2220]  }
0x30: {  	v0 =	vld [tilespmem:s5+$0x2230]  }
0x31: {  	v2 =	vld [tilespmem:s5+$0x200]  }
0x32: {  	v4 =	vld [tilespmem:s5+$0x210]  }
0x33: {  	s6 =	simm.s32 $0x100;
	v3 =	vld [tilespmem:s5+$0x220]  }
.LBB2_2:
0x34: {  	s7 =	sshra.s32 s6, $0x2;
	p0 =	sne.s32 s6, $0x7F00;
	v7 =	vld [tilespmem:s5+$0x230];
	v8 =	vmov v1  }
0x35: {  	v9 =	vld [tilespmem:s7+$0x2200];
	v10 =	vmov v0  }
0x36: {  	v11 =	vld [tilespmem:s7+$0x2210];
	v2 =	vadd.f32 v5, v2  }
.Ltmp0:
0x37: {  	v1 =	vld [tilespmem:s7+$0x2220];
	v4 =	vadd.f32 v6, v4;
	(pc) =	sbr.rel @p0 .LBB2_2-.Ltmp0, $4  }
0x38: {  	v0 =	vld [tilespmem:s7+$0x2230];
	[tilespmem:s5+$0x200] =	vst v2;
	v3 =	vadd.f32 v8, v3  }
0x39: {  	v2 =	vld [tilespmem:s7+$0x200];
	[tilespmem:s5+$0x210] =	vst v4;
	v7 =	vadd.f32 v10, v7  }
0x3a: {  	v4 =	vld [tilespmem:s7+$0x210];
	[tilespmem:s5+$0x220] =	vst v3;
	v5 =	vmov v9  }
0x3b: {  	s6 =	sadd.s32 $0x100, s6;
	v3 =	vld [tilespmem:s7+$0x220];
	[tilespmem:s5+$0x230] =	vst v7;
	v6 =	vmov v11;
	s5 =	smov.u32 s7  }
0x3c: {  	v7 =	vld [tilespmem:s5+$0x230];
	_ =	sdelay $0x1  }
0x3d: {  	v2 =	vadd.f32 v5, v2  }
0x3e: {  	v4 =	vadd.f32 v6, v4  }
0x3f: {  	[tilespmem:s5+$0x200] =	vst v2;
	v1 =	vadd.f32 v1, v3  }
0x40: {  	[tilespmem:s5+$0x210] =	vst v4;
	v0 =	vadd.f32 v0, v7  }
0x41: {  	[tilespmem:s5+$0x220] =	vst v1  }
0x42: {  	s6 =	simm.s32 $0x0;
	[tilespmem:s5+$0x230] =	vst v0  }
0x43: {  	[hbm4b:s17+s6] =	stream.linear.scatter [tilespmem:s30], [sflag:$0x2], $0x2000, $0x38;
	[tilespmem:$0x5280] =	vst v63  }
0x44: {  	_ =	swait.ge [sflag:s24], $0x2000  }
0x45: {  	[sflag:s24] =	ssyncset.done $0x0  }
0x46: {  	s7 =	rddreg [dreg:$0x7];
	[sflag:s24] =	ssyncadd.s32 $0xFFFFE000  }
0x47: {  	[tilespmem:s30], [sflag:$0x1] =	stream.indirect.gather [hbm4b:s7+s25], $0x40, s29, s25, $0xb8;
	[tilespmem:$0x5280] =	vst v63  }
0x48: {  	_ =	swait.ge [sflag:s28], $0x2000  }
0x49: {  	[sflag:s28] =	ssyncset.done $0x0  }
0x4a: {  	[sflag:s28] =	ssyncadd.s32 $0xFFFFE000  }
0x4b: {  	[tilespmem:s31], [sflag:$0x1] =	stream.indirect.gather [hbm4b:s8+s25], $0x40, s29, s25, $0xb8;
	[tilespmem:$0x5280] =	vst v63  }
0x4c: {  	_ =	swait.ge [sflag:s28], $0x2000  }
0x4d: {  	[sflag:s28] =	ssyncset.done $0x0  }
0x4e: {  	s5 =	simm.s32 $0x0;
	[sflag:s28] =	ssyncadd.s32 $0xFFFFE000  }
0x4f: {  	v5 =	vld [tilespmem:s5+$0x2200]  }
0x50: {  	v6 =	vld [tilespmem:s5+$0x2210]  }
0x51: {  	v1 =	vld [tilespmem:s5+$0x2220]  }
0x52: {  	v0 =	vld [tilespmem:s5+$0x2230]  }
0x53: {  	v2 =	vld [tilespmem:s5+$0x200]  }
0x54: {  	v4 =	vld [tilespmem:s5+$0x210]  }
0x55: {  	s6 =	simm.s32 $0x100;
	v3 =	vld [tilespmem:s5+$0x220]  }
.LBB2_4:
0x56: {  	s7 =	sshra.s32 s6, $0x2;
	p0 =	sne.s32 s6, $0x7F00;
	v7 =	vld [tilespmem:s5+$0x230];
	v8 =	vmov v1  }
0x57: {  	v9 =	vld [tilespmem:s7+$0x2200];
	v10 =	vmov v0  }
0x58: {  	v11 =	vld [tilespmem:s7+$0x2210];
	v2 =	vadd.f32 v5, v2  }
.Ltmp1:
0x59: {  	v1 =	vld [tilespmem:s7+$0x2220];
	v4 =	vadd.f32 v6, v4;
	(pc) =	sbr.rel @p0 .LBB2_4-.Ltmp1, $4  }
0x5a: {  	v0 =	vld [tilespmem:s7+$0x2230];
	[tilespmem:s5+$0x200] =	vst v2;
	v3 =	vadd.f32 v8, v3  }
0x5b: {  	v2 =	vld [tilespmem:s7+$0x200];
	[tilespmem:s5+$0x210] =	vst v4;
	v7 =	vadd.f32 v10, v7  }
0x5c: {  	v4 =	vld [tilespmem:s7+$0x210];
	[tilespmem:s5+$0x220] =	vst v3;
	v5 =	vmov v9  }
0x5d: {  	s6 =	sadd.s32 $0x100, s6;
	v3 =	vld [tilespmem:s7+$0x220];
	[tilespmem:s5+$0x230] =	vst v7;
	v6 =	vmov v11;
	s5 =	smov.u32 s7  }
0x5e: {  	v7 =	vld [tilespmem:s5+$0x230];
	_ =	sdelay $0x1  }
0x5f: {  	v2 =	vadd.f32 v5, v2  }
0x60: {  	v4 =	vadd.f32 v6, v4  }
0x61: {  	[tilespmem:s5+$0x200] =	vst v2;
	v1 =	vadd.f32 v1, v3  }
0x62: {  	[tilespmem:s5+$0x210] =	vst v4;
	v0 =	vadd.f32 v0, v7  }
0x63: {  	[tilespmem:s5+$0x220] =	vst v1  }
0x64: {  	s7 =	simm.s32 $0x0;
	[tilespmem:s5+$0x230] =	vst v0  }
0x65: {  	[hbm4b:s18+s7] =	stream.linear.scatter [tilespmem:s30], [sflag:$0x2], $0x2000, $0x38;
	[tilespmem:$0x5280] =	vst v63  }
0x66: {  	_ =	swait.ge [sflag:s24], $0x2000  }
0x67: {  	[sflag:s24] =	ssyncset.done $0x0  }
0x68: {  	[sflag:s24] =	ssyncadd.s32 $0xFFFFE000  }
0x69: {  	[tilespmem:s0], [sflag:$0x1] =	stream.indirect.gather [hbm4b:s9+s25], $0x10, s26, s25, $0xb8;
	[tilespmem:$0x5280] =	vst v63  }
0x6a: {  	_ =	swait.ge [sflag:s28], $0x800  }
0x6b: {  	[sflag:s28] =	ssyncset.done $0x0  }
0x6c: {  	[sflag:s28] =	ssyncadd.s32 $0xFFFFF800  }
0x6d: {  	[tilespmem:s4], [sflag:$0x1] =	stream.indirect.gather [hbm4b:s10+s25], $0x10, s26, s25, $0xb8;
	[tilespmem:$0x5280] =	vst v63  }
0x6e: {  	_ =	swait.ge [sflag:s28], $0x800  }
0x6f: {  	[sflag:s28] =	ssyncset.done $0x0  }
0x70: {  	s5 =	simm.s32 $0x0;
	[sflag:s28] =	ssyncadd.s32 $0xFFFFF800  }
0x71: {  	s6 =	simm.s32 $0x40;
	v0 =	vld [tilespmem:s5+$0x4A00]  }
.LBB2_6:
0x72: {  	p0 =	sne.s32 s6, $0x1FC0;
	v1 =	vld [tilespmem:s5+$0x4200];
	_ =	sdelay $0x2  }
.Ltmp2:
0x73: {  	(pc) =	sbr.rel @p0 .LBB2_6-.Ltmp2, $4  }
0x74: {  	_ = 	snop  }
0x75: {  	v1 =	vadd.f32 v0, v1  }
0x76: {  	s7 =	sshra.s32 s6, $0x2  }
0x77: {  	s6 =	sadd.s32 $0x40, s6;
	v0 =	vld [tilespmem:s7+$0x4A00];
	[tilespmem:s5+$0x4200] =	vst v1;
	s5 =	smov.u32 s7  }
0x78: {  	v1 =	vld [tilespmem:s5+$0x4200];
	_ =	sdelay $0x4  }
0x79: {  	v0 =	vadd.f32 v0, v1;
	_ =	sdelay $0x1  }
0x7a: {  	s7 =	simm.s32 $0x0;
	[tilespmem:s5+$0x4200] =	vst v0  }
0x7b: {  	[hbm4b:s19+s7] =	stream.linear.scatter [tilespmem:s0], [sflag:$0x2], $0x800, $0x38;
	[tilespmem:$0x5280] =	vst v63  }
0x7c: {  	_ =	swait.ge [sflag:s24], $0x800  }
0x7d: {  	[sflag:s24] =	ssyncset.done $0x0  }
0x7e: {  	[sflag:s24] =	ssyncadd.s32 $0xFFFFF800  }
0x7f: {  	[tilespmem:s0], [sflag:$0x1] =	stream.indirect.gather [hbm4b:s11+s25], $0x10, s29, s25, $0xb8;
	[tilespmem:$0x5280] =	vst v63  }
0x80: {  	_ =	swait.ge [sflag:s28], $0x800  }
0x81: {  	[sflag:s28] =	ssyncset.done $0x0  }
0x82: {  	[sflag:s28] =	ssyncadd.s32 $0xFFFFF800  }
0x83: {  	[tilespmem:s4], [sflag:$0x1] =	stream.indirect.gather [hbm4b:s12+s25], $0x10, s29, s25, $0xb8;
	[tilespmem:$0x5280] =	vst v63  }
0x84: {  	_ =	swait.ge [sflag:s28], $0x800  }
0x85: {  	[sflag:s28] =	ssyncset.done $0x0  }
0x86: {  	s5 =	simm.s32 $0x0;
	[sflag:s28] =	ssyncadd.s32 $0xFFFFF800  }
0x87: {  	s6 =	simm.s32 $0x40;
	v0 =	vld [tilespmem:s5+$0x4A00]  }
.LBB2_8:
0x88: {  	p0 =	sne.s32 s6, $0x1FC0;
	v1 =	vld [tilespmem:s5+$0x4200];
	_ =	sdelay $0x2  }
.Ltmp3:
0x89: {  	(pc) =	sbr.rel @p0 .LBB2_8-.Ltmp3, $4  }
0x8a: {  	_ = 	snop  }
0x8b: {  	v1 =	vadd.f32 v0, v1  }
0x8c: {  	s7 =	sshra.s32 s6, $0x2  }
0x8d: {  	s6 =	sadd.s32 $0x40, s6;
	v0 =	vld [tilespmem:s7+$0x4A00];
	[tilespmem:s5+$0x4200] =	vst v1;
	s5 =	smov.u32 s7  }
0x8e: {  	v1 =	vld [tilespmem:s5+$0x4200];
	_ =	sdelay $0x4  }
0x8f: {  	v0 =	vadd.f32 v0, v1;
	_ =	sdelay $0x1  }
0x90: {  	[tilespmem:s5+$0x4200] =	vst v0  }
0x91: {  	[hbm4b:s20+s1] =	stream.linear.scatter [tilespmem:s0], [sflag:$0x2], $0x800, $0x38;
	[tilespmem:$0x5280] =	vst v63  }
0x92: {  	_ =	swait.ge [sflag:s24], $0x800  }
0x93: {  	[sflag:s24] =	ssyncset.done $0x0  }
0x94: {  	[sflag:s24] =	ssyncadd.s32 $0xFFFFF800  }
0x95: {  	[tilespmem:s2], [sflag:$0x1] =	stream.indirect.gather [hbm4b:s13+s25], $0x1, s1, s25, $0xb8;
	[tilespmem:$0x5280] =	vst v63  }
0x96: {  	_ =	swait.ge [sflag:s28], $0x80  }
0x97: {  	[sflag:s28] =	ssyncset.done $0x0  }
0x98: {  	[sflag:s28] =	ssyncadd.s32 $0xFFFFFF80  }
0x99: {  	[hbm4b:s21+s1] =	stream.linear.scatter [tilespmem:s2], [sflag:$0x2], $0x80, $0x38;
	[tilespmem:$0x5280] =	vst v63  }
0x9a: {  	_ =	swait.ge [sflag:s24], $0x80  }
0x9b: {  	[sflag:s24] =	ssyncset.done $0x0  }
0x9c: {  	[sflag:s24] =	ssyncadd.s32 $0xFFFFFF80  }
0x9d: {  	[tilespmem:s2], [sflag:$0x1] =	stream.indirect.gather [hbm4b:s14+s25], $0x1, s25, s25, $0xb8;
	[tilespmem:$0x5280] =	vst v63  }
0x9e: {  	s3 =	sadd.s32 $0x1, s3;
	_ =	swait.ge [sflag:s28], $0x80  }
0x9f: {  	p0 =	sne.s32 s3, s23;
	[sflag:s28] =	ssyncset.done $0x0  }
.Ltmp4:
0xa0: {  	[sflag:s28] =	ssyncadd.s32 $0xFFFFFF80;
	(pc) =	sbr.rel @p0 .LBB2_1-.Ltmp4, $4  }
0xa1: {  	[hbm4b:s22+s1] =	stream.linear.scatter [tilespmem:s2], [sflag:$0x2], $0x80, $0x38;
	[tilespmem:$0x5280] =	vst v63  }
0xa2: {  	_ =	swait.ge [sflag:s24], $0x80  }
0xa3: {  	[sflag:s24] =	ssyncset.done $0x0  }
0xa4: {  	[sflag:s24] =	ssyncadd.s32 $0xFFFFFF80  }
0xa5: {  	_ =	sfence.sel $0x180000  }
0xa6: {  	[bflag:$0x0] =	sbarrier.arrive $0xFFFF  }
0xa7: {  	_ =	strace $0x90000053  }
0xa8: {  	s0 =	stileid.u32;
	[bflag:$0x2] =	sbarrier.arrive $0xFFFF  }
0xa9: {  	p0 =	sne.s32 s0, $0x0;
	s0 =	rddreg [dreg:$0x2]  }
0xaa: {  	s0 =	sadd.s32 @!p0 $0x100000, s0  }
0xab: {  	[sflag:s0] =	ssyncadd.tile.s32 @!p0 $0x1;
	_ =	shalt  }
.Lfunc_end2:
_tile_overlayer_lowered:
.L_overlay_start_2:
0xac: {  	(tag) =	ssettag $0x2  }
0xad: {  	s0 =	rddreg [dreg:$0x0];
	s2 =	stileid.u32  }
0xae: {  	s1 =	rddreg [dreg:$0x1];
	p0 =	sne.s32 s2, $0x0  }
0xaf: {  	s3 =	rddreg [dreg:$0x2];
	[bflag:$0x3] =	sbarrier.arrive $0xFFFF;
	s2 =	simm.s32 @!p0 $0x1C02  }
0xb0: {  	[timem:s3], [sflag:s2] =	dma.local @!p0 [hbm:s0], s1  }
0xb1: {  	s0 =	simm.s32 @!p0 $0x2  }
0xb2: {  	_ =	swait.ge @!p0 [sflag:s0], s1  }
0xb3: {  	s1 =	ssub.s32 @!p0 $0x0, s1;
	[sflag:s0] =	ssyncset.done @!p0 $0x0  }
0xb4: {  	[sflag:s0] =	ssyncadd.s32 @!p0 s1  }
0xb5: {  	[bflag:$0x3] =	sbarrier.arrive $0xFFFF  }
0xb6: {  	_ =	shalt  }

// kernel: kernel.9.cloned.1.call-start
scs
__scs_entry_jumppad:
0x0: {  	(pc) =	sbr.rel $0x88, $3  }
0x1: {  	(tag) =	ssettag $0x0;
	lr =	simm.s32 $0x1  }
0x2: {  	[smem:$0x3F8A] =	sst lr;
	_ =	strace $0xD0000000  }
0x3: {  	_ = 	snop  }
0x4: {  	_ = 	snop  }
0x5: {  	_ = 	snop  }
0x6: {  	_ = 	snop  }
0x7: {  	_ = 	snop  }
__scs_overlays_trampoline_lowered:
0x8: {  	[smem:$0x3F99] =	sst s0  }
0x9: {  	[smem:$0x3F9A] =	sst s1  }
0xa: {  	[smem:$0x3F9B] =	sst s2  }
0xb: {  	[smem:$0x3F9C] =	sst s3  }
0xc: {  	[smem:$0x3F9D] =	sst s4  }
0xd: {  	[smem:$0x3F9E] =	sst s5  }
0xe: {  	[smem:$0x3F9F] =	sst s6  }
0xf: {  	[smem:$0x3FA0] =	sst s7  }
0x10: {  	[smem:$0x3FA1] =	sst s8  }
0x11: {  	[smem:$0x3FA2] =	sst s9;
	s0 =	simm.s32 @!p0 $0x0  }
0x12: {  	s1 =	sld [smem:$0x3F88];
	s0 =	simm.s32 @p0 $0x1  }
0x13: {  	[smem:$0x3FA3] =	sst s0;
	s0 =	simm.s32 @!p1 $0x0  }
0x14: {  	s2 =	sld [smem:$0x3F87];
	s0 =	simm.s32 @p1 $0x1  }
0x15: {  	[smem:$0x3FA4] =	sst s0;
	s0 =	simm.s32 @!p2 $0x0  }
0x16: {  	s3 =	sld [smem:$0x3FDB];
	s0 =	simm.s32 @p2 $0x1  }
0x17: {  	s4 =	simm.s32 $0x1BF5;
	[smem:$0x3FA6] =	sst s0  }
0x18: {  	s0 =	sld [smem:$0x3F89];
	_ =	swait.ge [sflag:s4], $0x0  }
0x19: {  	s7 =	sld [smem:$0x3F8A]  }
0x1a: {  	s8 =	sadd.s32 $0xFFFFE003, lr  }
0x1b: {  	s9 =	sadd.s32 $0xFFFFFEF7, lr;
	s5 =	simm.s32 $0xFFFFFFFF;
	p2 =	slt.u32 s8, $0xFFFFF086  }
0x1c: {  	p1 =	slt.u32 s9, $0xF7A;
	s5 =	simm.s32 @!p2 $0x0  }
0x1d: {  	s5 =	simm.s32 @p1 $0x1;
	p0 =	seq.s32 s7, s2  }
0x1e: {  	s7 =	smul.u32 @!p0 $0xF7A, s2;
	p2 =	seq.s32 @!p0 s5, $0x0  }
0x1f: {  	s9 =	smul.u32 $0xF7A, s1;
	s8 =	simm.s32 @!p0 $0x1BF5;
	p2 =	por !p2, p0  }
0x20: {  	[sflag:s8] =	ssyncset.s32 @!p0 $0xFFFFF086;
	s6 =	sadd.s32 @!p0 s3, s7;
	s7 =	simm.s32 @!p0 $0x108  }
0x21: {  	s3 =	sadd.s32 s3, s9;
	s6 =	sadd.s32 @!p0 $0x88, s6;
	s7 =	simm.s32 @p2 $0x1082  }
0x22: {  	[simem:s7], [sflag:s8] =	dma.local @!p0 [hbm:s6], $0xF7A  }
0x23: {  	s9 =	sor.u32 $0xD0000000, s2;
	s6 =	simm.s32 $0x108;
	_ =	swait.ge @!p0 [sflag:s8], $0x0  }
0x24: {  	s3 =	sadd.s32 $0x88, s3;
	s6 =	simm.s32 @!p1 $0x1082;
	[sflag:s4] =	ssyncset.s32 $0xFFFFF086  }
0x25: {  	[simem:s6], [sflag:s4] =	dma.local [hbm:s3], $0xF7A  }
0x26: {  	[smem:$0x3F8A] =	sst s1;
	(tag) =	ssettag s2;
	_ =	strace s9  }
0x27: {  	s1 =	sld [smem:$0x3F9A]  }
0x28: {  	s2 =	sld [smem:$0x3F9B]  }
0x29: {  	s4 =	sld [smem:$0x3F9D]  }
0x2a: {  	p0 =	seq.s32 s5, $0x0;
	s5 =	sld [smem:$0x3F9E]  }
0x2b: {  	s6 =	sld [smem:$0x3F9F]  }
0x2c: {  	s7 =	sld [smem:$0x3FA0]  }
0x2d: {  	s3 =	simm.s32 $0x108;
	s8 =	sld [smem:$0x3FA1]  }
0x2e: {  	s3 =	simm.s32 @!p0 $0x1082;
	s9 =	sld [smem:$0x3FA2]  }
0x2f: {  	lr =	sadd.s32 s0, s3;
	s0 =	sld [smem:$0x3F99]  }
0x30: {  	s3 =	sld [smem:$0x3F9C]  }
0x31: {  	[smem:$0x3FA5] =	sst s10  }
0x32: {  	s10 =	sld [smem:$0x3FA3];
	_ =	sdelay $0x3  }
0x33: {  	p0 =	seq.s32 s10, $0x1;
	s10 =	sld [smem:$0x3FA5];
	_ =	sdelay $0x3  }
0x34: {  	[smem:$0x3FA5] =	sst s10  }
0x35: {  	s10 =	sld [smem:$0x3FA4];
	_ =	sdelay $0x3  }
0x36: {  	p1 =	seq.s32 s10, $0x1;
	s10 =	sld [smem:$0x3FA5];
	_ =	sdelay $0x3  }
0x37: {  	[smem:$0x3FA5] =	sst s10  }
0x38: {  	s10 =	sld [smem:$0x3FA6]  }
0x39: {  	_ = 	snop;
	(pc) =	sbr.ind lr, $3  }
0x3a: {  	_ = 	snop  }
0x3b: {  	_ = 	snop  }
0x3c: {  	p2 =	seq.s32 s10, $0x1;
	s10 =	sld [smem:$0x3FA5]  }
0x3d: {  	_ =	shalt  }
0x3e: {  	_ =	shalt  }
0x3f: {  	_ =	shalt  }
0x40: {  	_ =	shalt  }
0x41: {  	_ =	shalt  }
0x42: {  	_ =	shalt  }
0x43: {  	_ =	shalt  }
0x44: {  	_ =	shalt  }
0x45: {  	_ =	shalt  }
0x46: {  	_ =	shalt  }
0x47: {  	_ =	shalt  }
0x48: {  	_ =	shalt  }
0x49: {  	_ =	shalt  }
0x4a: {  	_ =	shalt  }
0x4b: {  	_ =	shalt  }
0x4c: {  	_ =	shalt  }
0x4d: {  	_ =	shalt  }
0x4e: {  	_ =	shalt  }
0x4f: {  	_ =	shalt  }
0x50: {  	_ =	shalt  }
0x51: {  	_ =	shalt  }
0x52: {  	_ =	shalt  }
0x53: {  	_ =	shalt  }
0x54: {  	_ =	shalt  }
0x55: {  	_ =	shalt  }
0x56: {  	_ =	shalt  }
0x57: {  	_ =	shalt  }
0x58: {  	_ =	shalt  }
0x59: {  	_ =	shalt  }
0x5a: {  	_ =	shalt  }
0x5b: {  	_ =	shalt  }
0x5c: {  	_ =	shalt  }
0x5d: {  	_ =	shalt  }
0x5e: {  	_ =	shalt  }
0x5f: {  	_ =	shalt  }
0x60: {  	_ =	shalt  }
0x61: {  	_ =	shalt  }
0x62: {  	_ =	shalt  }
0x63: {  	_ =	shalt  }
0x64: {  	_ =	shalt  }
0x65: {  	_ =	shalt  }
0x66: {  	_ =	shalt  }
0x67: {  	_ =	shalt  }
0x68: {  	_ =	shalt  }
0x69: {  	_ =	shalt  }
0x6a: {  	_ =	shalt  }
0x6b: {  	_ =	shalt  }
0x6c: {  	_ =	shalt  }
0x6d: {  	_ =	shalt  }
0x6e: {  	_ =	shalt  }
0x6f: {  	_ =	shalt  }
0x70: {  	_ =	shalt  }
0x71: {  	_ =	shalt  }
0x72: {  	_ =	shalt  }
0x73: {  	_ =	shalt  }
0x74: {  	_ =	shalt  }
0x75: {  	_ =	shalt  }
0x76: {  	_ =	shalt  }
0x77: {  	_ =	shalt  }
0x78: {  	_ =	shalt  }
0x79: {  	_ =	shalt  }
0x7a: {  	_ =	shalt  }
0x7b: {  	_ =	shalt  }
0x7c: {  	_ =	shalt  }
0x7d: {  	_ =	shalt  }
0x7e: {  	_ =	shalt  }
0x7f: {  	_ =	shalt  }
0x80: {  	_ =	shalt  }
0x81: {  	_ =	shalt  }
0x82: {  	_ =	shalt  }
0x83: {  	_ =	shalt  }
0x84: {  	_ =	shalt  }
0x85: {  	_ =	shalt  }
0x86: {  	_ =	shalt  }
0x87: {  	_ =	shalt  }
.Lfunc_end0:
.L_simem_size_0:
called_computation_lowered:
.L_overlay_start_0:
0x88: {  	s2 =	sld [smem:$0x3FD9]  }
0x89: {  	s3 =	sld [smem:$0x3FFE];
	_ =	sdelay $0x1  }
0x8a: {  	s1 =	srdreg.scid  }
0x8b: {  	s0 =	sand.u32 $0x1, s1  }
0x8c: {  	s17 =	sshll.u32 s0, $0xA;
	s2 =	sadd.s32 s3, s2  }
0x8d: {  	s2 =	sadd.s32 s2, s17  }
0x8e: {  	[smem:$0x3FB1] =	sst s2  }
0x8f: {  	_ = 	snop  }
0x90: {  	(tm) =	ssettm $0x1  }
0x91: {  	s18 =	sld [smem:$0x3FFB];
	_ =	sdelay $0x3  }
0x92: {  	_ =	strace s18  }
0x93: {  	s2 =	sld [smem:$0x3FFC];
	_ =	sdelay $0x3  }
0x94: {  	_ =	strace s2  }
0x95: {  	s2 =	sld [smem:$0x3FFD];
	_ =	sdelay $0x3  }
0x96: {  	_ =	strace s2  }
0x97: {  	_ =	strace $0x8FFFFFFF  }
0x98: {  	s19 =	sld [smem:$0x3FDB];
	_ =	sdelay $0x1  }
0x99: {  	s20 =	simm.s32 $_scs_section_size  }
0x9a: {  	s4 =	simm.s32 $_size__tile_overlayer_lowered;
	s5 =	simm.s32 $_tile_overlayer_lowered  }
0x9b: {  	s6 =	simm.s32 $0x1BFF;
	s21 =	sshll.u32 s5, $0x1;
	s3 =	sadd.s32 s20, s19  }
0x9c: {  	s22 =	simm.s32 $0x0;
	s4 =	sshll.u32 s4, $0x1;
	s5 =	sadd.s32 s21, s3  }
0x9d: {  	[timem:s22], [sflag:s6] =	dma.local [hbm:s5], s4  }
0x9e: {  	_ =	swait.ge [sflag:s6], s4  }
0x9f: {  	s4 =	ssub.s32 $0x0, s4;
	[sflag:s6] =	ssyncset.done $0x0  }
0xa0: {  	[sflag:s6] =	ssyncadd.s32 s4;
	_ =	sdelay $0x1  }
0xa1: {  	s23 =	simm.s32 $0x1B8B  }
0xa2: {  	_ =	swait.ge [sflag:s23], $0x1  }
0xa3: {  	[sflag:s23] =	ssyncset.done $0x0  }
0xa4: {  	[sflag:s23] =	ssyncadd.s32 $0xFFFFFFFF  }
0xa5: {  	s4 =	sld [smem:$0x0]  }
0xa6: {  	s5 =	sand.u32 $0xFFFFFFFE, s1  }
0xa7: {  	p0 =	sne.s32 s1, s5  }
0xa8: {  	s5 =	sshll.u32 @p0 s5, $0xE  }
0xa9: {  	s5 =	sadd.s32 @p0 $0x11B8D, s5;
	s6 =	sshll.u32 @p0 s4, $0x11  }
0xaa: {  	s5 =	sor.u32 @p0 s6, s5  }
0xab: {  	[sflag:s5] =	ssyncadd.remote.s32 @p0 $0x1;
	_ =	sdelay $0x1  }
0xac: {  	s5 =	simm.s32 @p0 $0x1B8D  }
0xad: {  	_ =	swait.eq @p0 [sflag:s5], $0x1  }
0xae: {  	[sflag:s5] =	ssyncadd.s32 @p0 $0xFFFFFFFF  }
0xaf: {  	s6 =	sshll.u32 @!p0 s1, $0xE  }
0xb0: {  	s6 =	sor.u32 @!p0 $0x4000, s6;
	s5 =	simm.s32 @!p0 $0x1B8D  }
0xb1: {  	s4 =	sshll.u32 @!p0 s4, $0x11;
	s6 =	sadd.s32 @!p0 $0x11B8D, s6;
	_ =	swait.eq @!p0 [sflag:s5], $0x1  }
0xb2: {  	s4 =	sor.u32 @!p0 s4, s6;
	[sflag:s5] =	ssyncadd.s32 @!p0 $0xFFFFFFFF  }
0xb3: {  	s25 =	simm.s32 $0x1B8E;
	s24 =	sld [smem:$0x3FFE];
	[sflag:s4] =	ssyncadd.remote.s32 @!p0 $0x1  }
0xb4: {  	s26 =	simm.s32 $execute0_lowered;
	[smem:$0x3FD2] =	sst s25  }
0xb5: {  	s5 =	sshll.u32 s26, $0x1;
	_ =	strace $0x80000049;
	[dreg:$0x1] =	wrdreg $0xFFFFFFFF  }
0xb6: {  	s28 =	simm.s32 $_size_execute0_lowered;
	s3 =	sadd.s32 s3, s5;
	[dreg:$0x0] =	wrdreg $0x0  }
0xb7: {  	s5 =	sshll.u32 s28, $0x1;
	[dreg:$0x2] =	wrdreg s3  }
0xb8: {  	[dreg:$0x3] =	wrdreg s5  }
0xb9: {  	[dreg:$0x4] =	wrdreg $0xC0  }
0xba: {  	_ =	task [dreg:s22], $0x5FFFF  }
0xbb: {  	[dreg:$0x1] =	wrdreg $0xFFFFFFFF  }
0xbc: {  	[dreg:$0x0] =	wrdreg $0x60  }
0xbd: {  	[dreg:$0x2] =	wrdreg s24  }
0xbe: {  	[dreg:$0x3] =	wrdreg $0x9  }
0xbf: {  	_ =	task.clear_ibuf [dreg:s22], $0x4FFFF;
	_ =	strace $0x90000049  }
0xc0: {  	s29 =	simm.s32 $0x9;
	_ =	strace $0x8000004B  }
0xc1: {  	_ =	swait.ge [sflag:s29], $0x1  }
0xc2: {  	[sflag:s29] =	ssyncadd.s32 $0xFFFFFFFF  }
0xc3: {  	_ =	strace $0x9000004B  }
0xc4: {  	_ =	sfence  }
0xc5: {  	s30 =	sld [smem:$0x0];
	_ =	sdelay $0x2  }
0xc6: {  	s31 =	sshll.u32 s1, $0xD;
	s1 =	sshrl.u32 s1, $0x2  }
0xc7: {  	s4 =	sand.u32 $0x4000, s31;
	s1 =	sadd.s32 s1, s30  }
0xc8: {  	s0 =	sor.u32 s4, s0;
	s1 =	sshll.u32 s1, $0x11  }
0xc9: {  	s0 =	sor.u32 s1, s0  }
0xca: {  	s0 =	sadd.s32 $0x8F2B, s0  }
0xcb: {  	[sflag:s0] =	ssyncadd.remote.s32 $0x1  }
0xcc: {  	_ =	sfence.sel $0xFFFF  }
0xcd: {  	[dreg:$0x0] =	wrdreg $0xFFFFFFFF;
	(pc) =	sbr.abs _section_cstart, $3  }
0xce: {  	[dreg:$0x1] =	wrdreg $0xFFFFFFFF  }
0xcf: {  	_ =	task.clear_ibuf [dreg:s22], $0x2FFFF;
	_ =	strace $0x9FFFFFFF  }
0xd0: {  	(tm) =	ssettm $0x7FFFFFFF  }
0xd1: {  	_ =	shalt  }
tec
execute0_lowered:
.L_overlay_start_1:
0x0: {  	(tag) =	ssettag $0x1  }
0x1: {  	s1 =	srdreg.scid;
	s0 =	stileid.u32  }
0x2: {  	s6 =	sand.u32 $0x1, s1;
	s30 =	sshll.u32 s0, $0x1  }
0x3: {  	s8 =	rddreg [dreg:$0x0];
	s7 =	sor.u32 s6, s30  }
0x4: {  	s2 =	simm.s32 $0x0;
	s1 =	rddreg [dreg:$0x1];
	s3 =	smul.u32 $0x28, s7  }
0x5: {  	[smem:$0x7FF] =	sst s2;
	s5 =	sadd.s32 $0x197E00, s8  }
0x6: {  	_ =	strace $0x8000004A;
	s10 =	ssub.s32 $0x2, s6;
	s3 =	sadd.s32 s3, s8  }
0x7: {  	s6 =	simm.s32 $0x140;
	s4 =	sadd.s32 $0x11400, s3;
	s3 =	simm.s32 $0x2  }
0x8: {  	[tilespmem:s2], [sflag:$0x2] =	stream.linear.gather [hbm4b:s4+s2], $0x140, $0x38;
	[tilespmem:$0x5140] =	vst v63  }
0x9: {  	s9 =	smul.u32 $0xA00, s7;
	s11 =	sshrl.u32 s10, $0x1;
	_ =	swait.ge [sflag:s3], $0x140  }
0xa: {  	s7 =	simm.s32 $0x1;
	s31 =	ssub.s32 s10, s11;
	[sflag:s3] =	ssyncset.done $0x0  }
0xb: {  	s8 =	sadd.s32 s9, s8;
	s9 =	smax.u32 s31, $0x1;
	[sflag:s3] =	ssyncadd.s32 $0xFFFFFEC0  }
0xc: {  	[tilespmem:s6], [sflag:$0x1] =	stream.indirect.gather [hbm4b:s5+s6], $0x40, s2, s6, $0xb8;
	[tilespmem:$0x5140] =	vst v63  }
0xd: {  	p0 =	sne.s32 s9, $0x1;
	_ =	swait.ge [sflag:s7], $0x5000  }
.Ltmp0:
0xe: {  	[sflag:s7] =	ssyncset.done $0x0;
	(pc) =	sbr.rel @!p0 .LBB2_2-.Ltmp0, $4  }
0xf: {  	s8 =	sadd.s32 $0x11A00, s8;
	[sflag:s7] =	ssyncadd.s32 $0xFFFFB000  }
0x10: {  	[hbm4b:s8+s2] =	stream.linear.scatter [tilespmem:s6], [sflag:$0x2], $0x5000, $0x38;
	[tilespmem:$0x5140] =	vst v63  }
0x11: {  	_ =	swait.ge [sflag:s3], $0x5000  }
0x12: {  	s9 =	sadd.s32 $0xFFFFFFFF, s9;
	[sflag:s3] =	ssyncset.done $0x0  }
.LBB2_1:
0x13: {  	p0 =	sne.s32 s9, $0x1;
	s9 =	sadd.s32 $0xFFFFFFFF, s9;
	[sflag:s3] =	ssyncadd.s32 $0xFFFFB000  }
0x14: {  	[tilespmem:s2], [sflag:$0x2] =	stream.linear.gather [hbm4b:s4+s2], $0x140, $0x38;
	[tilespmem:$0x5140] =	vst v63  }
0x15: {  	_ =	swait.ge [sflag:s3], $0x140  }
0x16: {  	[sflag:s3] =	ssyncset.done $0x0  }
0x17: {  	[sflag:s3] =	ssyncadd.s32 $0xFFFFFEC0  }
0x18: {  	[tilespmem:s6], [sflag:$0x1] =	stream.indirect.gather [hbm4b:s5+s6], $0x40, s2, s6, $0xb8;
	[tilespmem:$0x5140] =	vst v63  }
0x19: {  	_ =	swait.ge [sflag:s7], $0x5000  }
.Ltmp1:
0x1a: {  	[sflag:s7] =	ssyncset.done $0x0;
	(pc) =	sbr.rel @p0 .LBB2_1-.Ltmp1, $4  }
0x1b: {  	[sflag:s7] =	ssyncadd.s32 $0xFFFFB000  }
0x1c: {  	[hbm4b:s8+s2] =	stream.linear.scatter [tilespmem:s6], [sflag:$0x2], $0x5000, $0x38;
	[tilespmem:$0x5140] =	vst v63  }
0x1d: {  	_ =	swait.ge [sflag:s3], $0x5000  }
0x1e: {  	[sflag:s3] =	ssyncset.done $0x0  }
.LBB2_2:
0x1f: {  	[sflag:s3] =	ssyncadd.s32 $0xFFFFB000  }
0x20: {  	_ =	sfence.sel $0x180000  }
0x21: {  	[bflag:$0x0] =	sbarrier.arrive $0xFFFF  }
0x22: {  	p0 =	sne.s32 s0, $0x0;
	_ =	strace $0x9000004A  }
0x23: {  	s0 =	sadd.s32 @!p0 $0x100000, s1;
	[bflag:$0x2] =	sbarrier.arrive $0xFFFF  }
0x24: {  	[sflag:s0] =	ssyncadd.tile.s32 @!p0 $0x1;
	_ =	shalt  }
.Lfunc_end2:
_tile_overlayer_lowered:
.L_overlay_start_2:
0x25: {  	(tag) =	ssettag $0x2  }
0x26: {  	s0 =	rddreg [dreg:$0x0];
	s2 =	stileid.u32  }
0x27: {  	s1 =	rddreg [dreg:$0x1];
	p0 =	sne.s32 s2, $0x0  }
0x28: {  	s3 =	rddreg [dreg:$0x2];
	[bflag:$0x3] =	sbarrier.arrive $0xFFFF;
	s2 =	simm.s32 @!p0 $0x1C02  }
0x29: {  	[timem:s3], [sflag:s2] =	dma.local @!p0 [hbm:s0], s1  }
0x2a: {  	s0 =	simm.s32 @!p0 $0x2  }
0x2b: {  	_ =	swait.ge @!p0 [sflag:s0], s1  }
0x2c: {  	s1 =	ssub.s32 @!p0 $0x0, s1;
	[sflag:s0] =	ssyncset.done @!p0 $0x0  }
0x2d: {  	[sflag:s0] =	ssyncadd.s32 @!p0 s1  }
0x2e: {  	[bflag:$0x3] =	sbarrier.arrive $0xFFFF  }
0x2f: {  	_ =	shalt  }

</sc_bundles>
